<compile_context>
chip_gen: v7x
topology: tpu7x:2x2x1
jax: 0.10.2.dev20260603
libtpu: 0.0.44.dev20260713+nightly
codegen_flags: <defaults>
</compile_context>

<pallas_src>
import dataclasses

import jax
import jax.numpy as jnp
from jax import lax
from jax.experimental import pallas as pl
from jax.experimental.pallas import tpu as pltpu
from jax.experimental.pallas import tpu_sc as plsc

M = 4
B = 4096
N = 1600000


_CB = 65536
_GRID_D = (N + _CB - 1) // _CB


def _dense_body(mf_ref, df_ref, fm_ref, sv_ref, ad_ref, sd_ref):
    mm = [mf_ref[:, m, :] for m in range(4)]
    mean3 = (mm[0] + mm[1] + mm[2] + mm[3]) * 0.25
    var3 = sum((x - mean3) * (x - mean3) for x in mm) * (1.0 / 3.0)
    diff3 = mean3 - df_ref[...]
    fm_ref[...] = mean3
    sv_ref[...] = jnp.sum(var3, axis=0)
    ad_ref[...] = jnp.sum(jnp.abs(diff3), axis=0)
    sd_ref[...] = jnp.sum(diff3 * diff3, axis=0)


def _dense_stage(mfw, dfw):
    stat = jax.ShapeDtypeStruct((N,), jnp.float32)
    return pl.pallas_call(
        _dense_body,
        grid=(_GRID_D,),
        in_specs=[
            pl.BlockSpec((3, 4, _CB), lambda j: (0, 0, j)),
            pl.BlockSpec((3, _CB), lambda j: (0, j)),
        ],
        out_specs=[
            pl.BlockSpec((3, _CB), lambda j: (0, j)),
            pl.BlockSpec((_CB,), lambda j: (j,)),
            pl.BlockSpec((_CB,), lambda j: (j,)),
            pl.BlockSpec((_CB,), lambda j: (j,)),
        ],
        out_shape=[jax.ShapeDtypeStruct((3, N), jnp.float32),
                   stat, stat, stat],
    )(mfw, dfw)



_NW = 32
_PW = N // _NW
_CH = 10000
_NCH = _PW // _CH
_NST = _CH // 16


def _take(x, idx):
    return lax.gather(
        x, idx[:, None],
        dimension_numbers=lax.GatherDimensionNumbers(
            offset_dims=(), collapsed_slice_dims=(0,), start_index_map=(0,)),
        slice_sizes=(1,),
        mode=lax.GatherScatterMode.PROMISE_IN_BOUNDS)


def _sc_body(ids_hbm, sv_hbm, ad_hbm, sd_hbm, out_hbm,
             ids_v0, ids_v1, sv_v0, sv_v1, ad_v0, ad_v1, sd_v0, sd_v1,
             svt, adt, sdt, cntt, maxt, mint, sem0, sem1):
    ids_v = (ids_v0, ids_v1)
    sv_v = (sv_v0, sv_v1)
    ad_v = (ad_v0, ad_v1)
    sd_v = (sd_v0, sd_v1)
    wid = lax.axis_index("s") * 2 + lax.axis_index("c")

    @pl.loop(0, B, step=16)
    def _init(k):
        z = jnp.zeros((16,), jnp.float32)
        svt[pl.ds(k, 16)] = z
        adt[pl.ds(k, 16)] = z
        sdt[pl.ds(k, 16)] = z
        cntt[pl.ds(k, 16)] = z
        maxt[pl.ds(k, 16)] = jnp.full((16,), -jnp.inf, jnp.float32)
        mint[pl.ds(k, 16)] = jnp.full((16,), jnp.inf, jnp.float32)

    iota = lax.iota(jnp.int32, 16)
    ones = jnp.ones((16,), jnp.float32)
    last15 = iota == 15
    nxt = jnp.minimum(iota + 1, 15)
    shifts = [jnp.maximum(iota - d, 0) for d in (1, 2, 4, 8)]
    sems = (sem0, sem1)

    def fire(slot, ci):
        base = wid * _PW + ci * _CH
        sem = sems[slot]
        hs = [pltpu.async_copy(ids_hbm.at[pl.ds(base, _CH)],
                               ids_v[slot], sem),
              pltpu.async_copy(sv_hbm.at[pl.ds(base, _CH)],
                               sv_v[slot], sem),
              pltpu.async_copy(ad_hbm.at[pl.ds(base, _CH)],
                               ad_v[slot], sem),
              pltpu.async_copy(sd_hbm.at[pl.ds(base, _CH)],
                               sd_v[slot], sem)]
        return hs

    def drain(hs):
        for h in hs:
            h.wait()

    def _seg16(g, s_sd):
        mx = s_sd
        mn = s_sd
        for idxd in shifts:
            same = _take(g, idxd) == g
            mx = jnp.where(same, jnp.maximum(mx, _take(mx, idxd)), mx)
            mn = jnp.where(same, jnp.minimum(mn, _take(mn, idxd)), mn)
        lastocc = (g != _take(g, nxt)) | last15
        cur_mx = plsc.load_gather(maxt, [g])
        cur_mn = plsc.load_gather(mint, [g])
        plsc.store_scatter(maxt, [g], jnp.maximum(cur_mx, mx), mask=lastocc)
        plsc.store_scatter(mint, [g], jnp.minimum(cur_mn, mn), mask=lastocc)

    rev8 = [jnp.bitwise_xor(iota, jnp.int32(d)) for d in (1, 2, 4, 8)]

    def _allred(v, op):
        for idxd in rev8:
            v = op(v, _take(v, idxd))
        return v

    def _load16(slot, st):
        g = ids_v[slot][pl.ds(st * 16, 16)]
        s_sv = sv_v[slot][pl.ds(st * 16, 16)]
        s_ad = ad_v[slot][pl.ds(st * 16, 16)]
        s_sd = sd_v[slot][pl.ds(st * 16, 16)]
        return g, s_sv, s_ad, s_sd

    def _scatter_adds(g, s_sv, s_ad, s_sd):
        plsc.addupdate_scatter(svt, [g], s_sv)
        plsc.addupdate_scatter(adt, [g], s_ad)
        plsc.addupdate_scatter(sdt, [g], s_sd)
        plsc.addupdate_scatter(cntt, [g], ones)

    def _tree(vals, op):
        while len(vals) > 1:
            vals = [op(vals[i], vals[i + 1]) for i in range(0, len(vals), 2)]
        return vals[0]

    cnt128 = jnp.full((16,), 128.0, jnp.float32)

    def process(slot):
        @pl.loop(0, _NST // 8)
        def _granule(gi):
            vecs = [_load16(slot, gi * 8 + k) for k in range(8)]
            first = jnp.min(vecs[0][0])
            last = jnp.max(vecs[7][0])

            @pl.when(first == last)
            def _fast():
                g7 = vecs[7][0]
                t_sv = _allred(_tree([v[1] for v in vecs], jnp.add), jnp.add)
                t_ad = _allred(_tree([v[2] for v in vecs], jnp.add), jnp.add)
                sds = [v[3] for v in vecs]
                t_sd = _allred(_tree(sds, jnp.add), jnp.add)
                mxs = _allred(_tree(sds, jnp.maximum), jnp.maximum)
                mns = _allred(_tree(sds, jnp.minimum), jnp.minimum)
                plsc.addupdate_scatter(svt, [g7], t_sv, mask=last15)
                plsc.addupdate_scatter(adt, [g7], t_ad, mask=last15)
                plsc.addupdate_scatter(sdt, [g7], t_sd, mask=last15)
                plsc.addupdate_scatter(cntt, [g7], cnt128, mask=last15)
                cur_mx = plsc.load_gather(maxt, [g7], mask=last15)
                cur_mn = plsc.load_gather(mint, [g7], mask=last15)
                plsc.store_scatter(maxt, [g7], jnp.maximum(cur_mx, mxs),
                                   mask=last15)
                plsc.store_scatter(mint, [g7], jnp.minimum(cur_mn, mns),
                                   mask=last15)

            @pl.when(first != last)
            def _slow():
                for g, s_sv, s_ad, s_sd in vecs:
                    _scatter_adds(g, s_sv, s_ad, s_sd)
                    _seg16(g, s_sd)

        g, s_sv, s_ad, s_sd = _load16(slot, _NST - 1)
        _scatter_adds(g, s_sv, s_ad, s_sd)
        _seg16(g, s_sd)

    hs0 = fire(0, 0)
    drain(hs0)
    @pl.loop(0, (_NCH - 1) // 2)
    def _pipe(j):
        ci = 1 + 2 * j
        h1 = fire(1, ci)
        process(0)
        h0 = fire(0, ci + 1)
        drain(h1)
        process(1)
        drain(h0)

    process(0)

    pltpu.sync_copy(svt, out_hbm.at[0, wid])
    pltpu.sync_copy(adt, out_hbm.at[1, wid])
    pltpu.sync_copy(sdt, out_hbm.at[2, wid])
    pltpu.sync_copy(cntt, out_hbm.at[3, wid])
    pltpu.sync_copy(maxt, out_hbm.at[4, wid])
    pltpu.sync_copy(mint, out_hbm.at[5, wid])


def _segment_stage(image_idx, sv_flat, ad_flat, sd_flat):
    mesh = plsc.VectorSubcoreMesh(core_axis_name="c", subcore_axis_name="s")
    cp = pltpu.CompilerParams()
    if "needs_layout_passes" in pltpu.CompilerParams.__dataclass_fields__:
        cp = dataclasses.replace(cp, needs_layout_passes=False)
    fn = pl.kernel(
        _sc_body,
        out_type=jax.ShapeDtypeStruct((6, _NW, B), jnp.float32),
        mesh=mesh,
        scratch_types=[
            pltpu.VMEM((_CH,), jnp.int32),
            pltpu.VMEM((_CH,), jnp.int32),
            pltpu.VMEM((_CH,), jnp.float32),
            pltpu.VMEM((_CH,), jnp.float32),
            pltpu.VMEM((_CH,), jnp.float32),
            pltpu.VMEM((_CH,), jnp.float32),
            pltpu.VMEM((_CH,), jnp.float32),
            pltpu.VMEM((_CH,), jnp.float32),
            pltpu.VMEM((B,), jnp.float32),
            pltpu.VMEM((B,), jnp.float32),
            pltpu.VMEM((B,), jnp.float32),
            pltpu.VMEM((B,), jnp.float32),
            pltpu.VMEM((B,), jnp.float32),
            pltpu.VMEM((B,), jnp.float32),
            pltpu.SemaphoreType.DMA,
            pltpu.SemaphoreType.DMA,
        ],
        compiler_params=cp,
    )
    return fn(image_idx, sv_flat, ad_flat, sd_flat)



def _combine_body(pt_ref, me_ref, de_ref,
                  emean_o, emax_o, emin_o, evar_o, esd_o, eae_o, ese_o,
                  fvar_o, fsd_o, fae_o, fse_o, fmaxe_o, fmine_o):
    pt = pt_ref[...]
    sv = jnp.sum(pt[0:_NW], axis=0)
    sa = jnp.sum(pt[_NW:2 * _NW], axis=0)
    ss = jnp.sum(pt[2 * _NW:3 * _NW], axis=0)
    cnt = jnp.sum(pt[3 * _NW:4 * _NW], axis=0)
    mx = jnp.max(pt[4 * _NW:5 * _NW], axis=0)
    mn = jnp.min(pt[5 * _NW:6 * _NW], axis=0)
    inv3 = 1.0 / (3.0 * jnp.maximum(cnt, 1.0))
    fvar = sv * inv3
    fvar_o[0, :] = fvar
    fsd_o[0, :] = jnp.sqrt(fvar)
    fae_o[0, :] = sa * inv3
    fse_o[0, :] = ss * inv3
    pos = cnt > 0.0
    fmaxe_o[0, :] = jnp.where(pos, jnp.sqrt(jnp.maximum(mx, 0.0)), -jnp.inf)
    fmine_o[0, :] = jnp.where(pos, jnp.sqrt(jnp.maximum(mn, 0.0)), jnp.inf)

    me = me_ref[...]
    emean = jnp.mean(me, axis=0)
    emean_o[0, :] = emean
    emax_o[...] = jnp.max(me).reshape(1, 1)
    emin_o[...] = jnp.min(me).reshape(1, 1)
    dev = me - emean[None, :]
    evar = jnp.sum(dev * dev, axis=0) * (1.0 / 3.0)
    evar_o[0, :] = evar
    esd_o[0, :] = jnp.sqrt(evar)
    ediff = emean - de_ref[0, :]
    eae_o[0, :] = jnp.abs(ediff)
    ese_o[0, :] = ediff * ediff


def _combine_stage(partials2, me, de2):
    vb = jax.ShapeDtypeStruct((1, B), jnp.float32)
    s1 = jax.ShapeDtypeStruct((1, 1), jnp.float32)
    return pl.pallas_call(
        _combine_body,
        out_shape=[vb, s1, s1, vb, vb, vb, vb, vb, vb, vb, vb, vb, vb],
    )(partials2, me, de2)



def kernel(model_energies, model_forces, data_energy, data_forces, image_idx):
    mfw = model_forces.transpose(2, 0, 1)
    dfw = data_forces.transpose(1, 0)

    fm, sv, ad, sd = _dense_stage(mfw, dfw)

    partials = _segment_stage(image_idx, sv, ad, sd)

    (emean, emax, emin, evar, esd, eae, ese,
     fvar, fsd, fae, fse, fmaxe, fmine) = _combine_stage(
        partials.reshape(6 * _NW, B), model_energies,
        data_energy.reshape(1, B))

    return (emean.reshape(B), fm.transpose(1, 0), emax.reshape(1),
            emin.reshape(1), evar.reshape(B), esd.reshape(B),
            fvar.reshape(B), fsd.reshape(B), eae.reshape(B),
            ese.reshape(B), fae.reshape(B), fse.reshape(B),
            fmaxe.reshape(B), fmine.reshape(B))

# --- scband reference (transcript-rebuilt; emitter-appended) ---
"""Pipeline reference for scband-ensemble-model-22969485099858 (READ-ONLY COPY).

The authoritative reference and input builder live on the scoring server;
editing this copy changes nothing except your own understanding.
"""

import jax, jax.numpy as jnp
import numpy as np

M = 4
B = 4096
N = 1600000


def _segment_mean(vals, seg, num):
    s = jax.ops.segment_sum(vals, seg, num_segments=num)
    c = jax.ops.segment_sum(jnp.ones_like(vals), seg, num_segments=num)
    return s / jnp.maximum(c, 1.0)


def setup_inputs(seed: int = 0) -> dict:
    key = jax.random.key(seed)
    k1, k2, k3, k4, k5 = jax.random.split(key, 5)
    model_energies = jax.random.normal(k1, (M, B), dtype=jnp.float32)
    model_forces = jax.random.normal(k2, (M, N, 3), dtype=jnp.float32)
    data_energy = jax.random.normal(k3, (B,), dtype=jnp.float32)
    data_forces = jax.random.normal(k4, (N, 3), dtype=jnp.float32)
    image_idx = jnp.sort(jax.random.randint(k5, (N,), 0, B, dtype=jnp.int32))
    return {
        "model_energies": model_energies,
        "model_forces": model_forces,
        "data_energy": data_energy,
        "data_forces": data_forces,
        "image_idx": image_idx,
    }


def reference(model_energies, model_forces, data_energy, data_forces, image_idx):
    # detach() in the original: model outputs do not carry grads
    model_energies = jax.lax.stop_gradient(model_energies)
    model_forces = jax.lax.stop_gradient(model_forces)

    # result_dict means over ensemble dim
    energy_mean = jnp.mean(model_energies, axis=0)          # [B]
    forces_mean = jnp.mean(model_forces, axis=0)            # [N, 3]

    # uncertainty block (compute_uncertainty=True since M > 1)
    e_max = jnp.max(model_energies).reshape(1)
    e_min = jnp.min(model_energies).reshape(1)
    e_var = jnp.var(model_energies, axis=0, ddof=1)         # torch.var unbiased
    e_sd = jnp.std(model_energies, axis=0, ddof=1)
    f_var_atom = jnp.var(model_forces, axis=0, ddof=1).mean(axis=1)  # [N]
    f_var = _segment_mean(f_var_atom, image_idx, B)          # scatter_mean -> [B]
    f_sd = jnp.sqrt(f_var)

    # error block (energy present in data)
    e_diff = energy_mean - data_energy                       # [B]
    f_diff = forces_mean - data_forces                       # [N, 3]
    e_ae = jnp.abs(e_diff)
    e_se = jnp.square(e_diff)
    f_ae = _segment_mean(jnp.abs(f_diff).mean(axis=1), image_idx, B)
    f_se = _segment_mean(jnp.square(f_diff).mean(axis=1), image_idx, B)
    f_norm = jnp.linalg.norm(f_diff, axis=1)                 # [N]
    f_maxe = jax.ops.segment_max(f_norm, image_idx, num_segments=B)
    f_mine = jax.ops.segment_min(f_norm, image_idx, num_segments=B)

    return (energy_mean, forces_mean, e_max, e_min, e_var, e_sd, f_var, f_sd,
            e_ae, e_se, f_ae, f_se, f_maxe, f_mine)

if __name__ == "__main__":
    import jax
    _d = setup_inputs()
    print(jax.jit(kernel)(*tuple(_d.values())))

</pallas_src>

<mosaic_0001>
#map = affine_map<(d0, d1) -> (0)>
#map1 = affine_map<(d0, d1) -> (0, 0, 0)>
module attributes {stable_mosaic.version = 14 : i64} {
  func.func @_sc_body(%arg0: i32, %arg1: i32, %arg2: memref<1600000xi32, #tpu.memory_space<hbm>>, %arg3: memref<1600000xf32, #tpu.memory_space<hbm>>, %arg4: memref<1600000xf32, #tpu.memory_space<hbm>>, %arg5: memref<1600000xf32, #tpu.memory_space<hbm>>, %arg6: memref<6x32x4096xf32, #tpu.memory_space<hbm>>, %arg7: memref<10000xi32, #tpu.memory_space<vmem>>, %arg8: memref<10000xi32, #tpu.memory_space<vmem>>, %arg9: memref<10000xf32, #tpu.memory_space<vmem>>, %arg10: memref<10000xf32, #tpu.memory_space<vmem>>, %arg11: memref<10000xf32, #tpu.memory_space<vmem>>, %arg12: memref<10000xf32, #tpu.memory_space<vmem>>, %arg13: memref<10000xf32, #tpu.memory_space<vmem>>, %arg14: memref<10000xf32, #tpu.memory_space<vmem>>, %arg15: memref<4096xf32, #tpu.memory_space<vmem>>, %arg16: memref<4096xf32, #tpu.memory_space<vmem>>, %arg17: memref<4096xf32, #tpu.memory_space<vmem>>, %arg18: memref<4096xf32, #tpu.memory_space<vmem>>, %arg19: memref<4096xf32, #tpu.memory_space<vmem>>, %arg20: memref<4096xf32, #tpu.memory_space<vmem>>, %arg21: memref<!tpu.dma_semaphore, #tpu.memory_space<semaphore_mem>>, %arg22: memref<!tpu.dma_semaphore, #tpu.memory_space<semaphore_mem>>) attributes {dimension_semantics = [#tpu.dimension_semantics<core_parallel>, #tpu.dimension_semantics<subcore_parallel>], iteration_bounds = array<i64: 2, 16>, scalar_prefetch = 0 : i64, scratch_operands = 16 : i64, tpu.core_type = #tpu.core_type<sc_vector_subcore>, window_params = [{transform_indices = #map}, {transform_indices = #map}, {transform_indices = #map}, {transform_indices = #map}, {transform_indices = #map1}]} {
    %mul3A = arith.constant 2 : i32
    %mul3A_0 = arith.muli %arg1, %mul3A : i32
    %add3A = arith.addi %mul3A_0, %arg0 : i32
    %scan3A = arith.constant 0 : i32
    %scan3A_1 = arith.constant 256 : i32
    %scan3A_2 = arith.addi %scan3A, %scan3A_1 : i32
    %scan3A_3 = arith.constant 1 : i32
    scf.for %scan3A_149 = %scan3A to %scan3A_2 step %scan3A_3  : i32 {
      %mul3A_150 = arith.constant 16 : i32
      %mul3A_151 = arith.muli %scan3A_149, %mul3A_150 : i32
      %add3A_152 = arith.constant 0 : i32
      %add3A_153 = arith.addi %add3A_152, %mul3A_151 : i32
      %broadcast_in_dim3A_154 = arith.constant 0.000000e+00 : f32
      %broadcast_in_dim3A_155 = vector.broadcast %broadcast_in_dim3A_154 : f32 to vector<16xf32>
      %swap3A = arith.index_cast %add3A_153 : i32 to index
      %swap3A_156 = tpu.vector_load %arg15[%swap3A] {strides = array<i32>} : memref<4096xf32, #tpu.memory_space<vmem>>, vector<16xf32>,
      tpu.vector_store %arg15[%swap3A], %broadcast_in_dim3A_155 {strides = array<i32>} : memref<4096xf32, #tpu.memory_space<vmem>>, vector<16xf32>,
      %swap3A_157 = arith.index_cast %add3A_153 : i32 to index
      %swap3A_158 = tpu.vector_load %arg16[%swap3A_157] {strides = array<i32>} : memref<4096xf32, #tpu.memory_space<vmem>>, vector<16xf32>,
      tpu.vector_store %arg16[%swap3A_157], %broadcast_in_dim3A_155 {strides = array<i32>} : memref<4096xf32, #tpu.memory_space<vmem>>, vector<16xf32>,
      %swap3A_159 = arith.index_cast %add3A_153 : i32 to index
      %swap3A_160 = tpu.vector_load %arg17[%swap3A_159] {strides = array<i32>} : memref<4096xf32, #tpu.memory_space<vmem>>, vector<16xf32>,
      tpu.vector_store %arg17[%swap3A_159], %broadcast_in_dim3A_155 {strides = array<i32>} : memref<4096xf32, #tpu.memory_space<vmem>>, vector<16xf32>,
      %swap3A_161 = arith.index_cast %add3A_153 : i32 to index
      %swap3A_162 = tpu.vector_load %arg18[%swap3A_161] {strides = array<i32>} : memref<4096xf32, #tpu.memory_space<vmem>>, vector<16xf32>,
      tpu.vector_store %arg18[%swap3A_161], %broadcast_in_dim3A_155 {strides = array<i32>} : memref<4096xf32, #tpu.memory_space<vmem>>, vector<16xf32>,
      %broadcast_in_dim3A_163 = arith.constant 0xFF800000 : f32
      %broadcast_in_dim3A_164 = vector.broadcast %broadcast_in_dim3A_163 : f32 to vector<16xf32>
      %swap3A_165 = arith.index_cast %add3A_153 : i32 to index
      %swap3A_166 = tpu.vector_load %arg19[%swap3A_165] {strides = array<i32>} : memref<4096xf32, #tpu.memory_space<vmem>>, vector<16xf32>,
      tpu.vector_store %arg19[%swap3A_165], %broadcast_in_dim3A_164 {strides = array<i32>} : memref<4096xf32, #tpu.memory_space<vmem>>, vector<16xf32>,
      %broadcast_in_dim3A_167 = arith.constant 0x7F800000 : f32
      %broadcast_in_dim3A_168 = vector.broadcast %broadcast_in_dim3A_167 : f32 to vector<16xf32>
      %swap3A_169 = arith.index_cast %add3A_153 : i32 to index
      %swap3A_170 = tpu.vector_load %arg20[%swap3A_169] {strides = array<i32>} : memref<4096xf32, #tpu.memory_space<vmem>>, vector<16xf32>,
      tpu.vector_store %arg20[%swap3A_169], %broadcast_in_dim3A_168 {strides = array<i32>} : memref<4096xf32, #tpu.memory_space<vmem>>, vector<16xf32>,
    }
    %scan3A_4 = arith.constant 256 : i32
    %iota3A = tpu.iota {dimensions = array<i32: 0>} : vector<16xi32>
    %broadcast_in_dim3A = arith.constant 1.000000e+00 : f32
    %broadcast_in_dim3A_5 = vector.broadcast %broadcast_in_dim3A : f32 to vector<16xf32>
    %eq3A = arith.constant 15 : i32
    %eq3A_6 = vector.broadcast %eq3A : i32 to vector<16xi32>
    %eq3A_7 = arith.cmpi eq, %iota3A, %eq3A_6 : vector<16xi32>
    %add3A_8 = arith.constant 1 : i32
    %add3A_9 = vector.broadcast %add3A_8 : i32 to vector<16xi32>
    %add3A_10 = arith.addi %iota3A, %add3A_9 : vector<16xi32>
    %min3A = arith.constant 15 : i32
    %min3A_11 = vector.broadcast %min3A : i32 to vector<16xi32>
    %min3A_12 = arith.minsi %add3A_10, %min3A_11 : vector<16xi32>
    %sub3A = arith.constant 1 : i32
    %sub3A_13 = vector.broadcast %sub3A : i32 to vector<16xi32>
    %sub3A_14 = arith.subi %iota3A, %sub3A_13 : vector<16xi32>
    %max3A = arith.constant 0 : i32
    %max3A_15 = vector.broadcast %max3A : i32 to vector<16xi32>
    %max3A_16 = arith.maxsi %sub3A_14, %max3A_15 : vector<16xi32>
    %sub3A_17 = arith.constant 2 : i32
    %sub3A_18 = vector.broadcast %sub3A_17 : i32 to vector<16xi32>
    %sub3A_19 = arith.subi %iota3A, %sub3A_18 : vector<16xi32>
    %max3A_20 = arith.constant 0 : i32
    %max3A_21 = vector.broadcast %max3A_20 : i32 to vector<16xi32>
    %max3A_22 = arith.maxsi %sub3A_19, %max3A_21 : vector<16xi32>
    %sub3A_23 = arith.constant 4 : i32
    %sub3A_24 = vector.broadcast %sub3A_23 : i32 to vector<16xi32>
    %sub3A_25 = arith.subi %iota3A, %sub3A_24 : vector<16xi32>
    %max3A_26 = arith.constant 0 : i32
    %max3A_27 = vector.broadcast %max3A_26 : i32 to vector<16xi32>
    %max3A_28 = arith.maxsi %sub3A_25, %max3A_27 : vector<16xi32>
    %sub3A_29 = arith.constant 8 : i32
    %sub3A_30 = vector.broadcast %sub3A_29 : i32 to vector<16xi32>
    %sub3A_31 = arith.subi %iota3A, %sub3A_30 : vector<16xi32>
    %max3A_32 = arith.constant 0 : i32
    %max3A_33 = vector.broadcast %max3A_32 : i32 to vector<16xi32>
    %max3A_34 = arith.maxsi %sub3A_31, %max3A_33 : vector<16xi32>
    %xor3A = arith.constant 1 : i32
    %xor3A_35 = vector.broadcast %xor3A : i32 to vector<16xi32>
    %xor3A_36 = arith.xori %iota3A, %xor3A_35 : vector<16xi32>
    %xor3A_37 = arith.constant 2 : i32
    %xor3A_38 = vector.broadcast %xor3A_37 : i32 to vector<16xi32>
    %xor3A_39 = arith.xori %iota3A, %xor3A_38 : vector<16xi32>
    %xor3A_40 = arith.constant 4 : i32
    %xor3A_41 = vector.broadcast %xor3A_40 : i32 to vector<16xi32>
    %xor3A_42 = arith.xori %iota3A, %xor3A_41 : vector<16xi32>
    %xor3A_43 = arith.constant 8 : i32
    %xor3A_44 = vector.broadcast %xor3A_43 : i32 to vector<16xi32>
    %xor3A_45 = arith.xori %iota3A, %xor3A_44 : vector<16xi32>
    %broadcast_in_dim3A_46 = arith.constant 1.280000e+02 : f32
    %broadcast_in_dim3A_47 = vector.broadcast %broadcast_in_dim3A_46 : f32 to vector<16xf32>
    %mul3A_48 = arith.constant 50000 : i32
    %mul3A_49 = arith.muli %add3A, %mul3A_48 : i32
    %add3A_50 = arith.constant 0 : i32
    %add3A_51 = arith.addi %mul3A_49, %add3A_50 : i32
    %dma_start3A = tpu.memref_slice %arg2[%add3A_51] : memref<1600000xi32, #tpu.memory_space<hbm>> -> memref<10000xi32, #tpu.memory_space<hbm>>
    %dma_start3A_52 = tpu.memref_slice %arg2[%add3A_51] : memref<1600000xi32, #tpu.memory_space<hbm>> -> memref<10000xi32, #tpu.memory_space<hbm>>
    tpu.enqueue_dma source(%dma_start3A_52 : memref<10000xi32, #tpu.memory_space<hbm>>) target(%arg7 : memref<10000xi32, #tpu.memory_space<vmem>>) target_semaphore(%arg21 : memref<!tpu.dma_semaphore, #tpu.memory_space<semaphore_mem>>)
    %dma_start3A_53 = tpu.memref_slice %arg3[%add3A_51] : memref<1600000xf32, #tpu.memory_space<hbm>> -> memref<10000xf32, #tpu.memory_space<hbm>>
    %dma_start3A_54 = tpu.memref_slice %arg3[%add3A_51] : memref<1600000xf32, #tpu.memory_space<hbm>> -> memref<10000xf32, #tpu.memory_space<hbm>>
    tpu.enqueue_dma source(%dma_start3A_54 : memref<10000xf32, #tpu.memory_space<hbm>>) target(%arg9 : memref<10000xf32, #tpu.memory_space<vmem>>) target_semaphore(%arg21 : memref<!tpu.dma_semaphore, #tpu.memory_space<semaphore_mem>>)
    %dma_start3A_55 = tpu.memref_slice %arg4[%add3A_51] : memref<1600000xf32, #tpu.memory_space<hbm>> -> memref<10000xf32, #tpu.memory_space<hbm>>
    %dma_start3A_56 = tpu.memref_slice %arg4[%add3A_51] : memref<1600000xf32, #tpu.memory_space<hbm>> -> memref<10000xf32, #tpu.memory_space<hbm>>
    tpu.enqueue_dma source(%dma_start3A_56 : memref<10000xf32, #tpu.memory_space<hbm>>) target(%arg11 : memref<10000xf32, #tpu.memory_space<vmem>>) target_semaphore(%arg21 : memref<!tpu.dma_semaphore, #tpu.memory_space<semaphore_mem>>)
    %dma_start3A_57 = tpu.memref_slice %arg5[%add3A_51] : memref<1600000xf32, #tpu.memory_space<hbm>> -> memref<10000xf32, #tpu.memory_space<hbm>>
    %dma_start3A_58 = tpu.memref_slice %arg5[%add3A_51] : memref<1600000xf32, #tpu.memory_space<hbm>> -> memref<10000xf32, #tpu.memory_space<hbm>>
    tpu.enqueue_dma source(%dma_start3A_58 : memref<10000xf32, #tpu.memory_space<hbm>>) target(%arg13 : memref<10000xf32, #tpu.memory_space<vmem>>) target_semaphore(%arg21 : memref<!tpu.dma_semaphore, #tpu.memory_space<semaphore_mem>>)
    %dma_wait3A = tpu.memref_slice %arg2[%add3A_51] : memref<1600000xi32, #tpu.memory_space<hbm>> -> memref<10000xi32, #tpu.memory_space<hbm>>
    %dma_wait3A_59 = tpu.memref_slice %arg2[%add3A_51] : memref<1600000xi32, #tpu.memory_space<hbm>> -> memref<10000xi32, #tpu.memory_space<hbm>>
    tpu.wait_dma2 semaphore(%arg21 : memref<!tpu.dma_semaphore, #tpu.memory_space<semaphore_mem>>) src(%dma_wait3A_59 : memref<10000xi32, #tpu.memory_space<hbm>>) dst(%arg7 : memref<10000xi32, #tpu.memory_space<vmem>>)
    %dma_wait3A_60 = tpu.memref_slice %arg3[%add3A_51] : memref<1600000xf32, #tpu.memory_space<hbm>> -> memref<10000xf32, #tpu.memory_space<hbm>>
    %dma_wait3A_61 = tpu.memref_slice %arg3[%add3A_51] : memref<1600000xf32, #tpu.memory_space<hbm>> -> memref<10000xf32, #tpu.memory_space<hbm>>
    tpu.wait_dma2 semaphore(%arg21 : memref<!tpu.dma_semaphore, #tpu.memory_space<semaphore_mem>>) src(%dma_wait3A_61 : memref<10000xf32, #tpu.memory_space<hbm>>) dst(%arg9 : memref<10000xf32, #tpu.memory_space<vmem>>)
    %dma_wait3A_62 = tpu.memref_slice %arg4[%add3A_51] : memref<1600000xf32, #tpu.memory_space<hbm>> -> memref<10000xf32, #tpu.memory_space<hbm>>
    %dma_wait3A_63 = tpu.memref_slice %arg4[%add3A_51] : memref<1600000xf32, #tpu.memory_space<hbm>> -> memref<10000xf32, #tpu.memory_space<hbm>>
    tpu.wait_dma2 semaphore(%arg21 : memref<!tpu.dma_semaphore, #tpu.memory_space<semaphore_mem>>) src(%dma_wait3A_63 : memref<10000xf32, #tpu.memory_space<hbm>>) dst(%arg11 : memref<10000xf32, #tpu.memory_space<vmem>>)
    %dma_wait3A_64 = tpu.memref_slice %arg5[%add3A_51] : memref<1600000xf32, #tpu.memory_space<hbm>> -> memref<10000xf32, #tpu.memory_space<hbm>>
    %dma_wait3A_65 = tpu.memref_slice %arg5[%add3A_51] : memref<1600000xf32, #tpu.memory_space<hbm>> -> memref<10000xf32, #tpu.memory_space<hbm>>
    tpu.wait_dma2 semaphore(%arg21 : memref<!tpu.dma_semaphore, #tpu.memory_space<semaphore_mem>>) src(%dma_wait3A_65 : memref<10000xf32, #tpu.memory_space<hbm>>) dst(%arg13 : memref<10000xf32, #tpu.memory_space<vmem>>)
    %scan3A_66 = arith.constant 0 : i32
    %scan3A_67 = arith.constant 2 : i32
    %scan3A_68 = arith.addi %scan3A_66, %scan3A_67 : i32
    %scan3A_69 = arith.constant 1 : i32
    scf.for %scan3A_149 = %scan3A_66 to %scan3A_68 step %scan3A_69  : i32 {
      %mul3A_150 = arith.constant 1 : i32
      %mul3A_151 = arith.muli %scan3A_149, %mul3A_150 : i32
      %add3A_152 = arith.constant 0 : i32
      %add3A_153 = arith.addi %add3A_152, %mul3A_151 : i32
      %mul3A_154 = arith.constant 2 : i32
      %mul3A_155 = arith.muli %mul3A_154, %add3A_153 : i32
      %add3A_156 = arith.constant 1 : i32
      %add3A_157 = arith.addi %add3A_156, %mul3A_155 : i32
      %mul3A_158 = arith.constant 50000 : i32
      %mul3A_159 = arith.muli %add3A, %mul3A_158 : i32
      %mul3A_160 = arith.constant 10000 : i32
      %mul3A_161 = arith.muli %add3A_157, %mul3A_160 : i32
      %add3A_162 = arith.addi %mul3A_159, %mul3A_161 : i32
      %dma_start3A_163 = tpu.memref_slice %arg2[%add3A_162] : memref<1600000xi32, #tpu.memory_space<hbm>> -> memref<10000xi32, #tpu.memory_space<hbm>>
      %dma_start3A_164 = tpu.memref_slice %arg2[%add3A_162] : memref<1600000xi32, #tpu.memory_space<hbm>> -> memref<10000xi32, #tpu.memory_space<hbm>>
      tpu.enqueue_dma source(%dma_start3A_164 : memref<10000xi32, #tpu.memory_space<hbm>>) target(%arg8 : memref<10000xi32, #tpu.memory_space<vmem>>) target_semaphore(%arg22 : memref<!tpu.dma_semaphore, #tpu.memory_space<semaphore_mem>>)
      %dma_start3A_165 = tpu.memref_slice %arg3[%add3A_162] : memref<1600000xf32, #tpu.memory_space<hbm>> -> memref<10000xf32, #tpu.memory_space<hbm>>
      %dma_start3A_166 = tpu.memref_slice %arg3[%add3A_162] : memref<1600000xf32, #tpu.memory_space<hbm>> -> memref<10000xf32, #tpu.memory_space<hbm>>
      tpu.enqueue_dma source(%dma_start3A_166 : memref<10000xf32, #tpu.memory_space<hbm>>) target(%arg10 : memref<10000xf32, #tpu.memory_space<vmem>>) target_semaphore(%arg22 : memref<!tpu.dma_semaphore, #tpu.memory_space<semaphore_mem>>)
      %dma_start3A_167 = tpu.memref_slice %arg4[%add3A_162] : memref<1600000xf32, #tpu.memory_space<hbm>> -> memref<10000xf32, #tpu.memory_space<hbm>>
      %dma_start3A_168 = tpu.memref_slice %arg4[%add3A_162] : memref<1600000xf32, #tpu.memory_space<hbm>> -> memref<10000xf32, #tpu.memory_space<hbm>>
      tpu.enqueue_dma source(%dma_start3A_168 : memref<10000xf32, #tpu.memory_space<hbm>>) target(%arg12 : memref<10000xf32, #tpu.memory_space<vmem>>) target_semaphore(%arg22 : memref<!tpu.dma_semaphore, #tpu.memory_space<semaphore_mem>>)
      %dma_start3A_169 = tpu.memref_slice %arg5[%add3A_162] : memref<1600000xf32, #tpu.memory_space<hbm>> -> memref<10000xf32, #tpu.memory_space<hbm>>
      %dma_start3A_170 = tpu.memref_slice %arg5[%add3A_162] : memref<1600000xf32, #tpu.memory_space<hbm>> -> memref<10000xf32, #tpu.memory_space<hbm>>
      tpu.enqueue_dma source(%dma_start3A_170 : memref<10000xf32, #tpu.memory_space<hbm>>) target(%arg14 : memref<10000xf32, #tpu.memory_space<vmem>>) target_semaphore(%arg22 : memref<!tpu.dma_semaphore, #tpu.memory_space<semaphore_mem>>)
      %scan3A_171 = arith.constant 0 : i32
      %scan3A_172 = arith.constant 78 : i32
      %scan3A_173 = arith.addi %scan3A_171, %scan3A_172 : i32
      %scan3A_174 = arith.constant 1 : i32
      scf.for %scan3A_358 = %scan3A_171 to %scan3A_173 step %scan3A_174  : i32 {
        %mul3A_359 = arith.constant 1 : i32
        %mul3A_360 = arith.muli %scan3A_358, %mul3A_359 : i32
        %add3A_361 = arith.constant 0 : i32
        %add3A_362 = arith.addi %add3A_361, %mul3A_360 : i32
        %mul3A_363 = arith.constant 8 : i32
        %mul3A_364 = arith.muli %add3A_362, %mul3A_363 : i32
        %add3A_365 = arith.constant 0 : i32
        %add3A_366 = arith.addi %mul3A_364, %add3A_365 : i32
        %mul3A_367 = arith.constant 16 : i32
        %mul3A_368 = arith.muli %add3A_366, %mul3A_367 : i32
        %get3A_369 = arith.index_cast %mul3A_368 : i32 to index
        %get3A_370 = tpu.vector_load %arg7[%get3A_369] {strides = array<i32>} : memref<10000xi32, #tpu.memory_space<vmem>>, vector<16xi32>,
        %mul3A_371 = arith.constant 16 : i32
        %mul3A_372 = arith.muli %add3A_366, %mul3A_371 : i32
        %get3A_373 = arith.index_cast %mul3A_372 : i32 to index
        %get3A_374 = tpu.vector_load %arg9[%get3A_373] {strides = array<i32>} : memref<10000xf32, #tpu.memory_space<vmem>>, vector<16xf32>,
        %mul3A_375 = arith.constant 16 : i32
        %mul3A_376 = arith.muli %add3A_366, %mul3A_375 : i32
        %get3A_377 = arith.index_cast %mul3A_376 : i32 to index
        %get3A_378 = tpu.vector_load %arg11[%get3A_377] {strides = array<i32>} : memref<10000xf32, #tpu.memory_space<vmem>>, vector<16xf32>,
        %mul3A_379 = arith.constant 16 : i32
        %mul3A_380 = arith.muli %add3A_366, %mul3A_379 : i32
        %get3A_381 = arith.index_cast %mul3A_380 : i32 to index
        %get3A_382 = tpu.vector_load %arg13[%get3A_381] {strides = array<i32>} : memref<10000xf32, #tpu.memory_space<vmem>>, vector<16xf32>,
        %mul3A_383 = arith.constant 8 : i32
        %mul3A_384 = arith.muli %add3A_362, %mul3A_383 : i32
        %add3A_385 = arith.constant 1 : i32
        %add3A_386 = arith.addi %mul3A_384, %add3A_385 : i32
        %mul3A_387 = arith.constant 16 : i32
        %mul3A_388 = arith.muli %add3A_386, %mul3A_387 : i32
        %get3A_389 = arith.index_cast %mul3A_388 : i32 to index
        %get3A_390 = tpu.vector_load %arg7[%get3A_389] {strides = array<i32>} : memref<10000xi32, #tpu.memory_space<vmem>>, vector<16xi32>,
        %mul3A_391 = arith.constant 16 : i32
        %mul3A_392 = arith.muli %add3A_386, %mul3A_391 : i32
        %get3A_393 = arith.index_cast %mul3A_392 : i32 to index
        %get3A_394 = tpu.vector_load %arg9[%get3A_393] {strides = array<i32>} : memref<10000xf32, #tpu.memory_space<vmem>>, vector<16xf32>,
        %mul3A_395 = arith.constant 16 : i32
        %mul3A_396 = arith.muli %add3A_386, %mul3A_395 : i32
        %get3A_397 = arith.index_cast %mul3A_396 : i32 to index
        %get3A_398 = tpu.vector_load %arg11[%get3A_397] {strides = array<i32>} : memref<10000xf32, #tpu.memory_space<vmem>>, vector<16xf32>,
        %mul3A_399 = arith.constant 16 : i32
        %mul3A_400 = arith.muli %add3A_386, %mul3A_399 : i32
        %get3A_401 = arith.index_cast %mul3A_400 : i32 to index
        %get3A_402 = tpu.vector_load %arg13[%get3A_401] {strides = array<i32>} : memref<10000xf32, #tpu.memory_space<vmem>>, vector<16xf32>,
        %mul3A_403 = arith.constant 8 : i32
        %mul3A_404 = arith.muli %add3A_362, %mul3A_403 : i32
        %add3A_405 = arith.constant 2 : i32
        %add3A_406 = arith.addi %mul3A_404, %add3A_405 : i32
        %mul3A_407 = arith.constant 16 : i32
        %mul3A_408 = arith.muli %add3A_406, %mul3A_407 : i32
        %get3A_409 = arith.index_cast %mul3A_408 : i32 to index
        %get3A_410 = tpu.vector_load %arg7[%get3A_409] {strides = array<i32>} : memref<10000xi32, #tpu.memory_space<vmem>>, vector<16xi32>,
        %mul3A_411 = arith.constant 16 : i32
        %mul3A_412 = arith.muli %add3A_406, %mul3A_411 : i32
        %get3A_413 = arith.index_cast %mul3A_412 : i32 to index
        %get3A_414 = tpu.vector_load %arg9[%get3A_413] {strides = array<i32>} : memref<10000xf32, #tpu.memory_space<vmem>>, vector<16xf32>,
        %mul3A_415 = arith.constant 16 : i32
        %mul3A_416 = arith.muli %add3A_406, %mul3A_415 : i32
        %get3A_417 = arith.index_cast %mul3A_416 : i32 to index
        %get3A_418 = tpu.vector_load %arg11[%get3A_417] {strides = array<i32>} : memref<10000xf32, #tpu.memory_space<vmem>>, vector<16xf32>,
        %mul3A_419 = arith.constant 16 : i32
        %mul3A_420 = arith.muli %add3A_406, %mul3A_419 : i32
        %get3A_421 = arith.index_cast %mul3A_420 : i32 to index
        %get3A_422 = tpu.vector_load %arg13[%get3A_421] {strides = array<i32>} : memref<10000xf32, #tpu.memory_space<vmem>>, vector<16xf32>,
        %mul3A_423 = arith.constant 8 : i32
        %mul3A_424 = arith.muli %add3A_362, %mul3A_423 : i32
        %add3A_425 = arith.constant 3 : i32
        %add3A_426 = arith.addi %mul3A_424, %add3A_425 : i32
        %mul3A_427 = arith.constant 16 : i32
        %mul3A_428 = arith.muli %add3A_426, %mul3A_427 : i32
        %get3A_429 = arith.index_cast %mul3A_428 : i32 to index
        %get3A_430 = tpu.vector_load %arg7[%get3A_429] {strides = array<i32>} : memref<10000xi32, #tpu.memory_space<vmem>>, vector<16xi32>,
        %mul3A_431 = arith.constant 16 : i32
        %mul3A_432 = arith.muli %add3A_426, %mul3A_431 : i32
        %get3A_433 = arith.index_cast %mul3A_432 : i32 to index
        %get3A_434 = tpu.vector_load %arg9[%get3A_433] {strides = array<i32>} : memref<10000xf32, #tpu.memory_space<vmem>>, vector<16xf32>,
        %mul3A_435 = arith.constant 16 : i32
        %mul3A_436 = arith.muli %add3A_426, %mul3A_435 : i32
        %get3A_437 = arith.index_cast %mul3A_436 : i32 to index
        %get3A_438 = tpu.vector_load %arg11[%get3A_437] {strides = array<i32>} : memref<10000xf32, #tpu.memory_space<vmem>>, vector<16xf32>,
        %mul3A_439 = arith.constant 16 : i32
        %mul3A_440 = arith.muli %add3A_426, %mul3A_439 : i32
        %get3A_441 = arith.index_cast %mul3A_440 : i32 to index
        %get3A_442 = tpu.vector_load %arg13[%get3A_441] {strides = array<i32>} : memref<10000xf32, #tpu.memory_space<vmem>>, vector<16xf32>,
        %mul3A_443 = arith.constant 8 : i32
        %mul3A_444 = arith.muli %add3A_362, %mul3A_443 : i32
        %add3A_445 = arith.constant 4 : i32
        %add3A_446 = arith.addi %mul3A_444, %add3A_445 : i32
        %mul3A_447 = arith.constant 16 : i32
        %mul3A_448 = arith.muli %add3A_446, %mul3A_447 : i32
        %get3A_449 = arith.index_cast %mul3A_448 : i32 to index
        %get3A_450 = tpu.vector_load %arg7[%get3A_449] {strides = array<i32>} : memref<10000xi32, #tpu.memory_space<vmem>>, vector<16xi32>,
        %mul3A_451 = arith.constant 16 : i32
        %mul3A_452 = arith.muli %add3A_446, %mul3A_451 : i32
        %get3A_453 = arith.index_cast %mul3A_452 : i32 to index
        %get3A_454 = tpu.vector_load %arg9[%get3A_453] {strides = array<i32>} : memref<10000xf32, #tpu.memory_space<vmem>>, vector<16xf32>,
        %mul3A_455 = arith.constant 16 : i32
        %mul3A_456 = arith.muli %add3A_446, %mul3A_455 : i32
        %get3A_457 = arith.index_cast %mul3A_456 : i32 to index
        %get3A_458 = tpu.vector_load %arg11[%get3A_457] {strides = array<i32>} : memref<10000xf32, #tpu.memory_space<vmem>>, vector<16xf32>,
        %mul3A_459 = arith.constant 16 : i32
        %mul3A_460 = arith.muli %add3A_446, %mul3A_459 : i32
        %get3A_461 = arith.index_cast %mul3A_460 : i32 to index
        %get3A_462 = tpu.vector_load %arg13[%get3A_461] {strides = array<i32>} : memref<10000xf32, #tpu.memory_space<vmem>>, vector<16xf32>,
        %mul3A_463 = arith.constant 8 : i32
        %mul3A_464 = arith.muli %add3A_362, %mul3A_463 : i32
        %add3A_465 = arith.constant 5 : i32
        %add3A_466 = arith.addi %mul3A_464, %add3A_465 : i32
        %mul3A_467 = arith.constant 16 : i32
        %mul3A_468 = arith.muli %add3A_466, %mul3A_467 : i32
        %get3A_469 = arith.index_cast %mul3A_468 : i32 to index
        %get3A_470 = tpu.vector_load %arg7[%get3A_469] {strides = array<i32>} : memref<10000xi32, #tpu.memory_space<vmem>>, vector<16xi32>,
        %mul3A_471 = arith.constant 16 : i32
        %mul3A_472 = arith.muli %add3A_466, %mul3A_471 : i32
        %get3A_473 = arith.index_cast %mul3A_472 : i32 to index
        %get3A_474 = tpu.vector_load %arg9[%get3A_473] {strides = array<i32>} : memref<10000xf32, #tpu.memory_space<vmem>>, vector<16xf32>,
        %mul3A_475 = arith.constant 16 : i32
        %mul3A_476 = arith.muli %add3A_466, %mul3A_475 : i32
        %get3A_477 = arith.index_cast %mul3A_476 : i32 to index
        %get3A_478 = tpu.vector_load %arg11[%get3A_477] {strides = array<i32>} : memref<10000xf32, #tpu.memory_space<vmem>>, vector<16xf32>,
        %mul3A_479 = arith.constant 16 : i32
        %mul3A_480 = arith.muli %add3A_466, %mul3A_479 : i32
        %get3A_481 = arith.index_cast %mul3A_480 : i32 to index
        %get3A_482 = tpu.vector_load %arg13[%get3A_481] {strides = array<i32>} : memref<10000xf32, #tpu.memory_space<vmem>>, vector<16xf32>,
        %mul3A_483 = arith.constant 8 : i32
        %mul3A_484 = arith.muli %add3A_362, %mul3A_483 : i32
        %add3A_485 = arith.constant 6 : i32
        %add3A_486 = arith.addi %mul3A_484, %add3A_485 : i32
        %mul3A_487 = arith.constant 16 : i32
        %mul3A_488 = arith.muli %add3A_486, %mul3A_487 : i32
        %get3A_489 = arith.index_cast %mul3A_488 : i32 to index
        %get3A_490 = tpu.vector_load %arg7[%get3A_489] {strides = array<i32>} : memref<10000xi32, #tpu.memory_space<vmem>>, vector<16xi32>,
        %mul3A_491 = arith.constant 16 : i32
        %mul3A_492 = arith.muli %add3A_486, %mul3A_491 : i32
        %get3A_493 = arith.index_cast %mul3A_492 : i32 to index
        %get3A_494 = tpu.vector_load %arg9[%get3A_493] {strides = array<i32>} : memref<10000xf32, #tpu.memory_space<vmem>>, vector<16xf32>,
        %mul3A_495 = arith.constant 16 : i32
        %mul3A_496 = arith.muli %add3A_486, %mul3A_495 : i32
        %get3A_497 = arith.index_cast %mul3A_496 : i32 to index
        %get3A_498 = tpu.vector_load %arg11[%get3A_497] {strides = array<i32>} : memref<10000xf32, #tpu.memory_space<vmem>>, vector<16xf32>,
        %mul3A_499 = arith.constant 16 : i32
        %mul3A_500 = arith.muli %add3A_486, %mul3A_499 : i32
        %get3A_501 = arith.index_cast %mul3A_500 : i32 to index
        %get3A_502 = tpu.vector_load %arg13[%get3A_501] {strides = array<i32>} : memref<10000xf32, #tpu.memory_space<vmem>>, vector<16xf32>,
        %mul3A_503 = arith.constant 8 : i32
        %mul3A_504 = arith.muli %add3A_362, %mul3A_503 : i32
        %add3A_505 = arith.constant 7 : i32
        %add3A_506 = arith.addi %mul3A_504, %add3A_505 : i32
        %mul3A_507 = arith.constant 16 : i32
        %mul3A_508 = arith.muli %add3A_506, %mul3A_507 : i32
        %get3A_509 = arith.index_cast %mul3A_508 : i32 to index
        %get3A_510 = tpu.vector_load %arg7[%get3A_509] {strides = array<i32>} : memref<10000xi32, #tpu.memory_space<vmem>>, vector<16xi32>,
        %mul3A_511 = arith.constant 16 : i32
        %mul3A_512 = arith.muli %add3A_506, %mul3A_511 : i32
        %get3A_513 = arith.index_cast %mul3A_512 : i32 to index
        %get3A_514 = tpu.vector_load %arg9[%get3A_513] {strides = array<i32>} : memref<10000xf32, #tpu.memory_space<vmem>>, vector<16xf32>,
        %mul3A_515 = arith.constant 16 : i32
        %mul3A_516 = arith.muli %add3A_506, %mul3A_515 : i32
        %get3A_517 = arith.index_cast %mul3A_516 : i32 to index
        %get3A_518 = tpu.vector_load %arg11[%get3A_517] {strides = array<i32>} : memref<10000xf32, #tpu.memory_space<vmem>>, vector<16xf32>,
        %mul3A_519 = arith.constant 16 : i32
        %mul3A_520 = arith.muli %add3A_506, %mul3A_519 : i32
        %get3A_521 = arith.index_cast %mul3A_520 : i32 to index
        %get3A_522 = tpu.vector_load %arg13[%get3A_521] {strides = array<i32>} : memref<10000xf32, #tpu.memory_space<vmem>>, vector<16xf32>,
        %reduce_min3A = arith.constant true
        %reduce_min3A_523 = vector.broadcast %reduce_min3A : i1 to vector<16xi1>
        %reduce_min3A_524 = arith.constant -2147483648 : i32
        %reduce_min3A_525 = vector.broadcast %reduce_min3A_524 : i32 to vector<16xi32>
        %reduce_min3A_526 = arith.xori %get3A_370, %reduce_min3A_525 : vector<16xi32>
        %reduce_min3A_527 = tpu.scan <min>, %reduce_min3A_526 masked %reduce_min3A_523 : vector<16xi32>, vector<16xi1> -> vector<16xi32>
        %reduce_min3A_528 = arith.xori %reduce_min3A_527, %reduce_min3A_525 : vector<16xi32>
        %reduce_min3A_529 = vector.extract %reduce_min3A_528[15] : i32 from vector<16xi32>
        %reduce_max3A = arith.constant true
        %reduce_max3A_530 = vector.broadcast %reduce_max3A : i1 to vector<16xi1>
        %reduce_max3A_531 = arith.constant -2147483648 : i32
        %reduce_max3A_532 = vector.broadcast %reduce_max3A_531 : i32 to vector<16xi32>
        %reduce_max3A_533 = arith.xori %get3A_510, %reduce_max3A_532 : vector<16xi32>
        %reduce_max3A_534 = tpu.scan <max>, %reduce_max3A_533 masked %reduce_max3A_530 : vector<16xi32>, vector<16xi1> -> vector<16xi32>
        %reduce_max3A_535 = arith.xori %reduce_max3A_534, %reduce_max3A_532 : vector<16xi32>
        %reduce_max3A_536 = vector.extract %reduce_max3A_535[15] : i32 from vector<16xi32>
        %eq3A_537 = arith.cmpi eq, %reduce_min3A_529, %reduce_max3A_536 : i32
        %convert_element_type3A = arith.extui %eq3A_537 : i1 to i32
        %cond3A = arith.constant 0 : i32
        %cond3A_538 = arith.cmpi ne, %convert_element_type3A, %cond3A : i32
        scf.if %cond3A_538 {
          %add3A_543 = arith.addf %get3A_374, %get3A_394 : vector<16xf32>
          %add3A_544 = arith.addf %get3A_414, %get3A_434 : vector<16xf32>
          %add3A_545 = arith.addf %get3A_454, %get3A_474 : vector<16xf32>
          %add3A_546 = arith.addf %get3A_494, %get3A_514 : vector<16xf32>
          %add3A_547 = arith.addf %add3A_543, %add3A_544 : vector<16xf32>
          %add3A_548 = arith.addf %add3A_545, %add3A_546 : vector<16xf32>
          %add3A_549 = arith.addf %add3A_547, %add3A_548 : vector<16xf32>
          %broadcast_in_dim3A_550 = vector.shape_cast %xor3A_36 : vector<16xi32> to vector<16x1xi32>
          %gather3A_551 = vector.shape_cast %broadcast_in_dim3A_550 : vector<16x1xi32> to vector<16xi32>
          %gather3A_552 = tpu.dynamic_gather %add3A_549[%gather3A_551] in [0] : vector<16xf32>, vector<16xi32> -> vector<16xf32>
          %add3A_553 = arith.addf %add3A_549, %gather3A_552 : vector<16xf32>
          %broadcast_in_dim3A_554 = vector.shape_cast %xor3A_39 : vector<16xi32> to vector<16x1xi32>
          %gather3A_555 = vector.shape_cast %broadcast_in_dim3A_554 : vector<16x1xi32> to vector<16xi32>
          %gather3A_556 = tpu.dynamic_gather %add3A_553[%gather3A_555] in [0] : vector<16xf32>, vector<16xi32> -> vector<16xf32>
          %add3A_557 = arith.addf %add3A_553, %gather3A_556 : vector<16xf32>
          %broadcast_in_dim3A_558 = vector.shape_cast %xor3A_42 : vector<16xi32> to vector<16x1xi32>
          %gather3A_559 = vector.shape_cast %broadcast_in_dim3A_558 : vector<16x1xi32> to vector<16xi32>
          %gather3A_560 = tpu.dynamic_gather %add3A_557[%gather3A_559] in [0] : vector<16xf32>, vector<16xi32> -> vector<16xf32>
          %add3A_561 = arith.addf %add3A_557, %gather3A_560 : vector<16xf32>
          %broadcast_in_dim3A_562 = vector.shape_cast %xor3A_45 : vector<16xi32> to vector<16x1xi32>
          %gather3A_563 = vector.shape_cast %broadcast_in_dim3A_562 : vector<16x1xi32> to vector<16xi32>
          %gather3A_564 = tpu.dynamic_gather %add3A_561[%gather3A_563] in [0] : vector<16xf32>, vector<16xi32> -> vector<16xf32>
          %add3A_565 = arith.addf %add3A_561, %gather3A_564 : vector<16xf32>
          %add3A_566 = arith.addf %get3A_378, %get3A_398 : vector<16xf32>
          %add3A_567 = arith.addf %get3A_418, %get3A_438 : vector<16xf32>
          %add3A_568 = arith.addf %get3A_458, %get3A_478 : vector<16xf32>
          %add3A_569 = arith.addf %get3A_498, %get3A_518 : vector<16xf32>
          %add3A_570 = arith.addf %add3A_566, %add3A_567 : vector<16xf32>
          %add3A_571 = arith.addf %add3A_568, %add3A_569 : vector<16xf32>
          %add3A_572 = arith.addf %add3A_570, %add3A_571 : vector<16xf32>
          %broadcast_in_dim3A_573 = vector.shape_cast %xor3A_36 : vector<16xi32> to vector<16x1xi32>
          %gather3A_574 = vector.shape_cast %broadcast_in_dim3A_573 : vector<16x1xi32> to vector<16xi32>
          %gather3A_575 = tpu.dynamic_gather %add3A_572[%gather3A_574] in [0] : vector<16xf32>, vector<16xi32> -> vector<16xf32>
          %add3A_576 = arith.addf %add3A_572, %gather3A_575 : vector<16xf32>
          %broadcast_in_dim3A_577 = vector.shape_cast %xor3A_39 : vector<16xi32> to vector<16x1xi32>
          %gather3A_578 = vector.shape_cast %broadcast_in_dim3A_577 : vector<16x1xi32> to vector<16xi32>
          %gather3A_579 = tpu.dynamic_gather %add3A_576[%gather3A_578] in [0] : vector<16xf32>, vector<16xi32> -> vector<16xf32>
          %add3A_580 = arith.addf %add3A_576, %gather3A_579 : vector<16xf32>
          %broadcast_in_dim3A_581 = vector.shape_cast %xor3A_42 : vector<16xi32> to vector<16x1xi32>
          %gather3A_582 = vector.shape_cast %broadcast_in_dim3A_581 : vector<16x1xi32> to vector<16xi32>
          %gather3A_583 = tpu.dynamic_gather %add3A_580[%gather3A_582] in [0] : vector<16xf32>, vector<16xi32> -> vector<16xf32>
          %add3A_584 = arith.addf %add3A_580, %gather3A_583 : vector<16xf32>
          %broadcast_in_dim3A_585 = vector.shape_cast %xor3A_45 : vector<16xi32> to vector<16x1xi32>
          %gather3A_586 = vector.shape_cast %broadcast_in_dim3A_585 : vector<16x1xi32> to vector<16xi32>
          %gather3A_587 = tpu.dynamic_gather %add3A_584[%gather3A_586] in [0] : vector<16xf32>, vector<16xi32> -> vector<16xf32>
          %add3A_588 = arith.addf %add3A_584, %gather3A_587 : vector<16xf32>
          %add3A_589 = arith.addf %get3A_382, %get3A_402 : vector<16xf32>
          %add3A_590 = arith.addf %get3A_422, %get3A_442 : vector<16xf32>
          %add3A_591 = arith.addf %get3A_462, %get3A_482 : vector<16xf32>
          %add3A_592 = arith.addf %get3A_502, %get3A_522 : vector<16xf32>
          %add3A_593 = arith.addf %add3A_589, %add3A_590 : vector<16xf32>
          %add3A_594 = arith.addf %add3A_591, %add3A_592 : vector<16xf32>
          %add3A_595 = arith.addf %add3A_593, %add3A_594 : vector<16xf32>
          %broadcast_in_dim3A_596 = vector.shape_cast %xor3A_36 : vector<16xi32> to vector<16x1xi32>
          %gather3A_597 = vector.shape_cast %broadcast_in_dim3A_596 : vector<16x1xi32> to vector<16xi32>
          %gather3A_598 = tpu.dynamic_gather %add3A_595[%gather3A_597] in [0] : vector<16xf32>, vector<16xi32> -> vector<16xf32>
          %add3A_599 = arith.addf %add3A_595, %gather3A_598 : vector<16xf32>
          %broadcast_in_dim3A_600 = vector.shape_cast %xor3A_39 : vector<16xi32> to vector<16x1xi32>
          %gather3A_601 = vector.shape_cast %broadcast_in_dim3A_600 : vector<16x1xi32> to vector<16xi32>
          %gather3A_602 = tpu.dynamic_gather %add3A_599[%gather3A_601] in [0] : vector<16xf32>, vector<16xi32> -> vector<16xf32>
          %add3A_603 = arith.addf %add3A_599, %gather3A_602 : vector<16xf32>
          %broadcast_in_dim3A_604 = vector.shape_cast %xor3A_42 : vector<16xi32> to vector<16x1xi32>
          %gather3A_605 = vector.shape_cast %broadcast_in_dim3A_604 : vector<16x1xi32> to vector<16xi32>
          %gather3A_606 = tpu.dynamic_gather %add3A_603[%gather3A_605] in [0] : vector<16xf32>, vector<16xi32> -> vector<16xf32>
          %add3A_607 = arith.addf %add3A_603, %gather3A_606 : vector<16xf32>
          %broadcast_in_dim3A_608 = vector.shape_cast %xor3A_45 : vector<16xi32> to vector<16x1xi32>
          %gather3A_609 = vector.shape_cast %broadcast_in_dim3A_608 : vector<16x1xi32> to vector<16xi32>
          %gather3A_610 = tpu.dynamic_gather %add3A_607[%gather3A_609] in [0] : vector<16xf32>, vector<16xi32> -> vector<16xf32>
          %add3A_611 = arith.addf %add3A_607, %gather3A_610 : vector<16xf32>
          %max3A_612 = arith.maximumf %get3A_382, %get3A_402 : vector<16xf32>
          %max3A_613 = arith.maximumf %get3A_422, %get3A_442 : vector<16xf32>
          %max3A_614 = arith.maximumf %get3A_462, %get3A_482 : vector<16xf32>
          %max3A_615 = arith.maximumf %get3A_502, %get3A_522 : vector<16xf32>
          %max3A_616 = arith.maximumf %max3A_612, %max3A_613 : vector<16xf32>
          %max3A_617 = arith.maximumf %max3A_614, %max3A_615 : vector<16xf32>
          %max3A_618 = arith.maximumf %max3A_616, %max3A_617 : vector<16xf32>
          %broadcast_in_dim3A_619 = vector.shape_cast %xor3A_36 : vector<16xi32> to vector<16x1xi32>
          %gather3A_620 = vector.shape_cast %broadcast_in_dim3A_619 : vector<16x1xi32> to vector<16xi32>
          %gather3A_621 = tpu.dynamic_gather %max3A_618[%gather3A_620] in [0] : vector<16xf32>, vector<16xi32> -> vector<16xf32>
          %max3A_622 = arith.maximumf %max3A_618, %gather3A_621 : vector<16xf32>
          %broadcast_in_dim3A_623 = vector.shape_cast %xor3A_39 : vector<16xi32> to vector<16x1xi32>
          %gather3A_624 = vector.shape_cast %broadcast_in_dim3A_623 : vector<16x1xi32> to vector<16xi32>
          %gather3A_625 = tpu.dynamic_gather %max3A_622[%gather3A_624] in [0] : vector<16xf32>, vector<16xi32> -> vector<16xf32>
          %max3A_626 = arith.maximumf %max3A_622, %gather3A_625 : vector<16xf32>
          %broadcast_in_dim3A_627 = vector.shape_cast %xor3A_42 : vector<16xi32> to vector<16x1xi32>
          %gather3A_628 = vector.shape_cast %broadcast_in_dim3A_627 : vector<16x1xi32> to vector<16xi32>
          %gather3A_629 = tpu.dynamic_gather %max3A_626[%gather3A_628] in [0] : vector<16xf32>, vector<16xi32> -> vector<16xf32>
          %max3A_630 = arith.maximumf %max3A_626, %gather3A_629 : vector<16xf32>
          %broadcast_in_dim3A_631 = vector.shape_cast %xor3A_45 : vector<16xi32> to vector<16x1xi32>
          %gather3A_632 = vector.shape_cast %broadcast_in_dim3A_631 : vector<16x1xi32> to vector<16xi32>
          %gather3A_633 = tpu.dynamic_gather %max3A_630[%gather3A_632] in [0] : vector<16xf32>, vector<16xi32> -> vector<16xf32>
          %max3A_634 = arith.maximumf %max3A_630, %gather3A_633 : vector<16xf32>
          %min3A_635 = arith.minimumf %get3A_382, %get3A_402 : vector<16xf32>
          %min3A_636 = arith.minimumf %get3A_422, %get3A_442 : vector<16xf32>
          %min3A_637 = arith.minimumf %get3A_462, %get3A_482 : vector<16xf32>
          %min3A_638 = arith.minimumf %get3A_502, %get3A_522 : vector<16xf32>
          %min3A_639 = arith.minimumf %min3A_635, %min3A_636 : vector<16xf32>
          %min3A_640 = arith.minimumf %min3A_637, %min3A_638 : vector<16xf32>
          %min3A_641 = arith.minimumf %min3A_639, %min3A_640 : vector<16xf32>
          %broadcast_in_dim3A_642 = vector.shape_cast %xor3A_36 : vector<16xi32> to vector<16x1xi32>
          %gather3A_643 = vector.shape_cast %broadcast_in_dim3A_642 : vector<16x1xi32> to vector<16xi32>
          %gather3A_644 = tpu.dynamic_gather %min3A_641[%gather3A_643] in [0] : vector<16xf32>, vector<16xi32> -> vector<16xf32>
          %min3A_645 = arith.minimumf %min3A_641, %gather3A_644 : vector<16xf32>
          %broadcast_in_dim3A_646 = vector.shape_cast %xor3A_39 : vector<16xi32> to vector<16x1xi32>
          %gather3A_647 = vector.shape_cast %broadcast_in_dim3A_646 : vector<16x1xi32> to vector<16xi32>
          %gather3A_648 = tpu.dynamic_gather %min3A_645[%gather3A_647] in [0] : vector<16xf32>, vector<16xi32> -> vector<16xf32>
          %min3A_649 = arith.minimumf %min3A_645, %gather3A_648 : vector<16xf32>
          %broadcast_in_dim3A_650 = vector.shape_cast %xor3A_42 : vector<16xi32> to vector<16x1xi32>
          %gather3A_651 = vector.shape_cast %broadcast_in_dim3A_650 : vector<16x1xi32> to vector<16xi32>
          %gather3A_652 = tpu.dynamic_gather %min3A_649[%gather3A_651] in [0] : vector<16xf32>, vector<16xi32> -> vector<16xf32>
          %min3A_653 = arith.minimumf %min3A_649, %gather3A_652 : vector<16xf32>
          %broadcast_in_dim3A_654 = vector.shape_cast %xor3A_45 : vector<16xi32> to vector<16x1xi32>
          %gather3A_655 = vector.shape_cast %broadcast_in_dim3A_654 : vector<16x1xi32> to vector<16xi32>
          %gather3A_656 = tpu.dynamic_gather %min3A_653[%gather3A_655] in [0] : vector<16xf32>, vector<16xi32> -> vector<16xf32>
          %min3A_657 = arith.minimumf %min3A_653, %gather3A_656 : vector<16xf32>
          tpu.vector_store_idx %arg15[%get3A_510], %add3A_565 masked %eq3A_7 {add = true} : memref<4096xf32, #tpu.memory_space<vmem>>[vector<16xi32>], vector<16xf32>, vector<16xi1>
          tpu.vector_store_idx %arg16[%get3A_510], %add3A_588 masked %eq3A_7 {add = true} : memref<4096xf32, #tpu.memory_space<vmem>>[vector<16xi32>], vector<16xf32>, vector<16xi1>
          tpu.vector_store_idx %arg17[%get3A_510], %add3A_611 masked %eq3A_7 {add = true} : memref<4096xf32, #tpu.memory_space<vmem>>[vector<16xi32>], vector<16xf32>, vector<16xi1>
          tpu.vector_store_idx %arg18[%get3A_510], %broadcast_in_dim3A_47 masked %eq3A_7 {add = true} : memref<4096xf32, #tpu.memory_space<vmem>>[vector<16xi32>], vector<16xf32>, vector<16xi1>
          %gather3A_658 = tpu.vector_load_idx %arg19[%get3A_510] masked %eq3A_7 : memref<4096xf32, #tpu.memory_space<vmem>>[vector<16xi32>], vector<16xf32>, vector<16xi1>
          %gather3A_659 = tpu.vector_load_idx %arg20[%get3A_510] masked %eq3A_7 : memref<4096xf32, #tpu.memory_space<vmem>>[vector<16xi32>], vector<16xf32>, vector<16xi1>
          %max3A_660 = arith.maximumf %gather3A_658, %max3A_634 : vector<16xf32>
          tpu.vector_store_idx %arg19[%get3A_510], %max3A_660 masked %eq3A_7 : memref<4096xf32, #tpu.memory_space<vmem>>[vector<16xi32>], vector<16xf32>, vector<16xi1>
          %min3A_661 = arith.minimumf %gather3A_659, %min3A_657 : vector<16xf32>
          tpu.vector_store_idx %arg20[%get3A_510], %min3A_661 masked %eq3A_7 : memref<4096xf32, #tpu.memory_space<vmem>>[vector<16xi32>], vector<16xf32>, vector<16xi1>
        } else {
        }
        %ne3A_539 = arith.cmpi ne, %reduce_min3A_529, %reduce_max3A_536 : i32
        %convert_element_type3A_540 = arith.extui %ne3A_539 : i1 to i32
        %cond3A_541 = arith.constant 0 : i32
        %cond3A_542 = arith.cmpi ne, %convert_element_type3A_540, %cond3A_541 : i32
        scf.if %cond3A_542 {
          tpu.vector_store_idx %arg15[%get3A_370], %get3A_374 {add = true} : memref<4096xf32, #tpu.memory_space<vmem>>[vector<16xi32>], vector<16xf32>,
          tpu.vector_store_idx %arg16[%get3A_370], %get3A_378 {add = true} : memref<4096xf32, #tpu.memory_space<vmem>>[vector<16xi32>], vector<16xf32>,
          tpu.vector_store_idx %arg17[%get3A_370], %get3A_382 {add = true} : memref<4096xf32, #tpu.memory_space<vmem>>[vector<16xi32>], vector<16xf32>,
          tpu.vector_store_idx %arg18[%get3A_370], %broadcast_in_dim3A_5 {add = true} : memref<4096xf32, #tpu.memory_space<vmem>>[vector<16xi32>], vector<16xf32>,
          %broadcast_in_dim3A_543 = vector.shape_cast %max3A_16 : vector<16xi32> to vector<16x1xi32>
          %gather3A_544 = vector.shape_cast %broadcast_in_dim3A_543 : vector<16x1xi32> to vector<16xi32>
          %gather3A_545 = tpu.dynamic_gather %get3A_370[%gather3A_544] in [0] : vector<16xi32>, vector<16xi32> -> vector<16xi32>
          %eq3A_546 = arith.cmpi eq, %gather3A_545, %get3A_370 : vector<16xi32>
          %broadcast_in_dim3A_547 = vector.shape_cast %max3A_16 : vector<16xi32> to vector<16x1xi32>
          %gather3A_548 = vector.shape_cast %broadcast_in_dim3A_547 : vector<16x1xi32> to vector<16xi32>
          %gather3A_549 = tpu.dynamic_gather %get3A_382[%gather3A_548] in [0] : vector<16xf32>, vector<16xi32> -> vector<16xf32>
          %max3A_550 = arith.maximumf %get3A_382, %gather3A_549 : vector<16xf32>
          %select_n3A_551 = arith.select %eq3A_546, %max3A_550, %get3A_382 : vector<16xi1>, vector<16xf32>
          %broadcast_in_dim3A_552 = vector.shape_cast %max3A_16 : vector<16xi32> to vector<16x1xi32>
          %gather3A_553 = vector.shape_cast %broadcast_in_dim3A_552 : vector<16x1xi32> to vector<16xi32>
          %gather3A_554 = tpu.dynamic_gather %get3A_382[%gather3A_553] in [0] : vector<16xf32>, vector<16xi32> -> vector<16xf32>
          %min3A_555 = arith.minimumf %get3A_382, %gather3A_554 : vector<16xf32>
          %select_n3A_556 = arith.select %eq3A_546, %min3A_555, %get3A_382 : vector<16xi1>, vector<16xf32>
          %broadcast_in_dim3A_557 = vector.shape_cast %max3A_22 : vector<16xi32> to vector<16x1xi32>
          %gather3A_558 = vector.shape_cast %broadcast_in_dim3A_557 : vector<16x1xi32> to vector<16xi32>
          %gather3A_559 = tpu.dynamic_gather %get3A_370[%gather3A_558] in [0] : vector<16xi32>, vector<16xi32> -> vector<16xi32>
          %eq3A_560 = arith.cmpi eq, %gather3A_559, %get3A_370 : vector<16xi32>
          %broadcast_in_dim3A_561 = vector.shape_cast %max3A_22 : vector<16xi32> to vector<16x1xi32>
          %gather3A_562 = vector.shape_cast %broadcast_in_dim3A_561 : vector<16x1xi32> to vector<16xi32>
          %gather3A_563 = tpu.dynamic_gather %select_n3A_551[%gather3A_562] in [0] : vector<16xf32>, vector<16xi32> -> vector<16xf32>
          %max3A_564 = arith.maximumf %select_n3A_551, %gather3A_563 : vector<16xf32>
          %select_n3A_565 = arith.select %eq3A_560, %max3A_564, %select_n3A_551 : vector<16xi1>, vector<16xf32>
          %broadcast_in_dim3A_566 = vector.shape_cast %max3A_22 : vector<16xi32> to vector<16x1xi32>
          %gather3A_567 = vector.shape_cast %broadcast_in_dim3A_566 : vector<16x1xi32> to vector<16xi32>
          %gather3A_568 = tpu.dynamic_gather %select_n3A_556[%gather3A_567] in [0] : vector<16xf32>, vector<16xi32> -> vector<16xf32>
          %min3A_569 = arith.minimumf %select_n3A_556, %gather3A_568 : vector<16xf32>
          %select_n3A_570 = arith.select %eq3A_560, %min3A_569, %select_n3A_556 : vector<16xi1>, vector<16xf32>
          %broadcast_in_dim3A_571 = vector.shape_cast %max3A_28 : vector<16xi32> to vector<16x1xi32>
          %gather3A_572 = vector.shape_cast %broadcast_in_dim3A_571 : vector<16x1xi32> to vector<16xi32>
          %gather3A_573 = tpu.dynamic_gather %get3A_370[%gather3A_572] in [0] : vector<16xi32>, vector<16xi32> -> vector<16xi32>
          %eq3A_574 = arith.cmpi eq, %gather3A_573, %get3A_370 : vector<16xi32>
          %broadcast_in_dim3A_575 = vector.shape_cast %max3A_28 : vector<16xi32> to vector<16x1xi32>
          %gather3A_576 = vector.shape_cast %broadcast_in_dim3A_575 : vector<16x1xi32> to vector<16xi32>
          %gather3A_577 = tpu.dynamic_gather %select_n3A_565[%gather3A_576] in [0] : vector<16xf32>, vector<16xi32> -> vector<16xf32>
          %max3A_578 = arith.maximumf %select_n3A_565, %gather3A_577 : vector<16xf32>
          %select_n3A_579 = arith.select %eq3A_574, %max3A_578, %select_n3A_565 : vector<16xi1>, vector<16xf32>
          %broadcast_in_dim3A_580 = vector.shape_cast %max3A_28 : vector<16xi32> to vector<16x1xi32>
          %gather3A_581 = vector.shape_cast %broadcast_in_dim3A_580 : vector<16x1xi32> to vector<16xi32>
          %gather3A_582 = tpu.dynamic_gather %select_n3A_570[%gather3A_581] in [0] : vector<16xf32>, vector<16xi32> -> vector<16xf32>
          %min3A_583 = arith.minimumf %select_n3A_570, %gather3A_582 : vector<16xf32>
          %select_n3A_584 = arith.select %eq3A_574, %min3A_583, %select_n3A_570 : vector<16xi1>, vector<16xf32>
          %broadcast_in_dim3A_585 = vector.shape_cast %max3A_34 : vector<16xi32> to vector<16x1xi32>
          %gather3A_586 = vector.shape_cast %broadcast_in_dim3A_585 : vector<16x1xi32> to vector<16xi32>
          %gather3A_587 = tpu.dynamic_gather %get3A_370[%gather3A_586] in [0] : vector<16xi32>, vector<16xi32> -> vector<16xi32>
          %eq3A_588 = arith.cmpi eq, %gather3A_587, %get3A_370 : vector<16xi32>
          %broadcast_in_dim3A_589 = vector.shape_cast %max3A_34 : vector<16xi32> to vector<16x1xi32>
          %gather3A_590 = vector.shape_cast %broadcast_in_dim3A_589 : vector<16x1xi32> to vector<16xi32>
          %gather3A_591 = tpu.dynamic_gather %select_n3A_579[%gather3A_590] in [0] : vector<16xf32>, vector<16xi32> -> vector<16xf32>
          %max3A_592 = arith.maximumf %select_n3A_579, %gather3A_591 : vector<16xf32>
          %select_n3A_593 = arith.select %eq3A_588, %max3A_592, %select_n3A_579 : vector<16xi1>, vector<16xf32>
          %broadcast_in_dim3A_594 = vector.shape_cast %max3A_34 : vector<16xi32> to vector<16x1xi32>
          %gather3A_595 = vector.shape_cast %broadcast_in_dim3A_594 : vector<16x1xi32> to vector<16xi32>
          %gather3A_596 = tpu.dynamic_gather %select_n3A_584[%gather3A_595] in [0] : vector<16xf32>, vector<16xi32> -> vector<16xf32>
          %min3A_597 = arith.minimumf %select_n3A_584, %gather3A_596 : vector<16xf32>
          %select_n3A_598 = arith.select %eq3A_588, %min3A_597, %select_n3A_584 : vector<16xi1>, vector<16xf32>
          %broadcast_in_dim3A_599 = vector.shape_cast %min3A_12 : vector<16xi32> to vector<16x1xi32>
          %gather3A_600 = vector.shape_cast %broadcast_in_dim3A_599 : vector<16x1xi32> to vector<16xi32>
          %gather3A_601 = tpu.dynamic_gather %get3A_370[%gather3A_600] in [0] : vector<16xi32>, vector<16xi32> -> vector<16xi32>
          %ne3A_602 = arith.cmpi ne, %get3A_370, %gather3A_601 : vector<16xi32>
          %or3A_603 = arith.ori %ne3A_602, %eq3A_7 : vector<16xi1>
          %gather3A_604 = tpu.vector_load_idx %arg19[%get3A_370] : memref<4096xf32, #tpu.memory_space<vmem>>[vector<16xi32>], vector<16xf32>,
          %gather3A_605 = tpu.vector_load_idx %arg20[%get3A_370] : memref<4096xf32, #tpu.memory_space<vmem>>[vector<16xi32>], vector<16xf32>,
          %max3A_606 = arith.maximumf %gather3A_604, %select_n3A_593 : vector<16xf32>
          tpu.vector_store_idx %arg19[%get3A_370], %max3A_606 masked %or3A_603 : memref<4096xf32, #tpu.memory_space<vmem>>[vector<16xi32>], vector<16xf32>, vector<16xi1>
          %min3A_607 = arith.minimumf %gather3A_605, %select_n3A_598 : vector<16xf32>
          tpu.vector_store_idx %arg20[%get3A_370], %min3A_607 masked %or3A_603 : memref<4096xf32, #tpu.memory_space<vmem>>[vector<16xi32>], vector<16xf32>, vector<16xi1>
          tpu.vector_store_idx %arg15[%get3A_390], %get3A_394 {add = true} : memref<4096xf32, #tpu.memory_space<vmem>>[vector<16xi32>], vector<16xf32>,
          tpu.vector_store_idx %arg16[%get3A_390], %get3A_398 {add = true} : memref<4096xf32, #tpu.memory_space<vmem>>[vector<16xi32>], vector<16xf32>,
          tpu.vector_store_idx %arg17[%get3A_390], %get3A_402 {add = true} : memref<4096xf32, #tpu.memory_space<vmem>>[vector<16xi32>], vector<16xf32>,
          tpu.vector_store_idx %arg18[%get3A_390], %broadcast_in_dim3A_5 {add = true} : memref<4096xf32, #tpu.memory_space<vmem>>[vector<16xi32>], vector<16xf32>,
          %broadcast_in_dim3A_608 = vector.shape_cast %max3A_16 : vector<16xi32> to vector<16x1xi32>
          %gather3A_609 = vector.shape_cast %broadcast_in_dim3A_608 : vector<16x1xi32> to vector<16xi32>
          %gather3A_610 = tpu.dynamic_gather %get3A_390[%gather3A_609] in [0] : vector<16xi32>, vector<16xi32> -> vector<16xi32>
          %eq3A_611 = arith.cmpi eq, %gather3A_610, %get3A_390 : vector<16xi32>
          %broadcast_in_dim3A_612 = vector.shape_cast %max3A_16 : vector<16xi32> to vector<16x1xi32>
          %gather3A_613 = vector.shape_cast %broadcast_in_dim3A_612 : vector<16x1xi32> to vector<16xi32>
          %gather3A_614 = tpu.dynamic_gather %get3A_402[%gather3A_613] in [0] : vector<16xf32>, vector<16xi32> -> vector<16xf32>
          %max3A_615 = arith.maximumf %get3A_402, %gather3A_614 : vector<16xf32>
          %select_n3A_616 = arith.select %eq3A_611, %max3A_615, %get3A_402 : vector<16xi1>, vector<16xf32>
          %broadcast_in_dim3A_617 = vector.shape_cast %max3A_16 : vector<16xi32> to vector<16x1xi32>
          %gather3A_618 = vector.shape_cast %broadcast_in_dim3A_617 : vector<16x1xi32> to vector<16xi32>
          %gather3A_619 = tpu.dynamic_gather %get3A_402[%gather3A_618] in [0] : vector<16xf32>, vector<16xi32> -> vector<16xf32>
          %min3A_620 = arith.minimumf %get3A_402, %gather3A_619 : vector<16xf32>
          %select_n3A_621 = arith.select %eq3A_611, %min3A_620, %get3A_402 : vector<16xi1>, vector<16xf32>
          %broadcast_in_dim3A_622 = vector.shape_cast %max3A_22 : vector<16xi32> to vector<16x1xi32>
          %gather3A_623 = vector.shape_cast %broadcast_in_dim3A_622 : vector<16x1xi32> to vector<16xi32>
          %gather3A_624 = tpu.dynamic_gather %get3A_390[%gather3A_623] in [0] : vector<16xi32>, vector<16xi32> -> vector<16xi32>
          %eq3A_625 = arith.cmpi eq, %gather3A_624, %get3A_390 : vector<16xi32>
          %broadcast_in_dim3A_626 = vector.shape_cast %max3A_22 : vector<16xi32> to vector<16x1xi32>
          %gather3A_627 = vector.shape_cast %broadcast_in_dim3A_626 : vector<16x1xi32> to vector<16xi32>
          %gather3A_628 = tpu.dynamic_gather %select_n3A_616[%gather3A_627] in [0] : vector<16xf32>, vector<16xi32> -> vector<16xf32>
          %max3A_629 = arith.maximumf %select_n3A_616, %gather3A_628 : vector<16xf32>
          %select_n3A_630 = arith.select %eq3A_625, %max3A_629, %select_n3A_616 : vector<16xi1>, vector<16xf32>
          %broadcast_in_dim3A_631 = vector.shape_cast %max3A_22 : vector<16xi32> to vector<16x1xi32>
          %gather3A_632 = vector.shape_cast %broadcast_in_dim3A_631 : vector<16x1xi32> to vector<16xi32>
          %gather3A_633 = tpu.dynamic_gather %select_n3A_621[%gather3A_632] in [0] : vector<16xf32>, vector<16xi32> -> vector<16xf32>
          %min3A_634 = arith.minimumf %select_n3A_621, %gather3A_633 : vector<16xf32>
          %select_n3A_635 = arith.select %eq3A_625, %min3A_634, %select_n3A_621 : vector<16xi1>, vector<16xf32>
          %broadcast_in_dim3A_636 = vector.shape_cast %max3A_28 : vector<16xi32> to vector<16x1xi32>
          %gather3A_637 = vector.shape_cast %broadcast_in_dim3A_636 : vector<16x1xi32> to vector<16xi32>
          %gather3A_638 = tpu.dynamic_gather %get3A_390[%gather3A_637] in [0] : vector<16xi32>, vector<16xi32> -> vector<16xi32>
          %eq3A_639 = arith.cmpi eq, %gather3A_638, %get3A_390 : vector<16xi32>
          %broadcast_in_dim3A_640 = vector.shape_cast %max3A_28 : vector<16xi32> to vector<16x1xi32>
          %gather3A_641 = vector.shape_cast %broadcast_in_dim3A_640 : vector<16x1xi32> to vector<16xi32>
          %gather3A_642 = tpu.dynamic_gather %select_n3A_630[%gather3A_641] in [0] : vector<16xf32>, vector<16xi32> -> vector<16xf32>
          %max3A_643 = arith.maximumf %select_n3A_630, %gather3A_642 : vector<16xf32>
          %select_n3A_644 = arith.select %eq3A_639, %max3A_643, %select_n3A_630 : vector<16xi1>, vector<16xf32>
          %broadcast_in_dim3A_645 = vector.shape_cast %max3A_28 : vector<16xi32> to vector<16x1xi32>
          %gather3A_646 = vector.shape_cast %broadcast_in_dim3A_645 : vector<16x1xi32> to vector<16xi32>
          %gather3A_647 = tpu.dynamic_gather %select_n3A_635[%gather3A_646] in [0] : vector<16xf32>, vector<16xi32> -> vector<16xf32>
          %min3A_648 = arith.minimumf %select_n3A_635, %gather3A_647 : vector<16xf32>
          %select_n3A_649 = arith.select %eq3A_639, %min3A_648, %select_n3A_635 : vector<16xi1>, vector<16xf32>
          %broadcast_in_dim3A_650 = vector.shape_cast %max3A_34 : vector<16xi32> to vector<16x1xi32>
          %gather3A_651 = vector.shape_cast %broadcast_in_dim3A_650 : vector<16x1xi32> to vector<16xi32>
          %gather3A_652 = tpu.dynamic_gather %get3A_390[%gather3A_651] in [0] : vector<16xi32>, vector<16xi32> -> vector<16xi32>
          %eq3A_653 = arith.cmpi eq, %gather3A_652, %get3A_390 : vector<16xi32>
          %broadcast_in_dim3A_654 = vector.shape_cast %max3A_34 : vector<16xi32> to vector<16x1xi32>
          %gather3A_655 = vector.shape_cast %broadcast_in_dim3A_654 : vector<16x1xi32> to vector<16xi32>
          %gather3A_656 = tpu.dynamic_gather %select_n3A_644[%gather3A_655] in [0] : vector<16xf32>, vector<16xi32> -> vector<16xf32>
          %max3A_657 = arith.maximumf %select_n3A_644, %gather3A_656 : vector<16xf32>
          %select_n3A_658 = arith.select %eq3A_653, %max3A_657, %select_n3A_644 : vector<16xi1>, vector<16xf32>
          %broadcast_in_dim3A_659 = vector.shape_cast %max3A_34 : vector<16xi32> to vector<16x1xi32>
          %gather3A_660 = vector.shape_cast %broadcast_in_dim3A_659 : vector<16x1xi32> to vector<16xi32>
          %gather3A_661 = tpu.dynamic_gather %select_n3A_649[%gather3A_660] in [0] : vector<16xf32>, vector<16xi32> -> vector<16xf32>
          %min3A_662 = arith.minimumf %select_n3A_649, %gather3A_661 : vector<16xf32>
          %select_n3A_663 = arith.select %eq3A_653, %min3A_662, %select_n3A_649 : vector<16xi1>, vector<16xf32>
          %broadcast_in_dim3A_664 = vector.shape_cast %min3A_12 : vector<16xi32> to vector<16x1xi32>
          %gather3A_665 = vector.shape_cast %broadcast_in_dim3A_664 : vector<16x1xi32> to vector<16xi32>
          %gather3A_666 = tpu.dynamic_gather %get3A_390[%gather3A_665] in [0] : vector<16xi32>, vector<16xi32> -> vector<16xi32>
          %ne3A_667 = arith.cmpi ne, %get3A_390, %gather3A_666 : vector<16xi32>
          %or3A_668 = arith.ori %ne3A_667, %eq3A_7 : vector<16xi1>
          %gather3A_669 = tpu.vector_load_idx %arg19[%get3A_390] : memref<4096xf32, #tpu.memory_space<vmem>>[vector<16xi32>], vector<16xf32>,
          %gather3A_670 = tpu.vector_load_idx %arg20[%get3A_390] : memref<4096xf32, #tpu.memory_space<vmem>>[vector<16xi32>], vector<16xf32>,
          %max3A_671 = arith.maximumf %gather3A_669, %select_n3A_658 : vector<16xf32>
          tpu.vector_store_idx %arg19[%get3A_390], %max3A_671 masked %or3A_668 : memref<4096xf32, #tpu.memory_space<vmem>>[vector<16xi32>], vector<16xf32>, vector<16xi1>
          %min3A_672 = arith.minimumf %gather3A_670, %select_n3A_663 : vector<16xf32>
          tpu.vector_store_idx %arg20[%get3A_390], %min3A_672 masked %or3A_668 : memref<4096xf32, #tpu.memory_space<vmem>>[vector<16xi32>], vector<16xf32>, vector<16xi1>
          tpu.vector_store_idx %arg15[%get3A_410], %get3A_414 {add = true} : memref<4096xf32, #tpu.memory_space<vmem>>[vector<16xi32>], vector<16xf32>,
          tpu.vector_store_idx %arg16[%get3A_410], %get3A_418 {add = true} : memref<4096xf32, #tpu.memory_space<vmem>>[vector<16xi32>], vector<16xf32>,
          tpu.vector_store_idx %arg17[%get3A_410], %get3A_422 {add = true} : memref<4096xf32, #tpu.memory_space<vmem>>[vector<16xi32>], vector<16xf32>,
          tpu.vector_store_idx %arg18[%get3A_410], %broadcast_in_dim3A_5 {add = true} : memref<4096xf32, #tpu.memory_space<vmem>>[vector<16xi32>], vector<16xf32>,
          %broadcast_in_dim3A_673 = vector.shape_cast %max3A_16 : vector<16xi32> to vector<16x1xi32>
          %gather3A_674 = vector.shape_cast %broadcast_in_dim3A_673 : vector<16x1xi32> to vector<16xi32>
          %gather3A_675 = tpu.dynamic_gather %get3A_410[%gather3A_674] in [0] : vector<16xi32>, vector<16xi32> -> vector<16xi32>
          %eq3A_676 = arith.cmpi eq, %gather3A_675, %get3A_410 : vector<16xi32>
          %broadcast_in_dim3A_677 = vector.shape_cast %max3A_16 : vector<16xi32> to vector<16x1xi32>
          %gather3A_678 = vector.shape_cast %broadcast_in_dim3A_677 : vector<16x1xi32> to vector<16xi32>
          %gather3A_679 = tpu.dynamic_gather %get3A_422[%gather3A_678] in [0] : vector<16xf32>, vector<16xi32> -> vector<16xf32>
          %max3A_680 = arith.maximumf %get3A_422, %gather3A_679 : vector<16xf32>
          %select_n3A_681 = arith.select %eq3A_676, %max3A_680, %get3A_422 : vector<16xi1>, vector<16xf32>
          %broadcast_in_dim3A_682 = vector.shape_cast %max3A_16 : vector<16xi32> to vector<16x1xi32>
          %gather3A_683 = vector.shape_cast %broadcast_in_dim3A_682 : vector<16x1xi32> to vector<16xi32>
          %gather3A_684 = tpu.dynamic_gather %get3A_422[%gather3A_683] in [0] : vector<16xf32>, vector<16xi32> -> vector<16xf32>
          %min3A_685 = arith.minimumf %get3A_422, %gather3A_684 : vector<16xf32>
          %select_n3A_686 = arith.select %eq3A_676, %min3A_685, %get3A_422 : vector<16xi1>, vector<16xf32>
          %broadcast_in_dim3A_687 = vector.shape_cast %max3A_22 : vector<16xi32> to vector<16x1xi32>
          %gather3A_688 = vector.shape_cast %broadcast_in_dim3A_687 : vector<16x1xi32> to vector<16xi32>
          %gather3A_689 = tpu.dynamic_gather %get3A_410[%gather3A_688] in [0] : vector<16xi32>, vector<16xi32> -> vector<16xi32>
          %eq3A_690 = arith.cmpi eq, %gather3A_689, %get3A_410 : vector<16xi32>
          %broadcast_in_dim3A_691 = vector.shape_cast %max3A_22 : vector<16xi32> to vector<16x1xi32>
          %gather3A_692 = vector.shape_cast %broadcast_in_dim3A_691 : vector<16x1xi32> to vector<16xi32>
          %gather3A_693 = tpu.dynamic_gather %select_n3A_681[%gather3A_692] in [0] : vector<16xf32>, vector<16xi32> -> vector<16xf32>
          %max3A_694 = arith.maximumf %select_n3A_681, %gather3A_693 : vector<16xf32>
          %select_n3A_695 = arith.select %eq3A_690, %max3A_694, %select_n3A_681 : vector<16xi1>, vector<16xf32>
          %broadcast_in_dim3A_696 = vector.shape_cast %max3A_22 : vector<16xi32> to vector<16x1xi32>
          %gather3A_697 = vector.shape_cast %broadcast_in_dim3A_696 : vector<16x1xi32> to vector<16xi32>
          %gather3A_698 = tpu.dynamic_gather %select_n3A_686[%gather3A_697] in [0] : vector<16xf32>, vector<16xi32> -> vector<16xf32>
          %min3A_699 = arith.minimumf %select_n3A_686, %gather3A_698 : vector<16xf32>
          %select_n3A_700 = arith.select %eq3A_690, %min3A_699, %select_n3A_686 : vector<16xi1>, vector<16xf32>
          %broadcast_in_dim3A_701 = vector.shape_cast %max3A_28 : vector<16xi32> to vector<16x1xi32>
          %gather3A_702 = vector.shape_cast %broadcast_in_dim3A_701 : vector<16x1xi32> to vector<16xi32>
          %gather3A_703 = tpu.dynamic_gather %get3A_410[%gather3A_702] in [0] : vector<16xi32>, vector<16xi32> -> vector<16xi32>
          %eq3A_704 = arith.cmpi eq, %gather3A_703, %get3A_410 : vector<16xi32>
          %broadcast_in_dim3A_705 = vector.shape_cast %max3A_28 : vector<16xi32> to vector<16x1xi32>
          %gather3A_706 = vector.shape_cast %broadcast_in_dim3A_705 : vector<16x1xi32> to vector<16xi32>
          %gather3A_707 = tpu.dynamic_gather %select_n3A_695[%gather3A_706] in [0] : vector<16xf32>, vector<16xi32> -> vector<16xf32>
          %max3A_708 = arith.maximumf %select_n3A_695, %gather3A_707 : vector<16xf32>
          %select_n3A_709 = arith.select %eq3A_704, %max3A_708, %select_n3A_695 : vector<16xi1>, vector<16xf32>
          %broadcast_in_dim3A_710 = vector.shape_cast %max3A_28 : vector<16xi32> to vector<16x1xi32>
          %gather3A_711 = vector.shape_cast %broadcast_in_dim3A_710 : vector<16x1xi32> to vector<16xi32>
          %gather3A_712 = tpu.dynamic_gather %select_n3A_700[%gather3A_711] in [0] : vector<16xf32>, vector<16xi32> -> vector<16xf32>
          %min3A_713 = arith.minimumf %select_n3A_700, %gather3A_712 : vector<16xf32>
          %select_n3A_714 = arith.select %eq3A_704, %min3A_713, %select_n3A_700 : vector<16xi1>, vector<16xf32>
          %broadcast_in_dim3A_715 = vector.shape_cast %max3A_34 : vector<16xi32> to vector<16x1xi32>
          %gather3A_716 = vector.shape_cast %broadcast_in_dim3A_715 : vector<16x1xi32> to vector<16xi32>
          %gather3A_717 = tpu.dynamic_gather %get3A_410[%gather3A_716] in [0] : vector<16xi32>, vector<16xi32> -> vector<16xi32>
          %eq3A_718 = arith.cmpi eq, %gather3A_717, %get3A_410 : vector<16xi32>
          %broadcast_in_dim3A_719 = vector.shape_cast %max3A_34 : vector<16xi32> to vector<16x1xi32>
          %gather3A_720 = vector.shape_cast %broadcast_in_dim3A_719 : vector<16x1xi32> to vector<16xi32>
          %gather3A_721 = tpu.dynamic_gather %select_n3A_709[%gather3A_720] in [0] : vector<16xf32>, vector<16xi32> -> vector<16xf32>
          %max3A_722 = arith.maximumf %select_n3A_709, %gather3A_721 : vector<16xf32>
          %select_n3A_723 = arith.select %eq3A_718, %max3A_722, %select_n3A_709 : vector<16xi1>, vector<16xf32>
          %broadcast_in_dim3A_724 = vector.shape_cast %max3A_34 : vector<16xi32> to vector<16x1xi32>
          %gather3A_725 = vector.shape_cast %broadcast_in_dim3A_724 : vector<16x1xi32> to vector<16xi32>
          %gather3A_726 = tpu.dynamic_gather %select_n3A_714[%gather3A_725] in [0] : vector<16xf32>, vector<16xi32> -> vector<16xf32>
          %min3A_727 = arith.minimumf %select_n3A_714, %gather3A_726 : vector<16xf32>
          %select_n3A_728 = arith.select %eq3A_718, %min3A_727, %select_n3A_714 : vector<16xi1>, vector<16xf32>
          %broadcast_in_dim3A_729 = vector.shape_cast %min3A_12 : vector<16xi32> to vector<16x1xi32>
          %gather3A_730 = vector.shape_cast %broadcast_in_dim3A_729 : vector<16x1xi32> to vector<16xi32>
          %gather3A_731 = tpu.dynamic_gather %get3A_410[%gather3A_730] in [0] : vector<16xi32>, vector<16xi32> -> vector<16xi32>
          %ne3A_732 = arith.cmpi ne, %get3A_410, %gather3A_731 : vector<16xi32>
          %or3A_733 = arith.ori %ne3A_732, %eq3A_7 : vector<16xi1>
          %gather3A_734 = tpu.vector_load_idx %arg19[%get3A_410] : memref<4096xf32, #tpu.memory_space<vmem>>[vector<16xi32>], vector<16xf32>,
          %gather3A_735 = tpu.vector_load_idx %arg20[%get3A_410] : memref<4096xf32, #tpu.memory_space<vmem>>[vector<16xi32>], vector<16xf32>,
          %max3A_736 = arith.maximumf %gather3A_734, %select_n3A_723 : vector<16xf32>
          tpu.vector_store_idx %arg19[%get3A_410], %max3A_736 masked %or3A_733 : memref<4096xf32, #tpu.memory_space<vmem>>[vector<16xi32>], vector<16xf32>, vector<16xi1>
          %min3A_737 = arith.minimumf %gather3A_735, %select_n3A_728 : vector<16xf32>
          tpu.vector_store_idx %arg20[%get3A_410], %min3A_737 masked %or3A_733 : memref<4096xf32, #tpu.memory_space<vmem>>[vector<16xi32>], vector<16xf32>, vector<16xi1>
          tpu.vector_store_idx %arg15[%get3A_430], %get3A_434 {add = true} : memref<4096xf32, #tpu.memory_space<vmem>>[vector<16xi32>], vector<16xf32>,
          tpu.vector_store_idx %arg16[%get3A_430], %get3A_438 {add = true} : memref<4096xf32, #tpu.memory_space<vmem>>[vector<16xi32>], vector<16xf32>,
          tpu.vector_store_idx %arg17[%get3A_430], %get3A_442 {add = true} : memref<4096xf32, #tpu.memory_space<vmem>>[vector<16xi32>], vector<16xf32>,
          tpu.vector_store_idx %arg18[%get3A_430], %broadcast_in_dim3A_5 {add = true} : memref<4096xf32, #tpu.memory_space<vmem>>[vector<16xi32>], vector<16xf32>,
          %broadcast_in_dim3A_738 = vector.shape_cast %max3A_16 : vector<16xi32> to vector<16x1xi32>
          %gather3A_739 = vector.shape_cast %broadcast_in_dim3A_738 : vector<16x1xi32> to vector<16xi32>
          %gather3A_740 = tpu.dynamic_gather %get3A_430[%gather3A_739] in [0] : vector<16xi32>, vector<16xi32> -> vector<16xi32>
          %eq3A_741 = arith.cmpi eq, %gather3A_740, %get3A_430 : vector<16xi32>
          %broadcast_in_dim3A_742 = vector.shape_cast %max3A_16 : vector<16xi32> to vector<16x1xi32>
          %gather3A_743 = vector.shape_cast %broadcast_in_dim3A_742 : vector<16x1xi32> to vector<16xi32>
          %gather3A_744 = tpu.dynamic_gather %get3A_442[%gather3A_743] in [0] : vector<16xf32>, vector<16xi32> -> vector<16xf32>
          %max3A_745 = arith.maximumf %get3A_442, %gather3A_744 : vector<16xf32>
          %select_n3A_746 = arith.select %eq3A_741, %max3A_745, %get3A_442 : vector<16xi1>, vector<16xf32>
          %broadcast_in_dim3A_747 = vector.shape_cast %max3A_16 : vector<16xi32> to vector<16x1xi32>
          %gather3A_748 = vector.shape_cast %broadcast_in_dim3A_747 : vector<16x1xi32> to vector<16xi32>
          %gather3A_749 = tpu.dynamic_gather %get3A_442[%gather3A_748] in [0] : vector<16xf32>, vector<16xi32> -> vector<16xf32>
          %min3A_750 = arith.minimumf %get3A_442, %gather3A_749 : vector<16xf32>
          %select_n3A_751 = arith.select %eq3A_741, %min3A_750, %get3A_442 : vector<16xi1>, vector<16xf32>
          %broadcast_in_dim3A_752 = vector.shape_cast %max3A_22 : vector<16xi32> to vector<16x1xi32>
          %gather3A_753 = vector.shape_cast %broadcast_in_dim3A_752 : vector<16x1xi32> to vector<16xi32>
          %gather3A_754 = tpu.dynamic_gather %get3A_430[%gather3A_753] in [0] : vector<16xi32>, vector<16xi32> -> vector<16xi32>
          %eq3A_755 = arith.cmpi eq, %gather3A_754, %get3A_430 : vector<16xi32>
          %broadcast_in_dim3A_756 = vector.shape_cast %max3A_22 : vector<16xi32> to vector<16x1xi32>
          %gather3A_757 = vector.shape_cast %broadcast_in_dim3A_756 : vector<16x1xi32> to vector<16xi32>
          %gather3A_758 = tpu.dynamic_gather %select_n3A_746[%gather3A_757] in [0] : vector<16xf32>, vector<16xi32> -> vector<16xf32>
          %max3A_759 = arith.maximumf %select_n3A_746, %gather3A_758 : vector<16xf32>
          %select_n3A_760 = arith.select %eq3A_755, %max3A_759, %select_n3A_746 : vector<16xi1>, vector<16xf32>
          %broadcast_in_dim3A_761 = vector.shape_cast %max3A_22 : vector<16xi32> to vector<16x1xi32>
          %gather3A_762 = vector.shape_cast %broadcast_in_dim3A_761 : vector<16x1xi32> to vector<16xi32>
          %gather3A_763 = tpu.dynamic_gather %select_n3A_751[%gather3A_762] in [0] : vector<16xf32>, vector<16xi32> -> vector<16xf32>
          %min3A_764 = arith.minimumf %select_n3A_751, %gather3A_763 : vector<16xf32>
          %select_n3A_765 = arith.select %eq3A_755, %min3A_764, %select_n3A_751 : vector<16xi1>, vector<16xf32>
          %broadcast_in_dim3A_766 = vector.shape_cast %max3A_28 : vector<16xi32> to vector<16x1xi32>
          %gather3A_767 = vector.shape_cast %broadcast_in_dim3A_766 : vector<16x1xi32> to vector<16xi32>
          %gather3A_768 = tpu.dynamic_gather %get3A_430[%gather3A_767] in [0] : vector<16xi32>, vector<16xi32> -> vector<16xi32>
          %eq3A_769 = arith.cmpi eq, %gather3A_768, %get3A_430 : vector<16xi32>
          %broadcast_in_dim3A_770 = vector.shape_cast %max3A_28 : vector<16xi32> to vector<16x1xi32>
          %gather3A_771 = vector.shape_cast %broadcast_in_dim3A_770 : vector<16x1xi32> to vector<16xi32>
          %gather3A_772 = tpu.dynamic_gather %select_n3A_760[%gather3A_771] in [0] : vector<16xf32>, vector<16xi32> -> vector<16xf32>
          %max3A_773 = arith.maximumf %select_n3A_760, %gather3A_772 : vector<16xf32>
          %select_n3A_774 = arith.select %eq3A_769, %max3A_773, %select_n3A_760 : vector<16xi1>, vector<16xf32>
          %broadcast_in_dim3A_775 = vector.shape_cast %max3A_28 : vector<16xi32> to vector<16x1xi32>
          %gather3A_776 = vector.shape_cast %broadcast_in_dim3A_775 : vector<16x1xi32> to vector<16xi32>
          %gather3A_777 = tpu.dynamic_gather %select_n3A_765[%gather3A_776] in [0] : vector<16xf32>, vector<16xi32> -> vector<16xf32>
          %min3A_778 = arith.minimumf %select_n3A_765, %gather3A_777 : vector<16xf32>
          %select_n3A_779 = arith.select %eq3A_769, %min3A_778, %select_n3A_765 : vector<16xi1>, vector<16xf32>
          %broadcast_in_dim3A_780 = vector.shape_cast %max3A_34 : vector<16xi32> to vector<16x1xi32>
          %gather3A_781 = vector.shape_cast %broadcast_in_dim3A_780 : vector<16x1xi32> to vector<16xi32>
          %gather3A_782 = tpu.dynamic_gather %get3A_430[%gather3A_781] in [0] : vector<16xi32>, vector<16xi32> -> vector<16xi32>
          %eq3A_783 = arith.cmpi eq, %gather3A_782, %get3A_430 : vector<16xi32>
          %broadcast_in_dim3A_784 = vector.shape_cast %max3A_34 : vector<16xi32> to vector<16x1xi32>
          %gather3A_785 = vector.shape_cast %broadcast_in_dim3A_784 : vector<16x1xi32> to vector<16xi32>
          %gather3A_786 = tpu.dynamic_gather %select_n3A_774[%gather3A_785] in [0] : vector<16xf32>, vector<16xi32> -> vector<16xf32>
          %max3A_787 = arith.maximumf %select_n3A_774, %gather3A_786 : vector<16xf32>
          %select_n3A_788 = arith.select %eq3A_783, %max3A_787, %select_n3A_774 : vector<16xi1>, vector<16xf32>
          %broadcast_in_dim3A_789 = vector.shape_cast %max3A_34 : vector<16xi32> to vector<16x1xi32>
          %gather3A_790 = vector.shape_cast %broadcast_in_dim3A_789 : vector<16x1xi32> to vector<16xi32>
          %gather3A_791 = tpu.dynamic_gather %select_n3A_779[%gather3A_790] in [0] : vector<16xf32>, vector<16xi32> -> vector<16xf32>
          %min3A_792 = arith.minimumf %select_n3A_779, %gather3A_791 : vector<16xf32>
          %select_n3A_793 = arith.select %eq3A_783, %min3A_792, %select_n3A_779 : vector<16xi1>, vector<16xf32>
          %broadcast_in_dim3A_794 = vector.shape_cast %min3A_12 : vector<16xi32> to vector<16x1xi32>
          %gather3A_795 = vector.shape_cast %broadcast_in_dim3A_794 : vector<16x1xi32> to vector<16xi32>
          %gather3A_796 = tpu.dynamic_gather %get3A_430[%gather3A_795] in [0] : vector<16xi32>, vector<16xi32> -> vector<16xi32>
          %ne3A_797 = arith.cmpi ne, %get3A_430, %gather3A_796 : vector<16xi32>
          %or3A_798 = arith.ori %ne3A_797, %eq3A_7 : vector<16xi1>
          %gather3A_799 = tpu.vector_load_idx %arg19[%get3A_430] : memref<4096xf32, #tpu.memory_space<vmem>>[vector<16xi32>], vector<16xf32>,
          %gather3A_800 = tpu.vector_load_idx %arg20[%get3A_430] : memref<4096xf32, #tpu.memory_space<vmem>>[vector<16xi32>], vector<16xf32>,
          %max3A_801 = arith.maximumf %gather3A_799, %select_n3A_788 : vector<16xf32>
          tpu.vector_store_idx %arg19[%get3A_430], %max3A_801 masked %or3A_798 : memref<4096xf32, #tpu.memory_space<vmem>>[vector<16xi32>], vector<16xf32>, vector<16xi1>
          %min3A_802 = arith.minimumf %gather3A_800, %select_n3A_793 : vector<16xf32>
          tpu.vector_store_idx %arg20[%get3A_430], %min3A_802 masked %or3A_798 : memref<4096xf32, #tpu.memory_space<vmem>>[vector<16xi32>], vector<16xf32>, vector<16xi1>
          tpu.vector_store_idx %arg15[%get3A_450], %get3A_454 {add = true} : memref<4096xf32, #tpu.memory_space<vmem>>[vector<16xi32>], vector<16xf32>,
          tpu.vector_store_idx %arg16[%get3A_450], %get3A_458 {add = true} : memref<4096xf32, #tpu.memory_space<vmem>>[vector<16xi32>], vector<16xf32>,
          tpu.vector_store_idx %arg17[%get3A_450], %get3A_462 {add = true} : memref<4096xf32, #tpu.memory_space<vmem>>[vector<16xi32>], vector<16xf32>,
          tpu.vector_store_idx %arg18[%get3A_450], %broadcast_in_dim3A_5 {add = true} : memref<4096xf32, #tpu.memory_space<vmem>>[vector<16xi32>], vector<16xf32>,
          %broadcast_in_dim3A_803 = vector.shape_cast %max3A_16 : vector<16xi32> to vector<16x1xi32>
          %gather3A_804 = vector.shape_cast %broadcast_in_dim3A_803 : vector<16x1xi32> to vector<16xi32>
          %gather3A_805 = tpu.dynamic_gather %get3A_450[%gather3A_804] in [0] : vector<16xi32>, vector<16xi32> -> vector<16xi32>
          %eq3A_806 = arith.cmpi eq, %gather3A_805, %get3A_450 : vector<16xi32>
          %broadcast_in_dim3A_807 = vector.shape_cast %max3A_16 : vector<16xi32> to vector<16x1xi32>
          %gather3A_808 = vector.shape_cast %broadcast_in_dim3A_807 : vector<16x1xi32> to vector<16xi32>
          %gather3A_809 = tpu.dynamic_gather %get3A_462[%gather3A_808] in [0] : vector<16xf32>, vector<16xi32> -> vector<16xf32>
          %max3A_810 = arith.maximumf %get3A_462, %gather3A_809 : vector<16xf32>
          %select_n3A_811 = arith.select %eq3A_806, %max3A_810, %get3A_462 : vector<16xi1>, vector<16xf32>
          %broadcast_in_dim3A_812 = vector.shape_cast %max3A_16 : vector<16xi32> to vector<16x1xi32>
          %gather3A_813 = vector.shape_cast %broadcast_in_dim3A_812 : vector<16x1xi32> to vector<16xi32>
          %gather3A_814 = tpu.dynamic_gather %get3A_462[%gather3A_813] in [0] : vector<16xf32>, vector<16xi32> -> vector<16xf32>
          %min3A_815 = arith.minimumf %get3A_462, %gather3A_814 : vector<16xf32>
          %select_n3A_816 = arith.select %eq3A_806, %min3A_815, %get3A_462 : vector<16xi1>, vector<16xf32>
          %broadcast_in_dim3A_817 = vector.shape_cast %max3A_22 : vector<16xi32> to vector<16x1xi32>
          %gather3A_818 = vector.shape_cast %broadcast_in_dim3A_817 : vector<16x1xi32> to vector<16xi32>
          %gather3A_819 = tpu.dynamic_gather %get3A_450[%gather3A_818] in [0] : vector<16xi32>, vector<16xi32> -> vector<16xi32>
          %eq3A_820 = arith.cmpi eq, %gather3A_819, %get3A_450 : vector<16xi32>
          %broadcast_in_dim3A_821 = vector.shape_cast %max3A_22 : vector<16xi32> to vector<16x1xi32>
          %gather3A_822 = vector.shape_cast %broadcast_in_dim3A_821 : vector<16x1xi32> to vector<16xi32>
          %gather3A_823 = tpu.dynamic_gather %select_n3A_811[%gather3A_822] in [0] : vector<16xf32>, vector<16xi32> -> vector<16xf32>
          %max3A_824 = arith.maximumf %select_n3A_811, %gather3A_823 : vector<16xf32>
          %select_n3A_825 = arith.select %eq3A_820, %max3A_824, %select_n3A_811 : vector<16xi1>, vector<16xf32>
          %broadcast_in_dim3A_826 = vector.shape_cast %max3A_22 : vector<16xi32> to vector<16x1xi32>
          %gather3A_827 = vector.shape_cast %broadcast_in_dim3A_826 : vector<16x1xi32> to vector<16xi32>
          %gather3A_828 = tpu.dynamic_gather %select_n3A_816[%gather3A_827] in [0] : vector<16xf32>, vector<16xi32> -> vector<16xf32>
          %min3A_829 = arith.minimumf %select_n3A_816, %gather3A_828 : vector<16xf32>
          %select_n3A_830 = arith.select %eq3A_820, %min3A_829, %select_n3A_816 : vector<16xi1>, vector<16xf32>
          %broadcast_in_dim3A_831 = vector.shape_cast %max3A_28 : vector<16xi32> to vector<16x1xi32>
          %gather3A_832 = vector.shape_cast %broadcast_in_dim3A_831 : vector<16x1xi32> to vector<16xi32>
          %gather3A_833 = tpu.dynamic_gather %get3A_450[%gather3A_832] in [0] : vector<16xi32>, vector<16xi32> -> vector<16xi32>
          %eq3A_834 = arith.cmpi eq, %gather3A_833, %get3A_450 : vector<16xi32>
          %broadcast_in_dim3A_835 = vector.shape_cast %max3A_28 : vector<16xi32> to vector<16x1xi32>
          %gather3A_836 = vector.shape_cast %broadcast_in_dim3A_835 : vector<16x1xi32> to vector<16xi32>
          %gather3A_837 = tpu.dynamic_gather %select_n3A_825[%gather3A_836] in [0] : vector<16xf32>, vector<16xi32> -> vector<16xf32>
          %max3A_838 = arith.maximumf %select_n3A_825, %gather3A_837 : vector<16xf32>
          %select_n3A_839 = arith.select %eq3A_834, %max3A_838, %select_n3A_825 : vector<16xi1>, vector<16xf32>
          %broadcast_in_dim3A_840 = vector.shape_cast %max3A_28 : vector<16xi32> to vector<16x1xi32>
          %gather3A_841 = vector.shape_cast %broadcast_in_dim3A_840 : vector<16x1xi32> to vector<16xi32>
          %gather3A_842 = tpu.dynamic_gather %select_n3A_830[%gather3A_841] in [0] : vector<16xf32>, vector<16xi32> -> vector<16xf32>
          %min3A_843 = arith.minimumf %select_n3A_830, %gather3A_842 : vector<16xf32>
          %select_n3A_844 = arith.select %eq3A_834, %min3A_843, %select_n3A_830 : vector<16xi1>, vector<16xf32>
          %broadcast_in_dim3A_845 = vector.shape_cast %max3A_34 : vector<16xi32> to vector<16x1xi32>
          %gather3A_846 = vector.shape_cast %broadcast_in_dim3A_845 : vector<16x1xi32> to vector<16xi32>
          %gather3A_847 = tpu.dynamic_gather %get3A_450[%gather3A_846] in [0] : vector<16xi32>, vector<16xi32> -> vector<16xi32>
          %eq3A_848 = arith.cmpi eq, %gather3A_847, %get3A_450 : vector<16xi32>
          %broadcast_in_dim3A_849 = vector.shape_cast %max3A_34 : vector<16xi32> to vector<16x1xi32>
          %gather3A_850 = vector.shape_cast %broadcast_in_dim3A_849 : vector<16x1xi32> to vector<16xi32>
          %gather3A_851 = tpu.dynamic_gather %select_n3A_839[%gather3A_850] in [0] : vector<16xf32>, vector<16xi32> -> vector<16xf32>
          %max3A_852 = arith.maximumf %select_n3A_839, %gather3A_851 : vector<16xf32>
          %select_n3A_853 = arith.select %eq3A_848, %max3A_852, %select_n3A_839 : vector<16xi1>, vector<16xf32>
          %broadcast_in_dim3A_854 = vector.shape_cast %max3A_34 : vector<16xi32> to vector<16x1xi32>
          %gather3A_855 = vector.shape_cast %broadcast_in_dim3A_854 : vector<16x1xi32> to vector<16xi32>
          %gather3A_856 = tpu.dynamic_gather %select_n3A_844[%gather3A_855] in [0] : vector<16xf32>, vector<16xi32> -> vector<16xf32>
          %min3A_857 = arith.minimumf %select_n3A_844, %gather3A_856 : vector<16xf32>
          %select_n3A_858 = arith.select %eq3A_848, %min3A_857, %select_n3A_844 : vector<16xi1>, vector<16xf32>
          %broadcast_in_dim3A_859 = vector.shape_cast %min3A_12 : vector<16xi32> to vector<16x1xi32>
          %gather3A_860 = vector.shape_cast %broadcast_in_dim3A_859 : vector<16x1xi32> to vector<16xi32>
          %gather3A_861 = tpu.dynamic_gather %get3A_450[%gather3A_860] in [0] : vector<16xi32>, vector<16xi32> -> vector<16xi32>
          %ne3A_862 = arith.cmpi ne, %get3A_450, %gather3A_861 : vector<16xi32>
          %or3A_863 = arith.ori %ne3A_862, %eq3A_7 : vector<16xi1>
          %gather3A_864 = tpu.vector_load_idx %arg19[%get3A_450] : memref<4096xf32, #tpu.memory_space<vmem>>[vector<16xi32>], vector<16xf32>,
          %gather3A_865 = tpu.vector_load_idx %arg20[%get3A_450] : memref<4096xf32, #tpu.memory_space<vmem>>[vector<16xi32>], vector<16xf32>,
          %max3A_866 = arith.maximumf %gather3A_864, %select_n3A_853 : vector<16xf32>
          tpu.vector_store_idx %arg19[%get3A_450], %max3A_866 masked %or3A_863 : memref<4096xf32, #tpu.memory_space<vmem>>[vector<16xi32>], vector<16xf32>, vector<16xi1>
          %min3A_867 = arith.minimumf %gather3A_865, %select_n3A_858 : vector<16xf32>
          tpu.vector_store_idx %arg20[%get3A_450], %min3A_867 masked %or3A_863 : memref<4096xf32, #tpu.memory_space<vmem>>[vector<16xi32>], vector<16xf32>, vector<16xi1>
          tpu.vector_store_idx %arg15[%get3A_470], %get3A_474 {add = true} : memref<4096xf32, #tpu.memory_space<vmem>>[vector<16xi32>], vector<16xf32>,
          tpu.vector_store_idx %arg16[%get3A_470], %get3A_478 {add = true} : memref<4096xf32, #tpu.memory_space<vmem>>[vector<16xi32>], vector<16xf32>,
          tpu.vector_store_idx %arg17[%get3A_470], %get3A_482 {add = true} : memref<4096xf32, #tpu.memory_space<vmem>>[vector<16xi32>], vector<16xf32>,
          tpu.vector_store_idx %arg18[%get3A_470], %broadcast_in_dim3A_5 {add = true} : memref<4096xf32, #tpu.memory_space<vmem>>[vector<16xi32>], vector<16xf32>,
          %broadcast_in_dim3A_868 = vector.shape_cast %max3A_16 : vector<16xi32> to vector<16x1xi32>
          %gather3A_869 = vector.shape_cast %broadcast_in_dim3A_868 : vector<16x1xi32> to vector<16xi32>
          %gather3A_870 = tpu.dynamic_gather %get3A_470[%gather3A_869] in [0] : vector<16xi32>, vector<16xi32> -> vector<16xi32>
          %eq3A_871 = arith.cmpi eq, %gather3A_870, %get3A_470 : vector<16xi32>
          %broadcast_in_dim3A_872 = vector.shape_cast %max3A_16 : vector<16xi32> to vector<16x1xi32>
          %gather3A_873 = vector.shape_cast %broadcast_in_dim3A_872 : vector<16x1xi32> to vector<16xi32>
          %gather3A_874 = tpu.dynamic_gather %get3A_482[%gather3A_873] in [0] : vector<16xf32>, vector<16xi32> -> vector<16xf32>
          %max3A_875 = arith.maximumf %get3A_482, %gather3A_874 : vector<16xf32>
          %select_n3A_876 = arith.select %eq3A_871, %max3A_875, %get3A_482 : vector<16xi1>, vector<16xf32>
          %broadcast_in_dim3A_877 = vector.shape_cast %max3A_16 : vector<16xi32> to vector<16x1xi32>
          %gather3A_878 = vector.shape_cast %broadcast_in_dim3A_877 : vector<16x1xi32> to vector<16xi32>
          %gather3A_879 = tpu.dynamic_gather %get3A_482[%gather3A_878] in [0] : vector<16xf32>, vector<16xi32> -> vector<16xf32>
          %min3A_880 = arith.minimumf %get3A_482, %gather3A_879 : vector<16xf32>
          %select_n3A_881 = arith.select %eq3A_871, %min3A_880, %get3A_482 : vector<16xi1>, vector<16xf32>
          %broadcast_in_dim3A_882 = vector.shape_cast %max3A_22 : vector<16xi32> to vector<16x1xi32>
          %gather3A_883 = vector.shape_cast %broadcast_in_dim3A_882 : vector<16x1xi32> to vector<16xi32>
          %gather3A_884 = tpu.dynamic_gather %get3A_470[%gather3A_883] in [0] : vector<16xi32>, vector<16xi32> -> vector<16xi32>
          %eq3A_885 = arith.cmpi eq, %gather3A_884, %get3A_470 : vector<16xi32>
          %broadcast_in_dim3A_886 = vector.shape_cast %max3A_22 : vector<16xi32> to vector<16x1xi32>
          %gather3A_887 = vector.shape_cast %broadcast_in_dim3A_886 : vector<16x1xi32> to vector<16xi32>
          %gather3A_888 = tpu.dynamic_gather %select_n3A_876[%gather3A_887] in [0] : vector<16xf32>, vector<16xi32> -> vector<16xf32>
          %max3A_889 = arith.maximumf %select_n3A_876, %gather3A_888 : vector<16xf32>
          %select_n3A_890 = arith.select %eq3A_885, %max3A_889, %select_n3A_876 : vector<16xi1>, vector<16xf32>
          %broadcast_in_dim3A_891 = vector.shape_cast %max3A_22 : vector<16xi32> to vector<16x1xi32>
          %gather3A_892 = vector.shape_cast %broadcast_in_dim3A_891 : vector<16x1xi32> to vector<16xi32>
          %gather3A_893 = tpu.dynamic_gather %select_n3A_881[%gather3A_892] in [0] : vector<16xf32>, vector<16xi32> -> vector<16xf32>
          %min3A_894 = arith.minimumf %select_n3A_881, %gather3A_893 : vector<16xf32>
          %select_n3A_895 = arith.select %eq3A_885, %min3A_894, %select_n3A_881 : vector<16xi1>, vector<16xf32>
          %broadcast_in_dim3A_896 = vector.shape_cast %max3A_28 : vector<16xi32> to vector<16x1xi32>
          %gather3A_897 = vector.shape_cast %broadcast_in_dim3A_896 : vector<16x1xi32> to vector<16xi32>
          %gather3A_898 = tpu.dynamic_gather %get3A_470[%gather3A_897] in [0] : vector<16xi32>, vector<16xi32> -> vector<16xi32>
          %eq3A_899 = arith.cmpi eq, %gather3A_898, %get3A_470 : vector<16xi32>
          %broadcast_in_dim3A_900 = vector.shape_cast %max3A_28 : vector<16xi32> to vector<16x1xi32>
          %gather3A_901 = vector.shape_cast %broadcast_in_dim3A_900 : vector<16x1xi32> to vector<16xi32>
          %gather3A_902 = tpu.dynamic_gather %select_n3A_890[%gather3A_901] in [0] : vector<16xf32>, vector<16xi32> -> vector<16xf32>
          %max3A_903 = arith.maximumf %select_n3A_890, %gather3A_902 : vector<16xf32>
          %select_n3A_904 = arith.select %eq3A_899, %max3A_903, %select_n3A_890 : vector<16xi1>, vector<16xf32>
          %broadcast_in_dim3A_905 = vector.shape_cast %max3A_28 : vector<16xi32> to vector<16x1xi32>
          %gather3A_906 = vector.shape_cast %broadcast_in_dim3A_905 : vector<16x1xi32> to vector<16xi32>
          %gather3A_907 = tpu.dynamic_gather %select_n3A_895[%gather3A_906] in [0] : vector<16xf32>, vector<16xi32> -> vector<16xf32>
          %min3A_908 = arith.minimumf %select_n3A_895, %gather3A_907 : vector<16xf32>
          %select_n3A_909 = arith.select %eq3A_899, %min3A_908, %select_n3A_895 : vector<16xi1>, vector<16xf32>
          %broadcast_in_dim3A_910 = vector.shape_cast %max3A_34 : vector<16xi32> to vector<16x1xi32>
          %gather3A_911 = vector.shape_cast %broadcast_in_dim3A_910 : vector<16x1xi32> to vector<16xi32>
          %gather3A_912 = tpu.dynamic_gather %get3A_470[%gather3A_911] in [0] : vector<16xi32>, vector<16xi32> -> vector<16xi32>
          %eq3A_913 = arith.cmpi eq, %gather3A_912, %get3A_470 : vector<16xi32>
          %broadcast_in_dim3A_914 = vector.shape_cast %max3A_34 : vector<16xi32> to vector<16x1xi32>
          %gather3A_915 = vector.shape_cast %broadcast_in_dim3A_914 : vector<16x1xi32> to vector<16xi32>
          %gather3A_916 = tpu.dynamic_gather %select_n3A_904[%gather3A_915] in [0] : vector<16xf32>, vector<16xi32> -> vector<16xf32>
          %max3A_917 = arith.maximumf %select_n3A_904, %gather3A_916 : vector<16xf32>
          %select_n3A_918 = arith.select %eq3A_913, %max3A_917, %select_n3A_904 : vector<16xi1>, vector<16xf32>
          %broadcast_in_dim3A_919 = vector.shape_cast %max3A_34 : vector<16xi32> to vector<16x1xi32>
          %gather3A_920 = vector.shape_cast %broadcast_in_dim3A_919 : vector<16x1xi32> to vector<16xi32>
          %gather3A_921 = tpu.dynamic_gather %select_n3A_909[%gather3A_920] in [0] : vector<16xf32>, vector<16xi32> -> vector<16xf32>
          %min3A_922 = arith.minimumf %select_n3A_909, %gather3A_921 : vector<16xf32>
          %select_n3A_923 = arith.select %eq3A_913, %min3A_922, %select_n3A_909 : vector<16xi1>, vector<16xf32>
          %broadcast_in_dim3A_924 = vector.shape_cast %min3A_12 : vector<16xi32> to vector<16x1xi32>
          %gather3A_925 = vector.shape_cast %broadcast_in_dim3A_924 : vector<16x1xi32> to vector<16xi32>
          %gather3A_926 = tpu.dynamic_gather %get3A_470[%gather3A_925] in [0] : vector<16xi32>, vector<16xi32> -> vector<16xi32>
          %ne3A_927 = arith.cmpi ne, %get3A_470, %gather3A_926 : vector<16xi32>
          %or3A_928 = arith.ori %ne3A_927, %eq3A_7 : vector<16xi1>
          %gather3A_929 = tpu.vector_load_idx %arg19[%get3A_470] : memref<4096xf32, #tpu.memory_space<vmem>>[vector<16xi32>], vector<16xf32>,
          %gather3A_930 = tpu.vector_load_idx %arg20[%get3A_470] : memref<4096xf32, #tpu.memory_space<vmem>>[vector<16xi32>], vector<16xf32>,
          %max3A_931 = arith.maximumf %gather3A_929, %select_n3A_918 : vector<16xf32>
          tpu.vector_store_idx %arg19[%get3A_470], %max3A_931 masked %or3A_928 : memref<4096xf32, #tpu.memory_space<vmem>>[vector<16xi32>], vector<16xf32>, vector<16xi1>
          %min3A_932 = arith.minimumf %gather3A_930, %select_n3A_923 : vector<16xf32>
          tpu.vector_store_idx %arg20[%get3A_470], %min3A_932 masked %or3A_928 : memref<4096xf32, #tpu.memory_space<vmem>>[vector<16xi32>], vector<16xf32>, vector<16xi1>
          tpu.vector_store_idx %arg15[%get3A_490], %get3A_494 {add = true} : memref<4096xf32, #tpu.memory_space<vmem>>[vector<16xi32>], vector<16xf32>,
          tpu.vector_store_idx %arg16[%get3A_490], %get3A_498 {add = true} : memref<4096xf32, #tpu.memory_space<vmem>>[vector<16xi32>], vector<16xf32>,
          tpu.vector_store_idx %arg17[%get3A_490], %get3A_502 {add = true} : memref<4096xf32, #tpu.memory_space<vmem>>[vector<16xi32>], vector<16xf32>,
          tpu.vector_store_idx %arg18[%get3A_490], %broadcast_in_dim3A_5 {add = true} : memref<4096xf32, #tpu.memory_space<vmem>>[vector<16xi32>], vector<16xf32>,
          %broadcast_in_dim3A_933 = vector.shape_cast %max3A_16 : vector<16xi32> to vector<16x1xi32>
          %gather3A_934 = vector.shape_cast %broadcast_in_dim3A_933 : vector<16x1xi32> to vector<16xi32>
          %gather3A_935 = tpu.dynamic_gather %get3A_490[%gather3A_934] in [0] : vector<16xi32>, vector<16xi32> -> vector<16xi32>
          %eq3A_936 = arith.cmpi eq, %gather3A_935, %get3A_490 : vector<16xi32>
          %broadcast_in_dim3A_937 = vector.shape_cast %max3A_16 : vector<16xi32> to vector<16x1xi32>
          %gather3A_938 = vector.shape_cast %broadcast_in_dim3A_937 : vector<16x1xi32> to vector<16xi32>
          %gather3A_939 = tpu.dynamic_gather %get3A_502[%gather3A_938] in [0] : vector<16xf32>, vector<16xi32> -> vector<16xf32>
          %max3A_940 = arith.maximumf %get3A_502, %gather3A_939 : vector<16xf32>
          %select_n3A_941 = arith.select %eq3A_936, %max3A_940, %get3A_502 : vector<16xi1>, vector<16xf32>
          %broadcast_in_dim3A_942 = vector.shape_cast %max3A_16 : vector<16xi32> to vector<16x1xi32>
          %gather3A_943 = vector.shape_cast %broadcast_in_dim3A_942 : vector<16x1xi32> to vector<16xi32>
          %gather3A_944 = tpu.dynamic_gather %get3A_502[%gather3A_943] in [0] : vector<16xf32>, vector<16xi32> -> vector<16xf32>
          %min3A_945 = arith.minimumf %get3A_502, %gather3A_944 : vector<16xf32>
          %select_n3A_946 = arith.select %eq3A_936, %min3A_945, %get3A_502 : vector<16xi1>, vector<16xf32>
          %broadcast_in_dim3A_947 = vector.shape_cast %max3A_22 : vector<16xi32> to vector<16x1xi32>
          %gather3A_948 = vector.shape_cast %broadcast_in_dim3A_947 : vector<16x1xi32> to vector<16xi32>
          %gather3A_949 = tpu.dynamic_gather %get3A_490[%gather3A_948] in [0] : vector<16xi32>, vector<16xi32> -> vector<16xi32>
          %eq3A_950 = arith.cmpi eq, %gather3A_949, %get3A_490 : vector<16xi32>
          %broadcast_in_dim3A_951 = vector.shape_cast %max3A_22 : vector<16xi32> to vector<16x1xi32>
          %gather3A_952 = vector.shape_cast %broadcast_in_dim3A_951 : vector<16x1xi32> to vector<16xi32>
          %gather3A_953 = tpu.dynamic_gather %select_n3A_941[%gather3A_952] in [0] : vector<16xf32>, vector<16xi32> -> vector<16xf32>
          %max3A_954 = arith.maximumf %select_n3A_941, %gather3A_953 : vector<16xf32>
          %select_n3A_955 = arith.select %eq3A_950, %max3A_954, %select_n3A_941 : vector<16xi1>, vector<16xf32>
          %broadcast_in_dim3A_956 = vector.shape_cast %max3A_22 : vector<16xi32> to vector<16x1xi32>
          %gather3A_957 = vector.shape_cast %broadcast_in_dim3A_956 : vector<16x1xi32> to vector<16xi32>
          %gather3A_958 = tpu.dynamic_gather %select_n3A_946[%gather3A_957] in [0] : vector<16xf32>, vector<16xi32> -> vector<16xf32>
          %min3A_959 = arith.minimumf %select_n3A_946, %gather3A_958 : vector<16xf32>
          %select_n3A_960 = arith.select %eq3A_950, %min3A_959, %select_n3A_946 : vector<16xi1>, vector<16xf32>
          %broadcast_in_dim3A_961 = vector.shape_cast %max3A_28 : vector<16xi32> to vector<16x1xi32>
          %gather3A_962 = vector.shape_cast %broadcast_in_dim3A_961 : vector<16x1xi32> to vector<16xi32>
          %gather3A_963 = tpu.dynamic_gather %get3A_490[%gather3A_962] in [0] : vector<16xi32>, vector<16xi32> -> vector<16xi32>
          %eq3A_964 = arith.cmpi eq, %gather3A_963, %get3A_490 : vector<16xi32>
          %broadcast_in_dim3A_965 = vector.shape_cast %max3A_28 : vector<16xi32> to vector<16x1xi32>
          %gather3A_966 = vector.shape_cast %broadcast_in_dim3A_965 : vector<16x1xi32> to vector<16xi32>
          %gather3A_967 = tpu.dynamic_gather %select_n3A_955[%gather3A_966] in [0] : vector<16xf32>, vector<16xi32> -> vector<16xf32>
          %max3A_968 = arith.maximumf %select_n3A_955, %gather3A_967 : vector<16xf32>
          %select_n3A_969 = arith.select %eq3A_964, %max3A_968, %select_n3A_955 : vector<16xi1>, vector<16xf32>
          %broadcast_in_dim3A_970 = vector.shape_cast %max3A_28 : vector<16xi32> to vector<16x1xi32>
          %gather3A_971 = vector.shape_cast %broadcast_in_dim3A_970 : vector<16x1xi32> to vector<16xi32>
          %gather3A_972 = tpu.dynamic_gather %select_n3A_960[%gather3A_971] in [0] : vector<16xf32>, vector<16xi32> -> vector<16xf32>
          %min3A_973 = arith.minimumf %select_n3A_960, %gather3A_972 : vector<16xf32>
          %select_n3A_974 = arith.select %eq3A_964, %min3A_973, %select_n3A_960 : vector<16xi1>, vector<16xf32>
          %broadcast_in_dim3A_975 = vector.shape_cast %max3A_34 : vector<16xi32> to vector<16x1xi32>
          %gather3A_976 = vector.shape_cast %broadcast_in_dim3A_975 : vector<16x1xi32> to vector<16xi32>
          %gather3A_977 = tpu.dynamic_gather %get3A_490[%gather3A_976] in [0] : vector<16xi32>, vector<16xi32> -> vector<16xi32>
          %eq3A_978 = arith.cmpi eq, %gather3A_977, %get3A_490 : vector<16xi32>
          %broadcast_in_dim3A_979 = vector.shape_cast %max3A_34 : vector<16xi32> to vector<16x1xi32>
          %gather3A_980 = vector.shape_cast %broadcast_in_dim3A_979 : vector<16x1xi32> to vector<16xi32>
          %gather3A_981 = tpu.dynamic_gather %select_n3A_969[%gather3A_980] in [0] : vector<16xf32>, vector<16xi32> -> vector<16xf32>
          %max3A_982 = arith.maximumf %select_n3A_969, %gather3A_981 : vector<16xf32>
          %select_n3A_983 = arith.select %eq3A_978, %max3A_982, %select_n3A_969 : vector<16xi1>, vector<16xf32>
          %broadcast_in_dim3A_984 = vector.shape_cast %max3A_34 : vector<16xi32> to vector<16x1xi32>
          %gather3A_985 = vector.shape_cast %broadcast_in_dim3A_984 : vector<16x1xi32> to vector<16xi32>
          %gather3A_986 = tpu.dynamic_gather %select_n3A_974[%gather3A_985] in [0] : vector<16xf32>, vector<16xi32> -> vector<16xf32>
          %min3A_987 = arith.minimumf %select_n3A_974, %gather3A_986 : vector<16xf32>
          %select_n3A_988 = arith.select %eq3A_978, %min3A_987, %select_n3A_974 : vector<16xi1>, vector<16xf32>
          %broadcast_in_dim3A_989 = vector.shape_cast %min3A_12 : vector<16xi32> to vector<16x1xi32>
          %gather3A_990 = vector.shape_cast %broadcast_in_dim3A_989 : vector<16x1xi32> to vector<16xi32>
          %gather3A_991 = tpu.dynamic_gather %get3A_490[%gather3A_990] in [0] : vector<16xi32>, vector<16xi32> -> vector<16xi32>
          %ne3A_992 = arith.cmpi ne, %get3A_490, %gather3A_991 : vector<16xi32>
          %or3A_993 = arith.ori %ne3A_992, %eq3A_7 : vector<16xi1>
          %gather3A_994 = tpu.vector_load_idx %arg19[%get3A_490] : memref<4096xf32, #tpu.memory_space<vmem>>[vector<16xi32>], vector<16xf32>,
          %gather3A_995 = tpu.vector_load_idx %arg20[%get3A_490] : memref<4096xf32, #tpu.memory_space<vmem>>[vector<16xi32>], vector<16xf32>,
          %max3A_996 = arith.maximumf %gather3A_994, %select_n3A_983 : vector<16xf32>
          tpu.vector_store_idx %arg19[%get3A_490], %max3A_996 masked %or3A_993 : memref<4096xf32, #tpu.memory_space<vmem>>[vector<16xi32>], vector<16xf32>, vector<16xi1>
          %min3A_997 = arith.minimumf %gather3A_995, %select_n3A_988 : vector<16xf32>
          tpu.vector_store_idx %arg20[%get3A_490], %min3A_997 masked %or3A_993 : memref<4096xf32, #tpu.memory_space<vmem>>[vector<16xi32>], vector<16xf32>, vector<16xi1>
          tpu.vector_store_idx %arg15[%get3A_510], %get3A_514 {add = true} : memref<4096xf32, #tpu.memory_space<vmem>>[vector<16xi32>], vector<16xf32>,
          tpu.vector_store_idx %arg16[%get3A_510], %get3A_518 {add = true} : memref<4096xf32, #tpu.memory_space<vmem>>[vector<16xi32>], vector<16xf32>,
          tpu.vector_store_idx %arg17[%get3A_510], %get3A_522 {add = true} : memref<4096xf32, #tpu.memory_space<vmem>>[vector<16xi32>], vector<16xf32>,
          tpu.vector_store_idx %arg18[%get3A_510], %broadcast_in_dim3A_5 {add = true} : memref<4096xf32, #tpu.memory_space<vmem>>[vector<16xi32>], vector<16xf32>,
          %broadcast_in_dim3A_998 = vector.shape_cast %max3A_16 : vector<16xi32> to vector<16x1xi32>
          %gather3A_999 = vector.shape_cast %broadcast_in_dim3A_998 : vector<16x1xi32> to vector<16xi32>
          %gather3A_1000 = tpu.dynamic_gather %get3A_510[%gather3A_999] in [0] : vector<16xi32>, vector<16xi32> -> vector<16xi32>
          %eq3A_1001 = arith.cmpi eq, %gather3A_1000, %get3A_510 : vector<16xi32>
          %broadcast_in_dim3A_1002 = vector.shape_cast %max3A_16 : vector<16xi32> to vector<16x1xi32>
          %gather3A_1003 = vector.shape_cast %broadcast_in_dim3A_1002 : vector<16x1xi32> to vector<16xi32>
          %gather3A_1004 = tpu.dynamic_gather %get3A_522[%gather3A_1003] in [0] : vector<16xf32>, vector<16xi32> -> vector<16xf32>
          %max3A_1005 = arith.maximumf %get3A_522, %gather3A_1004 : vector<16xf32>
          %select_n3A_1006 = arith.select %eq3A_1001, %max3A_1005, %get3A_522 : vector<16xi1>, vector<16xf32>
          %broadcast_in_dim3A_1007 = vector.shape_cast %max3A_16 : vector<16xi32> to vector<16x1xi32>
          %gather3A_1008 = vector.shape_cast %broadcast_in_dim3A_1007 : vector<16x1xi32> to vector<16xi32>
          %gather3A_1009 = tpu.dynamic_gather %get3A_522[%gather3A_1008] in [0] : vector<16xf32>, vector<16xi32> -> vector<16xf32>
          %min3A_1010 = arith.minimumf %get3A_522, %gather3A_1009 : vector<16xf32>
          %select_n3A_1011 = arith.select %eq3A_1001, %min3A_1010, %get3A_522 : vector<16xi1>, vector<16xf32>
          %broadcast_in_dim3A_1012 = vector.shape_cast %max3A_22 : vector<16xi32> to vector<16x1xi32>
          %gather3A_1013 = vector.shape_cast %broadcast_in_dim3A_1012 : vector<16x1xi32> to vector<16xi32>
          %gather3A_1014 = tpu.dynamic_gather %get3A_510[%gather3A_1013] in [0] : vector<16xi32>, vector<16xi32> -> vector<16xi32>
          %eq3A_1015 = arith.cmpi eq, %gather3A_1014, %get3A_510 : vector<16xi32>
          %broadcast_in_dim3A_1016 = vector.shape_cast %max3A_22 : vector<16xi32> to vector<16x1xi32>
          %gather3A_1017 = vector.shape_cast %broadcast_in_dim3A_1016 : vector<16x1xi32> to vector<16xi32>
          %gather3A_1018 = tpu.dynamic_gather %select_n3A_1006[%gather3A_1017] in [0] : vector<16xf32>, vector<16xi32> -> vector<16xf32>
          %max3A_1019 = arith.maximumf %select_n3A_1006, %gather3A_1018 : vector<16xf32>
          %select_n3A_1020 = arith.select %eq3A_1015, %max3A_1019, %select_n3A_1006 : vector<16xi1>, vector<16xf32>
          %broadcast_in_dim3A_1021 = vector.shape_cast %max3A_22 : vector<16xi32> to vector<16x1xi32>
          %gather3A_1022 = vector.shape_cast %broadcast_in_dim3A_1021 : vector<16x1xi32> to vector<16xi32>
          %gather3A_1023 = tpu.dynamic_gather %select_n3A_1011[%gather3A_1022] in [0] : vector<16xf32>, vector<16xi32> -> vector<16xf32>
          %min3A_1024 = arith.minimumf %select_n3A_1011, %gather3A_1023 : vector<16xf32>
          %select_n3A_1025 = arith.select %eq3A_1015, %min3A_1024, %select_n3A_1011 : vector<16xi1>, vector<16xf32>
          %broadcast_in_dim3A_1026 = vector.shape_cast %max3A_28 : vector<16xi32> to vector<16x1xi32>
          %gather3A_1027 = vector.shape_cast %broadcast_in_dim3A_1026 : vector<16x1xi32> to vector<16xi32>
          %gather3A_1028 = tpu.dynamic_gather %get3A_510[%gather3A_1027] in [0] : vector<16xi32>, vector<16xi32> -> vector<16xi32>
          %eq3A_1029 = arith.cmpi eq, %gather3A_1028, %get3A_510 : vector<16xi32>
          %broadcast_in_dim3A_1030 = vector.shape_cast %max3A_28 : vector<16xi32> to vector<16x1xi32>
          %gather3A_1031 = vector.shape_cast %broadcast_in_dim3A_1030 : vector<16x1xi32> to vector<16xi32>
          %gather3A_1032 = tpu.dynamic_gather %select_n3A_1020[%gather3A_1031] in [0] : vector<16xf32>, vector<16xi32> -> vector<16xf32>
          %max3A_1033 = arith.maximumf %select_n3A_1020, %gather3A_1032 : vector<16xf32>
          %select_n3A_1034 = arith.select %eq3A_1029, %max3A_1033, %select_n3A_1020 : vector<16xi1>, vector<16xf32>
          %broadcast_in_dim3A_1035 = vector.shape_cast %max3A_28 : vector<16xi32> to vector<16x1xi32>
          %gather3A_1036 = vector.shape_cast %broadcast_in_dim3A_1035 : vector<16x1xi32> to vector<16xi32>
          %gather3A_1037 = tpu.dynamic_gather %select_n3A_1025[%gather3A_1036] in [0] : vector<16xf32>, vector<16xi32> -> vector<16xf32>
          %min3A_1038 = arith.minimumf %select_n3A_1025, %gather3A_1037 : vector<16xf32>
          %select_n3A_1039 = arith.select %eq3A_1029, %min3A_1038, %select_n3A_1025 : vector<16xi1>, vector<16xf32>
          %broadcast_in_dim3A_1040 = vector.shape_cast %max3A_34 : vector<16xi32> to vector<16x1xi32>
          %gather3A_1041 = vector.shape_cast %broadcast_in_dim3A_1040 : vector<16x1xi32> to vector<16xi32>
          %gather3A_1042 = tpu.dynamic_gather %get3A_510[%gather3A_1041] in [0] : vector<16xi32>, vector<16xi32> -> vector<16xi32>
          %eq3A_1043 = arith.cmpi eq, %gather3A_1042, %get3A_510 : vector<16xi32>
          %broadcast_in_dim3A_1044 = vector.shape_cast %max3A_34 : vector<16xi32> to vector<16x1xi32>
          %gather3A_1045 = vector.shape_cast %broadcast_in_dim3A_1044 : vector<16x1xi32> to vector<16xi32>
          %gather3A_1046 = tpu.dynamic_gather %select_n3A_1034[%gather3A_1045] in [0] : vector<16xf32>, vector<16xi32> -> vector<16xf32>
          %max3A_1047 = arith.maximumf %select_n3A_1034, %gather3A_1046 : vector<16xf32>
          %select_n3A_1048 = arith.select %eq3A_1043, %max3A_1047, %select_n3A_1034 : vector<16xi1>, vector<16xf32>
          %broadcast_in_dim3A_1049 = vector.shape_cast %max3A_34 : vector<16xi32> to vector<16x1xi32>
          %gather3A_1050 = vector.shape_cast %broadcast_in_dim3A_1049 : vector<16x1xi32> to vector<16xi32>
          %gather3A_1051 = tpu.dynamic_gather %select_n3A_1039[%gather3A_1050] in [0] : vector<16xf32>, vector<16xi32> -> vector<16xf32>
          %min3A_1052 = arith.minimumf %select_n3A_1039, %gather3A_1051 : vector<16xf32>
          %select_n3A_1053 = arith.select %eq3A_1043, %min3A_1052, %select_n3A_1039 : vector<16xi1>, vector<16xf32>
          %broadcast_in_dim3A_1054 = vector.shape_cast %min3A_12 : vector<16xi32> to vector<16x1xi32>
          %gather3A_1055 = vector.shape_cast %broadcast_in_dim3A_1054 : vector<16x1xi32> to vector<16xi32>
          %gather3A_1056 = tpu.dynamic_gather %get3A_510[%gather3A_1055] in [0] : vector<16xi32>, vector<16xi32> -> vector<16xi32>
          %ne3A_1057 = arith.cmpi ne, %get3A_510, %gather3A_1056 : vector<16xi32>
          %or3A_1058 = arith.ori %ne3A_1057, %eq3A_7 : vector<16xi1>
          %gather3A_1059 = tpu.vector_load_idx %arg19[%get3A_510] : memref<4096xf32, #tpu.memory_space<vmem>>[vector<16xi32>], vector<16xf32>,
          %gather3A_1060 = tpu.vector_load_idx %arg20[%get3A_510] : memref<4096xf32, #tpu.memory_space<vmem>>[vector<16xi32>], vector<16xf32>,
          %max3A_1061 = arith.maximumf %gather3A_1059, %select_n3A_1048 : vector<16xf32>
          tpu.vector_store_idx %arg19[%get3A_510], %max3A_1061 masked %or3A_1058 : memref<4096xf32, #tpu.memory_space<vmem>>[vector<16xi32>], vector<16xf32>, vector<16xi1>
          %min3A_1062 = arith.minimumf %gather3A_1060, %select_n3A_1053 : vector<16xf32>
          tpu.vector_store_idx %arg20[%get3A_510], %min3A_1062 masked %or3A_1058 : memref<4096xf32, #tpu.memory_space<vmem>>[vector<16xi32>], vector<16xf32>, vector<16xi1>
        } else {
        }
      }
      %scan3A_175 = arith.constant 78 : i32
      %get3A_176 = arith.constant 9984 : index
      %get3A_177 = tpu.vector_load %arg7[%get3A_176] {strides = array<i32>} : memref<10000xi32, #tpu.memory_space<vmem>>, vector<16xi32>,
      %get3A_178 = arith.constant 9984 : index
      %get3A_179 = tpu.vector_load %arg9[%get3A_178] {strides = array<i32>} : memref<10000xf32, #tpu.memory_space<vmem>>, vector<16xf32>,
      %get3A_180 = arith.constant 9984 : index
      %get3A_181 = tpu.vector_load %arg11[%get3A_180] {strides = array<i32>} : memref<10000xf32, #tpu.memory_space<vmem>>, vector<16xf32>,
      %get3A_182 = arith.constant 9984 : index
      %get3A_183 = tpu.vector_load %arg13[%get3A_182] {strides = array<i32>} : memref<10000xf32, #tpu.memory_space<vmem>>, vector<16xf32>,
      tpu.vector_store_idx %arg15[%get3A_177], %get3A_179 {add = true} : memref<4096xf32, #tpu.memory_space<vmem>>[vector<16xi32>], vector<16xf32>,
      tpu.vector_store_idx %arg16[%get3A_177], %get3A_181 {add = true} : memref<4096xf32, #tpu.memory_space<vmem>>[vector<16xi32>], vector<16xf32>,
      tpu.vector_store_idx %arg17[%get3A_177], %get3A_183 {add = true} : memref<4096xf32, #tpu.memory_space<vmem>>[vector<16xi32>], vector<16xf32>,
      tpu.vector_store_idx %arg18[%get3A_177], %broadcast_in_dim3A_5 {add = true} : memref<4096xf32, #tpu.memory_space<vmem>>[vector<16xi32>], vector<16xf32>,
      %broadcast_in_dim3A_184 = vector.shape_cast %max3A_16 : vector<16xi32> to vector<16x1xi32>
      %gather3A_185 = vector.shape_cast %broadcast_in_dim3A_184 : vector<16x1xi32> to vector<16xi32>
      %gather3A_186 = tpu.dynamic_gather %get3A_177[%gather3A_185] in [0] : vector<16xi32>, vector<16xi32> -> vector<16xi32>
      %eq3A_187 = arith.cmpi eq, %gather3A_186, %get3A_177 : vector<16xi32>
      %broadcast_in_dim3A_188 = vector.shape_cast %max3A_16 : vector<16xi32> to vector<16x1xi32>
      %gather3A_189 = vector.shape_cast %broadcast_in_dim3A_188 : vector<16x1xi32> to vector<16xi32>
      %gather3A_190 = tpu.dynamic_gather %get3A_183[%gather3A_189] in [0] : vector<16xf32>, vector<16xi32> -> vector<16xf32>
      %max3A_191 = arith.maximumf %get3A_183, %gather3A_190 : vector<16xf32>
      %select_n3A_192 = arith.select %eq3A_187, %max3A_191, %get3A_183 : vector<16xi1>, vector<16xf32>
      %broadcast_in_dim3A_193 = vector.shape_cast %max3A_16 : vector<16xi32> to vector<16x1xi32>
      %gather3A_194 = vector.shape_cast %broadcast_in_dim3A_193 : vector<16x1xi32> to vector<16xi32>
      %gather3A_195 = tpu.dynamic_gather %get3A_183[%gather3A_194] in [0] : vector<16xf32>, vector<16xi32> -> vector<16xf32>
      %min3A_196 = arith.minimumf %get3A_183, %gather3A_195 : vector<16xf32>
      %select_n3A_197 = arith.select %eq3A_187, %min3A_196, %get3A_183 : vector<16xi1>, vector<16xf32>
      %broadcast_in_dim3A_198 = vector.shape_cast %max3A_22 : vector<16xi32> to vector<16x1xi32>
      %gather3A_199 = vector.shape_cast %broadcast_in_dim3A_198 : vector<16x1xi32> to vector<16xi32>
      %gather3A_200 = tpu.dynamic_gather %get3A_177[%gather3A_199] in [0] : vector<16xi32>, vector<16xi32> -> vector<16xi32>
      %eq3A_201 = arith.cmpi eq, %gather3A_200, %get3A_177 : vector<16xi32>
      %broadcast_in_dim3A_202 = vector.shape_cast %max3A_22 : vector<16xi32> to vector<16x1xi32>
      %gather3A_203 = vector.shape_cast %broadcast_in_dim3A_202 : vector<16x1xi32> to vector<16xi32>
      %gather3A_204 = tpu.dynamic_gather %select_n3A_192[%gather3A_203] in [0] : vector<16xf32>, vector<16xi32> -> vector<16xf32>
      %max3A_205 = arith.maximumf %select_n3A_192, %gather3A_204 : vector<16xf32>
      %select_n3A_206 = arith.select %eq3A_201, %max3A_205, %select_n3A_192 : vector<16xi1>, vector<16xf32>
      %broadcast_in_dim3A_207 = vector.shape_cast %max3A_22 : vector<16xi32> to vector<16x1xi32>
      %gather3A_208 = vector.shape_cast %broadcast_in_dim3A_207 : vector<16x1xi32> to vector<16xi32>
      %gather3A_209 = tpu.dynamic_gather %select_n3A_197[%gather3A_208] in [0] : vector<16xf32>, vector<16xi32> -> vector<16xf32>
      %min3A_210 = arith.minimumf %select_n3A_197, %gather3A_209 : vector<16xf32>
      %select_n3A_211 = arith.select %eq3A_201, %min3A_210, %select_n3A_197 : vector<16xi1>, vector<16xf32>
      %broadcast_in_dim3A_212 = vector.shape_cast %max3A_28 : vector<16xi32> to vector<16x1xi32>
      %gather3A_213 = vector.shape_cast %broadcast_in_dim3A_212 : vector<16x1xi32> to vector<16xi32>
      %gather3A_214 = tpu.dynamic_gather %get3A_177[%gather3A_213] in [0] : vector<16xi32>, vector<16xi32> -> vector<16xi32>
      %eq3A_215 = arith.cmpi eq, %gather3A_214, %get3A_177 : vector<16xi32>
      %broadcast_in_dim3A_216 = vector.shape_cast %max3A_28 : vector<16xi32> to vector<16x1xi32>
      %gather3A_217 = vector.shape_cast %broadcast_in_dim3A_216 : vector<16x1xi32> to vector<16xi32>
      %gather3A_218 = tpu.dynamic_gather %select_n3A_206[%gather3A_217] in [0] : vector<16xf32>, vector<16xi32> -> vector<16xf32>
      %max3A_219 = arith.maximumf %select_n3A_206, %gather3A_218 : vector<16xf32>
      %select_n3A_220 = arith.select %eq3A_215, %max3A_219, %select_n3A_206 : vector<16xi1>, vector<16xf32>
      %broadcast_in_dim3A_221 = vector.shape_cast %max3A_28 : vector<16xi32> to vector<16x1xi32>
      %gather3A_222 = vector.shape_cast %broadcast_in_dim3A_221 : vector<16x1xi32> to vector<16xi32>
      %gather3A_223 = tpu.dynamic_gather %select_n3A_211[%gather3A_222] in [0] : vector<16xf32>, vector<16xi32> -> vector<16xf32>
      %min3A_224 = arith.minimumf %select_n3A_211, %gather3A_223 : vector<16xf32>
      %select_n3A_225 = arith.select %eq3A_215, %min3A_224, %select_n3A_211 : vector<16xi1>, vector<16xf32>
      %broadcast_in_dim3A_226 = vector.shape_cast %max3A_34 : vector<16xi32> to vector<16x1xi32>
      %gather3A_227 = vector.shape_cast %broadcast_in_dim3A_226 : vector<16x1xi32> to vector<16xi32>
      %gather3A_228 = tpu.dynamic_gather %get3A_177[%gather3A_227] in [0] : vector<16xi32>, vector<16xi32> -> vector<16xi32>
      %eq3A_229 = arith.cmpi eq, %gather3A_228, %get3A_177 : vector<16xi32>
      %broadcast_in_dim3A_230 = vector.shape_cast %max3A_34 : vector<16xi32> to vector<16x1xi32>
      %gather3A_231 = vector.shape_cast %broadcast_in_dim3A_230 : vector<16x1xi32> to vector<16xi32>
      %gather3A_232 = tpu.dynamic_gather %select_n3A_220[%gather3A_231] in [0] : vector<16xf32>, vector<16xi32> -> vector<16xf32>
      %max3A_233 = arith.maximumf %select_n3A_220, %gather3A_232 : vector<16xf32>
      %select_n3A_234 = arith.select %eq3A_229, %max3A_233, %select_n3A_220 : vector<16xi1>, vector<16xf32>
      %broadcast_in_dim3A_235 = vector.shape_cast %max3A_34 : vector<16xi32> to vector<16x1xi32>
      %gather3A_236 = vector.shape_cast %broadcast_in_dim3A_235 : vector<16x1xi32> to vector<16xi32>
      %gather3A_237 = tpu.dynamic_gather %select_n3A_225[%gather3A_236] in [0] : vector<16xf32>, vector<16xi32> -> vector<16xf32>
      %min3A_238 = arith.minimumf %select_n3A_225, %gather3A_237 : vector<16xf32>
      %select_n3A_239 = arith.select %eq3A_229, %min3A_238, %select_n3A_225 : vector<16xi1>, vector<16xf32>
      %broadcast_in_dim3A_240 = vector.shape_cast %min3A_12 : vector<16xi32> to vector<16x1xi32>
      %gather3A_241 = vector.shape_cast %broadcast_in_dim3A_240 : vector<16x1xi32> to vector<16xi32>
      %gather3A_242 = tpu.dynamic_gather %get3A_177[%gather3A_241] in [0] : vector<16xi32>, vector<16xi32> -> vector<16xi32>
      %ne3A_243 = arith.cmpi ne, %get3A_177, %gather3A_242 : vector<16xi32>
      %or3A_244 = arith.ori %ne3A_243, %eq3A_7 : vector<16xi1>
      %gather3A_245 = tpu.vector_load_idx %arg19[%get3A_177] : memref<4096xf32, #tpu.memory_space<vmem>>[vector<16xi32>], vector<16xf32>,
      %gather3A_246 = tpu.vector_load_idx %arg20[%get3A_177] : memref<4096xf32, #tpu.memory_space<vmem>>[vector<16xi32>], vector<16xf32>,
      %max3A_247 = arith.maximumf %gather3A_245, %select_n3A_234 : vector<16xf32>
      tpu.vector_store_idx %arg19[%get3A_177], %max3A_247 masked %or3A_244 : memref<4096xf32, #tpu.memory_space<vmem>>[vector<16xi32>], vector<16xf32>, vector<16xi1>
      %min3A_248 = arith.minimumf %gather3A_246, %select_n3A_239 : vector<16xf32>
      tpu.vector_store_idx %arg20[%get3A_177], %min3A_248 masked %or3A_244 : memref<4096xf32, #tpu.memory_space<vmem>>[vector<16xi32>], vector<16xf32>, vector<16xi1>
      %add3A_249 = arith.constant 1 : i32
      %add3A_250 = arith.addi %add3A_157, %add3A_249 : i32
      %mul3A_251 = arith.constant 50000 : i32
      %mul3A_252 = arith.muli %add3A, %mul3A_251 : i32
      %mul3A_253 = arith.constant 10000 : i32
      %mul3A_254 = arith.muli %add3A_250, %mul3A_253 : i32
      %add3A_255 = arith.addi %mul3A_252, %mul3A_254 : i32
      %dma_start3A_256 = tpu.memref_slice %arg2[%add3A_255] : memref<1600000xi32, #tpu.memory_space<hbm>> -> memref<10000xi32, #tpu.memory_space<hbm>>
      %dma_start3A_257 = tpu.memref_slice %arg2[%add3A_255] : memref<1600000xi32, #tpu.memory_space<hbm>> -> memref<10000xi32, #tpu.memory_space<hbm>>
      tpu.enqueue_dma source(%dma_start3A_257 : memref<10000xi32, #tpu.memory_space<hbm>>) target(%arg7 : memref<10000xi32, #tpu.memory_space<vmem>>) target_semaphore(%arg21 : memref<!tpu.dma_semaphore, #tpu.memory_space<semaphore_mem>>)
      %dma_start3A_258 = tpu.memref_slice %arg3[%add3A_255] : memref<1600000xf32, #tpu.memory_space<hbm>> -> memref<10000xf32, #tpu.memory_space<hbm>>
      %dma_start3A_259 = tpu.memref_slice %arg3[%add3A_255] : memref<1600000xf32, #tpu.memory_space<hbm>> -> memref<10000xf32, #tpu.memory_space<hbm>>
      tpu.enqueue_dma source(%dma_start3A_259 : memref<10000xf32, #tpu.memory_space<hbm>>) target(%arg9 : memref<10000xf32, #tpu.memory_space<vmem>>) target_semaphore(%arg21 : memref<!tpu.dma_semaphore, #tpu.memory_space<semaphore_mem>>)
      %dma_start3A_260 = tpu.memref_slice %arg4[%add3A_255] : memref<1600000xf32, #tpu.memory_space<hbm>> -> memref<10000xf32, #tpu.memory_space<hbm>>
      %dma_start3A_261 = tpu.memref_slice %arg4[%add3A_255] : memref<1600000xf32, #tpu.memory_space<hbm>> -> memref<10000xf32, #tpu.memory_space<hbm>>
      tpu.enqueue_dma source(%dma_start3A_261 : memref<10000xf32, #tpu.memory_space<hbm>>) target(%arg11 : memref<10000xf32, #tpu.memory_space<vmem>>) target_semaphore(%arg21 : memref<!tpu.dma_semaphore, #tpu.memory_space<semaphore_mem>>)
      %dma_start3A_262 = tpu.memref_slice %arg5[%add3A_255] : memref<1600000xf32, #tpu.memory_space<hbm>> -> memref<10000xf32, #tpu.memory_space<hbm>>
      %dma_start3A_263 = tpu.memref_slice %arg5[%add3A_255] : memref<1600000xf32, #tpu.memory_space<hbm>> -> memref<10000xf32, #tpu.memory_space<hbm>>
      tpu.enqueue_dma source(%dma_start3A_263 : memref<10000xf32, #tpu.memory_space<hbm>>) target(%arg13 : memref<10000xf32, #tpu.memory_space<vmem>>) target_semaphore(%arg21 : memref<!tpu.dma_semaphore, #tpu.memory_space<semaphore_mem>>)
      %dma_wait3A_264 = tpu.memref_slice %arg2[%add3A_162] : memref<1600000xi32, #tpu.memory_space<hbm>> -> memref<10000xi32, #tpu.memory_space<hbm>>
      %dma_wait3A_265 = tpu.memref_slice %arg2[%add3A_162] : memref<1600000xi32, #tpu.memory_space<hbm>> -> memref<10000xi32, #tpu.memory_space<hbm>>
      tpu.wait_dma2 semaphore(%arg22 : memref<!tpu.dma_semaphore, #tpu.memory_space<semaphore_mem>>) src(%dma_wait3A_265 : memref<10000xi32, #tpu.memory_space<hbm>>) dst(%arg8 : memref<10000xi32, #tpu.memory_space<vmem>>)
      %dma_wait3A_266 = tpu.memref_slice %arg3[%add3A_162] : memref<1600000xf32, #tpu.memory_space<hbm>> -> memref<10000xf32, #tpu.memory_space<hbm>>
      %dma_wait3A_267 = tpu.memref_slice %arg3[%add3A_162] : memref<1600000xf32, #tpu.memory_space<hbm>> -> memref<10000xf32, #tpu.memory_space<hbm>>
      tpu.wait_dma2 semaphore(%arg22 : memref<!tpu.dma_semaphore, #tpu.memory_space<semaphore_mem>>) src(%dma_wait3A_267 : memref<10000xf32, #tpu.memory_space<hbm>>) dst(%arg10 : memref<10000xf32, #tpu.memory_space<vmem>>)
      %dma_wait3A_268 = tpu.memref_slice %arg4[%add3A_162] : memref<1600000xf32, #tpu.memory_space<hbm>> -> memref<10000xf32, #tpu.memory_space<hbm>>
      %dma_wait3A_269 = tpu.memref_slice %arg4[%add3A_162] : memref<1600000xf32, #tpu.memory_space<hbm>> -> memref<10000xf32, #tpu.memory_space<hbm>>
      tpu.wait_dma2 semaphore(%arg22 : memref<!tpu.dma_semaphore, #tpu.memory_space<semaphore_mem>>) src(%dma_wait3A_269 : memref<10000xf32, #tpu.memory_space<hbm>>) dst(%arg12 : memref<10000xf32, #tpu.memory_space<vmem>>)
      %dma_wait3A_270 = tpu.memref_slice %arg5[%add3A_162] : memref<1600000xf32, #tpu.memory_space<hbm>> -> memref<10000xf32, #tpu.memory_space<hbm>>
      %dma_wait3A_271 = tpu.memref_slice %arg5[%add3A_162] : memref<1600000xf32, #tpu.memory_space<hbm>> -> memref<10000xf32, #tpu.memory_space<hbm>>
      tpu.wait_dma2 semaphore(%arg22 : memref<!tpu.dma_semaphore, #tpu.memory_space<semaphore_mem>>) src(%dma_wait3A_271 : memref<10000xf32, #tpu.memory_space<hbm>>) dst(%arg14 : memref<10000xf32, #tpu.memory_space<vmem>>)
      %scan3A_272 = arith.constant 0 : i32
      %scan3A_273 = arith.constant 78 : i32
      %scan3A_274 = arith.addi %scan3A_272, %scan3A_273 : i32
      %scan3A_275 = arith.constant 1 : i32
      scf.for %scan3A_358 = %scan3A_272 to %scan3A_274 step %scan3A_275  : i32 {
        %mul3A_359 = arith.constant 1 : i32
        %mul3A_360 = arith.muli %scan3A_358, %mul3A_359 : i32
        %add3A_361 = arith.constant 0 : i32
        %add3A_362 = arith.addi %add3A_361, %mul3A_360 : i32
        %mul3A_363 = arith.constant 8 : i32
        %mul3A_364 = arith.muli %add3A_362, %mul3A_363 : i32
        %add3A_365 = arith.constant 0 : i32
        %add3A_366 = arith.addi %mul3A_364, %add3A_365 : i32
        %mul3A_367 = arith.constant 16 : i32
        %mul3A_368 = arith.muli %add3A_366, %mul3A_367 : i32
        %get3A_369 = arith.index_cast %mul3A_368 : i32 to index
        %get3A_370 = tpu.vector_load %arg8[%get3A_369] {strides = array<i32>} : memref<10000xi32, #tpu.memory_space<vmem>>, vector<16xi32>,
        %mul3A_371 = arith.constant 16 : i32
        %mul3A_372 = arith.muli %add3A_366, %mul3A_371 : i32
        %get3A_373 = arith.index_cast %mul3A_372 : i32 to index
        %get3A_374 = tpu.vector_load %arg10[%get3A_373] {strides = array<i32>} : memref<10000xf32, #tpu.memory_space<vmem>>, vector<16xf32>,
        %mul3A_375 = arith.constant 16 : i32
        %mul3A_376 = arith.muli %add3A_366, %mul3A_375 : i32
        %get3A_377 = arith.index_cast %mul3A_376 : i32 to index
        %get3A_378 = tpu.vector_load %arg12[%get3A_377] {strides = array<i32>} : memref<10000xf32, #tpu.memory_space<vmem>>, vector<16xf32>,
        %mul3A_379 = arith.constant 16 : i32
        %mul3A_380 = arith.muli %add3A_366, %mul3A_379 : i32
        %get3A_381 = arith.index_cast %mul3A_380 : i32 to index
        %get3A_382 = tpu.vector_load %arg14[%get3A_381] {strides = array<i32>} : memref<10000xf32, #tpu.memory_space<vmem>>, vector<16xf32>,
        %mul3A_383 = arith.constant 8 : i32
        %mul3A_384 = arith.muli %add3A_362, %mul3A_383 : i32
        %add3A_385 = arith.constant 1 : i32
        %add3A_386 = arith.addi %mul3A_384, %add3A_385 : i32
        %mul3A_387 = arith.constant 16 : i32
        %mul3A_388 = arith.muli %add3A_386, %mul3A_387 : i32
        %get3A_389 = arith.index_cast %mul3A_388 : i32 to index
        %get3A_390 = tpu.vector_load %arg8[%get3A_389] {strides = array<i32>} : memref<10000xi32, #tpu.memory_space<vmem>>, vector<16xi32>,
        %mul3A_391 = arith.constant 16 : i32
        %mul3A_392 = arith.muli %add3A_386, %mul3A_391 : i32
        %get3A_393 = arith.index_cast %mul3A_392 : i32 to index
        %get3A_394 = tpu.vector_load %arg10[%get3A_393] {strides = array<i32>} : memref<10000xf32, #tpu.memory_space<vmem>>, vector<16xf32>,
        %mul3A_395 = arith.constant 16 : i32
        %mul3A_396 = arith.muli %add3A_386, %mul3A_395 : i32
        %get3A_397 = arith.index_cast %mul3A_396 : i32 to index
        %get3A_398 = tpu.vector_load %arg12[%get3A_397] {strides = array<i32>} : memref<10000xf32, #tpu.memory_space<vmem>>, vector<16xf32>,
        %mul3A_399 = arith.constant 16 : i32
        %mul3A_400 = arith.muli %add3A_386, %mul3A_399 : i32
        %get3A_401 = arith.index_cast %mul3A_400 : i32 to index
        %get3A_402 = tpu.vector_load %arg14[%get3A_401] {strides = array<i32>} : memref<10000xf32, #tpu.memory_space<vmem>>, vector<16xf32>,
        %mul3A_403 = arith.constant 8 : i32
        %mul3A_404 = arith.muli %add3A_362, %mul3A_403 : i32
        %add3A_405 = arith.constant 2 : i32
        %add3A_406 = arith.addi %mul3A_404, %add3A_405 : i32
        %mul3A_407 = arith.constant 16 : i32
        %mul3A_408 = arith.muli %add3A_406, %mul3A_407 : i32
        %get3A_409 = arith.index_cast %mul3A_408 : i32 to index
        %get3A_410 = tpu.vector_load %arg8[%get3A_409] {strides = array<i32>} : memref<10000xi32, #tpu.memory_space<vmem>>, vector<16xi32>,
        %mul3A_411 = arith.constant 16 : i32
        %mul3A_412 = arith.muli %add3A_406, %mul3A_411 : i32
        %get3A_413 = arith.index_cast %mul3A_412 : i32 to index
        %get3A_414 = tpu.vector_load %arg10[%get3A_413] {strides = array<i32>} : memref<10000xf32, #tpu.memory_space<vmem>>, vector<16xf32>,
        %mul3A_415 = arith.constant 16 : i32
        %mul3A_416 = arith.muli %add3A_406, %mul3A_415 : i32
        %get3A_417 = arith.index_cast %mul3A_416 : i32 to index
        %get3A_418 = tpu.vector_load %arg12[%get3A_417] {strides = array<i32>} : memref<10000xf32, #tpu.memory_space<vmem>>, vector<16xf32>,
        %mul3A_419 = arith.constant 16 : i32
        %mul3A_420 = arith.muli %add3A_406, %mul3A_419 : i32
        %get3A_421 = arith.index_cast %mul3A_420 : i32 to index
        %get3A_422 = tpu.vector_load %arg14[%get3A_421] {strides = array<i32>} : memref<10000xf32, #tpu.memory_space<vmem>>, vector<16xf32>,
        %mul3A_423 = arith.constant 8 : i32
        %mul3A_424 = arith.muli %add3A_362, %mul3A_423 : i32
        %add3A_425 = arith.constant 3 : i32
        %add3A_426 = arith.addi %mul3A_424, %add3A_425 : i32
        %mul3A_427 = arith.constant 16 : i32
        %mul3A_428 = arith.muli %add3A_426, %mul3A_427 : i32
        %get3A_429 = arith.index_cast %mul3A_428 : i32 to index
        %get3A_430 = tpu.vector_load %arg8[%get3A_429] {strides = array<i32>} : memref<10000xi32, #tpu.memory_space<vmem>>, vector<16xi32>,
        %mul3A_431 = arith.constant 16 : i32
        %mul3A_432 = arith.muli %add3A_426, %mul3A_431 : i32
        %get3A_433 = arith.index_cast %mul3A_432 : i32 to index
        %get3A_434 = tpu.vector_load %arg10[%get3A_433] {strides = array<i32>} : memref<10000xf32, #tpu.memory_space<vmem>>, vector<16xf32>,
        %mul3A_435 = arith.constant 16 : i32
        %mul3A_436 = arith.muli %add3A_426, %mul3A_435 : i32
        %get3A_437 = arith.index_cast %mul3A_436 : i32 to index
        %get3A_438 = tpu.vector_load %arg12[%get3A_437] {strides = array<i32>} : memref<10000xf32, #tpu.memory_space<vmem>>, vector<16xf32>,
        %mul3A_439 = arith.constant 16 : i32
        %mul3A_440 = arith.muli %add3A_426, %mul3A_439 : i32
        %get3A_441 = arith.index_cast %mul3A_440 : i32 to index
        %get3A_442 = tpu.vector_load %arg14[%get3A_441] {strides = array<i32>} : memref<10000xf32, #tpu.memory_space<vmem>>, vector<16xf32>,
        %mul3A_443 = arith.constant 8 : i32
        %mul3A_444 = arith.muli %add3A_362, %mul3A_443 : i32
        %add3A_445 = arith.constant 4 : i32
        %add3A_446 = arith.addi %mul3A_444, %add3A_445 : i32
        %mul3A_447 = arith.constant 16 : i32
        %mul3A_448 = arith.muli %add3A_446, %mul3A_447 : i32
        %get3A_449 = arith.index_cast %mul3A_448 : i32 to index
        %get3A_450 = tpu.vector_load %arg8[%get3A_449] {strides = array<i32>} : memref<10000xi32, #tpu.memory_space<vmem>>, vector<16xi32>,
        %mul3A_451 = arith.constant 16 : i32
        %mul3A_452 = arith.muli %add3A_446, %mul3A_451 : i32
        %get3A_453 = arith.index_cast %mul3A_452 : i32 to index
        %get3A_454 = tpu.vector_load %arg10[%get3A_453] {strides = array<i32>} : memref<10000xf32, #tpu.memory_space<vmem>>, vector<16xf32>,
        %mul3A_455 = arith.constant 16 : i32
        %mul3A_456 = arith.muli %add3A_446, %mul3A_455 : i32
        %get3A_457 = arith.index_cast %mul3A_456 : i32 to index
        %get3A_458 = tpu.vector_load %arg12[%get3A_457] {strides = array<i32>} : memref<10000xf32, #tpu.memory_space<vmem>>, vector<16xf32>,
        %mul3A_459 = arith.constant 16 : i32
        %mul3A_460 = arith.muli %add3A_446, %mul3A_459 : i32
        %get3A_461 = arith.index_cast %mul3A_460 : i32 to index
        %get3A_462 = tpu.vector_load %arg14[%get3A_461] {strides = array<i32>} : memref<10000xf32, #tpu.memory_space<vmem>>, vector<16xf32>,
        %mul3A_463 = arith.constant 8 : i32
        %mul3A_464 = arith.muli %add3A_362, %mul3A_463 : i32
        %add3A_465 = arith.constant 5 : i32
        %add3A_466 = arith.addi %mul3A_464, %add3A_465 : i32
        %mul3A_467 = arith.constant 16 : i32
        %mul3A_468 = arith.muli %add3A_466, %mul3A_467 : i32
        %get3A_469 = arith.index_cast %mul3A_468 : i32 to index
        %get3A_470 = tpu.vector_load %arg8[%get3A_469] {strides = array<i32>} : memref<10000xi32, #tpu.memory_space<vmem>>, vector<16xi32>,
        %mul3A_471 = arith.constant 16 : i32
        %mul3A_472 = arith.muli %add3A_466, %mul3A_471 : i32
        %get3A_473 = arith.index_cast %mul3A_472 : i32 to index
        %get3A_474 = tpu.vector_load %arg10[%get3A_473] {strides = array<i32>} : memref<10000xf32, #tpu.memory_space<vmem>>, vector<16xf32>,
        %mul3A_475 = arith.constant 16 : i32
        %mul3A_476 = arith.muli %add3A_466, %mul3A_475 : i32
        %get3A_477 = arith.index_cast %mul3A_476 : i32 to index
        %get3A_478 = tpu.vector_load %arg12[%get3A_477] {strides = array<i32>} : memref<10000xf32, #tpu.memory_space<vmem>>, vector<16xf32>,
        %mul3A_479 = arith.constant 16 : i32
        %mul3A_480 = arith.muli %add3A_466, %mul3A_479 : i32
        %get3A_481 = arith.index_cast %mul3A_480 : i32 to index
        %get3A_482 = tpu.vector_load %arg14[%get3A_481] {strides = array<i32>} : memref<10000xf32, #tpu.memory_space<vmem>>, vector<16xf32>,
        %mul3A_483 = arith.constant 8 : i32
        %mul3A_484 = arith.muli %add3A_362, %mul3A_483 : i32
        %add3A_485 = arith.constant 6 : i32
        %add3A_486 = arith.addi %mul3A_484, %add3A_485 : i32
        %mul3A_487 = arith.constant 16 : i32
        %mul3A_488 = arith.muli %add3A_486, %mul3A_487 : i32
        %get3A_489 = arith.index_cast %mul3A_488 : i32 to index
        %get3A_490 = tpu.vector_load %arg8[%get3A_489] {strides = array<i32>} : memref<10000xi32, #tpu.memory_space<vmem>>, vector<16xi32>,
        %mul3A_491 = arith.constant 16 : i32
        %mul3A_492 = arith.muli %add3A_486, %mul3A_491 : i32
        %get3A_493 = arith.index_cast %mul3A_492 : i32 to index
        %get3A_494 = tpu.vector_load %arg10[%get3A_493] {strides = array<i32>} : memref<10000xf32, #tpu.memory_space<vmem>>, vector<16xf32>,
        %mul3A_495 = arith.constant 16 : i32
        %mul3A_496 = arith.muli %add3A_486, %mul3A_495 : i32
        %get3A_497 = arith.index_cast %mul3A_496 : i32 to index
        %get3A_498 = tpu.vector_load %arg12[%get3A_497] {strides = array<i32>} : memref<10000xf32, #tpu.memory_space<vmem>>, vector<16xf32>,
        %mul3A_499 = arith.constant 16 : i32
        %mul3A_500 = arith.muli %add3A_486, %mul3A_499 : i32
        %get3A_501 = arith.index_cast %mul3A_500 : i32 to index
        %get3A_502 = tpu.vector_load %arg14[%get3A_501] {strides = array<i32>} : memref<10000xf32, #tpu.memory_space<vmem>>, vector<16xf32>,
        %mul3A_503 = arith.constant 8 : i32
        %mul3A_504 = arith.muli %add3A_362, %mul3A_503 : i32
        %add3A_505 = arith.constant 7 : i32
        %add3A_506 = arith.addi %mul3A_504, %add3A_505 : i32
        %mul3A_507 = arith.constant 16 : i32
        %mul3A_508 = arith.muli %add3A_506, %mul3A_507 : i32
        %get3A_509 = arith.index_cast %mul3A_508 : i32 to index
        %get3A_510 = tpu.vector_load %arg8[%get3A_509] {strides = array<i32>} : memref<10000xi32, #tpu.memory_space<vmem>>, vector<16xi32>,
        %mul3A_511 = arith.constant 16 : i32
        %mul3A_512 = arith.muli %add3A_506, %mul3A_511 : i32
        %get3A_513 = arith.index_cast %mul3A_512 : i32 to index
        %get3A_514 = tpu.vector_load %arg10[%get3A_513] {strides = array<i32>} : memref<10000xf32, #tpu.memory_space<vmem>>, vector<16xf32>,
        %mul3A_515 = arith.constant 16 : i32
        %mul3A_516 = arith.muli %add3A_506, %mul3A_515 : i32
        %get3A_517 = arith.index_cast %mul3A_516 : i32 to index
        %get3A_518 = tpu.vector_load %arg12[%get3A_517] {strides = array<i32>} : memref<10000xf32, #tpu.memory_space<vmem>>, vector<16xf32>,
        %mul3A_519 = arith.constant 16 : i32
        %mul3A_520 = arith.muli %add3A_506, %mul3A_519 : i32
        %get3A_521 = arith.index_cast %mul3A_520 : i32 to index
        %get3A_522 = tpu.vector_load %arg14[%get3A_521] {strides = array<i32>} : memref<10000xf32, #tpu.memory_space<vmem>>, vector<16xf32>,
        %reduce_min3A = arith.constant true
        %reduce_min3A_523 = vector.broadcast %reduce_min3A : i1 to vector<16xi1>
        %reduce_min3A_524 = arith.constant -2147483648 : i32
        %reduce_min3A_525 = vector.broadcast %reduce_min3A_524 : i32 to vector<16xi32>
        %reduce_min3A_526 = arith.xori %get3A_370, %reduce_min3A_525 : vector<16xi32>
        %reduce_min3A_527 = tpu.scan <min>, %reduce_min3A_526 masked %reduce_min3A_523 : vector<16xi32>, vector<16xi1> -> vector<16xi32>
        %reduce_min3A_528 = arith.xori %reduce_min3A_527, %reduce_min3A_525 : vector<16xi32>
        %reduce_min3A_529 = vector.extract %reduce_min3A_528[15] : i32 from vector<16xi32>
        %reduce_max3A = arith.constant true
        %reduce_max3A_530 = vector.broadcast %reduce_max3A : i1 to vector<16xi1>
        %reduce_max3A_531 = arith.constant -2147483648 : i32
        %reduce_max3A_532 = vector.broadcast %reduce_max3A_531 : i32 to vector<16xi32>
        %reduce_max3A_533 = arith.xori %get3A_510, %reduce_max3A_532 : vector<16xi32>
        %reduce_max3A_534 = tpu.scan <max>, %reduce_max3A_533 masked %reduce_max3A_530 : vector<16xi32>, vector<16xi1> -> vector<16xi32>
        %reduce_max3A_535 = arith.xori %reduce_max3A_534, %reduce_max3A_532 : vector<16xi32>
        %reduce_max3A_536 = vector.extract %reduce_max3A_535[15] : i32 from vector<16xi32>
        %eq3A_537 = arith.cmpi eq, %reduce_min3A_529, %reduce_max3A_536 : i32
        %convert_element_type3A = arith.extui %eq3A_537 : i1 to i32
        %cond3A = arith.constant 0 : i32
        %cond3A_538 = arith.cmpi ne, %convert_element_type3A, %cond3A : i32
        scf.if %cond3A_538 {
          %add3A_543 = arith.addf %get3A_374, %get3A_394 : vector<16xf32>
          %add3A_544 = arith.addf %get3A_414, %get3A_434 : vector<16xf32>
          %add3A_545 = arith.addf %get3A_454, %get3A_474 : vector<16xf32>
          %add3A_546 = arith.addf %get3A_494, %get3A_514 : vector<16xf32>
          %add3A_547 = arith.addf %add3A_543, %add3A_544 : vector<16xf32>
          %add3A_548 = arith.addf %add3A_545, %add3A_546 : vector<16xf32>
          %add3A_549 = arith.addf %add3A_547, %add3A_548 : vector<16xf32>
          %broadcast_in_dim3A_550 = vector.shape_cast %xor3A_36 : vector<16xi32> to vector<16x1xi32>
          %gather3A_551 = vector.shape_cast %broadcast_in_dim3A_550 : vector<16x1xi32> to vector<16xi32>
          %gather3A_552 = tpu.dynamic_gather %add3A_549[%gather3A_551] in [0] : vector<16xf32>, vector<16xi32> -> vector<16xf32>
          %add3A_553 = arith.addf %add3A_549, %gather3A_552 : vector<16xf32>
          %broadcast_in_dim3A_554 = vector.shape_cast %xor3A_39 : vector<16xi32> to vector<16x1xi32>
          %gather3A_555 = vector.shape_cast %broadcast_in_dim3A_554 : vector<16x1xi32> to vector<16xi32>
          %gather3A_556 = tpu.dynamic_gather %add3A_553[%gather3A_555] in [0] : vector<16xf32>, vector<16xi32> -> vector<16xf32>
          %add3A_557 = arith.addf %add3A_553, %gather3A_556 : vector<16xf32>
          %broadcast_in_dim3A_558 = vector.shape_cast %xor3A_42 : vector<16xi32> to vector<16x1xi32>
          %gather3A_559 = vector.shape_cast %broadcast_in_dim3A_558 : vector<16x1xi32> to vector<16xi32>
          %gather3A_560 = tpu.dynamic_gather %add3A_557[%gather3A_559] in [0] : vector<16xf32>, vector<16xi32> -> vector<16xf32>
          %add3A_561 = arith.addf %add3A_557, %gather3A_560 : vector<16xf32>
          %broadcast_in_dim3A_562 = vector.shape_cast %xor3A_45 : vector<16xi32> to vector<16x1xi32>
          %gather3A_563 = vector.shape_cast %broadcast_in_dim3A_562 : vector<16x1xi32> to vector<16xi32>
          %gather3A_564 = tpu.dynamic_gather %add3A_561[%gather3A_563] in [0] : vector<16xf32>, vector<16xi32> -> vector<16xf32>
          %add3A_565 = arith.addf %add3A_561, %gather3A_564 : vector<16xf32>
          %add3A_566 = arith.addf %get3A_378, %get3A_398 : vector<16xf32>
          %add3A_567 = arith.addf %get3A_418, %get3A_438 : vector<16xf32>
          %add3A_568 = arith.addf %get3A_458, %get3A_478 : vector<16xf32>
          %add3A_569 = arith.addf %get3A_498, %get3A_518 : vector<16xf32>
          %add3A_570 = arith.addf %add3A_566, %add3A_567 : vector<16xf32>
          %add3A_571 = arith.addf %add3A_568, %add3A_569 : vector<16xf32>
          %add3A_572 = arith.addf %add3A_570, %add3A_571 : vector<16xf32>
          %broadcast_in_dim3A_573 = vector.shape_cast %xor3A_36 : vector<16xi32> to vector<16x1xi32>
          %gather3A_574 = vector.shape_cast %broadcast_in_dim3A_573 : vector<16x1xi32> to vector<16xi32>
          %gather3A_575 = tpu.dynamic_gather %add3A_572[%gather3A_574] in [0] : vector<16xf32>, vector<16xi32> -> vector<16xf32>
          %add3A_576 = arith.addf %add3A_572, %gather3A_575 : vector<16xf32>
          %broadcast_in_dim3A_577 = vector.shape_cast %xor3A_39 : vector<16xi32> to vector<16x1xi32>
          %gather3A_578 = vector.shape_cast %broadcast_in_dim3A_577 : vector<16x1xi32> to vector<16xi32>
          %gather3A_579 = tpu.dynamic_gather %add3A_576[%gather3A_578] in [0] : vector<16xf32>, vector<16xi32> -> vector<16xf32>
          %add3A_580 = arith.addf %add3A_576, %gather3A_579 : vector<16xf32>
          %broadcast_in_dim3A_581 = vector.shape_cast %xor3A_42 : vector<16xi32> to vector<16x1xi32>
          %gather3A_582 = vector.shape_cast %broadcast_in_dim3A_581 : vector<16x1xi32> to vector<16xi32>
          %gather3A_583 = tpu.dynamic_gather %add3A_580[%gather3A_582] in [0] : vector<16xf32>, vector<16xi32> -> vector<16xf32>
          %add3A_584 = arith.addf %add3A_580, %gather3A_583 : vector<16xf32>
          %broadcast_in_dim3A_585 = vector.shape_cast %xor3A_45 : vector<16xi32> to vector<16x1xi32>
          %gather3A_586 = vector.shape_cast %broadcast_in_dim3A_585 : vector<16x1xi32> to vector<16xi32>
          %gather3A_587 = tpu.dynamic_gather %add3A_584[%gather3A_586] in [0] : vector<16xf32>, vector<16xi32> -> vector<16xf32>
          %add3A_588 = arith.addf %add3A_584, %gather3A_587 : vector<16xf32>
          %add3A_589 = arith.addf %get3A_382, %get3A_402 : vector<16xf32>
          %add3A_590 = arith.addf %get3A_422, %get3A_442 : vector<16xf32>
          %add3A_591 = arith.addf %get3A_462, %get3A_482 : vector<16xf32>
          %add3A_592 = arith.addf %get3A_502, %get3A_522 : vector<16xf32>
          %add3A_593 = arith.addf %add3A_589, %add3A_590 : vector<16xf32>
          %add3A_594 = arith.addf %add3A_591, %add3A_592 : vector<16xf32>
          %add3A_595 = arith.addf %add3A_593, %add3A_594 : vector<16xf32>
          %broadcast_in_dim3A_596 = vector.shape_cast %xor3A_36 : vector<16xi32> to vector<16x1xi32>
          %gather3A_597 = vector.shape_cast %broadcast_in_dim3A_596 : vector<16x1xi32> to vector<16xi32>
          %gather3A_598 = tpu.dynamic_gather %add3A_595[%gather3A_597] in [0] : vector<16xf32>, vector<16xi32> -> vector<16xf32>
          %add3A_599 = arith.addf %add3A_595, %gather3A_598 : vector<16xf32>
          %broadcast_in_dim3A_600 = vector.shape_cast %xor3A_39 : vector<16xi32> to vector<16x1xi32>
          %gather3A_601 = vector.shape_cast %broadcast_in_dim3A_600 : vector<16x1xi32> to vector<16xi32>
          %gather3A_602 = tpu.dynamic_gather %add3A_599[%gather3A_601] in [0] : vector<16xf32>, vector<16xi32> -> vector<16xf32>
          %add3A_603 = arith.addf %add3A_599, %gather3A_602 : vector<16xf32>
          %broadcast_in_dim3A_604 = vector.shape_cast %xor3A_42 : vector<16xi32> to vector<16x1xi32>
          %gather3A_605 = vector.shape_cast %broadcast_in_dim3A_604 : vector<16x1xi32> to vector<16xi32>
          %gather3A_606 = tpu.dynamic_gather %add3A_603[%gather3A_605] in [0] : vector<16xf32>, vector<16xi32> -> vector<16xf32>
          %add3A_607 = arith.addf %add3A_603, %gather3A_606 : vector<16xf32>
          %broadcast_in_dim3A_608 = vector.shape_cast %xor3A_45 : vector<16xi32> to vector<16x1xi32>
          %gather3A_609 = vector.shape_cast %broadcast_in_dim3A_608 : vector<16x1xi32> to vector<16xi32>
          %gather3A_610 = tpu.dynamic_gather %add3A_607[%gather3A_609] in [0] : vector<16xf32>, vector<16xi32> -> vector<16xf32>
          %add3A_611 = arith.addf %add3A_607, %gather3A_610 : vector<16xf32>
          %max3A_612 = arith.maximumf %get3A_382, %get3A_402 : vector<16xf32>
          %max3A_613 = arith.maximumf %get3A_422, %get3A_442 : vector<16xf32>
          %max3A_614 = arith.maximumf %get3A_462, %get3A_482 : vector<16xf32>
          %max3A_615 = arith.maximumf %get3A_502, %get3A_522 : vector<16xf32>
          %max3A_616 = arith.maximumf %max3A_612, %max3A_613 : vector<16xf32>
          %max3A_617 = arith.maximumf %max3A_614, %max3A_615 : vector<16xf32>
          %max3A_618 = arith.maximumf %max3A_616, %max3A_617 : vector<16xf32>
          %broadcast_in_dim3A_619 = vector.shape_cast %xor3A_36 : vector<16xi32> to vector<16x1xi32>
          %gather3A_620 = vector.shape_cast %broadcast_in_dim3A_619 : vector<16x1xi32> to vector<16xi32>
          %gather3A_621 = tpu.dynamic_gather %max3A_618[%gather3A_620] in [0] : vector<16xf32>, vector<16xi32> -> vector<16xf32>
          %max3A_622 = arith.maximumf %max3A_618, %gather3A_621 : vector<16xf32>
          %broadcast_in_dim3A_623 = vector.shape_cast %xor3A_39 : vector<16xi32> to vector<16x1xi32>
          %gather3A_624 = vector.shape_cast %broadcast_in_dim3A_623 : vector<16x1xi32> to vector<16xi32>
          %gather3A_625 = tpu.dynamic_gather %max3A_622[%gather3A_624] in [0] : vector<16xf32>, vector<16xi32> -> vector<16xf32>
          %max3A_626 = arith.maximumf %max3A_622, %gather3A_625 : vector<16xf32>
          %broadcast_in_dim3A_627 = vector.shape_cast %xor3A_42 : vector<16xi32> to vector<16x1xi32>
          %gather3A_628 = vector.shape_cast %broadcast_in_dim3A_627 : vector<16x1xi32> to vector<16xi32>
          %gather3A_629 = tpu.dynamic_gather %max3A_626[%gather3A_628] in [0] : vector<16xf32>, vector<16xi32> -> vector<16xf32>
          %max3A_630 = arith.maximumf %max3A_626, %gather3A_629 : vector<16xf32>
          %broadcast_in_dim3A_631 = vector.shape_cast %xor3A_45 : vector<16xi32> to vector<16x1xi32>
          %gather3A_632 = vector.shape_cast %broadcast_in_dim3A_631 : vector<16x1xi32> to vector<16xi32>
          %gather3A_633 = tpu.dynamic_gather %max3A_630[%gather3A_632] in [0] : vector<16xf32>, vector<16xi32> -> vector<16xf32>
          %max3A_634 = arith.maximumf %max3A_630, %gather3A_633 : vector<16xf32>
          %min3A_635 = arith.minimumf %get3A_382, %get3A_402 : vector<16xf32>
          %min3A_636 = arith.minimumf %get3A_422, %get3A_442 : vector<16xf32>
          %min3A_637 = arith.minimumf %get3A_462, %get3A_482 : vector<16xf32>
          %min3A_638 = arith.minimumf %get3A_502, %get3A_522 : vector<16xf32>
          %min3A_639 = arith.minimumf %min3A_635, %min3A_636 : vector<16xf32>
          %min3A_640 = arith.minimumf %min3A_637, %min3A_638 : vector<16xf32>
          %min3A_641 = arith.minimumf %min3A_639, %min3A_640 : vector<16xf32>
          %broadcast_in_dim3A_642 = vector.shape_cast %xor3A_36 : vector<16xi32> to vector<16x1xi32>
          %gather3A_643 = vector.shape_cast %broadcast_in_dim3A_642 : vector<16x1xi32> to vector<16xi32>
          %gather3A_644 = tpu.dynamic_gather %min3A_641[%gather3A_643] in [0] : vector<16xf32>, vector<16xi32> -> vector<16xf32>
          %min3A_645 = arith.minimumf %min3A_641, %gather3A_644 : vector<16xf32>
          %broadcast_in_dim3A_646 = vector.shape_cast %xor3A_39 : vector<16xi32> to vector<16x1xi32>
          %gather3A_647 = vector.shape_cast %broadcast_in_dim3A_646 : vector<16x1xi32> to vector<16xi32>
          %gather3A_648 = tpu.dynamic_gather %min3A_645[%gather3A_647] in [0] : vector<16xf32>, vector<16xi32> -> vector<16xf32>
          %min3A_649 = arith.minimumf %min3A_645, %gather3A_648 : vector<16xf32>
          %broadcast_in_dim3A_650 = vector.shape_cast %xor3A_42 : vector<16xi32> to vector<16x1xi32>
          %gather3A_651 = vector.shape_cast %broadcast_in_dim3A_650 : vector<16x1xi32> to vector<16xi32>
          %gather3A_652 = tpu.dynamic_gather %min3A_649[%gather3A_651] in [0] : vector<16xf32>, vector<16xi32> -> vector<16xf32>
          %min3A_653 = arith.minimumf %min3A_649, %gather3A_652 : vector<16xf32>
          %broadcast_in_dim3A_654 = vector.shape_cast %xor3A_45 : vector<16xi32> to vector<16x1xi32>
          %gather3A_655 = vector.shape_cast %broadcast_in_dim3A_654 : vector<16x1xi32> to vector<16xi32>
          %gather3A_656 = tpu.dynamic_gather %min3A_653[%gather3A_655] in [0] : vector<16xf32>, vector<16xi32> -> vector<16xf32>
          %min3A_657 = arith.minimumf %min3A_653, %gather3A_656 : vector<16xf32>
          tpu.vector_store_idx %arg15[%get3A_510], %add3A_565 masked %eq3A_7 {add = true} : memref<4096xf32, #tpu.memory_space<vmem>>[vector<16xi32>], vector<16xf32>, vector<16xi1>
          tpu.vector_store_idx %arg16[%get3A_510], %add3A_588 masked %eq3A_7 {add = true} : memref<4096xf32, #tpu.memory_space<vmem>>[vector<16xi32>], vector<16xf32>, vector<16xi1>
          tpu.vector_store_idx %arg17[%get3A_510], %add3A_611 masked %eq3A_7 {add = true} : memref<4096xf32, #tpu.memory_space<vmem>>[vector<16xi32>], vector<16xf32>, vector<16xi1>
          tpu.vector_store_idx %arg18[%get3A_510], %broadcast_in_dim3A_47 masked %eq3A_7 {add = true} : memref<4096xf32, #tpu.memory_space<vmem>>[vector<16xi32>], vector<16xf32>, vector<16xi1>
          %gather3A_658 = tpu.vector_load_idx %arg19[%get3A_510] masked %eq3A_7 : memref<4096xf32, #tpu.memory_space<vmem>>[vector<16xi32>], vector<16xf32>, vector<16xi1>
          %gather3A_659 = tpu.vector_load_idx %arg20[%get3A_510] masked %eq3A_7 : memref<4096xf32, #tpu.memory_space<vmem>>[vector<16xi32>], vector<16xf32>, vector<16xi1>
          %max3A_660 = arith.maximumf %gather3A_658, %max3A_634 : vector<16xf32>
          tpu.vector_store_idx %arg19[%get3A_510], %max3A_660 masked %eq3A_7 : memref<4096xf32, #tpu.memory_space<vmem>>[vector<16xi32>], vector<16xf32>, vector<16xi1>
          %min3A_661 = arith.minimumf %gather3A_659, %min3A_657 : vector<16xf32>
          tpu.vector_store_idx %arg20[%get3A_510], %min3A_661 masked %eq3A_7 : memref<4096xf32, #tpu.memory_space<vmem>>[vector<16xi32>], vector<16xf32>, vector<16xi1>
        } else {
        }
        %ne3A_539 = arith.cmpi ne, %reduce_min3A_529, %reduce_max3A_536 : i32
        %convert_element_type3A_540 = arith.extui %ne3A_539 : i1 to i32
        %cond3A_541 = arith.constant 0 : i32
        %cond3A_542 = arith.cmpi ne, %convert_element_type3A_540, %cond3A_541 : i32
        scf.if %cond3A_542 {
          tpu.vector_store_idx %arg15[%get3A_370], %get3A_374 {add = true} : memref<4096xf32, #tpu.memory_space<vmem>>[vector<16xi32>], vector<16xf32>,
          tpu.vector_store_idx %arg16[%get3A_370], %get3A_378 {add = true} : memref<4096xf32, #tpu.memory_space<vmem>>[vector<16xi32>], vector<16xf32>,
          tpu.vector_store_idx %arg17[%get3A_370], %get3A_382 {add = true} : memref<4096xf32, #tpu.memory_space<vmem>>[vector<16xi32>], vector<16xf32>,
          tpu.vector_store_idx %arg18[%get3A_370], %broadcast_in_dim3A_5 {add = true} : memref<4096xf32, #tpu.memory_space<vmem>>[vector<16xi32>], vector<16xf32>,
          %broadcast_in_dim3A_543 = vector.shape_cast %max3A_16 : vector<16xi32> to vector<16x1xi32>
          %gather3A_544 = vector.shape_cast %broadcast_in_dim3A_543 : vector<16x1xi32> to vector<16xi32>
          %gather3A_545 = tpu.dynamic_gather %get3A_370[%gather3A_544] in [0] : vector<16xi32>, vector<16xi32> -> vector<16xi32>
          %eq3A_546 = arith.cmpi eq, %gather3A_545, %get3A_370 : vector<16xi32>
          %broadcast_in_dim3A_547 = vector.shape_cast %max3A_16 : vector<16xi32> to vector<16x1xi32>
          %gather3A_548 = vector.shape_cast %broadcast_in_dim3A_547 : vector<16x1xi32> to vector<16xi32>
          %gather3A_549 = tpu.dynamic_gather %get3A_382[%gather3A_548] in [0] : vector<16xf32>, vector<16xi32> -> vector<16xf32>
          %max3A_550 = arith.maximumf %get3A_382, %gather3A_549 : vector<16xf32>
          %select_n3A_551 = arith.select %eq3A_546, %max3A_550, %get3A_382 : vector<16xi1>, vector<16xf32>
          %broadcast_in_dim3A_552 = vector.shape_cast %max3A_16 : vector<16xi32> to vector<16x1xi32>
          %gather3A_553 = vector.shape_cast %broadcast_in_dim3A_552 : vector<16x1xi32> to vector<16xi32>
          %gather3A_554 = tpu.dynamic_gather %get3A_382[%gather3A_553] in [0] : vector<16xf32>, vector<16xi32> -> vector<16xf32>
          %min3A_555 = arith.minimumf %get3A_382, %gather3A_554 : vector<16xf32>
          %select_n3A_556 = arith.select %eq3A_546, %min3A_555, %get3A_382 : vector<16xi1>, vector<16xf32>
          %broadcast_in_dim3A_557 = vector.shape_cast %max3A_22 : vector<16xi32> to vector<16x1xi32>
          %gather3A_558 = vector.shape_cast %broadcast_in_dim3A_557 : vector<16x1xi32> to vector<16xi32>
          %gather3A_559 = tpu.dynamic_gather %get3A_370[%gather3A_558] in [0] : vector<16xi32>, vector<16xi32> -> vector<16xi32>
          %eq3A_560 = arith.cmpi eq, %gather3A_559, %get3A_370 : vector<16xi32>
          %broadcast_in_dim3A_561 = vector.shape_cast %max3A_22 : vector<16xi32> to vector<16x1xi32>
          %gather3A_562 = vector.shape_cast %broadcast_in_dim3A_561 : vector<16x1xi32> to vector<16xi32>
          %gather3A_563 = tpu.dynamic_gather %select_n3A_551[%gather3A_562] in [0] : vector<16xf32>, vector<16xi32> -> vector<16xf32>
          %max3A_564 = arith.maximumf %select_n3A_551, %gather3A_563 : vector<16xf32>
          %select_n3A_565 = arith.select %eq3A_560, %max3A_564, %select_n3A_551 : vector<16xi1>, vector<16xf32>
          %broadcast_in_dim3A_566 = vector.shape_cast %max3A_22 : vector<16xi32> to vector<16x1xi32>
          %gather3A_567 = vector.shape_cast %broadcast_in_dim3A_566 : vector<16x1xi32> to vector<16xi32>
          %gather3A_568 = tpu.dynamic_gather %select_n3A_556[%gather3A_567] in [0] : vector<16xf32>, vector<16xi32> -> vector<16xf32>
          %min3A_569 = arith.minimumf %select_n3A_556, %gather3A_568 : vector<16xf32>
          %select_n3A_570 = arith.select %eq3A_560, %min3A_569, %select_n3A_556 : vector<16xi1>, vector<16xf32>
          %broadcast_in_dim3A_571 = vector.shape_cast %max3A_28 : vector<16xi32> to vector<16x1xi32>
          %gather3A_572 = vector.shape_cast %broadcast_in_dim3A_571 : vector<16x1xi32> to vector<16xi32>
          %gather3A_573 = tpu.dynamic_gather %get3A_370[%gather3A_572] in [0] : vector<16xi32>, vector<16xi32> -> vector<16xi32>
          %eq3A_574 = arith.cmpi eq, %gather3A_573, %get3A_370 : vector<16xi32>
          %broadcast_in_dim3A_575 = vector.shape_cast %max3A_28 : vector<16xi32> to vector<16x1xi32>
          %gather3A_576 = vector.shape_cast %broadcast_in_dim3A_575 : vector<16x1xi32> to vector<16xi32>
          %gather3A_577 = tpu.dynamic_gather %select_n3A_565[%gather3A_576] in [0] : vector<16xf32>, vector<16xi32> -> vector<16xf32>
          %max3A_578 = arith.maximumf %select_n3A_565, %gather3A_577 : vector<16xf32>
          %select_n3A_579 = arith.select %eq3A_574, %max3A_578, %select_n3A_565 : vector<16xi1>, vector<16xf32>
          %broadcast_in_dim3A_580 = vector.shape_cast %max3A_28 : vector<16xi32> to vector<16x1xi32>
          %gather3A_581 = vector.shape_cast %broadcast_in_dim3A_580 : vector<16x1xi32> to vector<16xi32>
          %gather3A_582 = tpu.dynamic_gather %select_n3A_570[%gather3A_581] in [0] : vector<16xf32>, vector<16xi32> -> vector<16xf32>
          %min3A_583 = arith.minimumf %select_n3A_570, %gather3A_582 : vector<16xf32>
          %select_n3A_584 = arith.select %eq3A_574, %min3A_583, %select_n3A_570 : vector<16xi1>, vector<16xf32>
          %broadcast_in_dim3A_585 = vector.shape_cast %max3A_34 : vector<16xi32> to vector<16x1xi32>
          %gather3A_586 = vector.shape_cast %broadcast_in_dim3A_585 : vector<16x1xi32> to vector<16xi32>
          %gather3A_587 = tpu.dynamic_gather %get3A_370[%gather3A_586] in [0] : vector<16xi32>, vector<16xi32> -> vector<16xi32>
          %eq3A_588 = arith.cmpi eq, %gather3A_587, %get3A_370 : vector<16xi32>
          %broadcast_in_dim3A_589 = vector.shape_cast %max3A_34 : vector<16xi32> to vector<16x1xi32>
          %gather3A_590 = vector.shape_cast %broadcast_in_dim3A_589 : vector<16x1xi32> to vector<16xi32>
          %gather3A_591 = tpu.dynamic_gather %select_n3A_579[%gather3A_590] in [0] : vector<16xf32>, vector<16xi32> -> vector<16xf32>
          %max3A_592 = arith.maximumf %select_n3A_579, %gather3A_591 : vector<16xf32>
          %select_n3A_593 = arith.select %eq3A_588, %max3A_592, %select_n3A_579 : vector<16xi1>, vector<16xf32>
          %broadcast_in_dim3A_594 = vector.shape_cast %max3A_34 : vector<16xi32> to vector<16x1xi32>
          %gather3A_595 = vector.shape_cast %broadcast_in_dim3A_594 : vector<16x1xi32> to vector<16xi32>
          %gather3A_596 = tpu.dynamic_gather %select_n3A_584[%gather3A_595] in [0] : vector<16xf32>, vector<16xi32> -> vector<16xf32>
          %min3A_597 = arith.minimumf %select_n3A_584, %gather3A_596 : vector<16xf32>
          %select_n3A_598 = arith.select %eq3A_588, %min3A_597, %select_n3A_584 : vector<16xi1>, vector<16xf32>
          %broadcast_in_dim3A_599 = vector.shape_cast %min3A_12 : vector<16xi32> to vector<16x1xi32>
          %gather3A_600 = vector.shape_cast %broadcast_in_dim3A_599 : vector<16x1xi32> to vector<16xi32>
          %gather3A_601 = tpu.dynamic_gather %get3A_370[%gather3A_600] in [0] : vector<16xi32>, vector<16xi32> -> vector<16xi32>
          %ne3A_602 = arith.cmpi ne, %get3A_370, %gather3A_601 : vector<16xi32>
          %or3A_603 = arith.ori %ne3A_602, %eq3A_7 : vector<16xi1>
          %gather3A_604 = tpu.vector_load_idx %arg19[%get3A_370] : memref<4096xf32, #tpu.memory_space<vmem>>[vector<16xi32>], vector<16xf32>,
          %gather3A_605 = tpu.vector_load_idx %arg20[%get3A_370] : memref<4096xf32, #tpu.memory_space<vmem>>[vector<16xi32>], vector<16xf32>,
          %max3A_606 = arith.maximumf %gather3A_604, %select_n3A_593 : vector<16xf32>
          tpu.vector_store_idx %arg19[%get3A_370], %max3A_606 masked %or3A_603 : memref<4096xf32, #tpu.memory_space<vmem>>[vector<16xi32>], vector<16xf32>, vector<16xi1>
          %min3A_607 = arith.minimumf %gather3A_605, %select_n3A_598 : vector<16xf32>
          tpu.vector_store_idx %arg20[%get3A_370], %min3A_607 masked %or3A_603 : memref<4096xf32, #tpu.memory_space<vmem>>[vector<16xi32>], vector<16xf32>, vector<16xi1>
          tpu.vector_store_idx %arg15[%get3A_390], %get3A_394 {add = true} : memref<4096xf32, #tpu.memory_space<vmem>>[vector<16xi32>], vector<16xf32>,
          tpu.vector_store_idx %arg16[%get3A_390], %get3A_398 {add = true} : memref<4096xf32, #tpu.memory_space<vmem>>[vector<16xi32>], vector<16xf32>,
          tpu.vector_store_idx %arg17[%get3A_390], %get3A_402 {add = true} : memref<4096xf32, #tpu.memory_space<vmem>>[vector<16xi32>], vector<16xf32>,
          tpu.vector_store_idx %arg18[%get3A_390], %broadcast_in_dim3A_5 {add = true} : memref<4096xf32, #tpu.memory_space<vmem>>[vector<16xi32>], vector<16xf32>,
          %broadcast_in_dim3A_608 = vector.shape_cast %max3A_16 : vector<16xi32> to vector<16x1xi32>
          %gather3A_609 = vector.shape_cast %broadcast_in_dim3A_608 : vector<16x1xi32> to vector<16xi32>
          %gather3A_610 = tpu.dynamic_gather %get3A_390[%gather3A_609] in [0] : vector<16xi32>, vector<16xi32> -> vector<16xi32>
          %eq3A_611 = arith.cmpi eq, %gather3A_610, %get3A_390 : vector<16xi32>
          %broadcast_in_dim3A_612 = vector.shape_cast %max3A_16 : vector<16xi32> to vector<16x1xi32>
          %gather3A_613 = vector.shape_cast %broadcast_in_dim3A_612 : vector<16x1xi32> to vector<16xi32>
          %gather3A_614 = tpu.dynamic_gather %get3A_402[%gather3A_613] in [0] : vector<16xf32>, vector<16xi32> -> vector<16xf32>
          %max3A_615 = arith.maximumf %get3A_402, %gather3A_614 : vector<16xf32>
          %select_n3A_616 = arith.select %eq3A_611, %max3A_615, %get3A_402 : vector<16xi1>, vector<16xf32>
          %broadcast_in_dim3A_617 = vector.shape_cast %max3A_16 : vector<16xi32> to vector<16x1xi32>
          %gather3A_618 = vector.shape_cast %broadcast_in_dim3A_617 : vector<16x1xi32> to vector<16xi32>
          %gather3A_619 = tpu.dynamic_gather %get3A_402[%gather3A_618] in [0] : vector<16xf32>, vector<16xi32> -> vector<16xf32>
          %min3A_620 = arith.minimumf %get3A_402, %gather3A_619 : vector<16xf32>
          %select_n3A_621 = arith.select %eq3A_611, %min3A_620, %get3A_402 : vector<16xi1>, vector<16xf32>
          %broadcast_in_dim3A_622 = vector.shape_cast %max3A_22 : vector<16xi32> to vector<16x1xi32>
          %gather3A_623 = vector.shape_cast %broadcast_in_dim3A_622 : vector<16x1xi32> to vector<16xi32>
          %gather3A_624 = tpu.dynamic_gather %get3A_390[%gather3A_623] in [0] : vector<16xi32>, vector<16xi32> -> vector<16xi32>
          %eq3A_625 = arith.cmpi eq, %gather3A_624, %get3A_390 : vector<16xi32>
          %broadcast_in_dim3A_626 = vector.shape_cast %max3A_22 : vector<16xi32> to vector<16x1xi32>
          %gather3A_627 = vector.shape_cast %broadcast_in_dim3A_626 : vector<16x1xi32> to vector<16xi32>
          %gather3A_628 = tpu.dynamic_gather %select_n3A_616[%gather3A_627] in [0] : vector<16xf32>, vector<16xi32> -> vector<16xf32>
          %max3A_629 = arith.maximumf %select_n3A_616, %gather3A_628 : vector<16xf32>
          %select_n3A_630 = arith.select %eq3A_625, %max3A_629, %select_n3A_616 : vector<16xi1>, vector<16xf32>
          %broadcast_in_dim3A_631 = vector.shape_cast %max3A_22 : vector<16xi32> to vector<16x1xi32>
          %gather3A_632 = vector.shape_cast %broadcast_in_dim3A_631 : vector<16x1xi32> to vector<16xi32>
          %gather3A_633 = tpu.dynamic_gather %select_n3A_621[%gather3A_632] in [0] : vector<16xf32>, vector<16xi32> -> vector<16xf32>
          %min3A_634 = arith.minimumf %select_n3A_621, %gather3A_633 : vector<16xf32>
          %select_n3A_635 = arith.select %eq3A_625, %min3A_634, %select_n3A_621 : vector<16xi1>, vector<16xf32>
          %broadcast_in_dim3A_636 = vector.shape_cast %max3A_28 : vector<16xi32> to vector<16x1xi32>
          %gather3A_637 = vector.shape_cast %broadcast_in_dim3A_636 : vector<16x1xi32> to vector<16xi32>
          %gather3A_638 = tpu.dynamic_gather %get3A_390[%gather3A_637] in [0] : vector<16xi32>, vector<16xi32> -> vector<16xi32>
          %eq3A_639 = arith.cmpi eq, %gather3A_638, %get3A_390 : vector<16xi32>
          %broadcast_in_dim3A_640 = vector.shape_cast %max3A_28 : vector<16xi32> to vector<16x1xi32>
          %gather3A_641 = vector.shape_cast %broadcast_in_dim3A_640 : vector<16x1xi32> to vector<16xi32>
          %gather3A_642 = tpu.dynamic_gather %select_n3A_630[%gather3A_641] in [0] : vector<16xf32>, vector<16xi32> -> vector<16xf32>
          %max3A_643 = arith.maximumf %select_n3A_630, %gather3A_642 : vector<16xf32>
          %select_n3A_644 = arith.select %eq3A_639, %max3A_643, %select_n3A_630 : vector<16xi1>, vector<16xf32>
          %broadcast_in_dim3A_645 = vector.shape_cast %max3A_28 : vector<16xi32> to vector<16x1xi32>
          %gather3A_646 = vector.shape_cast %broadcast_in_dim3A_645 : vector<16x1xi32> to vector<16xi32>
          %gather3A_647 = tpu.dynamic_gather %select_n3A_635[%gather3A_646] in [0] : vector<16xf32>, vector<16xi32> -> vector<16xf32>
          %min3A_648 = arith.minimumf %select_n3A_635, %gather3A_647 : vector<16xf32>
          %select_n3A_649 = arith.select %eq3A_639, %min3A_648, %select_n3A_635 : vector<16xi1>, vector<16xf32>
          %broadcast_in_dim3A_650 = vector.shape_cast %max3A_34 : vector<16xi32> to vector<16x1xi32>
          %gather3A_651 = vector.shape_cast %broadcast_in_dim3A_650 : vector<16x1xi32> to vector<16xi32>
          %gather3A_652 = tpu.dynamic_gather %get3A_390[%gather3A_651] in [0] : vector<16xi32>, vector<16xi32> -> vector<16xi32>
          %eq3A_653 = arith.cmpi eq, %gather3A_652, %get3A_390 : vector<16xi32>
          %broadcast_in_dim3A_654 = vector.shape_cast %max3A_34 : vector<16xi32> to vector<16x1xi32>
          %gather3A_655 = vector.shape_cast %broadcast_in_dim3A_654 : vector<16x1xi32> to vector<16xi32>
          %gather3A_656 = tpu.dynamic_gather %select_n3A_644[%gather3A_655] in [0] : vector<16xf32>, vector<16xi32> -> vector<16xf32>
          %max3A_657 = arith.maximumf %select_n3A_644, %gather3A_656 : vector<16xf32>
          %select_n3A_658 = arith.select %eq3A_653, %max3A_657, %select_n3A_644 : vector<16xi1>, vector<16xf32>
          %broadcast_in_dim3A_659 = vector.shape_cast %max3A_34 : vector<16xi32> to vector<16x1xi32>
          %gather3A_660 = vector.shape_cast %broadcast_in_dim3A_659 : vector<16x1xi32> to vector<16xi32>
          %gather3A_661 = tpu.dynamic_gather %select_n3A_649[%gather3A_660] in [0] : vector<16xf32>, vector<16xi32> -> vector<16xf32>
          %min3A_662 = arith.minimumf %select_n3A_649, %gather3A_661 : vector<16xf32>
          %select_n3A_663 = arith.select %eq3A_653, %min3A_662, %select_n3A_649 : vector<16xi1>, vector<16xf32>
          %broadcast_in_dim3A_664 = vector.shape_cast %min3A_12 : vector<16xi32> to vector<16x1xi32>
          %gather3A_665 = vector.shape_cast %broadcast_in_dim3A_664 : vector<16x1xi32> to vector<16xi32>
          %gather3A_666 = tpu.dynamic_gather %get3A_390[%gather3A_665] in [0] : vector<16xi32>, vector<16xi32> -> vector<16xi32>
          %ne3A_667 = arith.cmpi ne, %get3A_390, %gather3A_666 : vector<16xi32>
          %or3A_668 = arith.ori %ne3A_667, %eq3A_7 : vector<16xi1>
          %gather3A_669 = tpu.vector_load_idx %arg19[%get3A_390] : memref<4096xf32, #tpu.memory_space<vmem>>[vector<16xi32>], vector<16xf32>,
          %gather3A_670 = tpu.vector_load_idx %arg20[%get3A_390] : memref<4096xf32, #tpu.memory_space<vmem>>[vector<16xi32>], vector<16xf32>,
          %max3A_671 = arith.maximumf %gather3A_669, %select_n3A_658 : vector<16xf32>
          tpu.vector_store_idx %arg19[%get3A_390], %max3A_671 masked %or3A_668 : memref<4096xf32, #tpu.memory_space<vmem>>[vector<16xi32>], vector<16xf32>, vector<16xi1>
          %min3A_672 = arith.minimumf %gather3A_670, %select_n3A_663 : vector<16xf32>
          tpu.vector_store_idx %arg20[%get3A_390], %min3A_672 masked %or3A_668 : memref<4096xf32, #tpu.memory_space<vmem>>[vector<16xi32>], vector<16xf32>, vector<16xi1>
          tpu.vector_store_idx %arg15[%get3A_410], %get3A_414 {add = true} : memref<4096xf32, #tpu.memory_space<vmem>>[vector<16xi32>], vector<16xf32>,
          tpu.vector_store_idx %arg16[%get3A_410], %get3A_418 {add = true} : memref<4096xf32, #tpu.memory_space<vmem>>[vector<16xi32>], vector<16xf32>,
          tpu.vector_store_idx %arg17[%get3A_410], %get3A_422 {add = true} : memref<4096xf32, #tpu.memory_space<vmem>>[vector<16xi32>], vector<16xf32>,
          tpu.vector_store_idx %arg18[%get3A_410], %broadcast_in_dim3A_5 {add = true} : memref<4096xf32, #tpu.memory_space<vmem>>[vector<16xi32>], vector<16xf32>,
          %broadcast_in_dim3A_673 = vector.shape_cast %max3A_16 : vector<16xi32> to vector<16x1xi32>
          %gather3A_674 = vector.shape_cast %broadcast_in_dim3A_673 : vector<16x1xi32> to vector<16xi32>
          %gather3A_675 = tpu.dynamic_gather %get3A_410[%gather3A_674] in [0] : vector<16xi32>, vector<16xi32> -> vector<16xi32>
          %eq3A_676 = arith.cmpi eq, %gather3A_675, %get3A_410 : vector<16xi32>
          %broadcast_in_dim3A_677 = vector.shape_cast %max3A_16 : vector<16xi32> to vector<16x1xi32>
          %gather3A_678 = vector.shape_cast %broadcast_in_dim3A_677 : vector<16x1xi32> to vector<16xi32>
          %gather3A_679 = tpu.dynamic_gather %get3A_422[%gather3A_678] in [0] : vector<16xf32>, vector<16xi32> -> vector<16xf32>
          %max3A_680 = arith.maximumf %get3A_422, %gather3A_679 : vector<16xf32>
          %select_n3A_681 = arith.select %eq3A_676, %max3A_680, %get3A_422 : vector<16xi1>, vector<16xf32>
          %broadcast_in_dim3A_682 = vector.shape_cast %max3A_16 : vector<16xi32> to vector<16x1xi32>
          %gather3A_683 = vector.shape_cast %broadcast_in_dim3A_682 : vector<16x1xi32> to vector<16xi32>
          %gather3A_684 = tpu.dynamic_gather %get3A_422[%gather3A_683] in [0] : vector<16xf32>, vector<16xi32> -> vector<16xf32>
          %min3A_685 = arith.minimumf %get3A_422, %gather3A_684 : vector<16xf32>
          %select_n3A_686 = arith.select %eq3A_676, %min3A_685, %get3A_422 : vector<16xi1>, vector<16xf32>
          %broadcast_in_dim3A_687 = vector.shape_cast %max3A_22 : vector<16xi32> to vector<16x1xi32>
          %gather3A_688 = vector.shape_cast %broadcast_in_dim3A_687 : vector<16x1xi32> to vector<16xi32>
          %gather3A_689 = tpu.dynamic_gather %get3A_410[%gather3A_688] in [0] : vector<16xi32>, vector<16xi32> -> vector<16xi32>
          %eq3A_690 = arith.cmpi eq, %gather3A_689, %get3A_410 : vector<16xi32>
          %broadcast_in_dim3A_691 = vector.shape_cast %max3A_22 : vector<16xi32> to vector<16x1xi32>
          %gather3A_692 = vector.shape_cast %broadcast_in_dim3A_691 : vector<16x1xi32> to vector<16xi32>
          %gather3A_693 = tpu.dynamic_gather %select_n3A_681[%gather3A_692] in [0] : vector<16xf32>, vector<16xi32> -> vector<16xf32>
          %max3A_694 = arith.maximumf %select_n3A_681, %gather3A_693 : vector<16xf32>
          %select_n3A_695 = arith.select %eq3A_690, %max3A_694, %select_n3A_681 : vector<16xi1>, vector<16xf32>
          %broadcast_in_dim3A_696 = vector.shape_cast %max3A_22 : vector<16xi32> to vector<16x1xi32>
          %gather3A_697 = vector.shape_cast %broadcast_in_dim3A_696 : vector<16x1xi32> to vector<16xi32>
          %gather3A_698 = tpu.dynamic_gather %select_n3A_686[%gather3A_697] in [0] : vector<16xf32>, vector<16xi32> -> vector<16xf32>
          %min3A_699 = arith.minimumf %select_n3A_686, %gather3A_698 : vector<16xf32>
          %select_n3A_700 = arith.select %eq3A_690, %min3A_699, %select_n3A_686 : vector<16xi1>, vector<16xf32>
          %broadcast_in_dim3A_701 = vector.shape_cast %max3A_28 : vector<16xi32> to vector<16x1xi32>
          %gather3A_702 = vector.shape_cast %broadcast_in_dim3A_701 : vector<16x1xi32> to vector<16xi32>
          %gather3A_703 = tpu.dynamic_gather %get3A_410[%gather3A_702] in [0] : vector<16xi32>, vector<16xi32> -> vector<16xi32>
          %eq3A_704 = arith.cmpi eq, %gather3A_703, %get3A_410 : vector<16xi32>
          %broadcast_in_dim3A_705 = vector.shape_cast %max3A_28 : vector<16xi32> to vector<16x1xi32>
          %gather3A_706 = vector.shape_cast %broadcast_in_dim3A_705 : vector<16x1xi32> to vector<16xi32>
          %gather3A_707 = tpu.dynamic_gather %select_n3A_695[%gather3A_706] in [0] : vector<16xf32>, vector<16xi32> -> vector<16xf32>
          %max3A_708 = arith.maximumf %select_n3A_695, %gather3A_707 : vector<16xf32>
          %select_n3A_709 = arith.select %eq3A_704, %max3A_708, %select_n3A_695 : vector<16xi1>, vector<16xf32>
          %broadcast_in_dim3A_710 = vector.shape_cast %max3A_28 : vector<16xi32> to vector<16x1xi32>
          %gather3A_711 = vector.shape_cast %broadcast_in_dim3A_710 : vector<16x1xi32> to vector<16xi32>
          %gather3A_712 = tpu.dynamic_gather %select_n3A_700[%gather3A_711] in [0] : vector<16xf32>, vector<16xi32> -> vector<16xf32>
          %min3A_713 = arith.minimumf %select_n3A_700, %gather3A_712 : vector<16xf32>
          %select_n3A_714 = arith.select %eq3A_704, %min3A_713, %select_n3A_700 : vector<16xi1>, vector<16xf32>
          %broadcast_in_dim3A_715 = vector.shape_cast %max3A_34 : vector<16xi32> to vector<16x1xi32>
          %gather3A_716 = vector.shape_cast %broadcast_in_dim3A_715 : vector<16x1xi32> to vector<16xi32>
          %gather3A_717 = tpu.dynamic_gather %get3A_410[%gather3A_716] in [0] : vector<16xi32>, vector<16xi32> -> vector<16xi32>
          %eq3A_718 = arith.cmpi eq, %gather3A_717, %get3A_410 : vector<16xi32>
          %broadcast_in_dim3A_719 = vector.shape_cast %max3A_34 : vector<16xi32> to vector<16x1xi32>
          %gather3A_720 = vector.shape_cast %broadcast_in_dim3A_719 : vector<16x1xi32> to vector<16xi32>
          %gather3A_721 = tpu.dynamic_gather %select_n3A_709[%gather3A_720] in [0] : vector<16xf32>, vector<16xi32> -> vector<16xf32>
          %max3A_722 = arith.maximumf %select_n3A_709, %gather3A_721 : vector<16xf32>
          %select_n3A_723 = arith.select %eq3A_718, %max3A_722, %select_n3A_709 : vector<16xi1>, vector<16xf32>
          %broadcast_in_dim3A_724 = vector.shape_cast %max3A_34 : vector<16xi32> to vector<16x1xi32>
          %gather3A_725 = vector.shape_cast %broadcast_in_dim3A_724 : vector<16x1xi32> to vector<16xi32>
          %gather3A_726 = tpu.dynamic_gather %select_n3A_714[%gather3A_725] in [0] : vector<16xf32>, vector<16xi32> -> vector<16xf32>
          %min3A_727 = arith.minimumf %select_n3A_714, %gather3A_726 : vector<16xf32>
          %select_n3A_728 = arith.select %eq3A_718, %min3A_727, %select_n3A_714 : vector<16xi1>, vector<16xf32>
          %broadcast_in_dim3A_729 = vector.shape_cast %min3A_12 : vector<16xi32> to vector<16x1xi32>
          %gather3A_730 = vector.shape_cast %broadcast_in_dim3A_729 : vector<16x1xi32> to vector<16xi32>
          %gather3A_731 = tpu.dynamic_gather %get3A_410[%gather3A_730] in [0] : vector<16xi32>, vector<16xi32> -> vector<16xi32>
          %ne3A_732 = arith.cmpi ne, %get3A_410, %gather3A_731 : vector<16xi32>
          %or3A_733 = arith.ori %ne3A_732, %eq3A_7 : vector<16xi1>
          %gather3A_734 = tpu.vector_load_idx %arg19[%get3A_410] : memref<4096xf32, #tpu.memory_space<vmem>>[vector<16xi32>], vector<16xf32>,
          %gather3A_735 = tpu.vector_load_idx %arg20[%get3A_410] : memref<4096xf32, #tpu.memory_space<vmem>>[vector<16xi32>], vector<16xf32>,
          %max3A_736 = arith.maximumf %gather3A_734, %select_n3A_723 : vector<16xf32>
          tpu.vector_store_idx %arg19[%get3A_410], %max3A_736 masked %or3A_733 : memref<4096xf32, #tpu.memory_space<vmem>>[vector<16xi32>], vector<16xf32>, vector<16xi1>
          %min3A_737 = arith.minimumf %gather3A_735, %select_n3A_728 : vector<16xf32>
          tpu.vector_store_idx %arg20[%get3A_410], %min3A_737 masked %or3A_733 : memref<4096xf32, #tpu.memory_space<vmem>>[vector<16xi32>], vector<16xf32>, vector<16xi1>
          tpu.vector_store_idx %arg15[%get3A_430], %get3A_434 {add = true} : memref<4096xf32, #tpu.memory_space<vmem>>[vector<16xi32>], vector<16xf32>,
          tpu.vector_store_idx %arg16[%get3A_430], %get3A_438 {add = true} : memref<4096xf32, #tpu.memory_space<vmem>>[vector<16xi32>], vector<16xf32>,
          tpu.vector_store_idx %arg17[%get3A_430], %get3A_442 {add = true} : memref<4096xf32, #tpu.memory_space<vmem>>[vector<16xi32>], vector<16xf32>,
          tpu.vector_store_idx %arg18[%get3A_430], %broadcast_in_dim3A_5 {add = true} : memref<4096xf32, #tpu.memory_space<vmem>>[vector<16xi32>], vector<16xf32>,
          %broadcast_in_dim3A_738 = vector.shape_cast %max3A_16 : vector<16xi32> to vector<16x1xi32>
          %gather3A_739 = vector.shape_cast %broadcast_in_dim3A_738 : vector<16x1xi32> to vector<16xi32>
          %gather3A_740 = tpu.dynamic_gather %get3A_430[%gather3A_739] in [0] : vector<16xi32>, vector<16xi32> -> vector<16xi32>
          %eq3A_741 = arith.cmpi eq, %gather3A_740, %get3A_430 : vector<16xi32>
          %broadcast_in_dim3A_742 = vector.shape_cast %max3A_16 : vector<16xi32> to vector<16x1xi32>
          %gather3A_743 = vector.shape_cast %broadcast_in_dim3A_742 : vector<16x1xi32> to vector<16xi32>
          %gather3A_744 = tpu.dynamic_gather %get3A_442[%gather3A_743] in [0] : vector<16xf32>, vector<16xi32> -> vector<16xf32>
          %max3A_745 = arith.maximumf %get3A_442, %gather3A_744 : vector<16xf32>
          %select_n3A_746 = arith.select %eq3A_741, %max3A_745, %get3A_442 : vector<16xi1>, vector<16xf32>
          %broadcast_in_dim3A_747 = vector.shape_cast %max3A_16 : vector<16xi32> to vector<16x1xi32>
          %gather3A_748 = vector.shape_cast %broadcast_in_dim3A_747 : vector<16x1xi32> to vector<16xi32>
          %gather3A_749 = tpu.dynamic_gather %get3A_442[%gather3A_748] in [0] : vector<16xf32>, vector<16xi32> -> vector<16xf32>
          %min3A_750 = arith.minimumf %get3A_442, %gather3A_749 : vector<16xf32>
          %select_n3A_751 = arith.select %eq3A_741, %min3A_750, %get3A_442 : vector<16xi1>, vector<16xf32>
          %broadcast_in_dim3A_752 = vector.shape_cast %max3A_22 : vector<16xi32> to vector<16x1xi32>
          %gather3A_753 = vector.shape_cast %broadcast_in_dim3A_752 : vector<16x1xi32> to vector<16xi32>
          %gather3A_754 = tpu.dynamic_gather %get3A_430[%gather3A_753] in [0] : vector<16xi32>, vector<16xi32> -> vector<16xi32>
          %eq3A_755 = arith.cmpi eq, %gather3A_754, %get3A_430 : vector<16xi32>
          %broadcast_in_dim3A_756 = vector.shape_cast %max3A_22 : vector<16xi32> to vector<16x1xi32>
          %gather3A_757 = vector.shape_cast %broadcast_in_dim3A_756 : vector<16x1xi32> to vector<16xi32>
          %gather3A_758 = tpu.dynamic_gather %select_n3A_746[%gather3A_757] in [0] : vector<16xf32>, vector<16xi32> -> vector<16xf32>
          %max3A_759 = arith.maximumf %select_n3A_746, %gather3A_758 : vector<16xf32>
          %select_n3A_760 = arith.select %eq3A_755, %max3A_759, %select_n3A_746 : vector<16xi1>, vector<16xf32>
          %broadcast_in_dim3A_761 = vector.shape_cast %max3A_22 : vector<16xi32> to vector<16x1xi32>
          %gather3A_762 = vector.shape_cast %broadcast_in_dim3A_761 : vector<16x1xi32> to vector<16xi32>
          %gather3A_763 = tpu.dynamic_gather %select_n3A_751[%gather3A_762] in [0] : vector<16xf32>, vector<16xi32> -> vector<16xf32>
          %min3A_764 = arith.minimumf %select_n3A_751, %gather3A_763 : vector<16xf32>
          %select_n3A_765 = arith.select %eq3A_755, %min3A_764, %select_n3A_751 : vector<16xi1>, vector<16xf32>
          %broadcast_in_dim3A_766 = vector.shape_cast %max3A_28 : vector<16xi32> to vector<16x1xi32>
          %gather3A_767 = vector.shape_cast %broadcast_in_dim3A_766 : vector<16x1xi32> to vector<16xi32>
          %gather3A_768 = tpu.dynamic_gather %get3A_430[%gather3A_767] in [0] : vector<16xi32>, vector<16xi32> -> vector<16xi32>
          %eq3A_769 = arith.cmpi eq, %gather3A_768, %get3A_430 : vector<16xi32>
          %broadcast_in_dim3A_770 = vector.shape_cast %max3A_28 : vector<16xi32> to vector<16x1xi32>
          %gather3A_771 = vector.shape_cast %broadcast_in_dim3A_770 : vector<16x1xi32> to vector<16xi32>
          %gather3A_772 = tpu.dynamic_gather %select_n3A_760[%gather3A_771] in [0] : vector<16xf32>, vector<16xi32> -> vector<16xf32>
          %max3A_773 = arith.maximumf %select_n3A_760, %gather3A_772 : vector<16xf32>
          %select_n3A_774 = arith.select %eq3A_769, %max3A_773, %select_n3A_760 : vector<16xi1>, vector<16xf32>
          %broadcast_in_dim3A_775 = vector.shape_cast %max3A_28 : vector<16xi32> to vector<16x1xi32>
          %gather3A_776 = vector.shape_cast %broadcast_in_dim3A_775 : vector<16x1xi32> to vector<16xi32>
          %gather3A_777 = tpu.dynamic_gather %select_n3A_765[%gather3A_776] in [0] : vector<16xf32>, vector<16xi32> -> vector<16xf32>
          %min3A_778 = arith.minimumf %select_n3A_765, %gather3A_777 : vector<16xf32>
          %select_n3A_779 = arith.select %eq3A_769, %min3A_778, %select_n3A_765 : vector<16xi1>, vector<16xf32>
          %broadcast_in_dim3A_780 = vector.shape_cast %max3A_34 : vector<16xi32> to vector<16x1xi32>
          %gather3A_781 = vector.shape_cast %broadcast_in_dim3A_780 : vector<16x1xi32> to vector<16xi32>
          %gather3A_782 = tpu.dynamic_gather %get3A_430[%gather3A_781] in [0] : vector<16xi32>, vector<16xi32> -> vector<16xi32>
          %eq3A_783 = arith.cmpi eq, %gather3A_782, %get3A_430 : vector<16xi32>
          %broadcast_in_dim3A_784 = vector.shape_cast %max3A_34 : vector<16xi32> to vector<16x1xi32>
          %gather3A_785 = vector.shape_cast %broadcast_in_dim3A_784 : vector<16x1xi32> to vector<16xi32>
          %gather3A_786 = tpu.dynamic_gather %select_n3A_774[%gather3A_785] in [0] : vector<16xf32>, vector<16xi32> -> vector<16xf32>
          %max3A_787 = arith.maximumf %select_n3A_774, %gather3A_786 : vector<16xf32>
          %select_n3A_788 = arith.select %eq3A_783, %max3A_787, %select_n3A_774 : vector<16xi1>, vector<16xf32>
          %broadcast_in_dim3A_789 = vector.shape_cast %max3A_34 : vector<16xi32> to vector<16x1xi32>
          %gather3A_790 = vector.shape_cast %broadcast_in_dim3A_789 : vector<16x1xi32> to vector<16xi32>
          %gather3A_791 = tpu.dynamic_gather %select_n3A_779[%gather3A_790] in [0] : vector<16xf32>, vector<16xi32> -> vector<16xf32>
          %min3A_792 = arith.minimumf %select_n3A_779, %gather3A_791 : vector<16xf32>
          %select_n3A_793 = arith.select %eq3A_783, %min3A_792, %select_n3A_779 : vector<16xi1>, vector<16xf32>
          %broadcast_in_dim3A_794 = vector.shape_cast %min3A_12 : vector<16xi32> to vector<16x1xi32>
          %gather3A_795 = vector.shape_cast %broadcast_in_dim3A_794 : vector<16x1xi32> to vector<16xi32>
          %gather3A_796 = tpu.dynamic_gather %get3A_430[%gather3A_795] in [0] : vector<16xi32>, vector<16xi32> -> vector<16xi32>
          %ne3A_797 = arith.cmpi ne, %get3A_430, %gather3A_796 : vector<16xi32>
          %or3A_798 = arith.ori %ne3A_797, %eq3A_7 : vector<16xi1>
          %gather3A_799 = tpu.vector_load_idx %arg19[%get3A_430] : memref<4096xf32, #tpu.memory_space<vmem>>[vector<16xi32>], vector<16xf32>,
          %gather3A_800 = tpu.vector_load_idx %arg20[%get3A_430] : memref<4096xf32, #tpu.memory_space<vmem>>[vector<16xi32>], vector<16xf32>,
          %max3A_801 = arith.maximumf %gather3A_799, %select_n3A_788 : vector<16xf32>
          tpu.vector_store_idx %arg19[%get3A_430], %max3A_801 masked %or3A_798 : memref<4096xf32, #tpu.memory_space<vmem>>[vector<16xi32>], vector<16xf32>, vector<16xi1>
          %min3A_802 = arith.minimumf %gather3A_800, %select_n3A_793 : vector<16xf32>
          tpu.vector_store_idx %arg20[%get3A_430], %min3A_802 masked %or3A_798 : memref<4096xf32, #tpu.memory_space<vmem>>[vector<16xi32>], vector<16xf32>, vector<16xi1>
          tpu.vector_store_idx %arg15[%get3A_450], %get3A_454 {add = true} : memref<4096xf32, #tpu.memory_space<vmem>>[vector<16xi32>], vector<16xf32>,
          tpu.vector_store_idx %arg16[%get3A_450], %get3A_458 {add = true} : memref<4096xf32, #tpu.memory_space<vmem>>[vector<16xi32>], vector<16xf32>,
          tpu.vector_store_idx %arg17[%get3A_450], %get3A_462 {add = true} : memref<4096xf32, #tpu.memory_space<vmem>>[vector<16xi32>], vector<16xf32>,
          tpu.vector_store_idx %arg18[%get3A_450], %broadcast_in_dim3A_5 {add = true} : memref<4096xf32, #tpu.memory_space<vmem>>[vector<16xi32>], vector<16xf32>,
          %broadcast_in_dim3A_803 = vector.shape_cast %max3A_16 : vector<16xi32> to vector<16x1xi32>
          %gather3A_804 = vector.shape_cast %broadcast_in_dim3A_803 : vector<16x1xi32> to vector<16xi32>
          %gather3A_805 = tpu.dynamic_gather %get3A_450[%gather3A_804] in [0] : vector<16xi32>, vector<16xi32> -> vector<16xi32>
          %eq3A_806 = arith.cmpi eq, %gather3A_805, %get3A_450 : vector<16xi32>
          %broadcast_in_dim3A_807 = vector.shape_cast %max3A_16 : vector<16xi32> to vector<16x1xi32>
          %gather3A_808 = vector.shape_cast %broadcast_in_dim3A_807 : vector<16x1xi32> to vector<16xi32>
          %gather3A_809 = tpu.dynamic_gather %get3A_462[%gather3A_808] in [0] : vector<16xf32>, vector<16xi32> -> vector<16xf32>
          %max3A_810 = arith.maximumf %get3A_462, %gather3A_809 : vector<16xf32>
          %select_n3A_811 = arith.select %eq3A_806, %max3A_810, %get3A_462 : vector<16xi1>, vector<16xf32>
          %broadcast_in_dim3A_812 = vector.shape_cast %max3A_16 : vector<16xi32> to vector<16x1xi32>
          %gather3A_813 = vector.shape_cast %broadcast_in_dim3A_812 : vector<16x1xi32> to vector<16xi32>
          %gather3A_814 = tpu.dynamic_gather %get3A_462[%gather3A_813] in [0] : vector<16xf32>, vector<16xi32> -> vector<16xf32>
          %min3A_815 = arith.minimumf %get3A_462, %gather3A_814 : vector<16xf32>
          %select_n3A_816 = arith.select %eq3A_806, %min3A_815, %get3A_462 : vector<16xi1>, vector<16xf32>
          %broadcast_in_dim3A_817 = vector.shape_cast %max3A_22 : vector<16xi32> to vector<16x1xi32>
          %gather3A_818 = vector.shape_cast %broadcast_in_dim3A_817 : vector<16x1xi32> to vector<16xi32>
          %gather3A_819 = tpu.dynamic_gather %get3A_450[%gather3A_818] in [0] : vector<16xi32>, vector<16xi32> -> vector<16xi32>
          %eq3A_820 = arith.cmpi eq, %gather3A_819, %get3A_450 : vector<16xi32>
          %broadcast_in_dim3A_821 = vector.shape_cast %max3A_22 : vector<16xi32> to vector<16x1xi32>
          %gather3A_822 = vector.shape_cast %broadcast_in_dim3A_821 : vector<16x1xi32> to vector<16xi32>
          %gather3A_823 = tpu.dynamic_gather %select_n3A_811[%gather3A_822] in [0] : vector<16xf32>, vector<16xi32> -> vector<16xf32>
          %max3A_824 = arith.maximumf %select_n3A_811, %gather3A_823 : vector<16xf32>
          %select_n3A_825 = arith.select %eq3A_820, %max3A_824, %select_n3A_811 : vector<16xi1>, vector<16xf32>
          %broadcast_in_dim3A_826 = vector.shape_cast %max3A_22 : vector<16xi32> to vector<16x1xi32>
          %gather3A_827 = vector.shape_cast %broadcast_in_dim3A_826 : vector<16x1xi32> to vector<16xi32>
          %gather3A_828 = tpu.dynamic_gather %select_n3A_816[%gather3A_827] in [0] : vector<16xf32>, vector<16xi32> -> vector<16xf32>
          %min3A_829 = arith.minimumf %select_n3A_816, %gather3A_828 : vector<16xf32>
          %select_n3A_830 = arith.select %eq3A_820, %min3A_829, %select_n3A_816 : vector<16xi1>, vector<16xf32>
          %broadcast_in_dim3A_831 = vector.shape_cast %max3A_28 : vector<16xi32> to vector<16x1xi32>
          %gather3A_832 = vector.shape_cast %broadcast_in_dim3A_831 : vector<16x1xi32> to vector<16xi32>
          %gather3A_833 = tpu.dynamic_gather %get3A_450[%gather3A_832] in [0] : vector<16xi32>, vector<16xi32> -> vector<16xi32>
          %eq3A_834 = arith.cmpi eq, %gather3A_833, %get3A_450 : vector<16xi32>
          %broadcast_in_dim3A_835 = vector.shape_cast %max3A_28 : vector<16xi32> to vector<16x1xi32>
          %gather3A_836 = vector.shape_cast %broadcast_in_dim3A_835 : vector<16x1xi32> to vector<16xi32>
          %gather3A_837 = tpu.dynamic_gather %select_n3A_825[%gather3A_836] in [0] : vector<16xf32>, vector<16xi32> -> vector<16xf32>
          %max3A_838 = arith.maximumf %select_n3A_825, %gather3A_837 : vector<16xf32>
          %select_n3A_839 = arith.select %eq3A_834, %max3A_838, %select_n3A_825 : vector<16xi1>, vector<16xf32>
          %broadcast_in_dim3A_840 = vector.shape_cast %max3A_28 : vector<16xi32> to vector<16x1xi32>
          %gather3A_841 = vector.shape_cast %broadcast_in_dim3A_840 : vector<16x1xi32> to vector<16xi32>
          %gather3A_842 = tpu.dynamic_gather %select_n3A_830[%gather3A_841] in [0] : vector<16xf32>, vector<16xi32> -> vector<16xf32>
          %min3A_843 = arith.minimumf %select_n3A_830, %gather3A_842 : vector<16xf32>
          %select_n3A_844 = arith.select %eq3A_834, %min3A_843, %select_n3A_830 : vector<16xi1>, vector<16xf32>
          %broadcast_in_dim3A_845 = vector.shape_cast %max3A_34 : vector<16xi32> to vector<16x1xi32>
          %gather3A_846 = vector.shape_cast %broadcast_in_dim3A_845 : vector<16x1xi32> to vector<16xi32>
          %gather3A_847 = tpu.dynamic_gather %get3A_450[%gather3A_846] in [0] : vector<16xi32>, vector<16xi32> -> vector<16xi32>
          %eq3A_848 = arith.cmpi eq, %gather3A_847, %get3A_450 : vector<16xi32>
          %broadcast_in_dim3A_849 = vector.shape_cast %max3A_34 : vector<16xi32> to vector<16x1xi32>
          %gather3A_850 = vector.shape_cast %broadcast_in_dim3A_849 : vector<16x1xi32> to vector<16xi32>
          %gather3A_851 = tpu.dynamic_gather %select_n3A_839[%gather3A_850] in [0] : vector<16xf32>, vector<16xi32> -> vector<16xf32>
          %max3A_852 = arith.maximumf %select_n3A_839, %gather3A_851 : vector<16xf32>
          %select_n3A_853 = arith.select %eq3A_848, %max3A_852, %select_n3A_839 : vector<16xi1>, vector<16xf32>
          %broadcast_in_dim3A_854 = vector.shape_cast %max3A_34 : vector<16xi32> to vector<16x1xi32>
          %gather3A_855 = vector.shape_cast %broadcast_in_dim3A_854 : vector<16x1xi32> to vector<16xi32>
          %gather3A_856 = tpu.dynamic_gather %select_n3A_844[%gather3A_855] in [0] : vector<16xf32>, vector<16xi32> -> vector<16xf32>
          %min3A_857 = arith.minimumf %select_n3A_844, %gather3A_856 : vector<16xf32>
          %select_n3A_858 = arith.select %eq3A_848, %min3A_857, %select_n3A_844 : vector<16xi1>, vector<16xf32>
          %broadcast_in_dim3A_859 = vector.shape_cast %min3A_12 : vector<16xi32> to vector<16x1xi32>
          %gather3A_860 = vector.shape_cast %broadcast_in_dim3A_859 : vector<16x1xi32> to vector<16xi32>
          %gather3A_861 = tpu.dynamic_gather %get3A_450[%gather3A_860] in [0] : vector<16xi32>, vector<16xi32> -> vector<16xi32>
          %ne3A_862 = arith.cmpi ne, %get3A_450, %gather3A_861 : vector<16xi32>
          %or3A_863 = arith.ori %ne3A_862, %eq3A_7 : vector<16xi1>
          %gather3A_864 = tpu.vector_load_idx %arg19[%get3A_450] : memref<4096xf32, #tpu.memory_space<vmem>>[vector<16xi32>], vector<16xf32>,
          %gather3A_865 = tpu.vector_load_idx %arg20[%get3A_450] : memref<4096xf32, #tpu.memory_space<vmem>>[vector<16xi32>], vector<16xf32>,
          %max3A_866 = arith.maximumf %gather3A_864, %select_n3A_853 : vector<16xf32>
          tpu.vector_store_idx %arg19[%get3A_450], %max3A_866 masked %or3A_863 : memref<4096xf32, #tpu.memory_space<vmem>>[vector<16xi32>], vector<16xf32>, vector<16xi1>
          %min3A_867 = arith.minimumf %gather3A_865, %select_n3A_858 : vector<16xf32>
          tpu.vector_store_idx %arg20[%get3A_450], %min3A_867 masked %or3A_863 : memref<4096xf32, #tpu.memory_space<vmem>>[vector<16xi32>], vector<16xf32>, vector<16xi1>
          tpu.vector_store_idx %arg15[%get3A_470], %get3A_474 {add = true} : memref<4096xf32, #tpu.memory_space<vmem>>[vector<16xi32>], vector<16xf32>,
          tpu.vector_store_idx %arg16[%get3A_470], %get3A_478 {add = true} : memref<4096xf32, #tpu.memory_space<vmem>>[vector<16xi32>], vector<16xf32>,
          tpu.vector_store_idx %arg17[%get3A_470], %get3A_482 {add = true} : memref<4096xf32, #tpu.memory_space<vmem>>[vector<16xi32>], vector<16xf32>,
          tpu.vector_store_idx %arg18[%get3A_470], %broadcast_in_dim3A_5 {add = true} : memref<4096xf32, #tpu.memory_space<vmem>>[vector<16xi32>], vector<16xf32>,
          %broadcast_in_dim3A_868 = vector.shape_cast %max3A_16 : vector<16xi32> to vector<16x1xi32>
          %gather3A_869 = vector.shape_cast %broadcast_in_dim3A_868 : vector<16x1xi32> to vector<16xi32>
          %gather3A_870 = tpu.dynamic_gather %get3A_470[%gather3A_869] in [0] : vector<16xi32>, vector<16xi32> -> vector<16xi32>
          %eq3A_871 = arith.cmpi eq, %gather3A_870, %get3A_470 : vector<16xi32>
          %broadcast_in_dim3A_872 = vector.shape_cast %max3A_16 : vector<16xi32> to vector<16x1xi32>
          %gather3A_873 = vector.shape_cast %broadcast_in_dim3A_872 : vector<16x1xi32> to vector<16xi32>
          %gather3A_874 = tpu.dynamic_gather %get3A_482[%gather3A_873] in [0] : vector<16xf32>, vector<16xi32> -> vector<16xf32>
          %max3A_875 = arith.maximumf %get3A_482, %gather3A_874 : vector<16xf32>
          %select_n3A_876 = arith.select %eq3A_871, %max3A_875, %get3A_482 : vector<16xi1>, vector<16xf32>
          %broadcast_in_dim3A_877 = vector.shape_cast %max3A_16 : vector<16xi32> to vector<16x1xi32>
          %gather3A_878 = vector.shape_cast %broadcast_in_dim3A_877 : vector<16x1xi32> to vector<16xi32>
          %gather3A_879 = tpu.dynamic_gather %get3A_482[%gather3A_878] in [0] : vector<16xf32>, vector<16xi32> -> vector<16xf32>
          %min3A_880 = arith.minimumf %get3A_482, %gather3A_879 : vector<16xf32>
          %select_n3A_881 = arith.select %eq3A_871, %min3A_880, %get3A_482 : vector<16xi1>, vector<16xf32>
          %broadcast_in_dim3A_882 = vector.shape_cast %max3A_22 : vector<16xi32> to vector<16x1xi32>
          %gather3A_883 = vector.shape_cast %broadcast_in_dim3A_882 : vector<16x1xi32> to vector<16xi32>
          %gather3A_884 = tpu.dynamic_gather %get3A_470[%gather3A_883] in [0] : vector<16xi32>, vector<16xi32> -> vector<16xi32>
          %eq3A_885 = arith.cmpi eq, %gather3A_884, %get3A_470 : vector<16xi32>
          %broadcast_in_dim3A_886 = vector.shape_cast %max3A_22 : vector<16xi32> to vector<16x1xi32>
          %gather3A_887 = vector.shape_cast %broadcast_in_dim3A_886 : vector<16x1xi32> to vector<16xi32>
          %gather3A_888 = tpu.dynamic_gather %select_n3A_876[%gather3A_887] in [0] : vector<16xf32>, vector<16xi32> -> vector<16xf32>
          %max3A_889 = arith.maximumf %select_n3A_876, %gather3A_888 : vector<16xf32>
          %select_n3A_890 = arith.select %eq3A_885, %max3A_889, %select_n3A_876 : vector<16xi1>, vector<16xf32>
          %broadcast_in_dim3A_891 = vector.shape_cast %max3A_22 : vector<16xi32> to vector<16x1xi32>
          %gather3A_892 = vector.shape_cast %broadcast_in_dim3A_891 : vector<16x1xi32> to vector<16xi32>
          %gather3A_893 = tpu.dynamic_gather %select_n3A_881[%gather3A_892] in [0] : vector<16xf32>, vector<16xi32> -> vector<16xf32>
          %min3A_894 = arith.minimumf %select_n3A_881, %gather3A_893 : vector<16xf32>
          %select_n3A_895 = arith.select %eq3A_885, %min3A_894, %select_n3A_881 : vector<16xi1>, vector<16xf32>
          %broadcast_in_dim3A_896 = vector.shape_cast %max3A_28 : vector<16xi32> to vector<16x1xi32>
          %gather3A_897 = vector.shape_cast %broadcast_in_dim3A_896 : vector<16x1xi32> to vector<16xi32>
          %gather3A_898 = tpu.dynamic_gather %get3A_470[%gather3A_897] in [0] : vector<16xi32>, vector<16xi32> -> vector<16xi32>
          %eq3A_899 = arith.cmpi eq, %gather3A_898, %get3A_470 : vector<16xi32>
          %broadcast_in_dim3A_900 = vector.shape_cast %max3A_28 : vector<16xi32> to vector<16x1xi32>
          %gather3A_901 = vector.shape_cast %broadcast_in_dim3A_900 : vector<16x1xi32> to vector<16xi32>
          %gather3A_902 = tpu.dynamic_gather %select_n3A_890[%gather3A_901] in [0] : vector<16xf32>, vector<16xi32> -> vector<16xf32>
          %max3A_903 = arith.maximumf %select_n3A_890, %gather3A_902 : vector<16xf32>
          %select_n3A_904 = arith.select %eq3A_899, %max3A_903, %select_n3A_890 : vector<16xi1>, vector<16xf32>
          %broadcast_in_dim3A_905 = vector.shape_cast %max3A_28 : vector<16xi32> to vector<16x1xi32>
          %gather3A_906 = vector.shape_cast %broadcast_in_dim3A_905 : vector<16x1xi32> to vector<16xi32>
          %gather3A_907 = tpu.dynamic_gather %select_n3A_895[%gather3A_906] in [0] : vector<16xf32>, vector<16xi32> -> vector<16xf32>
          %min3A_908 = arith.minimumf %select_n3A_895, %gather3A_907 : vector<16xf32>
          %select_n3A_909 = arith.select %eq3A_899, %min3A_908, %select_n3A_895 : vector<16xi1>, vector<16xf32>
          %broadcast_in_dim3A_910 = vector.shape_cast %max3A_34 : vector<16xi32> to vector<16x1xi32>
          %gather3A_911 = vector.shape_cast %broadcast_in_dim3A_910 : vector<16x1xi32> to vector<16xi32>
          %gather3A_912 = tpu.dynamic_gather %get3A_470[%gather3A_911] in [0] : vector<16xi32>, vector<16xi32> -> vector<16xi32>
          %eq3A_913 = arith.cmpi eq, %gather3A_912, %get3A_470 : vector<16xi32>
          %broadcast_in_dim3A_914 = vector.shape_cast %max3A_34 : vector<16xi32> to vector<16x1xi32>
          %gather3A_915 = vector.shape_cast %broadcast_in_dim3A_914 : vector<16x1xi32> to vector<16xi32>
          %gather3A_916 = tpu.dynamic_gather %select_n3A_904[%gather3A_915] in [0] : vector<16xf32>, vector<16xi32> -> vector<16xf32>
          %max3A_917 = arith.maximumf %select_n3A_904, %gather3A_916 : vector<16xf32>
          %select_n3A_918 = arith.select %eq3A_913, %max3A_917, %select_n3A_904 : vector<16xi1>, vector<16xf32>
          %broadcast_in_dim3A_919 = vector.shape_cast %max3A_34 : vector<16xi32> to vector<16x1xi32>
          %gather3A_920 = vector.shape_cast %broadcast_in_dim3A_919 : vector<16x1xi32> to vector<16xi32>
          %gather3A_921 = tpu.dynamic_gather %select_n3A_909[%gather3A_920] in [0] : vector<16xf32>, vector<16xi32> -> vector<16xf32>
          %min3A_922 = arith.minimumf %select_n3A_909, %gather3A_921 : vector<16xf32>
          %select_n3A_923 = arith.select %eq3A_913, %min3A_922, %select_n3A_909 : vector<16xi1>, vector<16xf32>
          %broadcast_in_dim3A_924 = vector.shape_cast %min3A_12 : vector<16xi32> to vector<16x1xi32>
          %gather3A_925 = vector.shape_cast %broadcast_in_dim3A_924 : vector<16x1xi32> to vector<16xi32>
          %gather3A_926 = tpu.dynamic_gather %get3A_470[%gather3A_925] in [0] : vector<16xi32>, vector<16xi32> -> vector<16xi32>
          %ne3A_927 = arith.cmpi ne, %get3A_470, %gather3A_926 : vector<16xi32>
          %or3A_928 = arith.ori %ne3A_927, %eq3A_7 : vector<16xi1>
          %gather3A_929 = tpu.vector_load_idx %arg19[%get3A_470] : memref<4096xf32, #tpu.memory_space<vmem>>[vector<16xi32>], vector<16xf32>,
          %gather3A_930 = tpu.vector_load_idx %arg20[%get3A_470] : memref<4096xf32, #tpu.memory_space<vmem>>[vector<16xi32>], vector<16xf32>,
          %max3A_931 = arith.maximumf %gather3A_929, %select_n3A_918 : vector<16xf32>
          tpu.vector_store_idx %arg19[%get3A_470], %max3A_931 masked %or3A_928 : memref<4096xf32, #tpu.memory_space<vmem>>[vector<16xi32>], vector<16xf32>, vector<16xi1>
          %min3A_932 = arith.minimumf %gather3A_930, %select_n3A_923 : vector<16xf32>
          tpu.vector_store_idx %arg20[%get3A_470], %min3A_932 masked %or3A_928 : memref<4096xf32, #tpu.memory_space<vmem>>[vector<16xi32>], vector<16xf32>, vector<16xi1>
          tpu.vector_store_idx %arg15[%get3A_490], %get3A_494 {add = true} : memref<4096xf32, #tpu.memory_space<vmem>>[vector<16xi32>], vector<16xf32>,
          tpu.vector_store_idx %arg16[%get3A_490], %get3A_498 {add = true} : memref<4096xf32, #tpu.memory_space<vmem>>[vector<16xi32>], vector<16xf32>,
          tpu.vector_store_idx %arg17[%get3A_490], %get3A_502 {add = true} : memref<4096xf32, #tpu.memory_space<vmem>>[vector<16xi32>], vector<16xf32>,
          tpu.vector_store_idx %arg18[%get3A_490], %broadcast_in_dim3A_5 {add = true} : memref<4096xf32, #tpu.memory_space<vmem>>[vector<16xi32>], vector<16xf32>,
          %broadcast_in_dim3A_933 = vector.shape_cast %max3A_16 : vector<16xi32> to vector<16x1xi32>
          %gather3A_934 = vector.shape_cast %broadcast_in_dim3A_933 : vector<16x1xi32> to vector<16xi32>
          %gather3A_935 = tpu.dynamic_gather %get3A_490[%gather3A_934] in [0] : vector<16xi32>, vector<16xi32> -> vector<16xi32>
          %eq3A_936 = arith.cmpi eq, %gather3A_935, %get3A_490 : vector<16xi32>
          %broadcast_in_dim3A_937 = vector.shape_cast %max3A_16 : vector<16xi32> to vector<16x1xi32>
          %gather3A_938 = vector.shape_cast %broadcast_in_dim3A_937 : vector<16x1xi32> to vector<16xi32>
          %gather3A_939 = tpu.dynamic_gather %get3A_502[%gather3A_938] in [0] : vector<16xf32>, vector<16xi32> -> vector<16xf32>
          %max3A_940 = arith.maximumf %get3A_502, %gather3A_939 : vector<16xf32>
          %select_n3A_941 = arith.select %eq3A_936, %max3A_940, %get3A_502 : vector<16xi1>, vector<16xf32>
          %broadcast_in_dim3A_942 = vector.shape_cast %max3A_16 : vector<16xi32> to vector<16x1xi32>
          %gather3A_943 = vector.shape_cast %broadcast_in_dim3A_942 : vector<16x1xi32> to vector<16xi32>
          %gather3A_944 = tpu.dynamic_gather %get3A_502[%gather3A_943] in [0] : vector<16xf32>, vector<16xi32> -> vector<16xf32>
          %min3A_945 = arith.minimumf %get3A_502, %gather3A_944 : vector<16xf32>
          %select_n3A_946 = arith.select %eq3A_936, %min3A_945, %get3A_502 : vector<16xi1>, vector<16xf32>
          %broadcast_in_dim3A_947 = vector.shape_cast %max3A_22 : vector<16xi32> to vector<16x1xi32>
          %gather3A_948 = vector.shape_cast %broadcast_in_dim3A_947 : vector<16x1xi32> to vector<16xi32>
          %gather3A_949 = tpu.dynamic_gather %get3A_490[%gather3A_948] in [0] : vector<16xi32>, vector<16xi32> -> vector<16xi32>
          %eq3A_950 = arith.cmpi eq, %gather3A_949, %get3A_490 : vector<16xi32>
          %broadcast_in_dim3A_951 = vector.shape_cast %max3A_22 : vector<16xi32> to vector<16x1xi32>
          %gather3A_952 = vector.shape_cast %broadcast_in_dim3A_951 : vector<16x1xi32> to vector<16xi32>
          %gather3A_953 = tpu.dynamic_gather %select_n3A_941[%gather3A_952] in [0] : vector<16xf32>, vector<16xi32> -> vector<16xf32>
          %max3A_954 = arith.maximumf %select_n3A_941, %gather3A_953 : vector<16xf32>
          %select_n3A_955 = arith.select %eq3A_950, %max3A_954, %select_n3A_941 : vector<16xi1>, vector<16xf32>
          %broadcast_in_dim3A_956 = vector.shape_cast %max3A_22 : vector<16xi32> to vector<16x1xi32>
          %gather3A_957 = vector.shape_cast %broadcast_in_dim3A_956 : vector<16x1xi32> to vector<16xi32>
          %gather3A_958 = tpu.dynamic_gather %select_n3A_946[%gather3A_957] in [0] : vector<16xf32>, vector<16xi32> -> vector<16xf32>
          %min3A_959 = arith.minimumf %select_n3A_946, %gather3A_958 : vector<16xf32>
          %select_n3A_960 = arith.select %eq3A_950, %min3A_959, %select_n3A_946 : vector<16xi1>, vector<16xf32>
          %broadcast_in_dim3A_961 = vector.shape_cast %max3A_28 : vector<16xi32> to vector<16x1xi32>
          %gather3A_962 = vector.shape_cast %broadcast_in_dim3A_961 : vector<16x1xi32> to vector<16xi32>
          %gather3A_963 = tpu.dynamic_gather %get3A_490[%gather3A_962] in [0] : vector<16xi32>, vector<16xi32> -> vector<16xi32>
          %eq3A_964 = arith.cmpi eq, %gather3A_963, %get3A_490 : vector<16xi32>
          %broadcast_in_dim3A_965 = vector.shape_cast %max3A_28 : vector<16xi32> to vector<16x1xi32>
          %gather3A_966 = vector.shape_cast %broadcast_in_dim3A_965 : vector<16x1xi32> to vector<16xi32>
          %gather3A_967 = tpu.dynamic_gather %select_n3A_955[%gather3A_966] in [0] : vector<16xf32>, vector<16xi32> -> vector<16xf32>
          %max3A_968 = arith.maximumf %select_n3A_955, %gather3A_967 : vector<16xf32>
          %select_n3A_969 = arith.select %eq3A_964, %max3A_968, %select_n3A_955 : vector<16xi1>, vector<16xf32>
          %broadcast_in_dim3A_970 = vector.shape_cast %max3A_28 : vector<16xi32> to vector<16x1xi32>
          %gather3A_971 = vector.shape_cast %broadcast_in_dim3A_970 : vector<16x1xi32> to vector<16xi32>
          %gather3A_972 = tpu.dynamic_gather %select_n3A_960[%gather3A_971] in [0] : vector<16xf32>, vector<16xi32> -> vector<16xf32>
          %min3A_973 = arith.minimumf %select_n3A_960, %gather3A_972 : vector<16xf32>
          %select_n3A_974 = arith.select %eq3A_964, %min3A_973, %select_n3A_960 : vector<16xi1>, vector<16xf32>
          %broadcast_in_dim3A_975 = vector.shape_cast %max3A_34 : vector<16xi32> to vector<16x1xi32>
          %gather3A_976 = vector.shape_cast %broadcast_in_dim3A_975 : vector<16x1xi32> to vector<16xi32>
          %gather3A_977 = tpu.dynamic_gather %get3A_490[%gather3A_976] in [0] : vector<16xi32>, vector<16xi32> -> vector<16xi32>
          %eq3A_978 = arith.cmpi eq, %gather3A_977, %get3A_490 : vector<16xi32>
          %broadcast_in_dim3A_979 = vector.shape_cast %max3A_34 : vector<16xi32> to vector<16x1xi32>
          %gather3A_980 = vector.shape_cast %broadcast_in_dim3A_979 : vector<16x1xi32> to vector<16xi32>
          %gather3A_981 = tpu.dynamic_gather %select_n3A_969[%gather3A_980] in [0] : vector<16xf32>, vector<16xi32> -> vector<16xf32>
          %max3A_982 = arith.maximumf %select_n3A_969, %gather3A_981 : vector<16xf32>
          %select_n3A_983 = arith.select %eq3A_978, %max3A_982, %select_n3A_969 : vector<16xi1>, vector<16xf32>
          %broadcast_in_dim3A_984 = vector.shape_cast %max3A_34 : vector<16xi32> to vector<16x1xi32>
          %gather3A_985 = vector.shape_cast %broadcast_in_dim3A_984 : vector<16x1xi32> to vector<16xi32>
          %gather3A_986 = tpu.dynamic_gather %select_n3A_974[%gather3A_985] in [0] : vector<16xf32>, vector<16xi32> -> vector<16xf32>
          %min3A_987 = arith.minimumf %select_n3A_974, %gather3A_986 : vector<16xf32>
          %select_n3A_988 = arith.select %eq3A_978, %min3A_987, %select_n3A_974 : vector<16xi1>, vector<16xf32>
          %broadcast_in_dim3A_989 = vector.shape_cast %min3A_12 : vector<16xi32> to vector<16x1xi32>
          %gather3A_990 = vector.shape_cast %broadcast_in_dim3A_989 : vector<16x1xi32> to vector<16xi32>
          %gather3A_991 = tpu.dynamic_gather %get3A_490[%gather3A_990] in [0] : vector<16xi32>, vector<16xi32> -> vector<16xi32>
          %ne3A_992 = arith.cmpi ne, %get3A_490, %gather3A_991 : vector<16xi32>
          %or3A_993 = arith.ori %ne3A_992, %eq3A_7 : vector<16xi1>
          %gather3A_994 = tpu.vector_load_idx %arg19[%get3A_490] : memref<4096xf32, #tpu.memory_space<vmem>>[vector<16xi32>], vector<16xf32>,
          %gather3A_995 = tpu.vector_load_idx %arg20[%get3A_490] : memref<4096xf32, #tpu.memory_space<vmem>>[vector<16xi32>], vector<16xf32>,
          %max3A_996 = arith.maximumf %gather3A_994, %select_n3A_983 : vector<16xf32>
          tpu.vector_store_idx %arg19[%get3A_490], %max3A_996 masked %or3A_993 : memref<4096xf32, #tpu.memory_space<vmem>>[vector<16xi32>], vector<16xf32>, vector<16xi1>
          %min3A_997 = arith.minimumf %gather3A_995, %select_n3A_988 : vector<16xf32>
          tpu.vector_store_idx %arg20[%get3A_490], %min3A_997 masked %or3A_993 : memref<4096xf32, #tpu.memory_space<vmem>>[vector<16xi32>], vector<16xf32>, vector<16xi1>
          tpu.vector_store_idx %arg15[%get3A_510], %get3A_514 {add = true} : memref<4096xf32, #tpu.memory_space<vmem>>[vector<16xi32>], vector<16xf32>,
          tpu.vector_store_idx %arg16[%get3A_510], %get3A_518 {add = true} : memref<4096xf32, #tpu.memory_space<vmem>>[vector<16xi32>], vector<16xf32>,
          tpu.vector_store_idx %arg17[%get3A_510], %get3A_522 {add = true} : memref<4096xf32, #tpu.memory_space<vmem>>[vector<16xi32>], vector<16xf32>,
          tpu.vector_store_idx %arg18[%get3A_510], %broadcast_in_dim3A_5 {add = true} : memref<4096xf32, #tpu.memory_space<vmem>>[vector<16xi32>], vector<16xf32>,
          %broadcast_in_dim3A_998 = vector.shape_cast %max3A_16 : vector<16xi32> to vector<16x1xi32>
          %gather3A_999 = vector.shape_cast %broadcast_in_dim3A_998 : vector<16x1xi32> to vector<16xi32>
          %gather3A_1000 = tpu.dynamic_gather %get3A_510[%gather3A_999] in [0] : vector<16xi32>, vector<16xi32> -> vector<16xi32>
          %eq3A_1001 = arith.cmpi eq, %gather3A_1000, %get3A_510 : vector<16xi32>
          %broadcast_in_dim3A_1002 = vector.shape_cast %max3A_16 : vector<16xi32> to vector<16x1xi32>
          %gather3A_1003 = vector.shape_cast %broadcast_in_dim3A_1002 : vector<16x1xi32> to vector<16xi32>
          %gather3A_1004 = tpu.dynamic_gather %get3A_522[%gather3A_1003] in [0] : vector<16xf32>, vector<16xi32> -> vector<16xf32>
          %max3A_1005 = arith.maximumf %get3A_522, %gather3A_1004 : vector<16xf32>
          %select_n3A_1006 = arith.select %eq3A_1001, %max3A_1005, %get3A_522 : vector<16xi1>, vector<16xf32>
          %broadcast_in_dim3A_1007 = vector.shape_cast %max3A_16 : vector<16xi32> to vector<16x1xi32>
          %gather3A_1008 = vector.shape_cast %broadcast_in_dim3A_1007 : vector<16x1xi32> to vector<16xi32>
          %gather3A_1009 = tpu.dynamic_gather %get3A_522[%gather3A_1008] in [0] : vector<16xf32>, vector<16xi32> -> vector<16xf32>
          %min3A_1010 = arith.minimumf %get3A_522, %gather3A_1009 : vector<16xf32>
          %select_n3A_1011 = arith.select %eq3A_1001, %min3A_1010, %get3A_522 : vector<16xi1>, vector<16xf32>
          %broadcast_in_dim3A_1012 = vector.shape_cast %max3A_22 : vector<16xi32> to vector<16x1xi32>
          %gather3A_1013 = vector.shape_cast %broadcast_in_dim3A_1012 : vector<16x1xi32> to vector<16xi32>
          %gather3A_1014 = tpu.dynamic_gather %get3A_510[%gather3A_1013] in [0] : vector<16xi32>, vector<16xi32> -> vector<16xi32>
          %eq3A_1015 = arith.cmpi eq, %gather3A_1014, %get3A_510 : vector<16xi32>
          %broadcast_in_dim3A_1016 = vector.shape_cast %max3A_22 : vector<16xi32> to vector<16x1xi32>
          %gather3A_1017 = vector.shape_cast %broadcast_in_dim3A_1016 : vector<16x1xi32> to vector<16xi32>
          %gather3A_1018 = tpu.dynamic_gather %select_n3A_1006[%gather3A_1017] in [0] : vector<16xf32>, vector<16xi32> -> vector<16xf32>
          %max3A_1019 = arith.maximumf %select_n3A_1006, %gather3A_1018 : vector<16xf32>
          %select_n3A_1020 = arith.select %eq3A_1015, %max3A_1019, %select_n3A_1006 : vector<16xi1>, vector<16xf32>
          %broadcast_in_dim3A_1021 = vector.shape_cast %max3A_22 : vector<16xi32> to vector<16x1xi32>
          %gather3A_1022 = vector.shape_cast %broadcast_in_dim3A_1021 : vector<16x1xi32> to vector<16xi32>
          %gather3A_1023 = tpu.dynamic_gather %select_n3A_1011[%gather3A_1022] in [0] : vector<16xf32>, vector<16xi32> -> vector<16xf32>
          %min3A_1024 = arith.minimumf %select_n3A_1011, %gather3A_1023 : vector<16xf32>
          %select_n3A_1025 = arith.select %eq3A_1015, %min3A_1024, %select_n3A_1011 : vector<16xi1>, vector<16xf32>
          %broadcast_in_dim3A_1026 = vector.shape_cast %max3A_28 : vector<16xi32> to vector<16x1xi32>
          %gather3A_1027 = vector.shape_cast %broadcast_in_dim3A_1026 : vector<16x1xi32> to vector<16xi32>
          %gather3A_1028 = tpu.dynamic_gather %get3A_510[%gather3A_1027] in [0] : vector<16xi32>, vector<16xi32> -> vector<16xi32>
          %eq3A_1029 = arith.cmpi eq, %gather3A_1028, %get3A_510 : vector<16xi32>
          %broadcast_in_dim3A_1030 = vector.shape_cast %max3A_28 : vector<16xi32> to vector<16x1xi32>
          %gather3A_1031 = vector.shape_cast %broadcast_in_dim3A_1030 : vector<16x1xi32> to vector<16xi32>
          %gather3A_1032 = tpu.dynamic_gather %select_n3A_1020[%gather3A_1031] in [0] : vector<16xf32>, vector<16xi32> -> vector<16xf32>
          %max3A_1033 = arith.maximumf %select_n3A_1020, %gather3A_1032 : vector<16xf32>
          %select_n3A_1034 = arith.select %eq3A_1029, %max3A_1033, %select_n3A_1020 : vector<16xi1>, vector<16xf32>
          %broadcast_in_dim3A_1035 = vector.shape_cast %max3A_28 : vector<16xi32> to vector<16x1xi32>
          %gather3A_1036 = vector.shape_cast %broadcast_in_dim3A_1035 : vector<16x1xi32> to vector<16xi32>
          %gather3A_1037 = tpu.dynamic_gather %select_n3A_1025[%gather3A_1036] in [0] : vector<16xf32>, vector<16xi32> -> vector<16xf32>
          %min3A_1038 = arith.minimumf %select_n3A_1025, %gather3A_1037 : vector<16xf32>
          %select_n3A_1039 = arith.select %eq3A_1029, %min3A_1038, %select_n3A_1025 : vector<16xi1>, vector<16xf32>
          %broadcast_in_dim3A_1040 = vector.shape_cast %max3A_34 : vector<16xi32> to vector<16x1xi32>
          %gather3A_1041 = vector.shape_cast %broadcast_in_dim3A_1040 : vector<16x1xi32> to vector<16xi32>
          %gather3A_1042 = tpu.dynamic_gather %get3A_510[%gather3A_1041] in [0] : vector<16xi32>, vector<16xi32> -> vector<16xi32>
          %eq3A_1043 = arith.cmpi eq, %gather3A_1042, %get3A_510 : vector<16xi32>
          %broadcast_in_dim3A_1044 = vector.shape_cast %max3A_34 : vector<16xi32> to vector<16x1xi32>
          %gather3A_1045 = vector.shape_cast %broadcast_in_dim3A_1044 : vector<16x1xi32> to vector<16xi32>
          %gather3A_1046 = tpu.dynamic_gather %select_n3A_1034[%gather3A_1045] in [0] : vector<16xf32>, vector<16xi32> -> vector<16xf32>
          %max3A_1047 = arith.maximumf %select_n3A_1034, %gather3A_1046 : vector<16xf32>
          %select_n3A_1048 = arith.select %eq3A_1043, %max3A_1047, %select_n3A_1034 : vector<16xi1>, vector<16xf32>
          %broadcast_in_dim3A_1049 = vector.shape_cast %max3A_34 : vector<16xi32> to vector<16x1xi32>
          %gather3A_1050 = vector.shape_cast %broadcast_in_dim3A_1049 : vector<16x1xi32> to vector<16xi32>
          %gather3A_1051 = tpu.dynamic_gather %select_n3A_1039[%gather3A_1050] in [0] : vector<16xf32>, vector<16xi32> -> vector<16xf32>
          %min3A_1052 = arith.minimumf %select_n3A_1039, %gather3A_1051 : vector<16xf32>
          %select_n3A_1053 = arith.select %eq3A_1043, %min3A_1052, %select_n3A_1039 : vector<16xi1>, vector<16xf32>
          %broadcast_in_dim3A_1054 = vector.shape_cast %min3A_12 : vector<16xi32> to vector<16x1xi32>
          %gather3A_1055 = vector.shape_cast %broadcast_in_dim3A_1054 : vector<16x1xi32> to vector<16xi32>
          %gather3A_1056 = tpu.dynamic_gather %get3A_510[%gather3A_1055] in [0] : vector<16xi32>, vector<16xi32> -> vector<16xi32>
          %ne3A_1057 = arith.cmpi ne, %get3A_510, %gather3A_1056 : vector<16xi32>
          %or3A_1058 = arith.ori %ne3A_1057, %eq3A_7 : vector<16xi1>
          %gather3A_1059 = tpu.vector_load_idx %arg19[%get3A_510] : memref<4096xf32, #tpu.memory_space<vmem>>[vector<16xi32>], vector<16xf32>,
          %gather3A_1060 = tpu.vector_load_idx %arg20[%get3A_510] : memref<4096xf32, #tpu.memory_space<vmem>>[vector<16xi32>], vector<16xf32>,
          %max3A_1061 = arith.maximumf %gather3A_1059, %select_n3A_1048 : vector<16xf32>
          tpu.vector_store_idx %arg19[%get3A_510], %max3A_1061 masked %or3A_1058 : memref<4096xf32, #tpu.memory_space<vmem>>[vector<16xi32>], vector<16xf32>, vector<16xi1>
          %min3A_1062 = arith.minimumf %gather3A_1060, %select_n3A_1053 : vector<16xf32>
          tpu.vector_store_idx %arg20[%get3A_510], %min3A_1062 masked %or3A_1058 : memref<4096xf32, #tpu.memory_space<vmem>>[vector<16xi32>], vector<16xf32>, vector<16xi1>
        } else {
        }
      }
      %scan3A_276 = arith.constant 78 : i32
      %get3A_277 = arith.constant 9984 : index
      %get3A_278 = tpu.vector_load %arg8[%get3A_277] {strides = array<i32>} : memref<10000xi32, #tpu.memory_space<vmem>>, vector<16xi32>,
      %get3A_279 = arith.constant 9984 : index
      %get3A_280 = tpu.vector_load %arg10[%get3A_279] {strides = array<i32>} : memref<10000xf32, #tpu.memory_space<vmem>>, vector<16xf32>,
      %get3A_281 = arith.constant 9984 : index
      %get3A_282 = tpu.vector_load %arg12[%get3A_281] {strides = array<i32>} : memref<10000xf32, #tpu.memory_space<vmem>>, vector<16xf32>,
      %get3A_283 = arith.constant 9984 : index
      %get3A_284 = tpu.vector_load %arg14[%get3A_283] {strides = array<i32>} : memref<10000xf32, #tpu.memory_space<vmem>>, vector<16xf32>,
      tpu.vector_store_idx %arg15[%get3A_278], %get3A_280 {add = true} : memref<4096xf32, #tpu.memory_space<vmem>>[vector<16xi32>], vector<16xf32>,
      tpu.vector_store_idx %arg16[%get3A_278], %get3A_282 {add = true} : memref<4096xf32, #tpu.memory_space<vmem>>[vector<16xi32>], vector<16xf32>,
      tpu.vector_store_idx %arg17[%get3A_278], %get3A_284 {add = true} : memref<4096xf32, #tpu.memory_space<vmem>>[vector<16xi32>], vector<16xf32>,
      tpu.vector_store_idx %arg18[%get3A_278], %broadcast_in_dim3A_5 {add = true} : memref<4096xf32, #tpu.memory_space<vmem>>[vector<16xi32>], vector<16xf32>,
      %broadcast_in_dim3A_285 = vector.shape_cast %max3A_16 : vector<16xi32> to vector<16x1xi32>
      %gather3A_286 = vector.shape_cast %broadcast_in_dim3A_285 : vector<16x1xi32> to vector<16xi32>
      %gather3A_287 = tpu.dynamic_gather %get3A_278[%gather3A_286] in [0] : vector<16xi32>, vector<16xi32> -> vector<16xi32>
      %eq3A_288 = arith.cmpi eq, %gather3A_287, %get3A_278 : vector<16xi32>
      %broadcast_in_dim3A_289 = vector.shape_cast %max3A_16 : vector<16xi32> to vector<16x1xi32>
      %gather3A_290 = vector.shape_cast %broadcast_in_dim3A_289 : vector<16x1xi32> to vector<16xi32>
      %gather3A_291 = tpu.dynamic_gather %get3A_284[%gather3A_290] in [0] : vector<16xf32>, vector<16xi32> -> vector<16xf32>
      %max3A_292 = arith.maximumf %get3A_284, %gather3A_291 : vector<16xf32>
      %select_n3A_293 = arith.select %eq3A_288, %max3A_292, %get3A_284 : vector<16xi1>, vector<16xf32>
      %broadcast_in_dim3A_294 = vector.shape_cast %max3A_16 : vector<16xi32> to vector<16x1xi32>
      %gather3A_295 = vector.shape_cast %broadcast_in_dim3A_294 : vector<16x1xi32> to vector<16xi32>
      %gather3A_296 = tpu.dynamic_gather %get3A_284[%gather3A_295] in [0] : vector<16xf32>, vector<16xi32> -> vector<16xf32>
      %min3A_297 = arith.minimumf %get3A_284, %gather3A_296 : vector<16xf32>
      %select_n3A_298 = arith.select %eq3A_288, %min3A_297, %get3A_284 : vector<16xi1>, vector<16xf32>
      %broadcast_in_dim3A_299 = vector.shape_cast %max3A_22 : vector<16xi32> to vector<16x1xi32>
      %gather3A_300 = vector.shape_cast %broadcast_in_dim3A_299 : vector<16x1xi32> to vector<16xi32>
      %gather3A_301 = tpu.dynamic_gather %get3A_278[%gather3A_300] in [0] : vector<16xi32>, vector<16xi32> -> vector<16xi32>
      %eq3A_302 = arith.cmpi eq, %gather3A_301, %get3A_278 : vector<16xi32>
      %broadcast_in_dim3A_303 = vector.shape_cast %max3A_22 : vector<16xi32> to vector<16x1xi32>
      %gather3A_304 = vector.shape_cast %broadcast_in_dim3A_303 : vector<16x1xi32> to vector<16xi32>
      %gather3A_305 = tpu.dynamic_gather %select_n3A_293[%gather3A_304] in [0] : vector<16xf32>, vector<16xi32> -> vector<16xf32>
      %max3A_306 = arith.maximumf %select_n3A_293, %gather3A_305 : vector<16xf32>
      %select_n3A_307 = arith.select %eq3A_302, %max3A_306, %select_n3A_293 : vector<16xi1>, vector<16xf32>
      %broadcast_in_dim3A_308 = vector.shape_cast %max3A_22 : vector<16xi32> to vector<16x1xi32>
      %gather3A_309 = vector.shape_cast %broadcast_in_dim3A_308 : vector<16x1xi32> to vector<16xi32>
      %gather3A_310 = tpu.dynamic_gather %select_n3A_298[%gather3A_309] in [0] : vector<16xf32>, vector<16xi32> -> vector<16xf32>
      %min3A_311 = arith.minimumf %select_n3A_298, %gather3A_310 : vector<16xf32>
      %select_n3A_312 = arith.select %eq3A_302, %min3A_311, %select_n3A_298 : vector<16xi1>, vector<16xf32>
      %broadcast_in_dim3A_313 = vector.shape_cast %max3A_28 : vector<16xi32> to vector<16x1xi32>
      %gather3A_314 = vector.shape_cast %broadcast_in_dim3A_313 : vector<16x1xi32> to vector<16xi32>
      %gather3A_315 = tpu.dynamic_gather %get3A_278[%gather3A_314] in [0] : vector<16xi32>, vector<16xi32> -> vector<16xi32>
      %eq3A_316 = arith.cmpi eq, %gather3A_315, %get3A_278 : vector<16xi32>
      %broadcast_in_dim3A_317 = vector.shape_cast %max3A_28 : vector<16xi32> to vector<16x1xi32>
      %gather3A_318 = vector.shape_cast %broadcast_in_dim3A_317 : vector<16x1xi32> to vector<16xi32>
      %gather3A_319 = tpu.dynamic_gather %select_n3A_307[%gather3A_318] in [0] : vector<16xf32>, vector<16xi32> -> vector<16xf32>
      %max3A_320 = arith.maximumf %select_n3A_307, %gather3A_319 : vector<16xf32>
      %select_n3A_321 = arith.select %eq3A_316, %max3A_320, %select_n3A_307 : vector<16xi1>, vector<16xf32>
      %broadcast_in_dim3A_322 = vector.shape_cast %max3A_28 : vector<16xi32> to vector<16x1xi32>
      %gather3A_323 = vector.shape_cast %broadcast_in_dim3A_322 : vector<16x1xi32> to vector<16xi32>
      %gather3A_324 = tpu.dynamic_gather %select_n3A_312[%gather3A_323] in [0] : vector<16xf32>, vector<16xi32> -> vector<16xf32>
      %min3A_325 = arith.minimumf %select_n3A_312, %gather3A_324 : vector<16xf32>
      %select_n3A_326 = arith.select %eq3A_316, %min3A_325, %select_n3A_312 : vector<16xi1>, vector<16xf32>
      %broadcast_in_dim3A_327 = vector.shape_cast %max3A_34 : vector<16xi32> to vector<16x1xi32>
      %gather3A_328 = vector.shape_cast %broadcast_in_dim3A_327 : vector<16x1xi32> to vector<16xi32>
      %gather3A_329 = tpu.dynamic_gather %get3A_278[%gather3A_328] in [0] : vector<16xi32>, vector<16xi32> -> vector<16xi32>
      %eq3A_330 = arith.cmpi eq, %gather3A_329, %get3A_278 : vector<16xi32>
      %broadcast_in_dim3A_331 = vector.shape_cast %max3A_34 : vector<16xi32> to vector<16x1xi32>
      %gather3A_332 = vector.shape_cast %broadcast_in_dim3A_331 : vector<16x1xi32> to vector<16xi32>
      %gather3A_333 = tpu.dynamic_gather %select_n3A_321[%gather3A_332] in [0] : vector<16xf32>, vector<16xi32> -> vector<16xf32>
      %max3A_334 = arith.maximumf %select_n3A_321, %gather3A_333 : vector<16xf32>
      %select_n3A_335 = arith.select %eq3A_330, %max3A_334, %select_n3A_321 : vector<16xi1>, vector<16xf32>
      %broadcast_in_dim3A_336 = vector.shape_cast %max3A_34 : vector<16xi32> to vector<16x1xi32>
      %gather3A_337 = vector.shape_cast %broadcast_in_dim3A_336 : vector<16x1xi32> to vector<16xi32>
      %gather3A_338 = tpu.dynamic_gather %select_n3A_326[%gather3A_337] in [0] : vector<16xf32>, vector<16xi32> -> vector<16xf32>
      %min3A_339 = arith.minimumf %select_n3A_326, %gather3A_338 : vector<16xf32>
      %select_n3A_340 = arith.select %eq3A_330, %min3A_339, %select_n3A_326 : vector<16xi1>, vector<16xf32>
      %broadcast_in_dim3A_341 = vector.shape_cast %min3A_12 : vector<16xi32> to vector<16x1xi32>
      %gather3A_342 = vector.shape_cast %broadcast_in_dim3A_341 : vector<16x1xi32> to vector<16xi32>
      %gather3A_343 = tpu.dynamic_gather %get3A_278[%gather3A_342] in [0] : vector<16xi32>, vector<16xi32> -> vector<16xi32>
      %ne3A_344 = arith.cmpi ne, %get3A_278, %gather3A_343 : vector<16xi32>
      %or3A_345 = arith.ori %ne3A_344, %eq3A_7 : vector<16xi1>
      %gather3A_346 = tpu.vector_load_idx %arg19[%get3A_278] : memref<4096xf32, #tpu.memory_space<vmem>>[vector<16xi32>], vector<16xf32>,
      %gather3A_347 = tpu.vector_load_idx %arg20[%get3A_278] : memref<4096xf32, #tpu.memory_space<vmem>>[vector<16xi32>], vector<16xf32>,
      %max3A_348 = arith.maximumf %gather3A_346, %select_n3A_335 : vector<16xf32>
      tpu.vector_store_idx %arg19[%get3A_278], %max3A_348 masked %or3A_345 : memref<4096xf32, #tpu.memory_space<vmem>>[vector<16xi32>], vector<16xf32>, vector<16xi1>
      %min3A_349 = arith.minimumf %gather3A_347, %select_n3A_340 : vector<16xf32>
      tpu.vector_store_idx %arg20[%get3A_278], %min3A_349 masked %or3A_345 : memref<4096xf32, #tpu.memory_space<vmem>>[vector<16xi32>], vector<16xf32>, vector<16xi1>
      %dma_wait3A_350 = tpu.memref_slice %arg2[%add3A_255] : memref<1600000xi32, #tpu.memory_space<hbm>> -> memref<10000xi32, #tpu.memory_space<hbm>>
      %dma_wait3A_351 = tpu.memref_slice %arg2[%add3A_255] : memref<1600000xi32, #tpu.memory_space<hbm>> -> memref<10000xi32, #tpu.memory_space<hbm>>
      tpu.wait_dma2 semaphore(%arg21 : memref<!tpu.dma_semaphore, #tpu.memory_space<semaphore_mem>>) src(%dma_wait3A_351 : memref<10000xi32, #tpu.memory_space<hbm>>) dst(%arg7 : memref<10000xi32, #tpu.memory_space<vmem>>)
      %dma_wait3A_352 = tpu.memref_slice %arg3[%add3A_255] : memref<1600000xf32, #tpu.memory_space<hbm>> -> memref<10000xf32, #tpu.memory_space<hbm>>
      %dma_wait3A_353 = tpu.memref_slice %arg3[%add3A_255] : memref<1600000xf32, #tpu.memory_space<hbm>> -> memref<10000xf32, #tpu.memory_space<hbm>>
      tpu.wait_dma2 semaphore(%arg21 : memref<!tpu.dma_semaphore, #tpu.memory_space<semaphore_mem>>) src(%dma_wait3A_353 : memref<10000xf32, #tpu.memory_space<hbm>>) dst(%arg9 : memref<10000xf32, #tpu.memory_space<vmem>>)
      %dma_wait3A_354 = tpu.memref_slice %arg4[%add3A_255] : memref<1600000xf32, #tpu.memory_space<hbm>> -> memref<10000xf32, #tpu.memory_space<hbm>>
      %dma_wait3A_355 = tpu.memref_slice %arg4[%add3A_255] : memref<1600000xf32, #tpu.memory_space<hbm>> -> memref<10000xf32, #tpu.memory_space<hbm>>
      tpu.wait_dma2 semaphore(%arg21 : memref<!tpu.dma_semaphore, #tpu.memory_space<semaphore_mem>>) src(%dma_wait3A_355 : memref<10000xf32, #tpu.memory_space<hbm>>) dst(%arg11 : memref<10000xf32, #tpu.memory_space<vmem>>)
      %dma_wait3A_356 = tpu.memref_slice %arg5[%add3A_255] : memref<1600000xf32, #tpu.memory_space<hbm>> -> memref<10000xf32, #tpu.memory_space<hbm>>
      %dma_wait3A_357 = tpu.memref_slice %arg5[%add3A_255] : memref<1600000xf32, #tpu.memory_space<hbm>> -> memref<10000xf32, #tpu.memory_space<hbm>>
      tpu.wait_dma2 semaphore(%arg21 : memref<!tpu.dma_semaphore, #tpu.memory_space<semaphore_mem>>) src(%dma_wait3A_357 : memref<10000xf32, #tpu.memory_space<hbm>>) dst(%arg13 : memref<10000xf32, #tpu.memory_space<vmem>>)
    }
    %scan3A_70 = arith.constant 2 : i32
    %scan3A_71 = arith.constant 0 : i32
    %scan3A_72 = arith.constant 78 : i32
    %scan3A_73 = arith.addi %scan3A_71, %scan3A_72 : i32
    %scan3A_74 = arith.constant 1 : i32
    scf.for %scan3A_149 = %scan3A_71 to %scan3A_73 step %scan3A_74  : i32 {
      %mul3A_150 = arith.constant 1 : i32
      %mul3A_151 = arith.muli %scan3A_149, %mul3A_150 : i32
      %add3A_152 = arith.constant 0 : i32
      %add3A_153 = arith.addi %add3A_152, %mul3A_151 : i32
      %mul3A_154 = arith.constant 8 : i32
      %mul3A_155 = arith.muli %add3A_153, %mul3A_154 : i32
      %add3A_156 = arith.constant 0 : i32
      %add3A_157 = arith.addi %mul3A_155, %add3A_156 : i32
      %mul3A_158 = arith.constant 16 : i32
      %mul3A_159 = arith.muli %add3A_157, %mul3A_158 : i32
      %get3A_160 = arith.index_cast %mul3A_159 : i32 to index
      %get3A_161 = tpu.vector_load %arg7[%get3A_160] {strides = array<i32>} : memref<10000xi32, #tpu.memory_space<vmem>>, vector<16xi32>,
      %mul3A_162 = arith.constant 16 : i32
      %mul3A_163 = arith.muli %add3A_157, %mul3A_162 : i32
      %get3A_164 = arith.index_cast %mul3A_163 : i32 to index
      %get3A_165 = tpu.vector_load %arg9[%get3A_164] {strides = array<i32>} : memref<10000xf32, #tpu.memory_space<vmem>>, vector<16xf32>,
      %mul3A_166 = arith.constant 16 : i32
      %mul3A_167 = arith.muli %add3A_157, %mul3A_166 : i32
      %get3A_168 = arith.index_cast %mul3A_167 : i32 to index
      %get3A_169 = tpu.vector_load %arg11[%get3A_168] {strides = array<i32>} : memref<10000xf32, #tpu.memory_space<vmem>>, vector<16xf32>,
      %mul3A_170 = arith.constant 16 : i32
      %mul3A_171 = arith.muli %add3A_157, %mul3A_170 : i32
      %get3A_172 = arith.index_cast %mul3A_171 : i32 to index
      %get3A_173 = tpu.vector_load %arg13[%get3A_172] {strides = array<i32>} : memref<10000xf32, #tpu.memory_space<vmem>>, vector<16xf32>,
      %mul3A_174 = arith.constant 8 : i32
      %mul3A_175 = arith.muli %add3A_153, %mul3A_174 : i32
      %add3A_176 = arith.constant 1 : i32
      %add3A_177 = arith.addi %mul3A_175, %add3A_176 : i32
      %mul3A_178 = arith.constant 16 : i32
      %mul3A_179 = arith.muli %add3A_177, %mul3A_178 : i32
      %get3A_180 = arith.index_cast %mul3A_179 : i32 to index
      %get3A_181 = tpu.vector_load %arg7[%get3A_180] {strides = array<i32>} : memref<10000xi32, #tpu.memory_space<vmem>>, vector<16xi32>,
      %mul3A_182 = arith.constant 16 : i32
      %mul3A_183 = arith.muli %add3A_177, %mul3A_182 : i32
      %get3A_184 = arith.index_cast %mul3A_183 : i32 to index
      %get3A_185 = tpu.vector_load %arg9[%get3A_184] {strides = array<i32>} : memref<10000xf32, #tpu.memory_space<vmem>>, vector<16xf32>,
      %mul3A_186 = arith.constant 16 : i32
      %mul3A_187 = arith.muli %add3A_177, %mul3A_186 : i32
      %get3A_188 = arith.index_cast %mul3A_187 : i32 to index
      %get3A_189 = tpu.vector_load %arg11[%get3A_188] {strides = array<i32>} : memref<10000xf32, #tpu.memory_space<vmem>>, vector<16xf32>,
      %mul3A_190 = arith.constant 16 : i32
      %mul3A_191 = arith.muli %add3A_177, %mul3A_190 : i32
      %get3A_192 = arith.index_cast %mul3A_191 : i32 to index
      %get3A_193 = tpu.vector_load %arg13[%get3A_192] {strides = array<i32>} : memref<10000xf32, #tpu.memory_space<vmem>>, vector<16xf32>,
      %mul3A_194 = arith.constant 8 : i32
      %mul3A_195 = arith.muli %add3A_153, %mul3A_194 : i32
      %add3A_196 = arith.constant 2 : i32
      %add3A_197 = arith.addi %mul3A_195, %add3A_196 : i32
      %mul3A_198 = arith.constant 16 : i32
      %mul3A_199 = arith.muli %add3A_197, %mul3A_198 : i32
      %get3A_200 = arith.index_cast %mul3A_199 : i32 to index
      %get3A_201 = tpu.vector_load %arg7[%get3A_200] {strides = array<i32>} : memref<10000xi32, #tpu.memory_space<vmem>>, vector<16xi32>,
      %mul3A_202 = arith.constant 16 : i32
      %mul3A_203 = arith.muli %add3A_197, %mul3A_202 : i32
      %get3A_204 = arith.index_cast %mul3A_203 : i32 to index
      %get3A_205 = tpu.vector_load %arg9[%get3A_204] {strides = array<i32>} : memref<10000xf32, #tpu.memory_space<vmem>>, vector<16xf32>,
      %mul3A_206 = arith.constant 16 : i32
      %mul3A_207 = arith.muli %add3A_197, %mul3A_206 : i32
      %get3A_208 = arith.index_cast %mul3A_207 : i32 to index
      %get3A_209 = tpu.vector_load %arg11[%get3A_208] {strides = array<i32>} : memref<10000xf32, #tpu.memory_space<vmem>>, vector<16xf32>,
      %mul3A_210 = arith.constant 16 : i32
      %mul3A_211 = arith.muli %add3A_197, %mul3A_210 : i32
      %get3A_212 = arith.index_cast %mul3A_211 : i32 to index
      %get3A_213 = tpu.vector_load %arg13[%get3A_212] {strides = array<i32>} : memref<10000xf32, #tpu.memory_space<vmem>>, vector<16xf32>,
      %mul3A_214 = arith.constant 8 : i32
      %mul3A_215 = arith.muli %add3A_153, %mul3A_214 : i32
      %add3A_216 = arith.constant 3 : i32
      %add3A_217 = arith.addi %mul3A_215, %add3A_216 : i32
      %mul3A_218 = arith.constant 16 : i32
      %mul3A_219 = arith.muli %add3A_217, %mul3A_218 : i32
      %get3A_220 = arith.index_cast %mul3A_219 : i32 to index
      %get3A_221 = tpu.vector_load %arg7[%get3A_220] {strides = array<i32>} : memref<10000xi32, #tpu.memory_space<vmem>>, vector<16xi32>,
      %mul3A_222 = arith.constant 16 : i32
      %mul3A_223 = arith.muli %add3A_217, %mul3A_222 : i32
      %get3A_224 = arith.index_cast %mul3A_223 : i32 to index
      %get3A_225 = tpu.vector_load %arg9[%get3A_224] {strides = array<i32>} : memref<10000xf32, #tpu.memory_space<vmem>>, vector<16xf32>,
      %mul3A_226 = arith.constant 16 : i32
      %mul3A_227 = arith.muli %add3A_217, %mul3A_226 : i32
      %get3A_228 = arith.index_cast %mul3A_227 : i32 to index
      %get3A_229 = tpu.vector_load %arg11[%get3A_228] {strides = array<i32>} : memref<10000xf32, #tpu.memory_space<vmem>>, vector<16xf32>,
      %mul3A_230 = arith.constant 16 : i32
      %mul3A_231 = arith.muli %add3A_217, %mul3A_230 : i32
      %get3A_232 = arith.index_cast %mul3A_231 : i32 to index
      %get3A_233 = tpu.vector_load %arg13[%get3A_232] {strides = array<i32>} : memref<10000xf32, #tpu.memory_space<vmem>>, vector<16xf32>,
      %mul3A_234 = arith.constant 8 : i32
      %mul3A_235 = arith.muli %add3A_153, %mul3A_234 : i32
      %add3A_236 = arith.constant 4 : i32
      %add3A_237 = arith.addi %mul3A_235, %add3A_236 : i32
      %mul3A_238 = arith.constant 16 : i32
      %mul3A_239 = arith.muli %add3A_237, %mul3A_238 : i32
      %get3A_240 = arith.index_cast %mul3A_239 : i32 to index
      %get3A_241 = tpu.vector_load %arg7[%get3A_240] {strides = array<i32>} : memref<10000xi32, #tpu.memory_space<vmem>>, vector<16xi32>,
      %mul3A_242 = arith.constant 16 : i32
      %mul3A_243 = arith.muli %add3A_237, %mul3A_242 : i32
      %get3A_244 = arith.index_cast %mul3A_243 : i32 to index
      %get3A_245 = tpu.vector_load %arg9[%get3A_244] {strides = array<i32>} : memref<10000xf32, #tpu.memory_space<vmem>>, vector<16xf32>,
      %mul3A_246 = arith.constant 16 : i32
      %mul3A_247 = arith.muli %add3A_237, %mul3A_246 : i32
      %get3A_248 = arith.index_cast %mul3A_247 : i32 to index
      %get3A_249 = tpu.vector_load %arg11[%get3A_248] {strides = array<i32>} : memref<10000xf32, #tpu.memory_space<vmem>>, vector<16xf32>,
      %mul3A_250 = arith.constant 16 : i32
      %mul3A_251 = arith.muli %add3A_237, %mul3A_250 : i32
      %get3A_252 = arith.index_cast %mul3A_251 : i32 to index
      %get3A_253 = tpu.vector_load %arg13[%get3A_252] {strides = array<i32>} : memref<10000xf32, #tpu.memory_space<vmem>>, vector<16xf32>,
      %mul3A_254 = arith.constant 8 : i32
      %mul3A_255 = arith.muli %add3A_153, %mul3A_254 : i32
      %add3A_256 = arith.constant 5 : i32
      %add3A_257 = arith.addi %mul3A_255, %add3A_256 : i32
      %mul3A_258 = arith.constant 16 : i32
      %mul3A_259 = arith.muli %add3A_257, %mul3A_258 : i32
      %get3A_260 = arith.index_cast %mul3A_259 : i32 to index
      %get3A_261 = tpu.vector_load %arg7[%get3A_260] {strides = array<i32>} : memref<10000xi32, #tpu.memory_space<vmem>>, vector<16xi32>,
      %mul3A_262 = arith.constant 16 : i32
      %mul3A_263 = arith.muli %add3A_257, %mul3A_262 : i32
      %get3A_264 = arith.index_cast %mul3A_263 : i32 to index
      %get3A_265 = tpu.vector_load %arg9[%get3A_264] {strides = array<i32>} : memref<10000xf32, #tpu.memory_space<vmem>>, vector<16xf32>,
      %mul3A_266 = arith.constant 16 : i32
      %mul3A_267 = arith.muli %add3A_257, %mul3A_266 : i32
      %get3A_268 = arith.index_cast %mul3A_267 : i32 to index
      %get3A_269 = tpu.vector_load %arg11[%get3A_268] {strides = array<i32>} : memref<10000xf32, #tpu.memory_space<vmem>>, vector<16xf32>,
      %mul3A_270 = arith.constant 16 : i32
      %mul3A_271 = arith.muli %add3A_257, %mul3A_270 : i32
      %get3A_272 = arith.index_cast %mul3A_271 : i32 to index
      %get3A_273 = tpu.vector_load %arg13[%get3A_272] {strides = array<i32>} : memref<10000xf32, #tpu.memory_space<vmem>>, vector<16xf32>,
      %mul3A_274 = arith.constant 8 : i32
      %mul3A_275 = arith.muli %add3A_153, %mul3A_274 : i32
      %add3A_276 = arith.constant 6 : i32
      %add3A_277 = arith.addi %mul3A_275, %add3A_276 : i32
      %mul3A_278 = arith.constant 16 : i32
      %mul3A_279 = arith.muli %add3A_277, %mul3A_278 : i32
      %get3A_280 = arith.index_cast %mul3A_279 : i32 to index
      %get3A_281 = tpu.vector_load %arg7[%get3A_280] {strides = array<i32>} : memref<10000xi32, #tpu.memory_space<vmem>>, vector<16xi32>,
      %mul3A_282 = arith.constant 16 : i32
      %mul3A_283 = arith.muli %add3A_277, %mul3A_282 : i32
      %get3A_284 = arith.index_cast %mul3A_283 : i32 to index
      %get3A_285 = tpu.vector_load %arg9[%get3A_284] {strides = array<i32>} : memref<10000xf32, #tpu.memory_space<vmem>>, vector<16xf32>,
      %mul3A_286 = arith.constant 16 : i32
      %mul3A_287 = arith.muli %add3A_277, %mul3A_286 : i32
      %get3A_288 = arith.index_cast %mul3A_287 : i32 to index
      %get3A_289 = tpu.vector_load %arg11[%get3A_288] {strides = array<i32>} : memref<10000xf32, #tpu.memory_space<vmem>>, vector<16xf32>,
      %mul3A_290 = arith.constant 16 : i32
      %mul3A_291 = arith.muli %add3A_277, %mul3A_290 : i32
      %get3A_292 = arith.index_cast %mul3A_291 : i32 to index
      %get3A_293 = tpu.vector_load %arg13[%get3A_292] {strides = array<i32>} : memref<10000xf32, #tpu.memory_space<vmem>>, vector<16xf32>,
      %mul3A_294 = arith.constant 8 : i32
      %mul3A_295 = arith.muli %add3A_153, %mul3A_294 : i32
      %add3A_296 = arith.constant 7 : i32
      %add3A_297 = arith.addi %mul3A_295, %add3A_296 : i32
      %mul3A_298 = arith.constant 16 : i32
      %mul3A_299 = arith.muli %add3A_297, %mul3A_298 : i32
      %get3A_300 = arith.index_cast %mul3A_299 : i32 to index
      %get3A_301 = tpu.vector_load %arg7[%get3A_300] {strides = array<i32>} : memref<10000xi32, #tpu.memory_space<vmem>>, vector<16xi32>,
      %mul3A_302 = arith.constant 16 : i32
      %mul3A_303 = arith.muli %add3A_297, %mul3A_302 : i32
      %get3A_304 = arith.index_cast %mul3A_303 : i32 to index
      %get3A_305 = tpu.vector_load %arg9[%get3A_304] {strides = array<i32>} : memref<10000xf32, #tpu.memory_space<vmem>>, vector<16xf32>,
      %mul3A_306 = arith.constant 16 : i32
      %mul3A_307 = arith.muli %add3A_297, %mul3A_306 : i32
      %get3A_308 = arith.index_cast %mul3A_307 : i32 to index
      %get3A_309 = tpu.vector_load %arg11[%get3A_308] {strides = array<i32>} : memref<10000xf32, #tpu.memory_space<vmem>>, vector<16xf32>,
      %mul3A_310 = arith.constant 16 : i32
      %mul3A_311 = arith.muli %add3A_297, %mul3A_310 : i32
      %get3A_312 = arith.index_cast %mul3A_311 : i32 to index
      %get3A_313 = tpu.vector_load %arg13[%get3A_312] {strides = array<i32>} : memref<10000xf32, #tpu.memory_space<vmem>>, vector<16xf32>,
      %reduce_min3A = arith.constant true
      %reduce_min3A_314 = vector.broadcast %reduce_min3A : i1 to vector<16xi1>
      %reduce_min3A_315 = arith.constant -2147483648 : i32
      %reduce_min3A_316 = vector.broadcast %reduce_min3A_315 : i32 to vector<16xi32>
      %reduce_min3A_317 = arith.xori %get3A_161, %reduce_min3A_316 : vector<16xi32>
      %reduce_min3A_318 = tpu.scan <min>, %reduce_min3A_317 masked %reduce_min3A_314 : vector<16xi32>, vector<16xi1> -> vector<16xi32>
      %reduce_min3A_319 = arith.xori %reduce_min3A_318, %reduce_min3A_316 : vector<16xi32>
      %reduce_min3A_320 = vector.extract %reduce_min3A_319[15] : i32 from vector<16xi32>
      %reduce_max3A = arith.constant true
      %reduce_max3A_321 = vector.broadcast %reduce_max3A : i1 to vector<16xi1>
      %reduce_max3A_322 = arith.constant -2147483648 : i32
      %reduce_max3A_323 = vector.broadcast %reduce_max3A_322 : i32 to vector<16xi32>
      %reduce_max3A_324 = arith.xori %get3A_301, %reduce_max3A_323 : vector<16xi32>
      %reduce_max3A_325 = tpu.scan <max>, %reduce_max3A_324 masked %reduce_max3A_321 : vector<16xi32>, vector<16xi1> -> vector<16xi32>
      %reduce_max3A_326 = arith.xori %reduce_max3A_325, %reduce_max3A_323 : vector<16xi32>
      %reduce_max3A_327 = vector.extract %reduce_max3A_326[15] : i32 from vector<16xi32>
      %eq3A_328 = arith.cmpi eq, %reduce_min3A_320, %reduce_max3A_327 : i32
      %convert_element_type3A = arith.extui %eq3A_328 : i1 to i32
      %cond3A = arith.constant 0 : i32
      %cond3A_329 = arith.cmpi ne, %convert_element_type3A, %cond3A : i32
      scf.if %cond3A_329 {
        %add3A_334 = arith.addf %get3A_165, %get3A_185 : vector<16xf32>
        %add3A_335 = arith.addf %get3A_205, %get3A_225 : vector<16xf32>
        %add3A_336 = arith.addf %get3A_245, %get3A_265 : vector<16xf32>
        %add3A_337 = arith.addf %get3A_285, %get3A_305 : vector<16xf32>
        %add3A_338 = arith.addf %add3A_334, %add3A_335 : vector<16xf32>
        %add3A_339 = arith.addf %add3A_336, %add3A_337 : vector<16xf32>
        %add3A_340 = arith.addf %add3A_338, %add3A_339 : vector<16xf32>
        %broadcast_in_dim3A_341 = vector.shape_cast %xor3A_36 : vector<16xi32> to vector<16x1xi32>
        %gather3A_342 = vector.shape_cast %broadcast_in_dim3A_341 : vector<16x1xi32> to vector<16xi32>
        %gather3A_343 = tpu.dynamic_gather %add3A_340[%gather3A_342] in [0] : vector<16xf32>, vector<16xi32> -> vector<16xf32>
        %add3A_344 = arith.addf %add3A_340, %gather3A_343 : vector<16xf32>
        %broadcast_in_dim3A_345 = vector.shape_cast %xor3A_39 : vector<16xi32> to vector<16x1xi32>
        %gather3A_346 = vector.shape_cast %broadcast_in_dim3A_345 : vector<16x1xi32> to vector<16xi32>
        %gather3A_347 = tpu.dynamic_gather %add3A_344[%gather3A_346] in [0] : vector<16xf32>, vector<16xi32> -> vector<16xf32>
        %add3A_348 = arith.addf %add3A_344, %gather3A_347 : vector<16xf32>
        %broadcast_in_dim3A_349 = vector.shape_cast %xor3A_42 : vector<16xi32> to vector<16x1xi32>
        %gather3A_350 = vector.shape_cast %broadcast_in_dim3A_349 : vector<16x1xi32> to vector<16xi32>
        %gather3A_351 = tpu.dynamic_gather %add3A_348[%gather3A_350] in [0] : vector<16xf32>, vector<16xi32> -> vector<16xf32>
        %add3A_352 = arith.addf %add3A_348, %gather3A_351 : vector<16xf32>
        %broadcast_in_dim3A_353 = vector.shape_cast %xor3A_45 : vector<16xi32> to vector<16x1xi32>
        %gather3A_354 = vector.shape_cast %broadcast_in_dim3A_353 : vector<16x1xi32> to vector<16xi32>
        %gather3A_355 = tpu.dynamic_gather %add3A_352[%gather3A_354] in [0] : vector<16xf32>, vector<16xi32> -> vector<16xf32>
        %add3A_356 = arith.addf %add3A_352, %gather3A_355 : vector<16xf32>
        %add3A_357 = arith.addf %get3A_169, %get3A_189 : vector<16xf32>
        %add3A_358 = arith.addf %get3A_209, %get3A_229 : vector<16xf32>
        %add3A_359 = arith.addf %get3A_249, %get3A_269 : vector<16xf32>
        %add3A_360 = arith.addf %get3A_289, %get3A_309 : vector<16xf32>
        %add3A_361 = arith.addf %add3A_357, %add3A_358 : vector<16xf32>
        %add3A_362 = arith.addf %add3A_359, %add3A_360 : vector<16xf32>
        %add3A_363 = arith.addf %add3A_361, %add3A_362 : vector<16xf32>
        %broadcast_in_dim3A_364 = vector.shape_cast %xor3A_36 : vector<16xi32> to vector<16x1xi32>
        %gather3A_365 = vector.shape_cast %broadcast_in_dim3A_364 : vector<16x1xi32> to vector<16xi32>
        %gather3A_366 = tpu.dynamic_gather %add3A_363[%gather3A_365] in [0] : vector<16xf32>, vector<16xi32> -> vector<16xf32>
        %add3A_367 = arith.addf %add3A_363, %gather3A_366 : vector<16xf32>
        %broadcast_in_dim3A_368 = vector.shape_cast %xor3A_39 : vector<16xi32> to vector<16x1xi32>
        %gather3A_369 = vector.shape_cast %broadcast_in_dim3A_368 : vector<16x1xi32> to vector<16xi32>
        %gather3A_370 = tpu.dynamic_gather %add3A_367[%gather3A_369] in [0] : vector<16xf32>, vector<16xi32> -> vector<16xf32>
        %add3A_371 = arith.addf %add3A_367, %gather3A_370 : vector<16xf32>
        %broadcast_in_dim3A_372 = vector.shape_cast %xor3A_42 : vector<16xi32> to vector<16x1xi32>
        %gather3A_373 = vector.shape_cast %broadcast_in_dim3A_372 : vector<16x1xi32> to vector<16xi32>
        %gather3A_374 = tpu.dynamic_gather %add3A_371[%gather3A_373] in [0] : vector<16xf32>, vector<16xi32> -> vector<16xf32>
        %add3A_375 = arith.addf %add3A_371, %gather3A_374 : vector<16xf32>
        %broadcast_in_dim3A_376 = vector.shape_cast %xor3A_45 : vector<16xi32> to vector<16x1xi32>
        %gather3A_377 = vector.shape_cast %broadcast_in_dim3A_376 : vector<16x1xi32> to vector<16xi32>
        %gather3A_378 = tpu.dynamic_gather %add3A_375[%gather3A_377] in [0] : vector<16xf32>, vector<16xi32> -> vector<16xf32>
        %add3A_379 = arith.addf %add3A_375, %gather3A_378 : vector<16xf32>
        %add3A_380 = arith.addf %get3A_173, %get3A_193 : vector<16xf32>
        %add3A_381 = arith.addf %get3A_213, %get3A_233 : vector<16xf32>
        %add3A_382 = arith.addf %get3A_253, %get3A_273 : vector<16xf32>
        %add3A_383 = arith.addf %get3A_293, %get3A_313 : vector<16xf32>
        %add3A_384 = arith.addf %add3A_380, %add3A_381 : vector<16xf32>
        %add3A_385 = arith.addf %add3A_382, %add3A_383 : vector<16xf32>
        %add3A_386 = arith.addf %add3A_384, %add3A_385 : vector<16xf32>
        %broadcast_in_dim3A_387 = vector.shape_cast %xor3A_36 : vector<16xi32> to vector<16x1xi32>
        %gather3A_388 = vector.shape_cast %broadcast_in_dim3A_387 : vector<16x1xi32> to vector<16xi32>
        %gather3A_389 = tpu.dynamic_gather %add3A_386[%gather3A_388] in [0] : vector<16xf32>, vector<16xi32> -> vector<16xf32>
        %add3A_390 = arith.addf %add3A_386, %gather3A_389 : vector<16xf32>
        %broadcast_in_dim3A_391 = vector.shape_cast %xor3A_39 : vector<16xi32> to vector<16x1xi32>
        %gather3A_392 = vector.shape_cast %broadcast_in_dim3A_391 : vector<16x1xi32> to vector<16xi32>
        %gather3A_393 = tpu.dynamic_gather %add3A_390[%gather3A_392] in [0] : vector<16xf32>, vector<16xi32> -> vector<16xf32>
        %add3A_394 = arith.addf %add3A_390, %gather3A_393 : vector<16xf32>
        %broadcast_in_dim3A_395 = vector.shape_cast %xor3A_42 : vector<16xi32> to vector<16x1xi32>
        %gather3A_396 = vector.shape_cast %broadcast_in_dim3A_395 : vector<16x1xi32> to vector<16xi32>
        %gather3A_397 = tpu.dynamic_gather %add3A_394[%gather3A_396] in [0] : vector<16xf32>, vector<16xi32> -> vector<16xf32>
        %add3A_398 = arith.addf %add3A_394, %gather3A_397 : vector<16xf32>
        %broadcast_in_dim3A_399 = vector.shape_cast %xor3A_45 : vector<16xi32> to vector<16x1xi32>
        %gather3A_400 = vector.shape_cast %broadcast_in_dim3A_399 : vector<16x1xi32> to vector<16xi32>
        %gather3A_401 = tpu.dynamic_gather %add3A_398[%gather3A_400] in [0] : vector<16xf32>, vector<16xi32> -> vector<16xf32>
        %add3A_402 = arith.addf %add3A_398, %gather3A_401 : vector<16xf32>
        %max3A_403 = arith.maximumf %get3A_173, %get3A_193 : vector<16xf32>
        %max3A_404 = arith.maximumf %get3A_213, %get3A_233 : vector<16xf32>
        %max3A_405 = arith.maximumf %get3A_253, %get3A_273 : vector<16xf32>
        %max3A_406 = arith.maximumf %get3A_293, %get3A_313 : vector<16xf32>
        %max3A_407 = arith.maximumf %max3A_403, %max3A_404 : vector<16xf32>
        %max3A_408 = arith.maximumf %max3A_405, %max3A_406 : vector<16xf32>
        %max3A_409 = arith.maximumf %max3A_407, %max3A_408 : vector<16xf32>
        %broadcast_in_dim3A_410 = vector.shape_cast %xor3A_36 : vector<16xi32> to vector<16x1xi32>
        %gather3A_411 = vector.shape_cast %broadcast_in_dim3A_410 : vector<16x1xi32> to vector<16xi32>
        %gather3A_412 = tpu.dynamic_gather %max3A_409[%gather3A_411] in [0] : vector<16xf32>, vector<16xi32> -> vector<16xf32>
        %max3A_413 = arith.maximumf %max3A_409, %gather3A_412 : vector<16xf32>
        %broadcast_in_dim3A_414 = vector.shape_cast %xor3A_39 : vector<16xi32> to vector<16x1xi32>
        %gather3A_415 = vector.shape_cast %broadcast_in_dim3A_414 : vector<16x1xi32> to vector<16xi32>
        %gather3A_416 = tpu.dynamic_gather %max3A_413[%gather3A_415] in [0] : vector<16xf32>, vector<16xi32> -> vector<16xf32>
        %max3A_417 = arith.maximumf %max3A_413, %gather3A_416 : vector<16xf32>
        %broadcast_in_dim3A_418 = vector.shape_cast %xor3A_42 : vector<16xi32> to vector<16x1xi32>
        %gather3A_419 = vector.shape_cast %broadcast_in_dim3A_418 : vector<16x1xi32> to vector<16xi32>
        %gather3A_420 = tpu.dynamic_gather %max3A_417[%gather3A_419] in [0] : vector<16xf32>, vector<16xi32> -> vector<16xf32>
        %max3A_421 = arith.maximumf %max3A_417, %gather3A_420 : vector<16xf32>
        %broadcast_in_dim3A_422 = vector.shape_cast %xor3A_45 : vector<16xi32> to vector<16x1xi32>
        %gather3A_423 = vector.shape_cast %broadcast_in_dim3A_422 : vector<16x1xi32> to vector<16xi32>
        %gather3A_424 = tpu.dynamic_gather %max3A_421[%gather3A_423] in [0] : vector<16xf32>, vector<16xi32> -> vector<16xf32>
        %max3A_425 = arith.maximumf %max3A_421, %gather3A_424 : vector<16xf32>
        %min3A_426 = arith.minimumf %get3A_173, %get3A_193 : vector<16xf32>
        %min3A_427 = arith.minimumf %get3A_213, %get3A_233 : vector<16xf32>
        %min3A_428 = arith.minimumf %get3A_253, %get3A_273 : vector<16xf32>
        %min3A_429 = arith.minimumf %get3A_293, %get3A_313 : vector<16xf32>
        %min3A_430 = arith.minimumf %min3A_426, %min3A_427 : vector<16xf32>
        %min3A_431 = arith.minimumf %min3A_428, %min3A_429 : vector<16xf32>
        %min3A_432 = arith.minimumf %min3A_430, %min3A_431 : vector<16xf32>
        %broadcast_in_dim3A_433 = vector.shape_cast %xor3A_36 : vector<16xi32> to vector<16x1xi32>
        %gather3A_434 = vector.shape_cast %broadcast_in_dim3A_433 : vector<16x1xi32> to vector<16xi32>
        %gather3A_435 = tpu.dynamic_gather %min3A_432[%gather3A_434] in [0] : vector<16xf32>, vector<16xi32> -> vector<16xf32>
        %min3A_436 = arith.minimumf %min3A_432, %gather3A_435 : vector<16xf32>
        %broadcast_in_dim3A_437 = vector.shape_cast %xor3A_39 : vector<16xi32> to vector<16x1xi32>
        %gather3A_438 = vector.shape_cast %broadcast_in_dim3A_437 : vector<16x1xi32> to vector<16xi32>
        %gather3A_439 = tpu.dynamic_gather %min3A_436[%gather3A_438] in [0] : vector<16xf32>, vector<16xi32> -> vector<16xf32>
        %min3A_440 = arith.minimumf %min3A_436, %gather3A_439 : vector<16xf32>
        %broadcast_in_dim3A_441 = vector.shape_cast %xor3A_42 : vector<16xi32> to vector<16x1xi32>
        %gather3A_442 = vector.shape_cast %broadcast_in_dim3A_441 : vector<16x1xi32> to vector<16xi32>
        %gather3A_443 = tpu.dynamic_gather %min3A_440[%gather3A_442] in [0] : vector<16xf32>, vector<16xi32> -> vector<16xf32>
        %min3A_444 = arith.minimumf %min3A_440, %gather3A_443 : vector<16xf32>
        %broadcast_in_dim3A_445 = vector.shape_cast %xor3A_45 : vector<16xi32> to vector<16x1xi32>
        %gather3A_446 = vector.shape_cast %broadcast_in_dim3A_445 : vector<16x1xi32> to vector<16xi32>
        %gather3A_447 = tpu.dynamic_gather %min3A_444[%gather3A_446] in [0] : vector<16xf32>, vector<16xi32> -> vector<16xf32>
        %min3A_448 = arith.minimumf %min3A_444, %gather3A_447 : vector<16xf32>
        tpu.vector_store_idx %arg15[%get3A_301], %add3A_356 masked %eq3A_7 {add = true} : memref<4096xf32, #tpu.memory_space<vmem>>[vector<16xi32>], vector<16xf32>, vector<16xi1>
        tpu.vector_store_idx %arg16[%get3A_301], %add3A_379 masked %eq3A_7 {add = true} : memref<4096xf32, #tpu.memory_space<vmem>>[vector<16xi32>], vector<16xf32>, vector<16xi1>
        tpu.vector_store_idx %arg17[%get3A_301], %add3A_402 masked %eq3A_7 {add = true} : memref<4096xf32, #tpu.memory_space<vmem>>[vector<16xi32>], vector<16xf32>, vector<16xi1>
        tpu.vector_store_idx %arg18[%get3A_301], %broadcast_in_dim3A_47 masked %eq3A_7 {add = true} : memref<4096xf32, #tpu.memory_space<vmem>>[vector<16xi32>], vector<16xf32>, vector<16xi1>
        %gather3A_449 = tpu.vector_load_idx %arg19[%get3A_301] masked %eq3A_7 : memref<4096xf32, #tpu.memory_space<vmem>>[vector<16xi32>], vector<16xf32>, vector<16xi1>
        %gather3A_450 = tpu.vector_load_idx %arg20[%get3A_301] masked %eq3A_7 : memref<4096xf32, #tpu.memory_space<vmem>>[vector<16xi32>], vector<16xf32>, vector<16xi1>
        %max3A_451 = arith.maximumf %gather3A_449, %max3A_425 : vector<16xf32>
        tpu.vector_store_idx %arg19[%get3A_301], %max3A_451 masked %eq3A_7 : memref<4096xf32, #tpu.memory_space<vmem>>[vector<16xi32>], vector<16xf32>, vector<16xi1>
        %min3A_452 = arith.minimumf %gather3A_450, %min3A_448 : vector<16xf32>
        tpu.vector_store_idx %arg20[%get3A_301], %min3A_452 masked %eq3A_7 : memref<4096xf32, #tpu.memory_space<vmem>>[vector<16xi32>], vector<16xf32>, vector<16xi1>
      } else {
      }
      %ne3A_330 = arith.cmpi ne, %reduce_min3A_320, %reduce_max3A_327 : i32
      %convert_element_type3A_331 = arith.extui %ne3A_330 : i1 to i32
      %cond3A_332 = arith.constant 0 : i32
      %cond3A_333 = arith.cmpi ne, %convert_element_type3A_331, %cond3A_332 : i32
      scf.if %cond3A_333 {
        tpu.vector_store_idx %arg15[%get3A_161], %get3A_165 {add = true} : memref<4096xf32, #tpu.memory_space<vmem>>[vector<16xi32>], vector<16xf32>,
        tpu.vector_store_idx %arg16[%get3A_161], %get3A_169 {add = true} : memref<4096xf32, #tpu.memory_space<vmem>>[vector<16xi32>], vector<16xf32>,
        tpu.vector_store_idx %arg17[%get3A_161], %get3A_173 {add = true} : memref<4096xf32, #tpu.memory_space<vmem>>[vector<16xi32>], vector<16xf32>,
        tpu.vector_store_idx %arg18[%get3A_161], %broadcast_in_dim3A_5 {add = true} : memref<4096xf32, #tpu.memory_space<vmem>>[vector<16xi32>], vector<16xf32>,
        %broadcast_in_dim3A_334 = vector.shape_cast %max3A_16 : vector<16xi32> to vector<16x1xi32>
        %gather3A_335 = vector.shape_cast %broadcast_in_dim3A_334 : vector<16x1xi32> to vector<16xi32>
        %gather3A_336 = tpu.dynamic_gather %get3A_161[%gather3A_335] in [0] : vector<16xi32>, vector<16xi32> -> vector<16xi32>
        %eq3A_337 = arith.cmpi eq, %gather3A_336, %get3A_161 : vector<16xi32>
        %broadcast_in_dim3A_338 = vector.shape_cast %max3A_16 : vector<16xi32> to vector<16x1xi32>
        %gather3A_339 = vector.shape_cast %broadcast_in_dim3A_338 : vector<16x1xi32> to vector<16xi32>
        %gather3A_340 = tpu.dynamic_gather %get3A_173[%gather3A_339] in [0] : vector<16xf32>, vector<16xi32> -> vector<16xf32>
        %max3A_341 = arith.maximumf %get3A_173, %gather3A_340 : vector<16xf32>
        %select_n3A_342 = arith.select %eq3A_337, %max3A_341, %get3A_173 : vector<16xi1>, vector<16xf32>
        %broadcast_in_dim3A_343 = vector.shape_cast %max3A_16 : vector<16xi32> to vector<16x1xi32>
        %gather3A_344 = vector.shape_cast %broadcast_in_dim3A_343 : vector<16x1xi32> to vector<16xi32>
        %gather3A_345 = tpu.dynamic_gather %get3A_173[%gather3A_344] in [0] : vector<16xf32>, vector<16xi32> -> vector<16xf32>
        %min3A_346 = arith.minimumf %get3A_173, %gather3A_345 : vector<16xf32>
        %select_n3A_347 = arith.select %eq3A_337, %min3A_346, %get3A_173 : vector<16xi1>, vector<16xf32>
        %broadcast_in_dim3A_348 = vector.shape_cast %max3A_22 : vector<16xi32> to vector<16x1xi32>
        %gather3A_349 = vector.shape_cast %broadcast_in_dim3A_348 : vector<16x1xi32> to vector<16xi32>
        %gather3A_350 = tpu.dynamic_gather %get3A_161[%gather3A_349] in [0] : vector<16xi32>, vector<16xi32> -> vector<16xi32>
        %eq3A_351 = arith.cmpi eq, %gather3A_350, %get3A_161 : vector<16xi32>
        %broadcast_in_dim3A_352 = vector.shape_cast %max3A_22 : vector<16xi32> to vector<16x1xi32>
        %gather3A_353 = vector.shape_cast %broadcast_in_dim3A_352 : vector<16x1xi32> to vector<16xi32>
        %gather3A_354 = tpu.dynamic_gather %select_n3A_342[%gather3A_353] in [0] : vector<16xf32>, vector<16xi32> -> vector<16xf32>
        %max3A_355 = arith.maximumf %select_n3A_342, %gather3A_354 : vector<16xf32>
        %select_n3A_356 = arith.select %eq3A_351, %max3A_355, %select_n3A_342 : vector<16xi1>, vector<16xf32>
        %broadcast_in_dim3A_357 = vector.shape_cast %max3A_22 : vector<16xi32> to vector<16x1xi32>
        %gather3A_358 = vector.shape_cast %broadcast_in_dim3A_357 : vector<16x1xi32> to vector<16xi32>
        %gather3A_359 = tpu.dynamic_gather %select_n3A_347[%gather3A_358] in [0] : vector<16xf32>, vector<16xi32> -> vector<16xf32>
        %min3A_360 = arith.minimumf %select_n3A_347, %gather3A_359 : vector<16xf32>
        %select_n3A_361 = arith.select %eq3A_351, %min3A_360, %select_n3A_347 : vector<16xi1>, vector<16xf32>
        %broadcast_in_dim3A_362 = vector.shape_cast %max3A_28 : vector<16xi32> to vector<16x1xi32>
        %gather3A_363 = vector.shape_cast %broadcast_in_dim3A_362 : vector<16x1xi32> to vector<16xi32>
        %gather3A_364 = tpu.dynamic_gather %get3A_161[%gather3A_363] in [0] : vector<16xi32>, vector<16xi32> -> vector<16xi32>
        %eq3A_365 = arith.cmpi eq, %gather3A_364, %get3A_161 : vector<16xi32>
        %broadcast_in_dim3A_366 = vector.shape_cast %max3A_28 : vector<16xi32> to vector<16x1xi32>
        %gather3A_367 = vector.shape_cast %broadcast_in_dim3A_366 : vector<16x1xi32> to vector<16xi32>
        %gather3A_368 = tpu.dynamic_gather %select_n3A_356[%gather3A_367] in [0] : vector<16xf32>, vector<16xi32> -> vector<16xf32>
        %max3A_369 = arith.maximumf %select_n3A_356, %gather3A_368 : vector<16xf32>
        %select_n3A_370 = arith.select %eq3A_365, %max3A_369, %select_n3A_356 : vector<16xi1>, vector<16xf32>
        %broadcast_in_dim3A_371 = vector.shape_cast %max3A_28 : vector<16xi32> to vector<16x1xi32>
        %gather3A_372 = vector.shape_cast %broadcast_in_dim3A_371 : vector<16x1xi32> to vector<16xi32>
        %gather3A_373 = tpu.dynamic_gather %select_n3A_361[%gather3A_372] in [0] : vector<16xf32>, vector<16xi32> -> vector<16xf32>
        %min3A_374 = arith.minimumf %select_n3A_361, %gather3A_373 : vector<16xf32>
        %select_n3A_375 = arith.select %eq3A_365, %min3A_374, %select_n3A_361 : vector<16xi1>, vector<16xf32>
        %broadcast_in_dim3A_376 = vector.shape_cast %max3A_34 : vector<16xi32> to vector<16x1xi32>
        %gather3A_377 = vector.shape_cast %broadcast_in_dim3A_376 : vector<16x1xi32> to vector<16xi32>
        %gather3A_378 = tpu.dynamic_gather %get3A_161[%gather3A_377] in [0] : vector<16xi32>, vector<16xi32> -> vector<16xi32>
        %eq3A_379 = arith.cmpi eq, %gather3A_378, %get3A_161 : vector<16xi32>
        %broadcast_in_dim3A_380 = vector.shape_cast %max3A_34 : vector<16xi32> to vector<16x1xi32>
        %gather3A_381 = vector.shape_cast %broadcast_in_dim3A_380 : vector<16x1xi32> to vector<16xi32>
        %gather3A_382 = tpu.dynamic_gather %select_n3A_370[%gather3A_381] in [0] : vector<16xf32>, vector<16xi32> -> vector<16xf32>
        %max3A_383 = arith.maximumf %select_n3A_370, %gather3A_382 : vector<16xf32>
        %select_n3A_384 = arith.select %eq3A_379, %max3A_383, %select_n3A_370 : vector<16xi1>, vector<16xf32>
        %broadcast_in_dim3A_385 = vector.shape_cast %max3A_34 : vector<16xi32> to vector<16x1xi32>
        %gather3A_386 = vector.shape_cast %broadcast_in_dim3A_385 : vector<16x1xi32> to vector<16xi32>
        %gather3A_387 = tpu.dynamic_gather %select_n3A_375[%gather3A_386] in [0] : vector<16xf32>, vector<16xi32> -> vector<16xf32>
        %min3A_388 = arith.minimumf %select_n3A_375, %gather3A_387 : vector<16xf32>
        %select_n3A_389 = arith.select %eq3A_379, %min3A_388, %select_n3A_375 : vector<16xi1>, vector<16xf32>
        %broadcast_in_dim3A_390 = vector.shape_cast %min3A_12 : vector<16xi32> to vector<16x1xi32>
        %gather3A_391 = vector.shape_cast %broadcast_in_dim3A_390 : vector<16x1xi32> to vector<16xi32>
        %gather3A_392 = tpu.dynamic_gather %get3A_161[%gather3A_391] in [0] : vector<16xi32>, vector<16xi32> -> vector<16xi32>
        %ne3A_393 = arith.cmpi ne, %get3A_161, %gather3A_392 : vector<16xi32>
        %or3A_394 = arith.ori %ne3A_393, %eq3A_7 : vector<16xi1>
        %gather3A_395 = tpu.vector_load_idx %arg19[%get3A_161] : memref<4096xf32, #tpu.memory_space<vmem>>[vector<16xi32>], vector<16xf32>,
        %gather3A_396 = tpu.vector_load_idx %arg20[%get3A_161] : memref<4096xf32, #tpu.memory_space<vmem>>[vector<16xi32>], vector<16xf32>,
        %max3A_397 = arith.maximumf %gather3A_395, %select_n3A_384 : vector<16xf32>
        tpu.vector_store_idx %arg19[%get3A_161], %max3A_397 masked %or3A_394 : memref<4096xf32, #tpu.memory_space<vmem>>[vector<16xi32>], vector<16xf32>, vector<16xi1>
        %min3A_398 = arith.minimumf %gather3A_396, %select_n3A_389 : vector<16xf32>
        tpu.vector_store_idx %arg20[%get3A_161], %min3A_398 masked %or3A_394 : memref<4096xf32, #tpu.memory_space<vmem>>[vector<16xi32>], vector<16xf32>, vector<16xi1>
        tpu.vector_store_idx %arg15[%get3A_181], %get3A_185 {add = true} : memref<4096xf32, #tpu.memory_space<vmem>>[vector<16xi32>], vector<16xf32>,
        tpu.vector_store_idx %arg16[%get3A_181], %get3A_189 {add = true} : memref<4096xf32, #tpu.memory_space<vmem>>[vector<16xi32>], vector<16xf32>,
        tpu.vector_store_idx %arg17[%get3A_181], %get3A_193 {add = true} : memref<4096xf32, #tpu.memory_space<vmem>>[vector<16xi32>], vector<16xf32>,
        tpu.vector_store_idx %arg18[%get3A_181], %broadcast_in_dim3A_5 {add = true} : memref<4096xf32, #tpu.memory_space<vmem>>[vector<16xi32>], vector<16xf32>,
        %broadcast_in_dim3A_399 = vector.shape_cast %max3A_16 : vector<16xi32> to vector<16x1xi32>
        %gather3A_400 = vector.shape_cast %broadcast_in_dim3A_399 : vector<16x1xi32> to vector<16xi32>
        %gather3A_401 = tpu.dynamic_gather %get3A_181[%gather3A_400] in [0] : vector<16xi32>, vector<16xi32> -> vector<16xi32>
        %eq3A_402 = arith.cmpi eq, %gather3A_401, %get3A_181 : vector<16xi32>
        %broadcast_in_dim3A_403 = vector.shape_cast %max3A_16 : vector<16xi32> to vector<16x1xi32>
        %gather3A_404 = vector.shape_cast %broadcast_in_dim3A_403 : vector<16x1xi32> to vector<16xi32>
        %gather3A_405 = tpu.dynamic_gather %get3A_193[%gather3A_404] in [0] : vector<16xf32>, vector<16xi32> -> vector<16xf32>
        %max3A_406 = arith.maximumf %get3A_193, %gather3A_405 : vector<16xf32>
        %select_n3A_407 = arith.select %eq3A_402, %max3A_406, %get3A_193 : vector<16xi1>, vector<16xf32>
        %broadcast_in_dim3A_408 = vector.shape_cast %max3A_16 : vector<16xi32> to vector<16x1xi32>
        %gather3A_409 = vector.shape_cast %broadcast_in_dim3A_408 : vector<16x1xi32> to vector<16xi32>
        %gather3A_410 = tpu.dynamic_gather %get3A_193[%gather3A_409] in [0] : vector<16xf32>, vector<16xi32> -> vector<16xf32>
        %min3A_411 = arith.minimumf %get3A_193, %gather3A_410 : vector<16xf32>
        %select_n3A_412 = arith.select %eq3A_402, %min3A_411, %get3A_193 : vector<16xi1>, vector<16xf32>
        %broadcast_in_dim3A_413 = vector.shape_cast %max3A_22 : vector<16xi32> to vector<16x1xi32>
        %gather3A_414 = vector.shape_cast %broadcast_in_dim3A_413 : vector<16x1xi32> to vector<16xi32>
        %gather3A_415 = tpu.dynamic_gather %get3A_181[%gather3A_414] in [0] : vector<16xi32>, vector<16xi32> -> vector<16xi32>
        %eq3A_416 = arith.cmpi eq, %gather3A_415, %get3A_181 : vector<16xi32>
        %broadcast_in_dim3A_417 = vector.shape_cast %max3A_22 : vector<16xi32> to vector<16x1xi32>
        %gather3A_418 = vector.shape_cast %broadcast_in_dim3A_417 : vector<16x1xi32> to vector<16xi32>
        %gather3A_419 = tpu.dynamic_gather %select_n3A_407[%gather3A_418] in [0] : vector<16xf32>, vector<16xi32> -> vector<16xf32>
        %max3A_420 = arith.maximumf %select_n3A_407, %gather3A_419 : vector<16xf32>
        %select_n3A_421 = arith.select %eq3A_416, %max3A_420, %select_n3A_407 : vector<16xi1>, vector<16xf32>
        %broadcast_in_dim3A_422 = vector.shape_cast %max3A_22 : vector<16xi32> to vector<16x1xi32>
        %gather3A_423 = vector.shape_cast %broadcast_in_dim3A_422 : vector<16x1xi32> to vector<16xi32>
        %gather3A_424 = tpu.dynamic_gather %select_n3A_412[%gather3A_423] in [0] : vector<16xf32>, vector<16xi32> -> vector<16xf32>
        %min3A_425 = arith.minimumf %select_n3A_412, %gather3A_424 : vector<16xf32>
        %select_n3A_426 = arith.select %eq3A_416, %min3A_425, %select_n3A_412 : vector<16xi1>, vector<16xf32>
        %broadcast_in_dim3A_427 = vector.shape_cast %max3A_28 : vector<16xi32> to vector<16x1xi32>
        %gather3A_428 = vector.shape_cast %broadcast_in_dim3A_427 : vector<16x1xi32> to vector<16xi32>
        %gather3A_429 = tpu.dynamic_gather %get3A_181[%gather3A_428] in [0] : vector<16xi32>, vector<16xi32> -> vector<16xi32>
        %eq3A_430 = arith.cmpi eq, %gather3A_429, %get3A_181 : vector<16xi32>
        %broadcast_in_dim3A_431 = vector.shape_cast %max3A_28 : vector<16xi32> to vector<16x1xi32>
        %gather3A_432 = vector.shape_cast %broadcast_in_dim3A_431 : vector<16x1xi32> to vector<16xi32>
        %gather3A_433 = tpu.dynamic_gather %select_n3A_421[%gather3A_432] in [0] : vector<16xf32>, vector<16xi32> -> vector<16xf32>
        %max3A_434 = arith.maximumf %select_n3A_421, %gather3A_433 : vector<16xf32>
        %select_n3A_435 = arith.select %eq3A_430, %max3A_434, %select_n3A_421 : vector<16xi1>, vector<16xf32>
        %broadcast_in_dim3A_436 = vector.shape_cast %max3A_28 : vector<16xi32> to vector<16x1xi32>
        %gather3A_437 = vector.shape_cast %broadcast_in_dim3A_436 : vector<16x1xi32> to vector<16xi32>
        %gather3A_438 = tpu.dynamic_gather %select_n3A_426[%gather3A_437] in [0] : vector<16xf32>, vector<16xi32> -> vector<16xf32>
        %min3A_439 = arith.minimumf %select_n3A_426, %gather3A_438 : vector<16xf32>
        %select_n3A_440 = arith.select %eq3A_430, %min3A_439, %select_n3A_426 : vector<16xi1>, vector<16xf32>
        %broadcast_in_dim3A_441 = vector.shape_cast %max3A_34 : vector<16xi32> to vector<16x1xi32>
        %gather3A_442 = vector.shape_cast %broadcast_in_dim3A_441 : vector<16x1xi32> to vector<16xi32>
        %gather3A_443 = tpu.dynamic_gather %get3A_181[%gather3A_442] in [0] : vector<16xi32>, vector<16xi32> -> vector<16xi32>
        %eq3A_444 = arith.cmpi eq, %gather3A_443, %get3A_181 : vector<16xi32>
        %broadcast_in_dim3A_445 = vector.shape_cast %max3A_34 : vector<16xi32> to vector<16x1xi32>
        %gather3A_446 = vector.shape_cast %broadcast_in_dim3A_445 : vector<16x1xi32> to vector<16xi32>
        %gather3A_447 = tpu.dynamic_gather %select_n3A_435[%gather3A_446] in [0] : vector<16xf32>, vector<16xi32> -> vector<16xf32>
        %max3A_448 = arith.maximumf %select_n3A_435, %gather3A_447 : vector<16xf32>
        %select_n3A_449 = arith.select %eq3A_444, %max3A_448, %select_n3A_435 : vector<16xi1>, vector<16xf32>
        %broadcast_in_dim3A_450 = vector.shape_cast %max3A_34 : vector<16xi32> to vector<16x1xi32>
        %gather3A_451 = vector.shape_cast %broadcast_in_dim3A_450 : vector<16x1xi32> to vector<16xi32>
        %gather3A_452 = tpu.dynamic_gather %select_n3A_440[%gather3A_451] in [0] : vector<16xf32>, vector<16xi32> -> vector<16xf32>
        %min3A_453 = arith.minimumf %select_n3A_440, %gather3A_452 : vector<16xf32>
        %select_n3A_454 = arith.select %eq3A_444, %min3A_453, %select_n3A_440 : vector<16xi1>, vector<16xf32>
        %broadcast_in_dim3A_455 = vector.shape_cast %min3A_12 : vector<16xi32> to vector<16x1xi32>
        %gather3A_456 = vector.shape_cast %broadcast_in_dim3A_455 : vector<16x1xi32> to vector<16xi32>
        %gather3A_457 = tpu.dynamic_gather %get3A_181[%gather3A_456] in [0] : vector<16xi32>, vector<16xi32> -> vector<16xi32>
        %ne3A_458 = arith.cmpi ne, %get3A_181, %gather3A_457 : vector<16xi32>
        %or3A_459 = arith.ori %ne3A_458, %eq3A_7 : vector<16xi1>
        %gather3A_460 = tpu.vector_load_idx %arg19[%get3A_181] : memref<4096xf32, #tpu.memory_space<vmem>>[vector<16xi32>], vector<16xf32>,
        %gather3A_461 = tpu.vector_load_idx %arg20[%get3A_181] : memref<4096xf32, #tpu.memory_space<vmem>>[vector<16xi32>], vector<16xf32>,
        %max3A_462 = arith.maximumf %gather3A_460, %select_n3A_449 : vector<16xf32>
        tpu.vector_store_idx %arg19[%get3A_181], %max3A_462 masked %or3A_459 : memref<4096xf32, #tpu.memory_space<vmem>>[vector<16xi32>], vector<16xf32>, vector<16xi1>
        %min3A_463 = arith.minimumf %gather3A_461, %select_n3A_454 : vector<16xf32>
        tpu.vector_store_idx %arg20[%get3A_181], %min3A_463 masked %or3A_459 : memref<4096xf32, #tpu.memory_space<vmem>>[vector<16xi32>], vector<16xf32>, vector<16xi1>
        tpu.vector_store_idx %arg15[%get3A_201], %get3A_205 {add = true} : memref<4096xf32, #tpu.memory_space<vmem>>[vector<16xi32>], vector<16xf32>,
        tpu.vector_store_idx %arg16[%get3A_201], %get3A_209 {add = true} : memref<4096xf32, #tpu.memory_space<vmem>>[vector<16xi32>], vector<16xf32>,
        tpu.vector_store_idx %arg17[%get3A_201], %get3A_213 {add = true} : memref<4096xf32, #tpu.memory_space<vmem>>[vector<16xi32>], vector<16xf32>,
        tpu.vector_store_idx %arg18[%get3A_201], %broadcast_in_dim3A_5 {add = true} : memref<4096xf32, #tpu.memory_space<vmem>>[vector<16xi32>], vector<16xf32>,
        %broadcast_in_dim3A_464 = vector.shape_cast %max3A_16 : vector<16xi32> to vector<16x1xi32>
        %gather3A_465 = vector.shape_cast %broadcast_in_dim3A_464 : vector<16x1xi32> to vector<16xi32>
        %gather3A_466 = tpu.dynamic_gather %get3A_201[%gather3A_465] in [0] : vector<16xi32>, vector<16xi32> -> vector<16xi32>
        %eq3A_467 = arith.cmpi eq, %gather3A_466, %get3A_201 : vector<16xi32>
        %broadcast_in_dim3A_468 = vector.shape_cast %max3A_16 : vector<16xi32> to vector<16x1xi32>
        %gather3A_469 = vector.shape_cast %broadcast_in_dim3A_468 : vector<16x1xi32> to vector<16xi32>
        %gather3A_470 = tpu.dynamic_gather %get3A_213[%gather3A_469] in [0] : vector<16xf32>, vector<16xi32> -> vector<16xf32>
        %max3A_471 = arith.maximumf %get3A_213, %gather3A_470 : vector<16xf32>
        %select_n3A_472 = arith.select %eq3A_467, %max3A_471, %get3A_213 : vector<16xi1>, vector<16xf32>
        %broadcast_in_dim3A_473 = vector.shape_cast %max3A_16 : vector<16xi32> to vector<16x1xi32>
        %gather3A_474 = vector.shape_cast %broadcast_in_dim3A_473 : vector<16x1xi32> to vector<16xi32>
        %gather3A_475 = tpu.dynamic_gather %get3A_213[%gather3A_474] in [0] : vector<16xf32>, vector<16xi32> -> vector<16xf32>
        %min3A_476 = arith.minimumf %get3A_213, %gather3A_475 : vector<16xf32>
        %select_n3A_477 = arith.select %eq3A_467, %min3A_476, %get3A_213 : vector<16xi1>, vector<16xf32>
        %broadcast_in_dim3A_478 = vector.shape_cast %max3A_22 : vector<16xi32> to vector<16x1xi32>
        %gather3A_479 = vector.shape_cast %broadcast_in_dim3A_478 : vector<16x1xi32> to vector<16xi32>
        %gather3A_480 = tpu.dynamic_gather %get3A_201[%gather3A_479] in [0] : vector<16xi32>, vector<16xi32> -> vector<16xi32>
        %eq3A_481 = arith.cmpi eq, %gather3A_480, %get3A_201 : vector<16xi32>
        %broadcast_in_dim3A_482 = vector.shape_cast %max3A_22 : vector<16xi32> to vector<16x1xi32>
        %gather3A_483 = vector.shape_cast %broadcast_in_dim3A_482 : vector<16x1xi32> to vector<16xi32>
        %gather3A_484 = tpu.dynamic_gather %select_n3A_472[%gather3A_483] in [0] : vector<16xf32>, vector<16xi32> -> vector<16xf32>
        %max3A_485 = arith.maximumf %select_n3A_472, %gather3A_484 : vector<16xf32>
        %select_n3A_486 = arith.select %eq3A_481, %max3A_485, %select_n3A_472 : vector<16xi1>, vector<16xf32>
        %broadcast_in_dim3A_487 = vector.shape_cast %max3A_22 : vector<16xi32> to vector<16x1xi32>
        %gather3A_488 = vector.shape_cast %broadcast_in_dim3A_487 : vector<16x1xi32> to vector<16xi32>
        %gather3A_489 = tpu.dynamic_gather %select_n3A_477[%gather3A_488] in [0] : vector<16xf32>, vector<16xi32> -> vector<16xf32>
        %min3A_490 = arith.minimumf %select_n3A_477, %gather3A_489 : vector<16xf32>
        %select_n3A_491 = arith.select %eq3A_481, %min3A_490, %select_n3A_477 : vector<16xi1>, vector<16xf32>
        %broadcast_in_dim3A_492 = vector.shape_cast %max3A_28 : vector<16xi32> to vector<16x1xi32>
        %gather3A_493 = vector.shape_cast %broadcast_in_dim3A_492 : vector<16x1xi32> to vector<16xi32>
        %gather3A_494 = tpu.dynamic_gather %get3A_201[%gather3A_493] in [0] : vector<16xi32>, vector<16xi32> -> vector<16xi32>
        %eq3A_495 = arith.cmpi eq, %gather3A_494, %get3A_201 : vector<16xi32>
        %broadcast_in_dim3A_496 = vector.shape_cast %max3A_28 : vector<16xi32> to vector<16x1xi32>
        %gather3A_497 = vector.shape_cast %broadcast_in_dim3A_496 : vector<16x1xi32> to vector<16xi32>
        %gather3A_498 = tpu.dynamic_gather %select_n3A_486[%gather3A_497] in [0] : vector<16xf32>, vector<16xi32> -> vector<16xf32>
        %max3A_499 = arith.maximumf %select_n3A_486, %gather3A_498 : vector<16xf32>
        %select_n3A_500 = arith.select %eq3A_495, %max3A_499, %select_n3A_486 : vector<16xi1>, vector<16xf32>
        %broadcast_in_dim3A_501 = vector.shape_cast %max3A_28 : vector<16xi32> to vector<16x1xi32>
        %gather3A_502 = vector.shape_cast %broadcast_in_dim3A_501 : vector<16x1xi32> to vector<16xi32>
        %gather3A_503 = tpu.dynamic_gather %select_n3A_491[%gather3A_502] in [0] : vector<16xf32>, vector<16xi32> -> vector<16xf32>
        %min3A_504 = arith.minimumf %select_n3A_491, %gather3A_503 : vector<16xf32>
        %select_n3A_505 = arith.select %eq3A_495, %min3A_504, %select_n3A_491 : vector<16xi1>, vector<16xf32>
        %broadcast_in_dim3A_506 = vector.shape_cast %max3A_34 : vector<16xi32> to vector<16x1xi32>
        %gather3A_507 = vector.shape_cast %broadcast_in_dim3A_506 : vector<16x1xi32> to vector<16xi32>
        %gather3A_508 = tpu.dynamic_gather %get3A_201[%gather3A_507] in [0] : vector<16xi32>, vector<16xi32> -> vector<16xi32>
        %eq3A_509 = arith.cmpi eq, %gather3A_508, %get3A_201 : vector<16xi32>
        %broadcast_in_dim3A_510 = vector.shape_cast %max3A_34 : vector<16xi32> to vector<16x1xi32>
        %gather3A_511 = vector.shape_cast %broadcast_in_dim3A_510 : vector<16x1xi32> to vector<16xi32>
        %gather3A_512 = tpu.dynamic_gather %select_n3A_500[%gather3A_511] in [0] : vector<16xf32>, vector<16xi32> -> vector<16xf32>
        %max3A_513 = arith.maximumf %select_n3A_500, %gather3A_512 : vector<16xf32>
        %select_n3A_514 = arith.select %eq3A_509, %max3A_513, %select_n3A_500 : vector<16xi1>, vector<16xf32>
        %broadcast_in_dim3A_515 = vector.shape_cast %max3A_34 : vector<16xi32> to vector<16x1xi32>
        %gather3A_516 = vector.shape_cast %broadcast_in_dim3A_515 : vector<16x1xi32> to vector<16xi32>
        %gather3A_517 = tpu.dynamic_gather %select_n3A_505[%gather3A_516] in [0] : vector<16xf32>, vector<16xi32> -> vector<16xf32>
        %min3A_518 = arith.minimumf %select_n3A_505, %gather3A_517 : vector<16xf32>
        %select_n3A_519 = arith.select %eq3A_509, %min3A_518, %select_n3A_505 : vector<16xi1>, vector<16xf32>
        %broadcast_in_dim3A_520 = vector.shape_cast %min3A_12 : vector<16xi32> to vector<16x1xi32>
        %gather3A_521 = vector.shape_cast %broadcast_in_dim3A_520 : vector<16x1xi32> to vector<16xi32>
        %gather3A_522 = tpu.dynamic_gather %get3A_201[%gather3A_521] in [0] : vector<16xi32>, vector<16xi32> -> vector<16xi32>
        %ne3A_523 = arith.cmpi ne, %get3A_201, %gather3A_522 : vector<16xi32>
        %or3A_524 = arith.ori %ne3A_523, %eq3A_7 : vector<16xi1>
        %gather3A_525 = tpu.vector_load_idx %arg19[%get3A_201] : memref<4096xf32, #tpu.memory_space<vmem>>[vector<16xi32>], vector<16xf32>,
        %gather3A_526 = tpu.vector_load_idx %arg20[%get3A_201] : memref<4096xf32, #tpu.memory_space<vmem>>[vector<16xi32>], vector<16xf32>,
        %max3A_527 = arith.maximumf %gather3A_525, %select_n3A_514 : vector<16xf32>
        tpu.vector_store_idx %arg19[%get3A_201], %max3A_527 masked %or3A_524 : memref<4096xf32, #tpu.memory_space<vmem>>[vector<16xi32>], vector<16xf32>, vector<16xi1>
        %min3A_528 = arith.minimumf %gather3A_526, %select_n3A_519 : vector<16xf32>
        tpu.vector_store_idx %arg20[%get3A_201], %min3A_528 masked %or3A_524 : memref<4096xf32, #tpu.memory_space<vmem>>[vector<16xi32>], vector<16xf32>, vector<16xi1>
        tpu.vector_store_idx %arg15[%get3A_221], %get3A_225 {add = true} : memref<4096xf32, #tpu.memory_space<vmem>>[vector<16xi32>], vector<16xf32>,
        tpu.vector_store_idx %arg16[%get3A_221], %get3A_229 {add = true} : memref<4096xf32, #tpu.memory_space<vmem>>[vector<16xi32>], vector<16xf32>,
        tpu.vector_store_idx %arg17[%get3A_221], %get3A_233 {add = true} : memref<4096xf32, #tpu.memory_space<vmem>>[vector<16xi32>], vector<16xf32>,
        tpu.vector_store_idx %arg18[%get3A_221], %broadcast_in_dim3A_5 {add = true} : memref<4096xf32, #tpu.memory_space<vmem>>[vector<16xi32>], vector<16xf32>,
        %broadcast_in_dim3A_529 = vector.shape_cast %max3A_16 : vector<16xi32> to vector<16x1xi32>
        %gather3A_530 = vector.shape_cast %broadcast_in_dim3A_529 : vector<16x1xi32> to vector<16xi32>
        %gather3A_531 = tpu.dynamic_gather %get3A_221[%gather3A_530] in [0] : vector<16xi32>, vector<16xi32> -> vector<16xi32>
        %eq3A_532 = arith.cmpi eq, %gather3A_531, %get3A_221 : vector<16xi32>
        %broadcast_in_dim3A_533 = vector.shape_cast %max3A_16 : vector<16xi32> to vector<16x1xi32>
        %gather3A_534 = vector.shape_cast %broadcast_in_dim3A_533 : vector<16x1xi32> to vector<16xi32>
        %gather3A_535 = tpu.dynamic_gather %get3A_233[%gather3A_534] in [0] : vector<16xf32>, vector<16xi32> -> vector<16xf32>
        %max3A_536 = arith.maximumf %get3A_233, %gather3A_535 : vector<16xf32>
        %select_n3A_537 = arith.select %eq3A_532, %max3A_536, %get3A_233 : vector<16xi1>, vector<16xf32>
        %broadcast_in_dim3A_538 = vector.shape_cast %max3A_16 : vector<16xi32> to vector<16x1xi32>
        %gather3A_539 = vector.shape_cast %broadcast_in_dim3A_538 : vector<16x1xi32> to vector<16xi32>
        %gather3A_540 = tpu.dynamic_gather %get3A_233[%gather3A_539] in [0] : vector<16xf32>, vector<16xi32> -> vector<16xf32>
        %min3A_541 = arith.minimumf %get3A_233, %gather3A_540 : vector<16xf32>
        %select_n3A_542 = arith.select %eq3A_532, %min3A_541, %get3A_233 : vector<16xi1>, vector<16xf32>
        %broadcast_in_dim3A_543 = vector.shape_cast %max3A_22 : vector<16xi32> to vector<16x1xi32>
        %gather3A_544 = vector.shape_cast %broadcast_in_dim3A_543 : vector<16x1xi32> to vector<16xi32>
        %gather3A_545 = tpu.dynamic_gather %get3A_221[%gather3A_544] in [0] : vector<16xi32>, vector<16xi32> -> vector<16xi32>
        %eq3A_546 = arith.cmpi eq, %gather3A_545, %get3A_221 : vector<16xi32>
        %broadcast_in_dim3A_547 = vector.shape_cast %max3A_22 : vector<16xi32> to vector<16x1xi32>
        %gather3A_548 = vector.shape_cast %broadcast_in_dim3A_547 : vector<16x1xi32> to vector<16xi32>
        %gather3A_549 = tpu.dynamic_gather %select_n3A_537[%gather3A_548] in [0] : vector<16xf32>, vector<16xi32> -> vector<16xf32>
        %max3A_550 = arith.maximumf %select_n3A_537, %gather3A_549 : vector<16xf32>
        %select_n3A_551 = arith.select %eq3A_546, %max3A_550, %select_n3A_537 : vector<16xi1>, vector<16xf32>
        %broadcast_in_dim3A_552 = vector.shape_cast %max3A_22 : vector<16xi32> to vector<16x1xi32>
        %gather3A_553 = vector.shape_cast %broadcast_in_dim3A_552 : vector<16x1xi32> to vector<16xi32>
        %gather3A_554 = tpu.dynamic_gather %select_n3A_542[%gather3A_553] in [0] : vector<16xf32>, vector<16xi32> -> vector<16xf32>
        %min3A_555 = arith.minimumf %select_n3A_542, %gather3A_554 : vector<16xf32>
        %select_n3A_556 = arith.select %eq3A_546, %min3A_555, %select_n3A_542 : vector<16xi1>, vector<16xf32>
        %broadcast_in_dim3A_557 = vector.shape_cast %max3A_28 : vector<16xi32> to vector<16x1xi32>
        %gather3A_558 = vector.shape_cast %broadcast_in_dim3A_557 : vector<16x1xi32> to vector<16xi32>
        %gather3A_559 = tpu.dynamic_gather %get3A_221[%gather3A_558] in [0] : vector<16xi32>, vector<16xi32> -> vector<16xi32>
        %eq3A_560 = arith.cmpi eq, %gather3A_559, %get3A_221 : vector<16xi32>
        %broadcast_in_dim3A_561 = vector.shape_cast %max3A_28 : vector<16xi32> to vector<16x1xi32>
        %gather3A_562 = vector.shape_cast %broadcast_in_dim3A_561 : vector<16x1xi32> to vector<16xi32>
        %gather3A_563 = tpu.dynamic_gather %select_n3A_551[%gather3A_562] in [0] : vector<16xf32>, vector<16xi32> -> vector<16xf32>
        %max3A_564 = arith.maximumf %select_n3A_551, %gather3A_563 : vector<16xf32>
        %select_n3A_565 = arith.select %eq3A_560, %max3A_564, %select_n3A_551 : vector<16xi1>, vector<16xf32>
        %broadcast_in_dim3A_566 = vector.shape_cast %max3A_28 : vector<16xi32> to vector<16x1xi32>
        %gather3A_567 = vector.shape_cast %broadcast_in_dim3A_566 : vector<16x1xi32> to vector<16xi32>
        %gather3A_568 = tpu.dynamic_gather %select_n3A_556[%gather3A_567] in [0] : vector<16xf32>, vector<16xi32> -> vector<16xf32>
        %min3A_569 = arith.minimumf %select_n3A_556, %gather3A_568 : vector<16xf32>
        %select_n3A_570 = arith.select %eq3A_560, %min3A_569, %select_n3A_556 : vector<16xi1>, vector<16xf32>
        %broadcast_in_dim3A_571 = vector.shape_cast %max3A_34 : vector<16xi32> to vector<16x1xi32>
        %gather3A_572 = vector.shape_cast %broadcast_in_dim3A_571 : vector<16x1xi32> to vector<16xi32>
        %gather3A_573 = tpu.dynamic_gather %get3A_221[%gather3A_572] in [0] : vector<16xi32>, vector<16xi32> -> vector<16xi32>
        %eq3A_574 = arith.cmpi eq, %gather3A_573, %get3A_221 : vector<16xi32>
        %broadcast_in_dim3A_575 = vector.shape_cast %max3A_34 : vector<16xi32> to vector<16x1xi32>
        %gather3A_576 = vector.shape_cast %broadcast_in_dim3A_575 : vector<16x1xi32> to vector<16xi32>
        %gather3A_577 = tpu.dynamic_gather %select_n3A_565[%gather3A_576] in [0] : vector<16xf32>, vector<16xi32> -> vector<16xf32>
        %max3A_578 = arith.maximumf %select_n3A_565, %gather3A_577 : vector<16xf32>
        %select_n3A_579 = arith.select %eq3A_574, %max3A_578, %select_n3A_565 : vector<16xi1>, vector<16xf32>
        %broadcast_in_dim3A_580 = vector.shape_cast %max3A_34 : vector<16xi32> to vector<16x1xi32>
        %gather3A_581 = vector.shape_cast %broadcast_in_dim3A_580 : vector<16x1xi32> to vector<16xi32>
        %gather3A_582 = tpu.dynamic_gather %select_n3A_570[%gather3A_581] in [0] : vector<16xf32>, vector<16xi32> -> vector<16xf32>
        %min3A_583 = arith.minimumf %select_n3A_570, %gather3A_582 : vector<16xf32>
        %select_n3A_584 = arith.select %eq3A_574, %min3A_583, %select_n3A_570 : vector<16xi1>, vector<16xf32>
        %broadcast_in_dim3A_585 = vector.shape_cast %min3A_12 : vector<16xi32> to vector<16x1xi32>
        %gather3A_586 = vector.shape_cast %broadcast_in_dim3A_585 : vector<16x1xi32> to vector<16xi32>
        %gather3A_587 = tpu.dynamic_gather %get3A_221[%gather3A_586] in [0] : vector<16xi32>, vector<16xi32> -> vector<16xi32>
        %ne3A_588 = arith.cmpi ne, %get3A_221, %gather3A_587 : vector<16xi32>
        %or3A_589 = arith.ori %ne3A_588, %eq3A_7 : vector<16xi1>
        %gather3A_590 = tpu.vector_load_idx %arg19[%get3A_221] : memref<4096xf32, #tpu.memory_space<vmem>>[vector<16xi32>], vector<16xf32>,
        %gather3A_591 = tpu.vector_load_idx %arg20[%get3A_221] : memref<4096xf32, #tpu.memory_space<vmem>>[vector<16xi32>], vector<16xf32>,
        %max3A_592 = arith.maximumf %gather3A_590, %select_n3A_579 : vector<16xf32>
        tpu.vector_store_idx %arg19[%get3A_221], %max3A_592 masked %or3A_589 : memref<4096xf32, #tpu.memory_space<vmem>>[vector<16xi32>], vector<16xf32>, vector<16xi1>
        %min3A_593 = arith.minimumf %gather3A_591, %select_n3A_584 : vector<16xf32>
        tpu.vector_store_idx %arg20[%get3A_221], %min3A_593 masked %or3A_589 : memref<4096xf32, #tpu.memory_space<vmem>>[vector<16xi32>], vector<16xf32>, vector<16xi1>
        tpu.vector_store_idx %arg15[%get3A_241], %get3A_245 {add = true} : memref<4096xf32, #tpu.memory_space<vmem>>[vector<16xi32>], vector<16xf32>,
        tpu.vector_store_idx %arg16[%get3A_241], %get3A_249 {add = true} : memref<4096xf32, #tpu.memory_space<vmem>>[vector<16xi32>], vector<16xf32>,
        tpu.vector_store_idx %arg17[%get3A_241], %get3A_253 {add = true} : memref<4096xf32, #tpu.memory_space<vmem>>[vector<16xi32>], vector<16xf32>,
        tpu.vector_store_idx %arg18[%get3A_241], %broadcast_in_dim3A_5 {add = true} : memref<4096xf32, #tpu.memory_space<vmem>>[vector<16xi32>], vector<16xf32>,
        %broadcast_in_dim3A_594 = vector.shape_cast %max3A_16 : vector<16xi32> to vector<16x1xi32>
        %gather3A_595 = vector.shape_cast %broadcast_in_dim3A_594 : vector<16x1xi32> to vector<16xi32>
        %gather3A_596 = tpu.dynamic_gather %get3A_241[%gather3A_595] in [0] : vector<16xi32>, vector<16xi32> -> vector<16xi32>
        %eq3A_597 = arith.cmpi eq, %gather3A_596, %get3A_241 : vector<16xi32>
        %broadcast_in_dim3A_598 = vector.shape_cast %max3A_16 : vector<16xi32> to vector<16x1xi32>
        %gather3A_599 = vector.shape_cast %broadcast_in_dim3A_598 : vector<16x1xi32> to vector<16xi32>
        %gather3A_600 = tpu.dynamic_gather %get3A_253[%gather3A_599] in [0] : vector<16xf32>, vector<16xi32> -> vector<16xf32>
        %max3A_601 = arith.maximumf %get3A_253, %gather3A_600 : vector<16xf32>
        %select_n3A_602 = arith.select %eq3A_597, %max3A_601, %get3A_253 : vector<16xi1>, vector<16xf32>
        %broadcast_in_dim3A_603 = vector.shape_cast %max3A_16 : vector<16xi32> to vector<16x1xi32>
        %gather3A_604 = vector.shape_cast %broadcast_in_dim3A_603 : vector<16x1xi32> to vector<16xi32>
        %gather3A_605 = tpu.dynamic_gather %get3A_253[%gather3A_604] in [0] : vector<16xf32>, vector<16xi32> -> vector<16xf32>
        %min3A_606 = arith.minimumf %get3A_253, %gather3A_605 : vector<16xf32>
        %select_n3A_607 = arith.select %eq3A_597, %min3A_606, %get3A_253 : vector<16xi1>, vector<16xf32>
        %broadcast_in_dim3A_608 = vector.shape_cast %max3A_22 : vector<16xi32> to vector<16x1xi32>
        %gather3A_609 = vector.shape_cast %broadcast_in_dim3A_608 : vector<16x1xi32> to vector<16xi32>
        %gather3A_610 = tpu.dynamic_gather %get3A_241[%gather3A_609] in [0] : vector<16xi32>, vector<16xi32> -> vector<16xi32>
        %eq3A_611 = arith.cmpi eq, %gather3A_610, %get3A_241 : vector<16xi32>
        %broadcast_in_dim3A_612 = vector.shape_cast %max3A_22 : vector<16xi32> to vector<16x1xi32>
        %gather3A_613 = vector.shape_cast %broadcast_in_dim3A_612 : vector<16x1xi32> to vector<16xi32>
        %gather3A_614 = tpu.dynamic_gather %select_n3A_602[%gather3A_613] in [0] : vector<16xf32>, vector<16xi32> -> vector<16xf32>
        %max3A_615 = arith.maximumf %select_n3A_602, %gather3A_614 : vector<16xf32>
        %select_n3A_616 = arith.select %eq3A_611, %max3A_615, %select_n3A_602 : vector<16xi1>, vector<16xf32>
        %broadcast_in_dim3A_617 = vector.shape_cast %max3A_22 : vector<16xi32> to vector<16x1xi32>
        %gather3A_618 = vector.shape_cast %broadcast_in_dim3A_617 : vector<16x1xi32> to vector<16xi32>
        %gather3A_619 = tpu.dynamic_gather %select_n3A_607[%gather3A_618] in [0] : vector<16xf32>, vector<16xi32> -> vector<16xf32>
        %min3A_620 = arith.minimumf %select_n3A_607, %gather3A_619 : vector<16xf32>
        %select_n3A_621 = arith.select %eq3A_611, %min3A_620, %select_n3A_607 : vector<16xi1>, vector<16xf32>
        %broadcast_in_dim3A_622 = vector.shape_cast %max3A_28 : vector<16xi32> to vector<16x1xi32>
        %gather3A_623 = vector.shape_cast %broadcast_in_dim3A_622 : vector<16x1xi32> to vector<16xi32>
        %gather3A_624 = tpu.dynamic_gather %get3A_241[%gather3A_623] in [0] : vector<16xi32>, vector<16xi32> -> vector<16xi32>
        %eq3A_625 = arith.cmpi eq, %gather3A_624, %get3A_241 : vector<16xi32>
        %broadcast_in_dim3A_626 = vector.shape_cast %max3A_28 : vector<16xi32> to vector<16x1xi32>
        %gather3A_627 = vector.shape_cast %broadcast_in_dim3A_626 : vector<16x1xi32> to vector<16xi32>
        %gather3A_628 = tpu.dynamic_gather %select_n3A_616[%gather3A_627] in [0] : vector<16xf32>, vector<16xi32> -> vector<16xf32>
        %max3A_629 = arith.maximumf %select_n3A_616, %gather3A_628 : vector<16xf32>
        %select_n3A_630 = arith.select %eq3A_625, %max3A_629, %select_n3A_616 : vector<16xi1>, vector<16xf32>
        %broadcast_in_dim3A_631 = vector.shape_cast %max3A_28 : vector<16xi32> to vector<16x1xi32>
        %gather3A_632 = vector.shape_cast %broadcast_in_dim3A_631 : vector<16x1xi32> to vector<16xi32>
        %gather3A_633 = tpu.dynamic_gather %select_n3A_621[%gather3A_632] in [0] : vector<16xf32>, vector<16xi32> -> vector<16xf32>
        %min3A_634 = arith.minimumf %select_n3A_621, %gather3A_633 : vector<16xf32>
        %select_n3A_635 = arith.select %eq3A_625, %min3A_634, %select_n3A_621 : vector<16xi1>, vector<16xf32>
        %broadcast_in_dim3A_636 = vector.shape_cast %max3A_34 : vector<16xi32> to vector<16x1xi32>
        %gather3A_637 = vector.shape_cast %broadcast_in_dim3A_636 : vector<16x1xi32> to vector<16xi32>
        %gather3A_638 = tpu.dynamic_gather %get3A_241[%gather3A_637] in [0] : vector<16xi32>, vector<16xi32> -> vector<16xi32>
        %eq3A_639 = arith.cmpi eq, %gather3A_638, %get3A_241 : vector<16xi32>
        %broadcast_in_dim3A_640 = vector.shape_cast %max3A_34 : vector<16xi32> to vector<16x1xi32>
        %gather3A_641 = vector.shape_cast %broadcast_in_dim3A_640 : vector<16x1xi32> to vector<16xi32>
        %gather3A_642 = tpu.dynamic_gather %select_n3A_630[%gather3A_641] in [0] : vector<16xf32>, vector<16xi32> -> vector<16xf32>
        %max3A_643 = arith.maximumf %select_n3A_630, %gather3A_642 : vector<16xf32>
        %select_n3A_644 = arith.select %eq3A_639, %max3A_643, %select_n3A_630 : vector<16xi1>, vector<16xf32>
        %broadcast_in_dim3A_645 = vector.shape_cast %max3A_34 : vector<16xi32> to vector<16x1xi32>
        %gather3A_646 = vector.shape_cast %broadcast_in_dim3A_645 : vector<16x1xi32> to vector<16xi32>
        %gather3A_647 = tpu.dynamic_gather %select_n3A_635[%gather3A_646] in [0] : vector<16xf32>, vector<16xi32> -> vector<16xf32>
        %min3A_648 = arith.minimumf %select_n3A_635, %gather3A_647 : vector<16xf32>
        %select_n3A_649 = arith.select %eq3A_639, %min3A_648, %select_n3A_635 : vector<16xi1>, vector<16xf32>
        %broadcast_in_dim3A_650 = vector.shape_cast %min3A_12 : vector<16xi32> to vector<16x1xi32>
        %gather3A_651 = vector.shape_cast %broadcast_in_dim3A_650 : vector<16x1xi32> to vector<16xi32>
        %gather3A_652 = tpu.dynamic_gather %get3A_241[%gather3A_651] in [0] : vector<16xi32>, vector<16xi32> -> vector<16xi32>
        %ne3A_653 = arith.cmpi ne, %get3A_241, %gather3A_652 : vector<16xi32>
        %or3A_654 = arith.ori %ne3A_653, %eq3A_7 : vector<16xi1>
        %gather3A_655 = tpu.vector_load_idx %arg19[%get3A_241] : memref<4096xf32, #tpu.memory_space<vmem>>[vector<16xi32>], vector<16xf32>,
        %gather3A_656 = tpu.vector_load_idx %arg20[%get3A_241] : memref<4096xf32, #tpu.memory_space<vmem>>[vector<16xi32>], vector<16xf32>,
        %max3A_657 = arith.maximumf %gather3A_655, %select_n3A_644 : vector<16xf32>
        tpu.vector_store_idx %arg19[%get3A_241], %max3A_657 masked %or3A_654 : memref<4096xf32, #tpu.memory_space<vmem>>[vector<16xi32>], vector<16xf32>, vector<16xi1>
        %min3A_658 = arith.minimumf %gather3A_656, %select_n3A_649 : vector<16xf32>
        tpu.vector_store_idx %arg20[%get3A_241], %min3A_658 masked %or3A_654 : memref<4096xf32, #tpu.memory_space<vmem>>[vector<16xi32>], vector<16xf32>, vector<16xi1>
        tpu.vector_store_idx %arg15[%get3A_261], %get3A_265 {add = true} : memref<4096xf32, #tpu.memory_space<vmem>>[vector<16xi32>], vector<16xf32>,
        tpu.vector_store_idx %arg16[%get3A_261], %get3A_269 {add = true} : memref<4096xf32, #tpu.memory_space<vmem>>[vector<16xi32>], vector<16xf32>,
        tpu.vector_store_idx %arg17[%get3A_261], %get3A_273 {add = true} : memref<4096xf32, #tpu.memory_space<vmem>>[vector<16xi32>], vector<16xf32>,
        tpu.vector_store_idx %arg18[%get3A_261], %broadcast_in_dim3A_5 {add = true} : memref<4096xf32, #tpu.memory_space<vmem>>[vector<16xi32>], vector<16xf32>,
        %broadcast_in_dim3A_659 = vector.shape_cast %max3A_16 : vector<16xi32> to vector<16x1xi32>
        %gather3A_660 = vector.shape_cast %broadcast_in_dim3A_659 : vector<16x1xi32> to vector<16xi32>
        %gather3A_661 = tpu.dynamic_gather %get3A_261[%gather3A_660] in [0] : vector<16xi32>, vector<16xi32> -> vector<16xi32>
        %eq3A_662 = arith.cmpi eq, %gather3A_661, %get3A_261 : vector<16xi32>
        %broadcast_in_dim3A_663 = vector.shape_cast %max3A_16 : vector<16xi32> to vector<16x1xi32>
        %gather3A_664 = vector.shape_cast %broadcast_in_dim3A_663 : vector<16x1xi32> to vector<16xi32>
        %gather3A_665 = tpu.dynamic_gather %get3A_273[%gather3A_664] in [0] : vector<16xf32>, vector<16xi32> -> vector<16xf32>
        %max3A_666 = arith.maximumf %get3A_273, %gather3A_665 : vector<16xf32>
        %select_n3A_667 = arith.select %eq3A_662, %max3A_666, %get3A_273 : vector<16xi1>, vector<16xf32>
        %broadcast_in_dim3A_668 = vector.shape_cast %max3A_16 : vector<16xi32> to vector<16x1xi32>
        %gather3A_669 = vector.shape_cast %broadcast_in_dim3A_668 : vector<16x1xi32> to vector<16xi32>
        %gather3A_670 = tpu.dynamic_gather %get3A_273[%gather3A_669] in [0] : vector<16xf32>, vector<16xi32> -> vector<16xf32>
        %min3A_671 = arith.minimumf %get3A_273, %gather3A_670 : vector<16xf32>
        %select_n3A_672 = arith.select %eq3A_662, %min3A_671, %get3A_273 : vector<16xi1>, vector<16xf32>
        %broadcast_in_dim3A_673 = vector.shape_cast %max3A_22 : vector<16xi32> to vector<16x1xi32>
        %gather3A_674 = vector.shape_cast %broadcast_in_dim3A_673 : vector<16x1xi32> to vector<16xi32>
        %gather3A_675 = tpu.dynamic_gather %get3A_261[%gather3A_674] in [0] : vector<16xi32>, vector<16xi32> -> vector<16xi32>
        %eq3A_676 = arith.cmpi eq, %gather3A_675, %get3A_261 : vector<16xi32>
        %broadcast_in_dim3A_677 = vector.shape_cast %max3A_22 : vector<16xi32> to vector<16x1xi32>
        %gather3A_678 = vector.shape_cast %broadcast_in_dim3A_677 : vector<16x1xi32> to vector<16xi32>
        %gather3A_679 = tpu.dynamic_gather %select_n3A_667[%gather3A_678] in [0] : vector<16xf32>, vector<16xi32> -> vector<16xf32>
        %max3A_680 = arith.maximumf %select_n3A_667, %gather3A_679 : vector<16xf32>
        %select_n3A_681 = arith.select %eq3A_676, %max3A_680, %select_n3A_667 : vector<16xi1>, vector<16xf32>
        %broadcast_in_dim3A_682 = vector.shape_cast %max3A_22 : vector<16xi32> to vector<16x1xi32>
        %gather3A_683 = vector.shape_cast %broadcast_in_dim3A_682 : vector<16x1xi32> to vector<16xi32>
        %gather3A_684 = tpu.dynamic_gather %select_n3A_672[%gather3A_683] in [0] : vector<16xf32>, vector<16xi32> -> vector<16xf32>
        %min3A_685 = arith.minimumf %select_n3A_672, %gather3A_684 : vector<16xf32>
        %select_n3A_686 = arith.select %eq3A_676, %min3A_685, %select_n3A_672 : vector<16xi1>, vector<16xf32>
        %broadcast_in_dim3A_687 = vector.shape_cast %max3A_28 : vector<16xi32> to vector<16x1xi32>
        %gather3A_688 = vector.shape_cast %broadcast_in_dim3A_687 : vector<16x1xi32> to vector<16xi32>
        %gather3A_689 = tpu.dynamic_gather %get3A_261[%gather3A_688] in [0] : vector<16xi32>, vector<16xi32> -> vector<16xi32>
        %eq3A_690 = arith.cmpi eq, %gather3A_689, %get3A_261 : vector<16xi32>
        %broadcast_in_dim3A_691 = vector.shape_cast %max3A_28 : vector<16xi32> to vector<16x1xi32>
        %gather3A_692 = vector.shape_cast %broadcast_in_dim3A_691 : vector<16x1xi32> to vector<16xi32>
        %gather3A_693 = tpu.dynamic_gather %select_n3A_681[%gather3A_692] in [0] : vector<16xf32>, vector<16xi32> -> vector<16xf32>
        %max3A_694 = arith.maximumf %select_n3A_681, %gather3A_693 : vector<16xf32>
        %select_n3A_695 = arith.select %eq3A_690, %max3A_694, %select_n3A_681 : vector<16xi1>, vector<16xf32>
        %broadcast_in_dim3A_696 = vector.shape_cast %max3A_28 : vector<16xi32> to vector<16x1xi32>
        %gather3A_697 = vector.shape_cast %broadcast_in_dim3A_696 : vector<16x1xi32> to vector<16xi32>
        %gather3A_698 = tpu.dynamic_gather %select_n3A_686[%gather3A_697] in [0] : vector<16xf32>, vector<16xi32> -> vector<16xf32>
        %min3A_699 = arith.minimumf %select_n3A_686, %gather3A_698 : vector<16xf32>
        %select_n3A_700 = arith.select %eq3A_690, %min3A_699, %select_n3A_686 : vector<16xi1>, vector<16xf32>
        %broadcast_in_dim3A_701 = vector.shape_cast %max3A_34 : vector<16xi32> to vector<16x1xi32>
        %gather3A_702 = vector.shape_cast %broadcast_in_dim3A_701 : vector<16x1xi32> to vector<16xi32>
        %gather3A_703 = tpu.dynamic_gather %get3A_261[%gather3A_702] in [0] : vector<16xi32>, vector<16xi32> -> vector<16xi32>
        %eq3A_704 = arith.cmpi eq, %gather3A_703, %get3A_261 : vector<16xi32>
        %broadcast_in_dim3A_705 = vector.shape_cast %max3A_34 : vector<16xi32> to vector<16x1xi32>
        %gather3A_706 = vector.shape_cast %broadcast_in_dim3A_705 : vector<16x1xi32> to vector<16xi32>
        %gather3A_707 = tpu.dynamic_gather %select_n3A_695[%gather3A_706] in [0] : vector<16xf32>, vector<16xi32> -> vector<16xf32>
        %max3A_708 = arith.maximumf %select_n3A_695, %gather3A_707 : vector<16xf32>
        %select_n3A_709 = arith.select %eq3A_704, %max3A_708, %select_n3A_695 : vector<16xi1>, vector<16xf32>
        %broadcast_in_dim3A_710 = vector.shape_cast %max3A_34 : vector<16xi32> to vector<16x1xi32>
        %gather3A_711 = vector.shape_cast %broadcast_in_dim3A_710 : vector<16x1xi32> to vector<16xi32>
        %gather3A_712 = tpu.dynamic_gather %select_n3A_700[%gather3A_711] in [0] : vector<16xf32>, vector<16xi32> -> vector<16xf32>
        %min3A_713 = arith.minimumf %select_n3A_700, %gather3A_712 : vector<16xf32>
        %select_n3A_714 = arith.select %eq3A_704, %min3A_713, %select_n3A_700 : vector<16xi1>, vector<16xf32>
        %broadcast_in_dim3A_715 = vector.shape_cast %min3A_12 : vector<16xi32> to vector<16x1xi32>
        %gather3A_716 = vector.shape_cast %broadcast_in_dim3A_715 : vector<16x1xi32> to vector<16xi32>
        %gather3A_717 = tpu.dynamic_gather %get3A_261[%gather3A_716] in [0] : vector<16xi32>, vector<16xi32> -> vector<16xi32>
        %ne3A_718 = arith.cmpi ne, %get3A_261, %gather3A_717 : vector<16xi32>
        %or3A_719 = arith.ori %ne3A_718, %eq3A_7 : vector<16xi1>
        %gather3A_720 = tpu.vector_load_idx %arg19[%get3A_261] : memref<4096xf32, #tpu.memory_space<vmem>>[vector<16xi32>], vector<16xf32>,
        %gather3A_721 = tpu.vector_load_idx %arg20[%get3A_261] : memref<4096xf32, #tpu.memory_space<vmem>>[vector<16xi32>], vector<16xf32>,
        %max3A_722 = arith.maximumf %gather3A_720, %select_n3A_709 : vector<16xf32>
        tpu.vector_store_idx %arg19[%get3A_261], %max3A_722 masked %or3A_719 : memref<4096xf32, #tpu.memory_space<vmem>>[vector<16xi32>], vector<16xf32>, vector<16xi1>
        %min3A_723 = arith.minimumf %gather3A_721, %select_n3A_714 : vector<16xf32>
        tpu.vector_store_idx %arg20[%get3A_261], %min3A_723 masked %or3A_719 : memref<4096xf32, #tpu.memory_space<vmem>>[vector<16xi32>], vector<16xf32>, vector<16xi1>
        tpu.vector_store_idx %arg15[%get3A_281], %get3A_285 {add = true} : memref<4096xf32, #tpu.memory_space<vmem>>[vector<16xi32>], vector<16xf32>,
        tpu.vector_store_idx %arg16[%get3A_281], %get3A_289 {add = true} : memref<4096xf32, #tpu.memory_space<vmem>>[vector<16xi32>], vector<16xf32>,
        tpu.vector_store_idx %arg17[%get3A_281], %get3A_293 {add = true} : memref<4096xf32, #tpu.memory_space<vmem>>[vector<16xi32>], vector<16xf32>,
        tpu.vector_store_idx %arg18[%get3A_281], %broadcast_in_dim3A_5 {add = true} : memref<4096xf32, #tpu.memory_space<vmem>>[vector<16xi32>], vector<16xf32>,
        %broadcast_in_dim3A_724 = vector.shape_cast %max3A_16 : vector<16xi32> to vector<16x1xi32>
        %gather3A_725 = vector.shape_cast %broadcast_in_dim3A_724 : vector<16x1xi32> to vector<16xi32>
        %gather3A_726 = tpu.dynamic_gather %get3A_281[%gather3A_725] in [0] : vector<16xi32>, vector<16xi32> -> vector<16xi32>
        %eq3A_727 = arith.cmpi eq, %gather3A_726, %get3A_281 : vector<16xi32>
        %broadcast_in_dim3A_728 = vector.shape_cast %max3A_16 : vector<16xi32> to vector<16x1xi32>
        %gather3A_729 = vector.shape_cast %broadcast_in_dim3A_728 : vector<16x1xi32> to vector<16xi32>
        %gather3A_730 = tpu.dynamic_gather %get3A_293[%gather3A_729] in [0] : vector<16xf32>, vector<16xi32> -> vector<16xf32>
        %max3A_731 = arith.maximumf %get3A_293, %gather3A_730 : vector<16xf32>
        %select_n3A_732 = arith.select %eq3A_727, %max3A_731, %get3A_293 : vector<16xi1>, vector<16xf32>
        %broadcast_in_dim3A_733 = vector.shape_cast %max3A_16 : vector<16xi32> to vector<16x1xi32>
        %gather3A_734 = vector.shape_cast %broadcast_in_dim3A_733 : vector<16x1xi32> to vector<16xi32>
        %gather3A_735 = tpu.dynamic_gather %get3A_293[%gather3A_734] in [0] : vector<16xf32>, vector<16xi32> -> vector<16xf32>
        %min3A_736 = arith.minimumf %get3A_293, %gather3A_735 : vector<16xf32>
        %select_n3A_737 = arith.select %eq3A_727, %min3A_736, %get3A_293 : vector<16xi1>, vector<16xf32>
        %broadcast_in_dim3A_738 = vector.shape_cast %max3A_22 : vector<16xi32> to vector<16x1xi32>
        %gather3A_739 = vector.shape_cast %broadcast_in_dim3A_738 : vector<16x1xi32> to vector<16xi32>
        %gather3A_740 = tpu.dynamic_gather %get3A_281[%gather3A_739] in [0] : vector<16xi32>, vector<16xi32> -> vector<16xi32>
        %eq3A_741 = arith.cmpi eq, %gather3A_740, %get3A_281 : vector<16xi32>
        %broadcast_in_dim3A_742 = vector.shape_cast %max3A_22 : vector<16xi32> to vector<16x1xi32>
        %gather3A_743 = vector.shape_cast %broadcast_in_dim3A_742 : vector<16x1xi32> to vector<16xi32>
        %gather3A_744 = tpu.dynamic_gather %select_n3A_732[%gather3A_743] in [0] : vector<16xf32>, vector<16xi32> -> vector<16xf32>
        %max3A_745 = arith.maximumf %select_n3A_732, %gather3A_744 : vector<16xf32>
        %select_n3A_746 = arith.select %eq3A_741, %max3A_745, %select_n3A_732 : vector<16xi1>, vector<16xf32>
        %broadcast_in_dim3A_747 = vector.shape_cast %max3A_22 : vector<16xi32> to vector<16x1xi32>
        %gather3A_748 = vector.shape_cast %broadcast_in_dim3A_747 : vector<16x1xi32> to vector<16xi32>
        %gather3A_749 = tpu.dynamic_gather %select_n3A_737[%gather3A_748] in [0] : vector<16xf32>, vector<16xi32> -> vector<16xf32>
        %min3A_750 = arith.minimumf %select_n3A_737, %gather3A_749 : vector<16xf32>
        %select_n3A_751 = arith.select %eq3A_741, %min3A_750, %select_n3A_737 : vector<16xi1>, vector<16xf32>
        %broadcast_in_dim3A_752 = vector.shape_cast %max3A_28 : vector<16xi32> to vector<16x1xi32>
        %gather3A_753 = vector.shape_cast %broadcast_in_dim3A_752 : vector<16x1xi32> to vector<16xi32>
        %gather3A_754 = tpu.dynamic_gather %get3A_281[%gather3A_753] in [0] : vector<16xi32>, vector<16xi32> -> vector<16xi32>
        %eq3A_755 = arith.cmpi eq, %gather3A_754, %get3A_281 : vector<16xi32>
        %broadcast_in_dim3A_756 = vector.shape_cast %max3A_28 : vector<16xi32> to vector<16x1xi32>
        %gather3A_757 = vector.shape_cast %broadcast_in_dim3A_756 : vector<16x1xi32> to vector<16xi32>
        %gather3A_758 = tpu.dynamic_gather %select_n3A_746[%gather3A_757] in [0] : vector<16xf32>, vector<16xi32> -> vector<16xf32>
        %max3A_759 = arith.maximumf %select_n3A_746, %gather3A_758 : vector<16xf32>
        %select_n3A_760 = arith.select %eq3A_755, %max3A_759, %select_n3A_746 : vector<16xi1>, vector<16xf32>
        %broadcast_in_dim3A_761 = vector.shape_cast %max3A_28 : vector<16xi32> to vector<16x1xi32>
        %gather3A_762 = vector.shape_cast %broadcast_in_dim3A_761 : vector<16x1xi32> to vector<16xi32>
        %gather3A_763 = tpu.dynamic_gather %select_n3A_751[%gather3A_762] in [0] : vector<16xf32>, vector<16xi32> -> vector<16xf32>
        %min3A_764 = arith.minimumf %select_n3A_751, %gather3A_763 : vector<16xf32>
        %select_n3A_765 = arith.select %eq3A_755, %min3A_764, %select_n3A_751 : vector<16xi1>, vector<16xf32>
        %broadcast_in_dim3A_766 = vector.shape_cast %max3A_34 : vector<16xi32> to vector<16x1xi32>
        %gather3A_767 = vector.shape_cast %broadcast_in_dim3A_766 : vector<16x1xi32> to vector<16xi32>
        %gather3A_768 = tpu.dynamic_gather %get3A_281[%gather3A_767] in [0] : vector<16xi32>, vector<16xi32> -> vector<16xi32>
        %eq3A_769 = arith.cmpi eq, %gather3A_768, %get3A_281 : vector<16xi32>
        %broadcast_in_dim3A_770 = vector.shape_cast %max3A_34 : vector<16xi32> to vector<16x1xi32>
        %gather3A_771 = vector.shape_cast %broadcast_in_dim3A_770 : vector<16x1xi32> to vector<16xi32>
        %gather3A_772 = tpu.dynamic_gather %select_n3A_760[%gather3A_771] in [0] : vector<16xf32>, vector<16xi32> -> vector<16xf32>
        %max3A_773 = arith.maximumf %select_n3A_760, %gather3A_772 : vector<16xf32>
        %select_n3A_774 = arith.select %eq3A_769, %max3A_773, %select_n3A_760 : vector<16xi1>, vector<16xf32>
        %broadcast_in_dim3A_775 = vector.shape_cast %max3A_34 : vector<16xi32> to vector<16x1xi32>
        %gather3A_776 = vector.shape_cast %broadcast_in_dim3A_775 : vector<16x1xi32> to vector<16xi32>
        %gather3A_777 = tpu.dynamic_gather %select_n3A_765[%gather3A_776] in [0] : vector<16xf32>, vector<16xi32> -> vector<16xf32>
        %min3A_778 = arith.minimumf %select_n3A_765, %gather3A_777 : vector<16xf32>
        %select_n3A_779 = arith.select %eq3A_769, %min3A_778, %select_n3A_765 : vector<16xi1>, vector<16xf32>
        %broadcast_in_dim3A_780 = vector.shape_cast %min3A_12 : vector<16xi32> to vector<16x1xi32>
        %gather3A_781 = vector.shape_cast %broadcast_in_dim3A_780 : vector<16x1xi32> to vector<16xi32>
        %gather3A_782 = tpu.dynamic_gather %get3A_281[%gather3A_781] in [0] : vector<16xi32>, vector<16xi32> -> vector<16xi32>
        %ne3A_783 = arith.cmpi ne, %get3A_281, %gather3A_782 : vector<16xi32>
        %or3A_784 = arith.ori %ne3A_783, %eq3A_7 : vector<16xi1>
        %gather3A_785 = tpu.vector_load_idx %arg19[%get3A_281] : memref<4096xf32, #tpu.memory_space<vmem>>[vector<16xi32>], vector<16xf32>,
        %gather3A_786 = tpu.vector_load_idx %arg20[%get3A_281] : memref<4096xf32, #tpu.memory_space<vmem>>[vector<16xi32>], vector<16xf32>,
        %max3A_787 = arith.maximumf %gather3A_785, %select_n3A_774 : vector<16xf32>
        tpu.vector_store_idx %arg19[%get3A_281], %max3A_787 masked %or3A_784 : memref<4096xf32, #tpu.memory_space<vmem>>[vector<16xi32>], vector<16xf32>, vector<16xi1>
        %min3A_788 = arith.minimumf %gather3A_786, %select_n3A_779 : vector<16xf32>
        tpu.vector_store_idx %arg20[%get3A_281], %min3A_788 masked %or3A_784 : memref<4096xf32, #tpu.memory_space<vmem>>[vector<16xi32>], vector<16xf32>, vector<16xi1>
        tpu.vector_store_idx %arg15[%get3A_301], %get3A_305 {add = true} : memref<4096xf32, #tpu.memory_space<vmem>>[vector<16xi32>], vector<16xf32>,
        tpu.vector_store_idx %arg16[%get3A_301], %get3A_309 {add = true} : memref<4096xf32, #tpu.memory_space<vmem>>[vector<16xi32>], vector<16xf32>,
        tpu.vector_store_idx %arg17[%get3A_301], %get3A_313 {add = true} : memref<4096xf32, #tpu.memory_space<vmem>>[vector<16xi32>], vector<16xf32>,
        tpu.vector_store_idx %arg18[%get3A_301], %broadcast_in_dim3A_5 {add = true} : memref<4096xf32, #tpu.memory_space<vmem>>[vector<16xi32>], vector<16xf32>,
        %broadcast_in_dim3A_789 = vector.shape_cast %max3A_16 : vector<16xi32> to vector<16x1xi32>
        %gather3A_790 = vector.shape_cast %broadcast_in_dim3A_789 : vector<16x1xi32> to vector<16xi32>
        %gather3A_791 = tpu.dynamic_gather %get3A_301[%gather3A_790] in [0] : vector<16xi32>, vector<16xi32> -> vector<16xi32>
        %eq3A_792 = arith.cmpi eq, %gather3A_791, %get3A_301 : vector<16xi32>
        %broadcast_in_dim3A_793 = vector.shape_cast %max3A_16 : vector<16xi32> to vector<16x1xi32>
        %gather3A_794 = vector.shape_cast %broadcast_in_dim3A_793 : vector<16x1xi32> to vector<16xi32>
        %gather3A_795 = tpu.dynamic_gather %get3A_313[%gather3A_794] in [0] : vector<16xf32>, vector<16xi32> -> vector<16xf32>
        %max3A_796 = arith.maximumf %get3A_313, %gather3A_795 : vector<16xf32>
        %select_n3A_797 = arith.select %eq3A_792, %max3A_796, %get3A_313 : vector<16xi1>, vector<16xf32>
        %broadcast_in_dim3A_798 = vector.shape_cast %max3A_16 : vector<16xi32> to vector<16x1xi32>
        %gather3A_799 = vector.shape_cast %broadcast_in_dim3A_798 : vector<16x1xi32> to vector<16xi32>
        %gather3A_800 = tpu.dynamic_gather %get3A_313[%gather3A_799] in [0] : vector<16xf32>, vector<16xi32> -> vector<16xf32>
        %min3A_801 = arith.minimumf %get3A_313, %gather3A_800 : vector<16xf32>
        %select_n3A_802 = arith.select %eq3A_792, %min3A_801, %get3A_313 : vector<16xi1>, vector<16xf32>
        %broadcast_in_dim3A_803 = vector.shape_cast %max3A_22 : vector<16xi32> to vector<16x1xi32>
        %gather3A_804 = vector.shape_cast %broadcast_in_dim3A_803 : vector<16x1xi32> to vector<16xi32>
        %gather3A_805 = tpu.dynamic_gather %get3A_301[%gather3A_804] in [0] : vector<16xi32>, vector<16xi32> -> vector<16xi32>
        %eq3A_806 = arith.cmpi eq, %gather3A_805, %get3A_301 : vector<16xi32>
        %broadcast_in_dim3A_807 = vector.shape_cast %max3A_22 : vector<16xi32> to vector<16x1xi32>
        %gather3A_808 = vector.shape_cast %broadcast_in_dim3A_807 : vector<16x1xi32> to vector<16xi32>
        %gather3A_809 = tpu.dynamic_gather %select_n3A_797[%gather3A_808] in [0] : vector<16xf32>, vector<16xi32> -> vector<16xf32>
        %max3A_810 = arith.maximumf %select_n3A_797, %gather3A_809 : vector<16xf32>
        %select_n3A_811 = arith.select %eq3A_806, %max3A_810, %select_n3A_797 : vector<16xi1>, vector<16xf32>
        %broadcast_in_dim3A_812 = vector.shape_cast %max3A_22 : vector<16xi32> to vector<16x1xi32>
        %gather3A_813 = vector.shape_cast %broadcast_in_dim3A_812 : vector<16x1xi32> to vector<16xi32>
        %gather3A_814 = tpu.dynamic_gather %select_n3A_802[%gather3A_813] in [0] : vector<16xf32>, vector<16xi32> -> vector<16xf32>
        %min3A_815 = arith.minimumf %select_n3A_802, %gather3A_814 : vector<16xf32>
        %select_n3A_816 = arith.select %eq3A_806, %min3A_815, %select_n3A_802 : vector<16xi1>, vector<16xf32>
        %broadcast_in_dim3A_817 = vector.shape_cast %max3A_28 : vector<16xi32> to vector<16x1xi32>
        %gather3A_818 = vector.shape_cast %broadcast_in_dim3A_817 : vector<16x1xi32> to vector<16xi32>
        %gather3A_819 = tpu.dynamic_gather %get3A_301[%gather3A_818] in [0] : vector<16xi32>, vector<16xi32> -> vector<16xi32>
        %eq3A_820 = arith.cmpi eq, %gather3A_819, %get3A_301 : vector<16xi32>
        %broadcast_in_dim3A_821 = vector.shape_cast %max3A_28 : vector<16xi32> to vector<16x1xi32>
        %gather3A_822 = vector.shape_cast %broadcast_in_dim3A_821 : vector<16x1xi32> to vector<16xi32>
        %gather3A_823 = tpu.dynamic_gather %select_n3A_811[%gather3A_822] in [0] : vector<16xf32>, vector<16xi32> -> vector<16xf32>
        %max3A_824 = arith.maximumf %select_n3A_811, %gather3A_823 : vector<16xf32>
        %select_n3A_825 = arith.select %eq3A_820, %max3A_824, %select_n3A_811 : vector<16xi1>, vector<16xf32>
        %broadcast_in_dim3A_826 = vector.shape_cast %max3A_28 : vector<16xi32> to vector<16x1xi32>
        %gather3A_827 = vector.shape_cast %broadcast_in_dim3A_826 : vector<16x1xi32> to vector<16xi32>
        %gather3A_828 = tpu.dynamic_gather %select_n3A_816[%gather3A_827] in [0] : vector<16xf32>, vector<16xi32> -> vector<16xf32>
        %min3A_829 = arith.minimumf %select_n3A_816, %gather3A_828 : vector<16xf32>
        %select_n3A_830 = arith.select %eq3A_820, %min3A_829, %select_n3A_816 : vector<16xi1>, vector<16xf32>
        %broadcast_in_dim3A_831 = vector.shape_cast %max3A_34 : vector<16xi32> to vector<16x1xi32>
        %gather3A_832 = vector.shape_cast %broadcast_in_dim3A_831 : vector<16x1xi32> to vector<16xi32>
        %gather3A_833 = tpu.dynamic_gather %get3A_301[%gather3A_832] in [0] : vector<16xi32>, vector<16xi32> -> vector<16xi32>
        %eq3A_834 = arith.cmpi eq, %gather3A_833, %get3A_301 : vector<16xi32>
        %broadcast_in_dim3A_835 = vector.shape_cast %max3A_34 : vector<16xi32> to vector<16x1xi32>
        %gather3A_836 = vector.shape_cast %broadcast_in_dim3A_835 : vector<16x1xi32> to vector<16xi32>
        %gather3A_837 = tpu.dynamic_gather %select_n3A_825[%gather3A_836] in [0] : vector<16xf32>, vector<16xi32> -> vector<16xf32>
        %max3A_838 = arith.maximumf %select_n3A_825, %gather3A_837 : vector<16xf32>
        %select_n3A_839 = arith.select %eq3A_834, %max3A_838, %select_n3A_825 : vector<16xi1>, vector<16xf32>
        %broadcast_in_dim3A_840 = vector.shape_cast %max3A_34 : vector<16xi32> to vector<16x1xi32>
        %gather3A_841 = vector.shape_cast %broadcast_in_dim3A_840 : vector<16x1xi32> to vector<16xi32>
        %gather3A_842 = tpu.dynamic_gather %select_n3A_830[%gather3A_841] in [0] : vector<16xf32>, vector<16xi32> -> vector<16xf32>
        %min3A_843 = arith.minimumf %select_n3A_830, %gather3A_842 : vector<16xf32>
        %select_n3A_844 = arith.select %eq3A_834, %min3A_843, %select_n3A_830 : vector<16xi1>, vector<16xf32>
        %broadcast_in_dim3A_845 = vector.shape_cast %min3A_12 : vector<16xi32> to vector<16x1xi32>
        %gather3A_846 = vector.shape_cast %broadcast_in_dim3A_845 : vector<16x1xi32> to vector<16xi32>
        %gather3A_847 = tpu.dynamic_gather %get3A_301[%gather3A_846] in [0] : vector<16xi32>, vector<16xi32> -> vector<16xi32>
        %ne3A_848 = arith.cmpi ne, %get3A_301, %gather3A_847 : vector<16xi32>
        %or3A_849 = arith.ori %ne3A_848, %eq3A_7 : vector<16xi1>
        %gather3A_850 = tpu.vector_load_idx %arg19[%get3A_301] : memref<4096xf32, #tpu.memory_space<vmem>>[vector<16xi32>], vector<16xf32>,
        %gather3A_851 = tpu.vector_load_idx %arg20[%get3A_301] : memref<4096xf32, #tpu.memory_space<vmem>>[vector<16xi32>], vector<16xf32>,
        %max3A_852 = arith.maximumf %gather3A_850, %select_n3A_839 : vector<16xf32>
        tpu.vector_store_idx %arg19[%get3A_301], %max3A_852 masked %or3A_849 : memref<4096xf32, #tpu.memory_space<vmem>>[vector<16xi32>], vector<16xf32>, vector<16xi1>
        %min3A_853 = arith.minimumf %gather3A_851, %select_n3A_844 : vector<16xf32>
        tpu.vector_store_idx %arg20[%get3A_301], %min3A_853 masked %or3A_849 : memref<4096xf32, #tpu.memory_space<vmem>>[vector<16xi32>], vector<16xf32>, vector<16xi1>
      } else {
      }
    }
    %scan3A_75 = arith.constant 78 : i32
    %get3A = arith.constant 9984 : index
    %get3A_76 = tpu.vector_load %arg7[%get3A] {strides = array<i32>} : memref<10000xi32, #tpu.memory_space<vmem>>, vector<16xi32>,
    %get3A_77 = arith.constant 9984 : index
    %get3A_78 = tpu.vector_load %arg9[%get3A_77] {strides = array<i32>} : memref<10000xf32, #tpu.memory_space<vmem>>, vector<16xf32>,
    %get3A_79 = arith.constant 9984 : index
    %get3A_80 = tpu.vector_load %arg11[%get3A_79] {strides = array<i32>} : memref<10000xf32, #tpu.memory_space<vmem>>, vector<16xf32>,
    %get3A_81 = arith.constant 9984 : index
    %get3A_82 = tpu.vector_load %arg13[%get3A_81] {strides = array<i32>} : memref<10000xf32, #tpu.memory_space<vmem>>, vector<16xf32>,
    tpu.vector_store_idx %arg15[%get3A_76], %get3A_78 {add = true} : memref<4096xf32, #tpu.memory_space<vmem>>[vector<16xi32>], vector<16xf32>,
    tpu.vector_store_idx %arg16[%get3A_76], %get3A_80 {add = true} : memref<4096xf32, #tpu.memory_space<vmem>>[vector<16xi32>], vector<16xf32>,
    tpu.vector_store_idx %arg17[%get3A_76], %get3A_82 {add = true} : memref<4096xf32, #tpu.memory_space<vmem>>[vector<16xi32>], vector<16xf32>,
    tpu.vector_store_idx %arg18[%get3A_76], %broadcast_in_dim3A_5 {add = true} : memref<4096xf32, #tpu.memory_space<vmem>>[vector<16xi32>], vector<16xf32>,
    %broadcast_in_dim3A_83 = vector.shape_cast %max3A_16 : vector<16xi32> to vector<16x1xi32>
    %gather3A = vector.shape_cast %broadcast_in_dim3A_83 : vector<16x1xi32> to vector<16xi32>
    %gather3A_84 = tpu.dynamic_gather %get3A_76[%gather3A] in [0] : vector<16xi32>, vector<16xi32> -> vector<16xi32>
    %eq3A_85 = arith.cmpi eq, %gather3A_84, %get3A_76 : vector<16xi32>
    %broadcast_in_dim3A_86 = vector.shape_cast %max3A_16 : vector<16xi32> to vector<16x1xi32>
    %gather3A_87 = vector.shape_cast %broadcast_in_dim3A_86 : vector<16x1xi32> to vector<16xi32>
    %gather3A_88 = tpu.dynamic_gather %get3A_82[%gather3A_87] in [0] : vector<16xf32>, vector<16xi32> -> vector<16xf32>
    %max3A_89 = arith.maximumf %get3A_82, %gather3A_88 : vector<16xf32>
    %select_n3A = arith.select %eq3A_85, %max3A_89, %get3A_82 : vector<16xi1>, vector<16xf32>
    %broadcast_in_dim3A_90 = vector.shape_cast %max3A_16 : vector<16xi32> to vector<16x1xi32>
    %gather3A_91 = vector.shape_cast %broadcast_in_dim3A_90 : vector<16x1xi32> to vector<16xi32>
    %gather3A_92 = tpu.dynamic_gather %get3A_82[%gather3A_91] in [0] : vector<16xf32>, vector<16xi32> -> vector<16xf32>
    %min3A_93 = arith.minimumf %get3A_82, %gather3A_92 : vector<16xf32>
    %select_n3A_94 = arith.select %eq3A_85, %min3A_93, %get3A_82 : vector<16xi1>, vector<16xf32>
    %broadcast_in_dim3A_95 = vector.shape_cast %max3A_22 : vector<16xi32> to vector<16x1xi32>
    %gather3A_96 = vector.shape_cast %broadcast_in_dim3A_95 : vector<16x1xi32> to vector<16xi32>
    %gather3A_97 = tpu.dynamic_gather %get3A_76[%gather3A_96] in [0] : vector<16xi32>, vector<16xi32> -> vector<16xi32>
    %eq3A_98 = arith.cmpi eq, %gather3A_97, %get3A_76 : vector<16xi32>
    %broadcast_in_dim3A_99 = vector.shape_cast %max3A_22 : vector<16xi32> to vector<16x1xi32>
    %gather3A_100 = vector.shape_cast %broadcast_in_dim3A_99 : vector<16x1xi32> to vector<16xi32>
    %gather3A_101 = tpu.dynamic_gather %select_n3A[%gather3A_100] in [0] : vector<16xf32>, vector<16xi32> -> vector<16xf32>
    %max3A_102 = arith.maximumf %select_n3A, %gather3A_101 : vector<16xf32>
    %select_n3A_103 = arith.select %eq3A_98, %max3A_102, %select_n3A : vector<16xi1>, vector<16xf32>
    %broadcast_in_dim3A_104 = vector.shape_cast %max3A_22 : vector<16xi32> to vector<16x1xi32>
    %gather3A_105 = vector.shape_cast %broadcast_in_dim3A_104 : vector<16x1xi32> to vector<16xi32>
    %gather3A_106 = tpu.dynamic_gather %select_n3A_94[%gather3A_105] in [0] : vector<16xf32>, vector<16xi32> -> vector<16xf32>
    %min3A_107 = arith.minimumf %select_n3A_94, %gather3A_106 : vector<16xf32>
    %select_n3A_108 = arith.select %eq3A_98, %min3A_107, %select_n3A_94 : vector<16xi1>, vector<16xf32>
    %broadcast_in_dim3A_109 = vector.shape_cast %max3A_28 : vector<16xi32> to vector<16x1xi32>
    %gather3A_110 = vector.shape_cast %broadcast_in_dim3A_109 : vector<16x1xi32> to vector<16xi32>
    %gather3A_111 = tpu.dynamic_gather %get3A_76[%gather3A_110] in [0] : vector<16xi32>, vector<16xi32> -> vector<16xi32>
    %eq3A_112 = arith.cmpi eq, %gather3A_111, %get3A_76 : vector<16xi32>
    %broadcast_in_dim3A_113 = vector.shape_cast %max3A_28 : vector<16xi32> to vector<16x1xi32>
    %gather3A_114 = vector.shape_cast %broadcast_in_dim3A_113 : vector<16x1xi32> to vector<16xi32>
    %gather3A_115 = tpu.dynamic_gather %select_n3A_103[%gather3A_114] in [0] : vector<16xf32>, vector<16xi32> -> vector<16xf32>
    %max3A_116 = arith.maximumf %select_n3A_103, %gather3A_115 : vector<16xf32>
    %select_n3A_117 = arith.select %eq3A_112, %max3A_116, %select_n3A_103 : vector<16xi1>, vector<16xf32>
    %broadcast_in_dim3A_118 = vector.shape_cast %max3A_28 : vector<16xi32> to vector<16x1xi32>
    %gather3A_119 = vector.shape_cast %broadcast_in_dim3A_118 : vector<16x1xi32> to vector<16xi32>
    %gather3A_120 = tpu.dynamic_gather %select_n3A_108[%gather3A_119] in [0] : vector<16xf32>, vector<16xi32> -> vector<16xf32>
    %min3A_121 = arith.minimumf %select_n3A_108, %gather3A_120 : vector<16xf32>
    %select_n3A_122 = arith.select %eq3A_112, %min3A_121, %select_n3A_108 : vector<16xi1>, vector<16xf32>
    %broadcast_in_dim3A_123 = vector.shape_cast %max3A_34 : vector<16xi32> to vector<16x1xi32>
    %gather3A_124 = vector.shape_cast %broadcast_in_dim3A_123 : vector<16x1xi32> to vector<16xi32>
    %gather3A_125 = tpu.dynamic_gather %get3A_76[%gather3A_124] in [0] : vector<16xi32>, vector<16xi32> -> vector<16xi32>
    %eq3A_126 = arith.cmpi eq, %gather3A_125, %get3A_76 : vector<16xi32>
    %broadcast_in_dim3A_127 = vector.shape_cast %max3A_34 : vector<16xi32> to vector<16x1xi32>
    %gather3A_128 = vector.shape_cast %broadcast_in_dim3A_127 : vector<16x1xi32> to vector<16xi32>
    %gather3A_129 = tpu.dynamic_gather %select_n3A_117[%gather3A_128] in [0] : vector<16xf32>, vector<16xi32> -> vector<16xf32>
    %max3A_130 = arith.maximumf %select_n3A_117, %gather3A_129 : vector<16xf32>
    %select_n3A_131 = arith.select %eq3A_126, %max3A_130, %select_n3A_117 : vector<16xi1>, vector<16xf32>
    %broadcast_in_dim3A_132 = vector.shape_cast %max3A_34 : vector<16xi32> to vector<16x1xi32>
    %gather3A_133 = vector.shape_cast %broadcast_in_dim3A_132 : vector<16x1xi32> to vector<16xi32>
    %gather3A_134 = tpu.dynamic_gather %select_n3A_122[%gather3A_133] in [0] : vector<16xf32>, vector<16xi32> -> vector<16xf32>
    %min3A_135 = arith.minimumf %select_n3A_122, %gather3A_134 : vector<16xf32>
    %select_n3A_136 = arith.select %eq3A_126, %min3A_135, %select_n3A_122 : vector<16xi1>, vector<16xf32>
    %broadcast_in_dim3A_137 = vector.shape_cast %min3A_12 : vector<16xi32> to vector<16x1xi32>
    %gather3A_138 = vector.shape_cast %broadcast_in_dim3A_137 : vector<16x1xi32> to vector<16xi32>
    %gather3A_139 = tpu.dynamic_gather %get3A_76[%gather3A_138] in [0] : vector<16xi32>, vector<16xi32> -> vector<16xi32>
    %ne3A = arith.cmpi ne, %get3A_76, %gather3A_139 : vector<16xi32>
    %or3A = arith.ori %ne3A, %eq3A_7 : vector<16xi1>
    %gather3A_140 = tpu.vector_load_idx %arg19[%get3A_76] : memref<4096xf32, #tpu.memory_space<vmem>>[vector<16xi32>], vector<16xf32>,
    %gather3A_141 = tpu.vector_load_idx %arg20[%get3A_76] : memref<4096xf32, #tpu.memory_space<vmem>>[vector<16xi32>], vector<16xf32>,
    %max3A_142 = arith.maximumf %gather3A_140, %select_n3A_131 : vector<16xf32>
    tpu.vector_store_idx %arg19[%get3A_76], %max3A_142 masked %or3A : memref<4096xf32, #tpu.memory_space<vmem>>[vector<16xi32>], vector<16xf32>, vector<16xi1>
    %min3A_143 = arith.minimumf %gather3A_141, %select_n3A_136 : vector<16xf32>
    tpu.vector_store_idx %arg20[%get3A_76], %min3A_143 masked %or3A : memref<4096xf32, #tpu.memory_space<vmem>>[vector<16xi32>], vector<16xf32>, vector<16xi1>
    %run_scoped3A = arith.constant 0 : i32
    "tpu.region"() ({
      %run_scoped3A_149 = tpu.sem_alloc : memref<!tpu.dma_semaphore, #tpu.memory_space<semaphore_mem>>
      %dma_start3A_150 = arith.constant 0 : i32
      %dma_start3A_151 = tpu.memref_slice %arg6[%run_scoped3A, %add3A, %dma_start3A_150] : memref<6x32x4096xf32, #tpu.memory_space<hbm>> -> memref<1x1x4096xf32, #tpu.memory_space<hbm>>
      %dma_start3A_152 = tpu.memref_squeeze %dma_start3A_151 : memref<1x1x4096xf32, #tpu.memory_space<hbm>> -> memref<4096xf32, #tpu.memory_space<hbm>>
      %dma_start3A_153 = arith.constant 0 : i32
      %dma_start3A_154 = tpu.memref_slice %arg6[%run_scoped3A, %add3A, %dma_start3A_153] : memref<6x32x4096xf32, #tpu.memory_space<hbm>> -> memref<1x1x4096xf32, #tpu.memory_space<hbm>>
      %dma_start3A_155 = tpu.memref_squeeze %dma_start3A_154 : memref<1x1x4096xf32, #tpu.memory_space<hbm>> -> memref<4096xf32, #tpu.memory_space<hbm>>
      tpu.enqueue_dma source(%arg15 : memref<4096xf32, #tpu.memory_space<vmem>>) target(%dma_start3A_155 : memref<4096xf32, #tpu.memory_space<hbm>>) target_semaphore(%run_scoped3A_149 : memref<!tpu.dma_semaphore, #tpu.memory_space<semaphore_mem>>)
      %dma_wait3A_156 = arith.constant 0 : i32
      %dma_wait3A_157 = tpu.memref_slice %arg6[%run_scoped3A, %add3A, %dma_wait3A_156] : memref<6x32x4096xf32, #tpu.memory_space<hbm>> -> memref<1x1x4096xf32, #tpu.memory_space<hbm>>
      %dma_wait3A_158 = tpu.memref_squeeze %dma_wait3A_157 : memref<1x1x4096xf32, #tpu.memory_space<hbm>> -> memref<4096xf32, #tpu.memory_space<hbm>>
      %dma_wait3A_159 = arith.constant 0 : i32
      %dma_wait3A_160 = tpu.memref_slice %arg6[%run_scoped3A, %add3A, %dma_wait3A_159] : memref<6x32x4096xf32, #tpu.memory_space<hbm>> -> memref<1x1x4096xf32, #tpu.memory_space<hbm>>
      %dma_wait3A_161 = tpu.memref_squeeze %dma_wait3A_160 : memref<1x1x4096xf32, #tpu.memory_space<hbm>> -> memref<4096xf32, #tpu.memory_space<hbm>>
      tpu.wait_dma2 semaphore(%run_scoped3A_149 : memref<!tpu.dma_semaphore, #tpu.memory_space<semaphore_mem>>) src(%arg15 : memref<4096xf32, #tpu.memory_space<vmem>>) dst(%dma_wait3A_161 : memref<4096xf32, #tpu.memory_space<hbm>>)
      tpu.yield
    }) : () -> ()
    %run_scoped3A_144 = arith.constant 1 : i32
    "tpu.region"() ({
      %run_scoped3A_149 = tpu.sem_alloc : memref<!tpu.dma_semaphore, #tpu.memory_space<semaphore_mem>>
      %dma_start3A_150 = arith.constant 0 : i32
      %dma_start3A_151 = tpu.memref_slice %arg6[%run_scoped3A_144, %add3A, %dma_start3A_150] : memref<6x32x4096xf32, #tpu.memory_space<hbm>> -> memref<1x1x4096xf32, #tpu.memory_space<hbm>>
      %dma_start3A_152 = tpu.memref_squeeze %dma_start3A_151 : memref<1x1x4096xf32, #tpu.memory_space<hbm>> -> memref<4096xf32, #tpu.memory_space<hbm>>
      %dma_start3A_153 = arith.constant 0 : i32
      %dma_start3A_154 = tpu.memref_slice %arg6[%run_scoped3A_144, %add3A, %dma_start3A_153] : memref<6x32x4096xf32, #tpu.memory_space<hbm>> -> memref<1x1x4096xf32, #tpu.memory_space<hbm>>
      %dma_start3A_155 = tpu.memref_squeeze %dma_start3A_154 : memref<1x1x4096xf32, #tpu.memory_space<hbm>> -> memref<4096xf32, #tpu.memory_space<hbm>>
      tpu.enqueue_dma source(%arg16 : memref<4096xf32, #tpu.memory_space<vmem>>) target(%dma_start3A_155 : memref<4096xf32, #tpu.memory_space<hbm>>) target_semaphore(%run_scoped3A_149 : memref<!tpu.dma_semaphore, #tpu.memory_space<semaphore_mem>>)
      %dma_wait3A_156 = arith.constant 0 : i32
      %dma_wait3A_157 = tpu.memref_slice %arg6[%run_scoped3A_144, %add3A, %dma_wait3A_156] : memref<6x32x4096xf32, #tpu.memory_space<hbm>> -> memref<1x1x4096xf32, #tpu.memory_space<hbm>>
      %dma_wait3A_158 = tpu.memref_squeeze %dma_wait3A_157 : memref<1x1x4096xf32, #tpu.memory_space<hbm>> -> memref<4096xf32, #tpu.memory_space<hbm>>
      %dma_wait3A_159 = arith.constant 0 : i32
      %dma_wait3A_160 = tpu.memref_slice %arg6[%run_scoped3A_144, %add3A, %dma_wait3A_159] : memref<6x32x4096xf32, #tpu.memory_space<hbm>> -> memref<1x1x4096xf32, #tpu.memory_space<hbm>>
      %dma_wait3A_161 = tpu.memref_squeeze %dma_wait3A_160 : memref<1x1x4096xf32, #tpu.memory_space<hbm>> -> memref<4096xf32, #tpu.memory_space<hbm>>
      tpu.wait_dma2 semaphore(%run_scoped3A_149 : memref<!tpu.dma_semaphore, #tpu.memory_space<semaphore_mem>>) src(%arg16 : memref<4096xf32, #tpu.memory_space<vmem>>) dst(%dma_wait3A_161 : memref<4096xf32, #tpu.memory_space<hbm>>)
      tpu.yield
    }) : () -> ()
    %run_scoped3A_145 = arith.constant 2 : i32
    "tpu.region"() ({
      %run_scoped3A_149 = tpu.sem_alloc : memref<!tpu.dma_semaphore, #tpu.memory_space<semaphore_mem>>
      %dma_start3A_150 = arith.constant 0 : i32
      %dma_start3A_151 = tpu.memref_slice %arg6[%run_scoped3A_145, %add3A, %dma_start3A_150] : memref<6x32x4096xf32, #tpu.memory_space<hbm>> -> memref<1x1x4096xf32, #tpu.memory_space<hbm>>
      %dma_start3A_152 = tpu.memref_squeeze %dma_start3A_151 : memref<1x1x4096xf32, #tpu.memory_space<hbm>> -> memref<4096xf32, #tpu.memory_space<hbm>>
      %dma_start3A_153 = arith.constant 0 : i32
      %dma_start3A_154 = tpu.memref_slice %arg6[%run_scoped3A_145, %add3A, %dma_start3A_153] : memref<6x32x4096xf32, #tpu.memory_space<hbm>> -> memref<1x1x4096xf32, #tpu.memory_space<hbm>>
      %dma_start3A_155 = tpu.memref_squeeze %dma_start3A_154 : memref<1x1x4096xf32, #tpu.memory_space<hbm>> -> memref<4096xf32, #tpu.memory_space<hbm>>
      tpu.enqueue_dma source(%arg17 : memref<4096xf32, #tpu.memory_space<vmem>>) target(%dma_start3A_155 : memref<4096xf32, #tpu.memory_space<hbm>>) target_semaphore(%run_scoped3A_149 : memref<!tpu.dma_semaphore, #tpu.memory_space<semaphore_mem>>)
      %dma_wait3A_156 = arith.constant 0 : i32
      %dma_wait3A_157 = tpu.memref_slice %arg6[%run_scoped3A_145, %add3A, %dma_wait3A_156] : memref<6x32x4096xf32, #tpu.memory_space<hbm>> -> memref<1x1x4096xf32, #tpu.memory_space<hbm>>
      %dma_wait3A_158 = tpu.memref_squeeze %dma_wait3A_157 : memref<1x1x4096xf32, #tpu.memory_space<hbm>> -> memref<4096xf32, #tpu.memory_space<hbm>>
      %dma_wait3A_159 = arith.constant 0 : i32
      %dma_wait3A_160 = tpu.memref_slice %arg6[%run_scoped3A_145, %add3A, %dma_wait3A_159] : memref<6x32x4096xf32, #tpu.memory_space<hbm>> -> memref<1x1x4096xf32, #tpu.memory_space<hbm>>
      %dma_wait3A_161 = tpu.memref_squeeze %dma_wait3A_160 : memref<1x1x4096xf32, #tpu.memory_space<hbm>> -> memref<4096xf32, #tpu.memory_space<hbm>>
      tpu.wait_dma2 semaphore(%run_scoped3A_149 : memref<!tpu.dma_semaphore, #tpu.memory_space<semaphore_mem>>) src(%arg17 : memref<4096xf32, #tpu.memory_space<vmem>>) dst(%dma_wait3A_161 : memref<4096xf32, #tpu.memory_space<hbm>>)
      tpu.yield
    }) : () -> ()
    %run_scoped3A_146 = arith.constant 3 : i32
    "tpu.region"() ({
      %run_scoped3A_149 = tpu.sem_alloc : memref<!tpu.dma_semaphore, #tpu.memory_space<semaphore_mem>>
      %dma_start3A_150 = arith.constant 0 : i32
      %dma_start3A_151 = tpu.memref_slice %arg6[%run_scoped3A_146, %add3A, %dma_start3A_150] : memref<6x32x4096xf32, #tpu.memory_space<hbm>> -> memref<1x1x4096xf32, #tpu.memory_space<hbm>>
      %dma_start3A_152 = tpu.memref_squeeze %dma_start3A_151 : memref<1x1x4096xf32, #tpu.memory_space<hbm>> -> memref<4096xf32, #tpu.memory_space<hbm>>
      %dma_start3A_153 = arith.constant 0 : i32
      %dma_start3A_154 = tpu.memref_slice %arg6[%run_scoped3A_146, %add3A, %dma_start3A_153] : memref<6x32x4096xf32, #tpu.memory_space<hbm>> -> memref<1x1x4096xf32, #tpu.memory_space<hbm>>
      %dma_start3A_155 = tpu.memref_squeeze %dma_start3A_154 : memref<1x1x4096xf32, #tpu.memory_space<hbm>> -> memref<4096xf32, #tpu.memory_space<hbm>>
      tpu.enqueue_dma source(%arg18 : memref<4096xf32, #tpu.memory_space<vmem>>) target(%dma_start3A_155 : memref<4096xf32, #tpu.memory_space<hbm>>) target_semaphore(%run_scoped3A_149 : memref<!tpu.dma_semaphore, #tpu.memory_space<semaphore_mem>>)
      %dma_wait3A_156 = arith.constant 0 : i32
      %dma_wait3A_157 = tpu.memref_slice %arg6[%run_scoped3A_146, %add3A, %dma_wait3A_156] : memref<6x32x4096xf32, #tpu.memory_space<hbm>> -> memref<1x1x4096xf32, #tpu.memory_space<hbm>>
      %dma_wait3A_158 = tpu.memref_squeeze %dma_wait3A_157 : memref<1x1x4096xf32, #tpu.memory_space<hbm>> -> memref<4096xf32, #tpu.memory_space<hbm>>
      %dma_wait3A_159 = arith.constant 0 : i32
      %dma_wait3A_160 = tpu.memref_slice %arg6[%run_scoped3A_146, %add3A, %dma_wait3A_159] : memref<6x32x4096xf32, #tpu.memory_space<hbm>> -> memref<1x1x4096xf32, #tpu.memory_space<hbm>>
      %dma_wait3A_161 = tpu.memref_squeeze %dma_wait3A_160 : memref<1x1x4096xf32, #tpu.memory_space<hbm>> -> memref<4096xf32, #tpu.memory_space<hbm>>
      tpu.wait_dma2 semaphore(%run_scoped3A_149 : memref<!tpu.dma_semaphore, #tpu.memory_space<semaphore_mem>>) src(%arg18 : memref<4096xf32, #tpu.memory_space<vmem>>) dst(%dma_wait3A_161 : memref<4096xf32, #tpu.memory_space<hbm>>)
      tpu.yield
    }) : () -> ()
    %run_scoped3A_147 = arith.constant 4 : i32
    "tpu.region"() ({
      %run_scoped3A_149 = tpu.sem_alloc : memref<!tpu.dma_semaphore, #tpu.memory_space<semaphore_mem>>
      %dma_start3A_150 = arith.constant 0 : i32
      %dma_start3A_151 = tpu.memref_slice %arg6[%run_scoped3A_147, %add3A, %dma_start3A_150] : memref<6x32x4096xf32, #tpu.memory_space<hbm>> -> memref<1x1x4096xf32, #tpu.memory_space<hbm>>
      %dma_start3A_152 = tpu.memref_squeeze %dma_start3A_151 : memref<1x1x4096xf32, #tpu.memory_space<hbm>> -> memref<4096xf32, #tpu.memory_space<hbm>>
      %dma_start3A_153 = arith.constant 0 : i32
      %dma_start3A_154 = tpu.memref_slice %arg6[%run_scoped3A_147, %add3A, %dma_start3A_153] : memref<6x32x4096xf32, #tpu.memory_space<hbm>> -> memref<1x1x4096xf32, #tpu.memory_space<hbm>>
      %dma_start3A_155 = tpu.memref_squeeze %dma_start3A_154 : memref<1x1x4096xf32, #tpu.memory_space<hbm>> -> memref<4096xf32, #tpu.memory_space<hbm>>
      tpu.enqueue_dma source(%arg19 : memref<4096xf32, #tpu.memory_space<vmem>>) target(%dma_start3A_155 : memref<4096xf32, #tpu.memory_space<hbm>>) target_semaphore(%run_scoped3A_149 : memref<!tpu.dma_semaphore, #tpu.memory_space<semaphore_mem>>)
      %dma_wait3A_156 = arith.constant 0 : i32
      %dma_wait3A_157 = tpu.memref_slice %arg6[%run_scoped3A_147, %add3A, %dma_wait3A_156] : memref<6x32x4096xf32, #tpu.memory_space<hbm>> -> memref<1x1x4096xf32, #tpu.memory_space<hbm>>
      %dma_wait3A_158 = tpu.memref_squeeze %dma_wait3A_157 : memref<1x1x4096xf32, #tpu.memory_space<hbm>> -> memref<4096xf32, #tpu.memory_space<hbm>>
      %dma_wait3A_159 = arith.constant 0 : i32
      %dma_wait3A_160 = tpu.memref_slice %arg6[%run_scoped3A_147, %add3A, %dma_wait3A_159] : memref<6x32x4096xf32, #tpu.memory_space<hbm>> -> memref<1x1x4096xf32, #tpu.memory_space<hbm>>
      %dma_wait3A_161 = tpu.memref_squeeze %dma_wait3A_160 : memref<1x1x4096xf32, #tpu.memory_space<hbm>> -> memref<4096xf32, #tpu.memory_space<hbm>>
      tpu.wait_dma2 semaphore(%run_scoped3A_149 : memref<!tpu.dma_semaphore, #tpu.memory_space<semaphore_mem>>) src(%arg19 : memref<4096xf32, #tpu.memory_space<vmem>>) dst(%dma_wait3A_161 : memref<4096xf32, #tpu.memory_space<hbm>>)
      tpu.yield
    }) : () -> ()
    %run_scoped3A_148 = arith.constant 5 : i32
    "tpu.region"() ({
      %run_scoped3A_149 = tpu.sem_alloc : memref<!tpu.dma_semaphore, #tpu.memory_space<semaphore_mem>>
      %dma_start3A_150 = arith.constant 0 : i32
      %dma_start3A_151 = tpu.memref_slice %arg6[%run_scoped3A_148, %add3A, %dma_start3A_150] : memref<6x32x4096xf32, #tpu.memory_space<hbm>> -> memref<1x1x4096xf32, #tpu.memory_space<hbm>>
      %dma_start3A_152 = tpu.memref_squeeze %dma_start3A_151 : memref<1x1x4096xf32, #tpu.memory_space<hbm>> -> memref<4096xf32, #tpu.memory_space<hbm>>
      %dma_start3A_153 = arith.constant 0 : i32
      %dma_start3A_154 = tpu.memref_slice %arg6[%run_scoped3A_148, %add3A, %dma_start3A_153] : memref<6x32x4096xf32, #tpu.memory_space<hbm>> -> memref<1x1x4096xf32, #tpu.memory_space<hbm>>
      %dma_start3A_155 = tpu.memref_squeeze %dma_start3A_154 : memref<1x1x4096xf32, #tpu.memory_space<hbm>> -> memref<4096xf32, #tpu.memory_space<hbm>>
      tpu.enqueue_dma source(%arg20 : memref<4096xf32, #tpu.memory_space<vmem>>) target(%dma_start3A_155 : memref<4096xf32, #tpu.memory_space<hbm>>) target_semaphore(%run_scoped3A_149 : memref<!tpu.dma_semaphore, #tpu.memory_space<semaphore_mem>>)
      %dma_wait3A_156 = arith.constant 0 : i32
      %dma_wait3A_157 = tpu.memref_slice %arg6[%run_scoped3A_148, %add3A, %dma_wait3A_156] : memref<6x32x4096xf32, #tpu.memory_space<hbm>> -> memref<1x1x4096xf32, #tpu.memory_space<hbm>>
      %dma_wait3A_158 = tpu.memref_squeeze %dma_wait3A_157 : memref<1x1x4096xf32, #tpu.memory_space<hbm>> -> memref<4096xf32, #tpu.memory_space<hbm>>
      %dma_wait3A_159 = arith.constant 0 : i32
      %dma_wait3A_160 = tpu.memref_slice %arg6[%run_scoped3A_148, %add3A, %dma_wait3A_159] : memref<6x32x4096xf32, #tpu.memory_space<hbm>> -> memref<1x1x4096xf32, #tpu.memory_space<hbm>>
      %dma_wait3A_161 = tpu.memref_squeeze %dma_wait3A_160 : memref<1x1x4096xf32, #tpu.memory_space<hbm>> -> memref<4096xf32, #tpu.memory_space<hbm>>
      tpu.wait_dma2 semaphore(%run_scoped3A_149 : memref<!tpu.dma_semaphore, #tpu.memory_space<semaphore_mem>>) src(%arg20 : memref<4096xf32, #tpu.memory_space<vmem>>) dst(%dma_wait3A_161 : memref<4096xf32, #tpu.memory_space<hbm>>)
      tpu.yield
    }) : () -> ()
    return
  }
}

module attributes {stable_mosaic.version = 14 : i64} {
  func.func @_dense_body(%arg0: i32, %arg1: memref<3x4x65536xf32, #tpu.memory_space<vmem>>, %arg2: memref<3x65536xf32, #tpu.memory_space<vmem>>, %arg3: memref<3x65536xf32, #tpu.memory_space<vmem>>, %arg4: memref<65536xf32, #tpu.memory_space<vmem>>, %arg5: memref<65536xf32, #tpu.memory_space<vmem>>, %arg6: memref<65536xf32, #tpu.memory_space<vmem>>) attributes {dimension_semantics = [#tpu.dimension_semantics<arbitrary>], iteration_bounds = array<i64: 25>, scalar_prefetch = 0 : i64, scratch_operands = 0 : i64, tpu.core_type = #tpu.core_type<tc>, window_params = [{transform_indices = @transform_0, window_bounds = array<i64: 3, 4, 65536>}, {transform_indices = @transform_1, window_bounds = array<i64: 3, 65536>}, {transform_indices = @transform_2, window_bounds = array<i64: 3, 65536>}, {transform_indices = @transform_3, window_bounds = array<i64: 65536>}, {transform_indices = @transform_4, window_bounds = array<i64: 65536>}, {transform_indices = @transform_5, window_bounds = array<i64: 65536>}]} {
    %get3A = arith.constant 0 : index
    %get3A_0 = arith.constant 0 : index
    %get3A_1 = arith.constant 0 : index
    %get3A_2 = vector.load %arg1[%get3A, %get3A_0, %get3A_1] : memref<3x4x65536xf32, #tpu.memory_space<vmem>>, vector<3x1x65536xf32>
    %get3A_3 = vector.shape_cast %get3A_2 : vector<3x1x65536xf32> to vector<3x65536xf32>
    %get3A_4 = arith.constant 0 : index
    %get3A_5 = arith.constant 1 : index
    %get3A_6 = arith.constant 0 : index
    %get3A_7 = vector.load %arg1[%get3A_4, %get3A_5, %get3A_6] : memref<3x4x65536xf32, #tpu.memory_space<vmem>>, vector<3x1x65536xf32>
    %get3A_8 = vector.shape_cast %get3A_7 : vector<3x1x65536xf32> to vector<3x65536xf32>
    %get3A_9 = arith.constant 0 : index
    %get3A_10 = arith.constant 2 : index
    %get3A_11 = arith.constant 0 : index
    %get3A_12 = vector.load %arg1[%get3A_9, %get3A_10, %get3A_11] : memref<3x4x65536xf32, #tpu.memory_space<vmem>>, vector<3x1x65536xf32>
    %get3A_13 = vector.shape_cast %get3A_12 : vector<3x1x65536xf32> to vector<3x65536xf32>
    %get3A_14 = arith.constant 0 : index
    %get3A_15 = arith.constant 3 : index
    %get3A_16 = arith.constant 0 : index
    %get3A_17 = vector.load %arg1[%get3A_14, %get3A_15, %get3A_16] : memref<3x4x65536xf32, #tpu.memory_space<vmem>>, vector<3x1x65536xf32>
    %get3A_18 = vector.shape_cast %get3A_17 : vector<3x1x65536xf32> to vector<3x65536xf32>
    %add3A = arith.addf %get3A_3, %get3A_8 : vector<3x65536xf32>
    %add3A_19 = arith.addf %add3A, %get3A_13 : vector<3x65536xf32>
    %add3A_20 = arith.addf %add3A_19, %get3A_18 : vector<3x65536xf32>
    %mul3A = arith.constant 2.500000e-01 : f32
    %mul3A_21 = vector.broadcast %mul3A : f32 to vector<3x65536xf32>
    %mul3A_22 = arith.mulf %add3A_20, %mul3A_21 : vector<3x65536xf32>
    %sub3A = arith.subf %get3A_3, %mul3A_22 : vector<3x65536xf32>
    %sub3A_23 = arith.subf %get3A_3, %mul3A_22 : vector<3x65536xf32>
    %mul3A_24 = arith.mulf %sub3A, %sub3A_23 : vector<3x65536xf32>
    %add3A_25 = arith.constant 0.000000e+00 : f32
    %add3A_26 = vector.broadcast %add3A_25 : f32 to vector<3x65536xf32>
    %add3A_27 = arith.addf %add3A_26, %mul3A_24 : vector<3x65536xf32>
    %sub3A_28 = arith.subf %get3A_8, %mul3A_22 : vector<3x65536xf32>
    %sub3A_29 = arith.subf %get3A_8, %mul3A_22 : vector<3x65536xf32>
    %mul3A_30 = arith.mulf %sub3A_28, %sub3A_29 : vector<3x65536xf32>
    %add3A_31 = arith.addf %add3A_27, %mul3A_30 : vector<3x65536xf32>
    %sub3A_32 = arith.subf %get3A_13, %mul3A_22 : vector<3x65536xf32>
    %sub3A_33 = arith.subf %get3A_13, %mul3A_22 : vector<3x65536xf32>
    %mul3A_34 = arith.mulf %sub3A_32, %sub3A_33 : vector<3x65536xf32>
    %add3A_35 = arith.addf %add3A_31, %mul3A_34 : vector<3x65536xf32>
    %sub3A_36 = arith.subf %get3A_18, %mul3A_22 : vector<3x65536xf32>
    %sub3A_37 = arith.subf %get3A_18, %mul3A_22 : vector<3x65536xf32>
    %mul3A_38 = arith.mulf %sub3A_36, %sub3A_37 : vector<3x65536xf32>
    %add3A_39 = arith.addf %add3A_35, %mul3A_38 : vector<3x65536xf32>
    %mul3A_40 = arith.constant 0.333333343 : f32
    %mul3A_41 = vector.broadcast %mul3A_40 : f32 to vector<3x65536xf32>
    %mul3A_42 = arith.mulf %add3A_39, %mul3A_41 : vector<3x65536xf32>
    %get3A_43 = arith.constant 0 : index
    %get3A_44 = arith.constant 0 : index
    %get3A_45 = vector.load %arg2[%get3A_43, %get3A_44] : memref<3x65536xf32, #tpu.memory_space<vmem>>, vector<3x65536xf32>
    %sub3A_46 = arith.subf %mul3A_22, %get3A_45 : vector<3x65536xf32>
    %swap3A = arith.constant 0 : index
    %swap3A_47 = arith.constant 0 : index
    %swap3A_48 = vector.load %arg3[%swap3A, %swap3A_47] : memref<3x65536xf32, #tpu.memory_space<vmem>>, vector<3x65536xf32>
    tpu.vector_store %arg3[%swap3A, %swap3A_47], %mul3A_22 {strides = array<i32>} : memref<3x65536xf32, #tpu.memory_space<vmem>>, vector<3x65536xf32>,
    %reduce_sum3A = arith.constant dense<0.000000e+00> : vector<65536xf32>
    %reduce_sum3A_49 = vector.multi_reduction <add>, %mul3A_42, %reduce_sum3A [0] : vector<3x65536xf32> to vector<65536xf32>
    %swap3A_50 = arith.constant 0 : index
    %swap3A_51 = vector.load %arg4[%swap3A_50] : memref<65536xf32, #tpu.memory_space<vmem>>, vector<65536xf32>
    tpu.vector_store %arg4[%swap3A_50], %reduce_sum3A_49 {strides = array<i32>} : memref<65536xf32, #tpu.memory_space<vmem>>, vector<65536xf32>,
    %abs3A = math.absf %sub3A_46 : vector<3x65536xf32>
    %reduce_sum3A_52 = arith.constant dense<0.000000e+00> : vector<65536xf32>
    %reduce_sum3A_53 = vector.multi_reduction <add>, %abs3A, %reduce_sum3A_52 [0] : vector<3x65536xf32> to vector<65536xf32>
    %swap3A_54 = arith.constant 0 : index
    %swap3A_55 = vector.load %arg5[%swap3A_54] : memref<65536xf32, #tpu.memory_space<vmem>>, vector<65536xf32>
    tpu.vector_store %arg5[%swap3A_54], %reduce_sum3A_53 {strides = array<i32>} : memref<65536xf32, #tpu.memory_space<vmem>>, vector<65536xf32>,
    %mul3A_56 = arith.mulf %sub3A_46, %sub3A_46 : vector<3x65536xf32>
    %reduce_sum3A_57 = arith.constant dense<0.000000e+00> : vector<65536xf32>
    %reduce_sum3A_58 = vector.multi_reduction <add>, %mul3A_56, %reduce_sum3A_57 [0] : vector<3x65536xf32> to vector<65536xf32>
    %swap3A_59 = arith.constant 0 : index
    %swap3A_60 = vector.load %arg6[%swap3A_59] : memref<65536xf32, #tpu.memory_space<vmem>>, vector<65536xf32>
    tpu.vector_store %arg6[%swap3A_59], %reduce_sum3A_58 {strides = array<i32>} : memref<65536xf32, #tpu.memory_space<vmem>>, vector<65536xf32>,
    return
  }
  func.func @transform_0(%arg0: i32) -> (i32, i32, i32) {
    %c0_i32 = arith.constant 0 : i32
    %c0_i32_0 = arith.constant 0 : i32
    %c0_i32_1 = arith.constant 0 : i32
    return %c0_i32, %c0_i32_0, %arg0 : i32, i32, i32
  }
  func.func @transform_1(%arg0: i32) -> (i32, i32) {
    %c0_i32 = arith.constant 0 : i32
    %c0_i32_0 = arith.constant 0 : i32
    return %c0_i32, %arg0 : i32, i32
  }
  func.func @transform_2(%arg0: i32) -> (i32, i32) {
    %c0_i32 = arith.constant 0 : i32
    %c0_i32_0 = arith.constant 0 : i32
    return %c0_i32, %arg0 : i32, i32
  }
  func.func @transform_3(%arg0: i32) -> i32 {
    %c0_i32 = arith.constant 0 : i32
    return %arg0 : i32
  }
  func.func @transform_4(%arg0: i32) -> i32 {
    %c0_i32 = arith.constant 0 : i32
    return %arg0 : i32
  }
  func.func @transform_5(%arg0: i32) -> i32 {
    %c0_i32 = arith.constant 0 : i32
    return %arg0 : i32
  }
}

module attributes {stable_mosaic.version = 14 : i64} {
  func.func @_combine_body(%arg0: memref<192x4096xf32, #tpu.memory_space<vmem>>, %arg1: memref<4x4096xf32, #tpu.memory_space<vmem>>, %arg2: memref<1x4096xf32, #tpu.memory_space<vmem>>, %arg3: memref<1x4096xf32, #tpu.memory_space<vmem>>, %arg4: memref<1x1xf32, #tpu.memory_space<vmem>>, %arg5: memref<1x1xf32, #tpu.memory_space<vmem>>, %arg6: memref<1x4096xf32, #tpu.memory_space<vmem>>, %arg7: memref<1x4096xf32, #tpu.memory_space<vmem>>, %arg8: memref<1x4096xf32, #tpu.memory_space<vmem>>, %arg9: memref<1x4096xf32, #tpu.memory_space<vmem>>, %arg10: memref<1x4096xf32, #tpu.memory_space<vmem>>, %arg11: memref<1x4096xf32, #tpu.memory_space<vmem>>, %arg12: memref<1x4096xf32, #tpu.memory_space<vmem>>, %arg13: memref<1x4096xf32, #tpu.memory_space<vmem>>, %arg14: memref<1x4096xf32, #tpu.memory_space<vmem>>, %arg15: memref<1x4096xf32, #tpu.memory_space<vmem>>) attributes {dimension_semantics = [], scalar_prefetch = 0 : i64, scratch_operands = 0 : i64, tpu.core_type = #tpu.core_type<tc>} {
    %get3A = arith.constant 0 : index
    %get3A_0 = arith.constant 0 : index
    %get3A_1 = vector.load %arg0[%get3A, %get3A_0] : memref<192x4096xf32, #tpu.memory_space<vmem>>, vector<192x4096xf32>
    %slice3A = vector.extract_strided_slice %get3A_1 {offsets = [0, 0], sizes = [32, 4096], strides = [1, 1]} : vector<192x4096xf32> to vector<32x4096xf32>
    %reduce_sum3A = arith.constant dense<0.000000e+00> : vector<4096xf32>
    %reduce_sum3A_2 = vector.multi_reduction <add>, %slice3A, %reduce_sum3A [0] : vector<32x4096xf32> to vector<4096xf32>
    %slice3A_3 = vector.extract_strided_slice %get3A_1 {offsets = [32, 0], sizes = [32, 4096], strides = [1, 1]} : vector<192x4096xf32> to vector<32x4096xf32>
    %reduce_sum3A_4 = arith.constant dense<0.000000e+00> : vector<4096xf32>
    %reduce_sum3A_5 = vector.multi_reduction <add>, %slice3A_3, %reduce_sum3A_4 [0] : vector<32x4096xf32> to vector<4096xf32>
    %slice3A_6 = vector.extract_strided_slice %get3A_1 {offsets = [64, 0], sizes = [32, 4096], strides = [1, 1]} : vector<192x4096xf32> to vector<32x4096xf32>
    %reduce_sum3A_7 = arith.constant dense<0.000000e+00> : vector<4096xf32>
    %reduce_sum3A_8 = vector.multi_reduction <add>, %slice3A_6, %reduce_sum3A_7 [0] : vector<32x4096xf32> to vector<4096xf32>
    %slice3A_9 = vector.extract_strided_slice %get3A_1 {offsets = [96, 0], sizes = [32, 4096], strides = [1, 1]} : vector<192x4096xf32> to vector<32x4096xf32>
    %reduce_sum3A_10 = arith.constant dense<0.000000e+00> : vector<4096xf32>
    %reduce_sum3A_11 = vector.multi_reduction <add>, %slice3A_9, %reduce_sum3A_10 [0] : vector<32x4096xf32> to vector<4096xf32>
    %slice3A_12 = vector.extract_strided_slice %get3A_1 {offsets = [128, 0], sizes = [32, 4096], strides = [1, 1]} : vector<192x4096xf32> to vector<32x4096xf32>
    %reduce_max3A = arith.constant dense<0xFF800000> : vector<4096xf32>
    %reduce_max3A_13 = vector.multi_reduction <maximumf>, %slice3A_12, %reduce_max3A [0] : vector<32x4096xf32> to vector<4096xf32>
    %slice3A_14 = vector.extract_strided_slice %get3A_1 {offsets = [160, 0], sizes = [32, 4096], strides = [1, 1]} : vector<192x4096xf32> to vector<32x4096xf32>
    %reduce_min3A = arith.constant dense<0x7F800000> : vector<4096xf32>
    %reduce_min3A_15 = vector.multi_reduction <minimumf>, %slice3A_14, %reduce_min3A [0] : vector<32x4096xf32> to vector<4096xf32>
    %max3A = arith.constant 1.000000e+00 : f32
    %max3A_16 = vector.broadcast %max3A : f32 to vector<4096xf32>
    %max3A_17 = arith.maximumf %reduce_sum3A_11, %max3A_16 : vector<4096xf32>
    %mul3A = arith.constant 3.000000e+00 : f32
    %mul3A_18 = vector.broadcast %mul3A : f32 to vector<4096xf32>
    %mul3A_19 = arith.mulf %mul3A_18, %max3A_17 : vector<4096xf32>
    %div3A = arith.constant 1.000000e+00 : f32
    %div3A_20 = vector.broadcast %div3A : f32 to vector<4096xf32>
    %div3A_21 = arith.divf %div3A_20, %mul3A_19 : vector<4096xf32>
    %mul3A_22 = arith.mulf %reduce_sum3A_2, %div3A_21 : vector<4096xf32>
    %swap3A = arith.constant 0 : index
    %swap3A_23 = arith.constant 0 : index
    %swap3A_24 = vector.load %arg10[%swap3A, %swap3A_23] : memref<1x4096xf32, #tpu.memory_space<vmem>>, vector<1x4096xf32>
    %swap3A_25 = vector.shape_cast %swap3A_24 : vector<1x4096xf32> to vector<4096xf32>
    %swap3A_26 = vector.shape_cast %mul3A_22 : vector<4096xf32> to vector<1x4096xf32>
    tpu.vector_store %arg10[%swap3A, %swap3A_23], %swap3A_26 {strides = array<i32>} : memref<1x4096xf32, #tpu.memory_space<vmem>>, vector<1x4096xf32>,
    %sqrt3A = math.sqrt %mul3A_22 : vector<4096xf32>
    %swap3A_27 = arith.constant 0 : index
    %swap3A_28 = arith.constant 0 : index
    %swap3A_29 = vector.load %arg11[%swap3A_27, %swap3A_28] : memref<1x4096xf32, #tpu.memory_space<vmem>>, vector<1x4096xf32>
    %swap3A_30 = vector.shape_cast %swap3A_29 : vector<1x4096xf32> to vector<4096xf32>
    %swap3A_31 = vector.shape_cast %sqrt3A : vector<4096xf32> to vector<1x4096xf32>
    tpu.vector_store %arg11[%swap3A_27, %swap3A_28], %swap3A_31 {strides = array<i32>} : memref<1x4096xf32, #tpu.memory_space<vmem>>, vector<1x4096xf32>,
    %mul3A_32 = arith.mulf %reduce_sum3A_5, %div3A_21 : vector<4096xf32>
    %swap3A_33 = arith.constant 0 : index
    %swap3A_34 = arith.constant 0 : index
    %swap3A_35 = vector.load %arg12[%swap3A_33, %swap3A_34] : memref<1x4096xf32, #tpu.memory_space<vmem>>, vector<1x4096xf32>
    %swap3A_36 = vector.shape_cast %swap3A_35 : vector<1x4096xf32> to vector<4096xf32>
    %swap3A_37 = vector.shape_cast %mul3A_32 : vector<4096xf32> to vector<1x4096xf32>
    tpu.vector_store %arg12[%swap3A_33, %swap3A_34], %swap3A_37 {strides = array<i32>} : memref<1x4096xf32, #tpu.memory_space<vmem>>, vector<1x4096xf32>,
    %mul3A_38 = arith.mulf %reduce_sum3A_8, %div3A_21 : vector<4096xf32>
    %swap3A_39 = arith.constant 0 : index
    %swap3A_40 = arith.constant 0 : index
    %swap3A_41 = vector.load %arg13[%swap3A_39, %swap3A_40] : memref<1x4096xf32, #tpu.memory_space<vmem>>, vector<1x4096xf32>
    %swap3A_42 = vector.shape_cast %swap3A_41 : vector<1x4096xf32> to vector<4096xf32>
    %swap3A_43 = vector.shape_cast %mul3A_38 : vector<4096xf32> to vector<1x4096xf32>
    tpu.vector_store %arg13[%swap3A_39, %swap3A_40], %swap3A_43 {strides = array<i32>} : memref<1x4096xf32, #tpu.memory_space<vmem>>, vector<1x4096xf32>,
    %gt3A = arith.constant 0.000000e+00 : f32
    %gt3A_44 = vector.broadcast %gt3A : f32 to vector<4096xf32>
    %gt3A_45 = arith.cmpf ogt, %reduce_sum3A_11, %gt3A_44 : vector<4096xf32>
    %max3A_46 = arith.constant 0.000000e+00 : f32
    %max3A_47 = vector.broadcast %max3A_46 : f32 to vector<4096xf32>
    %max3A_48 = arith.maximumf %reduce_max3A_13, %max3A_47 : vector<4096xf32>
    %sqrt3A_49 = math.sqrt %max3A_48 : vector<4096xf32>
    %jit3A = arith.constant 0xFF800000 : f32
    %broadcast_in_dim3A = vector.broadcast %jit3A : f32 to vector<4096xf32>
    %select_n3A = arith.select %gt3A_45, %sqrt3A_49, %broadcast_in_dim3A : vector<4096xi1>, vector<4096xf32>
    %swap3A_50 = arith.constant 0 : index
    %swap3A_51 = arith.constant 0 : index
    %swap3A_52 = vector.load %arg14[%swap3A_50, %swap3A_51] : memref<1x4096xf32, #tpu.memory_space<vmem>>, vector<1x4096xf32>
    %swap3A_53 = vector.shape_cast %swap3A_52 : vector<1x4096xf32> to vector<4096xf32>
    %swap3A_54 = vector.shape_cast %select_n3A : vector<4096xf32> to vector<1x4096xf32>
    tpu.vector_store %arg14[%swap3A_50, %swap3A_51], %swap3A_54 {strides = array<i32>} : memref<1x4096xf32, #tpu.memory_space<vmem>>, vector<1x4096xf32>,
    %max3A_55 = arith.constant 0.000000e+00 : f32
    %max3A_56 = vector.broadcast %max3A_55 : f32 to vector<4096xf32>
    %max3A_57 = arith.maximumf %reduce_min3A_15, %max3A_56 : vector<4096xf32>
    %sqrt3A_58 = math.sqrt %max3A_57 : vector<4096xf32>
    %jit3A_59 = arith.constant 0x7F800000 : f32
    %broadcast_in_dim3A_60 = vector.broadcast %jit3A_59 : f32 to vector<4096xf32>
    %select_n3A_61 = arith.select %gt3A_45, %sqrt3A_58, %broadcast_in_dim3A_60 : vector<4096xi1>, vector<4096xf32>
    %swap3A_62 = arith.constant 0 : index
    %swap3A_63 = arith.constant 0 : index
    %swap3A_64 = vector.load %arg15[%swap3A_62, %swap3A_63] : memref<1x4096xf32, #tpu.memory_space<vmem>>, vector<1x4096xf32>
    %swap3A_65 = vector.shape_cast %swap3A_64 : vector<1x4096xf32> to vector<4096xf32>
    %swap3A_66 = vector.shape_cast %select_n3A_61 : vector<4096xf32> to vector<1x4096xf32>
    tpu.vector_store %arg15[%swap3A_62, %swap3A_63], %swap3A_66 {strides = array<i32>} : memref<1x4096xf32, #tpu.memory_space<vmem>>, vector<1x4096xf32>,
    %get3A_67 = arith.constant 0 : index
    %get3A_68 = arith.constant 0 : index
    %get3A_69 = vector.load %arg1[%get3A_67, %get3A_68] : memref<4x4096xf32, #tpu.memory_space<vmem>>, vector<4x4096xf32>
    %reduce_sum3A_70 = arith.constant dense<0.000000e+00> : vector<4096xf32>
    %reduce_sum3A_71 = vector.multi_reduction <add>, %get3A_69, %reduce_sum3A_70 [0] : vector<4x4096xf32> to vector<4096xf32>
    %div3A_72 = arith.constant 4.000000e+00 : f32
    %div3A_73 = vector.broadcast %div3A_72 : f32 to vector<4096xf32>
    %div3A_74 = arith.divf %reduce_sum3A_71, %div3A_73 : vector<4096xf32>
    %swap3A_75 = arith.constant 0 : index
    %swap3A_76 = arith.constant 0 : index
    %swap3A_77 = vector.load %arg3[%swap3A_75, %swap3A_76] : memref<1x4096xf32, #tpu.memory_space<vmem>>, vector<1x4096xf32>
    %swap3A_78 = vector.shape_cast %swap3A_77 : vector<1x4096xf32> to vector<4096xf32>
    %swap3A_79 = vector.shape_cast %div3A_74 : vector<4096xf32> to vector<1x4096xf32>
    tpu.vector_store %arg3[%swap3A_75, %swap3A_76], %swap3A_79 {strides = array<i32>} : memref<1x4096xf32, #tpu.memory_space<vmem>>, vector<1x4096xf32>,
    %reduce_max3A_80 = vector.shape_cast %get3A_69 : vector<4x4096xf32> to vector<1x4x4096xf32>
    %reduce_max3A_81 = arith.constant dense<0xFF800000> : vector<1xf32>
    %reduce_max3A_82 = vector.multi_reduction <maximumf>, %reduce_max3A_80, %reduce_max3A_81 [1, 2] : vector<1x4x4096xf32> to vector<1xf32>
    %reduce_max3A_83 = vector.shape_cast %reduce_max3A_82 : vector<1xf32> to vector<1x1x1xf32>
    %reduce_max3A_84 = vector.extract %reduce_max3A_83[0, 0, 0] : f32 from vector<1x1x1xf32>
    %reshape3A = vector.broadcast %reduce_max3A_84 : f32 to vector<1x1xf32>
    %swap3A_85 = arith.constant 0 : index
    %swap3A_86 = arith.constant 0 : index
    %swap3A_87 = vector.load %arg4[%swap3A_85, %swap3A_86] : memref<1x1xf32, #tpu.memory_space<vmem>>, vector<1x1xf32>
    tpu.vector_store %arg4[%swap3A_85, %swap3A_86], %reshape3A {strides = array<i32>} : memref<1x1xf32, #tpu.memory_space<vmem>>, vector<1x1xf32>,
    %reduce_min3A_88 = vector.shape_cast %get3A_69 : vector<4x4096xf32> to vector<1x4x4096xf32>
    %reduce_min3A_89 = arith.constant dense<0x7F800000> : vector<1xf32>
    %reduce_min3A_90 = vector.multi_reduction <minimumf>, %reduce_min3A_88, %reduce_min3A_89 [1, 2] : vector<1x4x4096xf32> to vector<1xf32>
    %reduce_min3A_91 = vector.shape_cast %reduce_min3A_90 : vector<1xf32> to vector<1x1x1xf32>
    %reduce_min3A_92 = vector.extract %reduce_min3A_91[0, 0, 0] : f32 from vector<1x1x1xf32>
    %reshape3A_93 = vector.broadcast %reduce_min3A_92 : f32 to vector<1x1xf32>
    %swap3A_94 = arith.constant 0 : index
    %swap3A_95 = arith.constant 0 : index
    %swap3A_96 = vector.load %arg5[%swap3A_94, %swap3A_95] : memref<1x1xf32, #tpu.memory_space<vmem>>, vector<1x1xf32>
    tpu.vector_store %arg5[%swap3A_94, %swap3A_95], %reshape3A_93 {strides = array<i32>} : memref<1x1xf32, #tpu.memory_space<vmem>>, vector<1x1xf32>,
    %broadcast_in_dim3A_97 = vector.shape_cast %div3A_74 : vector<4096xf32> to vector<1x4096xf32>
    %sub3A = vector.broadcast %broadcast_in_dim3A_97 : vector<1x4096xf32> to vector<4x4096xf32>
    %sub3A_98 = arith.subf %get3A_69, %sub3A : vector<4x4096xf32>
    %mul3A_99 = arith.mulf %sub3A_98, %sub3A_98 : vector<4x4096xf32>
    %reduce_sum3A_100 = arith.constant dense<0.000000e+00> : vector<4096xf32>
    %reduce_sum3A_101 = vector.multi_reduction <add>, %mul3A_99, %reduce_sum3A_100 [0] : vector<4x4096xf32> to vector<4096xf32>
    %mul3A_102 = arith.constant 0.333333343 : f32
    %mul3A_103 = vector.broadcast %mul3A_102 : f32 to vector<4096xf32>
    %mul3A_104 = arith.mulf %reduce_sum3A_101, %mul3A_103 : vector<4096xf32>
    %swap3A_105 = arith.constant 0 : index
    %swap3A_106 = arith.constant 0 : index
    %swap3A_107 = vector.load %arg6[%swap3A_105, %swap3A_106] : memref<1x4096xf32, #tpu.memory_space<vmem>>, vector<1x4096xf32>
    %swap3A_108 = vector.shape_cast %swap3A_107 : vector<1x4096xf32> to vector<4096xf32>
    %swap3A_109 = vector.shape_cast %mul3A_104 : vector<4096xf32> to vector<1x4096xf32>
    tpu.vector_store %arg6[%swap3A_105, %swap3A_106], %swap3A_109 {strides = array<i32>} : memref<1x4096xf32, #tpu.memory_space<vmem>>, vector<1x4096xf32>,
    %sqrt3A_110 = math.sqrt %mul3A_104 : vector<4096xf32>
    %swap3A_111 = arith.constant 0 : index
    %swap3A_112 = arith.constant 0 : index
    %swap3A_113 = vector.load %arg7[%swap3A_111, %swap3A_112] : memref<1x4096xf32, #tpu.memory_space<vmem>>, vector<1x4096xf32>
    %swap3A_114 = vector.shape_cast %swap3A_113 : vector<1x4096xf32> to vector<4096xf32>
    %swap3A_115 = vector.shape_cast %sqrt3A_110 : vector<4096xf32> to vector<1x4096xf32>
    tpu.vector_store %arg7[%swap3A_111, %swap3A_112], %swap3A_115 {strides = array<i32>} : memref<1x4096xf32, #tpu.memory_space<vmem>>, vector<1x4096xf32>,
    %get3A_116 = arith.constant 0 : index
    %get3A_117 = arith.constant 0 : index
    %get3A_118 = vector.load %arg2[%get3A_116, %get3A_117] : memref<1x4096xf32, #tpu.memory_space<vmem>>, vector<1x4096xf32>
    %get3A_119 = vector.shape_cast %get3A_118 : vector<1x4096xf32> to vector<4096xf32>
    %sub3A_120 = arith.subf %div3A_74, %get3A_119 : vector<4096xf32>
    %abs3A = math.absf %sub3A_120 : vector<4096xf32>
    %swap3A_121 = arith.constant 0 : index
    %swap3A_122 = arith.constant 0 : index
    %swap3A_123 = vector.load %arg8[%swap3A_121, %swap3A_122] : memref<1x4096xf32, #tpu.memory_space<vmem>>, vector<1x4096xf32>
    %swap3A_124 = vector.shape_cast %swap3A_123 : vector<1x4096xf32> to vector<4096xf32>
    %swap3A_125 = vector.shape_cast %abs3A : vector<4096xf32> to vector<1x4096xf32>
    tpu.vector_store %arg8[%swap3A_121, %swap3A_122], %swap3A_125 {strides = array<i32>} : memref<1x4096xf32, #tpu.memory_space<vmem>>, vector<1x4096xf32>,
    %mul3A_126 = arith.mulf %sub3A_120, %sub3A_120 : vector<4096xf32>
    %swap3A_127 = arith.constant 0 : index
    %swap3A_128 = arith.constant 0 : index
    %swap3A_129 = vector.load %arg9[%swap3A_127, %swap3A_128] : memref<1x4096xf32, #tpu.memory_space<vmem>>, vector<1x4096xf32>
    %swap3A_130 = vector.shape_cast %swap3A_129 : vector<1x4096xf32> to vector<4096xf32>
    %swap3A_131 = vector.shape_cast %mul3A_126 : vector<4096xf32> to vector<1x4096xf32>
    tpu.vector_store %arg9[%swap3A_127, %swap3A_128], %swap3A_131 {strides = array<i32>} : memref<1x4096xf32, #tpu.memory_space<vmem>>, vector<1x4096xf32>,
    return
  }
}

</mosaic_0001>

<sc_bundles>
// kernel: kernel.5.cloned.1.call-start
scs
__scs_entry_jumppad:
0x0: {  	(pc) =	sbr.rel $0x88, $3  }
0x1: {  	(tag) =	ssettag $0x0;
	lr =	simm.s32 $0x1  }
0x2: {  	[smem:$0x3F9C] =	sst lr;
	_ =	strace $0xD0000000  }
0x3: {  	_ = 	snop  }
0x4: {  	_ = 	snop  }
0x5: {  	_ = 	snop  }
0x6: {  	_ = 	snop  }
0x7: {  	_ = 	snop  }
__scs_overlays_trampoline_lowered:
0x8: {  	[smem:$0x3FAB] =	sst s0  }
0x9: {  	[smem:$0x3FAC] =	sst s1  }
0xa: {  	[smem:$0x3FAD] =	sst s2  }
0xb: {  	[smem:$0x3FAE] =	sst s3  }
0xc: {  	[smem:$0x3FAF] =	sst s4  }
0xd: {  	[smem:$0x3FB0] =	sst s5  }
0xe: {  	[smem:$0x3FB1] =	sst s6  }
0xf: {  	[smem:$0x3FB2] =	sst s7  }
0x10: {  	[smem:$0x3FB3] =	sst s8  }
0x11: {  	[smem:$0x3FB4] =	sst s9;
	s0 =	simm.s32 @!p0 $0x0  }
0x12: {  	s1 =	sld [smem:$0x3F9A];
	s0 =	simm.s32 @p0 $0x1  }
0x13: {  	[smem:$0x3FB5] =	sst s0;
	s0 =	simm.s32 @!p1 $0x0  }
0x14: {  	s2 =	sld [smem:$0x3F99];
	s0 =	simm.s32 @p1 $0x1  }
0x15: {  	[smem:$0x3FB6] =	sst s0;
	s0 =	simm.s32 @!p2 $0x0  }
0x16: {  	s3 =	sld [smem:$0x3FDB];
	s0 =	simm.s32 @p2 $0x1  }
0x17: {  	s4 =	simm.s32 $0x1BF5;
	[smem:$0x3FB8] =	sst s0  }
0x18: {  	s0 =	sld [smem:$0x3F9B];
	_ =	swait.ge [sflag:s4], $0x0  }
0x19: {  	s7 =	sld [smem:$0x3F9C]  }
0x1a: {  	s8 =	sadd.s32 $0xFFFFE003, lr  }
0x1b: {  	s9 =	sadd.s32 $0xFFFFFEF7, lr;
	s5 =	simm.s32 $0xFFFFFFFF;
	p2 =	slt.u32 s8, $0xFFFFF086  }
0x1c: {  	p1 =	slt.u32 s9, $0xF7A;
	s5 =	simm.s32 @!p2 $0x0  }
0x1d: {  	s5 =	simm.s32 @p1 $0x1;
	p0 =	seq.s32 s7, s2  }
0x1e: {  	s7 =	smul.u32 @!p0 $0xF7A, s2;
	p2 =	seq.s32 @!p0 s5, $0x0  }
0x1f: {  	s9 =	smul.u32 $0xF7A, s1;
	s8 =	simm.s32 @!p0 $0x1BF5;
	p2 =	por !p2, p0  }
0x20: {  	[sflag:s8] =	ssyncset.s32 @!p0 $0xFFFFF086;
	s6 =	sadd.s32 @!p0 s3, s7;
	s7 =	simm.s32 @!p0 $0x108  }
0x21: {  	s3 =	sadd.s32 s3, s9;
	s6 =	sadd.s32 @!p0 $0x88, s6;
	s7 =	simm.s32 @p2 $0x1082  }
0x22: {  	[simem:s7], [sflag:s8] =	dma.local @!p0 [hbm:s6], $0xF7A  }
0x23: {  	s9 =	sor.u32 $0xD0000000, s2;
	s6 =	simm.s32 $0x108;
	_ =	swait.ge @!p0 [sflag:s8], $0x0  }
0x24: {  	s3 =	sadd.s32 $0x88, s3;
	s6 =	simm.s32 @!p1 $0x1082;
	[sflag:s4] =	ssyncset.s32 $0xFFFFF086  }
0x25: {  	[simem:s6], [sflag:s4] =	dma.local [hbm:s3], $0xF7A  }
0x26: {  	[smem:$0x3F9C] =	sst s1;
	(tag) =	ssettag s2;
	_ =	strace s9  }
0x27: {  	s1 =	sld [smem:$0x3FAC]  }
0x28: {  	s2 =	sld [smem:$0x3FAD]  }
0x29: {  	s4 =	sld [smem:$0x3FAF]  }
0x2a: {  	p0 =	seq.s32 s5, $0x0;
	s5 =	sld [smem:$0x3FB0]  }
0x2b: {  	s6 =	sld [smem:$0x3FB1]  }
0x2c: {  	s7 =	sld [smem:$0x3FB2]  }
0x2d: {  	s3 =	simm.s32 $0x108;
	s8 =	sld [smem:$0x3FB3]  }
0x2e: {  	s3 =	simm.s32 @!p0 $0x1082;
	s9 =	sld [smem:$0x3FB4]  }
0x2f: {  	lr =	sadd.s32 s0, s3;
	s0 =	sld [smem:$0x3FAB]  }
0x30: {  	s3 =	sld [smem:$0x3FAE]  }
0x31: {  	[smem:$0x3FB7] =	sst s10  }
0x32: {  	s10 =	sld [smem:$0x3FB5];
	_ =	sdelay $0x3  }
0x33: {  	p0 =	seq.s32 s10, $0x1;
	s10 =	sld [smem:$0x3FB7];
	_ =	sdelay $0x3  }
0x34: {  	[smem:$0x3FB7] =	sst s10  }
0x35: {  	s10 =	sld [smem:$0x3FB6];
	_ =	sdelay $0x3  }
0x36: {  	p1 =	seq.s32 s10, $0x1;
	s10 =	sld [smem:$0x3FB7];
	_ =	sdelay $0x3  }
0x37: {  	[smem:$0x3FB7] =	sst s10  }
0x38: {  	s10 =	sld [smem:$0x3FB8]  }
0x39: {  	_ = 	snop;
	(pc) =	sbr.ind lr, $3  }
0x3a: {  	_ = 	snop  }
0x3b: {  	_ = 	snop  }
0x3c: {  	p2 =	seq.s32 s10, $0x1;
	s10 =	sld [smem:$0x3FB7]  }
0x3d: {  	_ =	shalt  }
0x3e: {  	_ =	shalt  }
0x3f: {  	_ =	shalt  }
0x40: {  	_ =	shalt  }
0x41: {  	_ =	shalt  }
0x42: {  	_ =	shalt  }
0x43: {  	_ =	shalt  }
0x44: {  	_ =	shalt  }
0x45: {  	_ =	shalt  }
0x46: {  	_ =	shalt  }
0x47: {  	_ =	shalt  }
0x48: {  	_ =	shalt  }
0x49: {  	_ =	shalt  }
0x4a: {  	_ =	shalt  }
0x4b: {  	_ =	shalt  }
0x4c: {  	_ =	shalt  }
0x4d: {  	_ =	shalt  }
0x4e: {  	_ =	shalt  }
0x4f: {  	_ =	shalt  }
0x50: {  	_ =	shalt  }
0x51: {  	_ =	shalt  }
0x52: {  	_ =	shalt  }
0x53: {  	_ =	shalt  }
0x54: {  	_ =	shalt  }
0x55: {  	_ =	shalt  }
0x56: {  	_ =	shalt  }
0x57: {  	_ =	shalt  }
0x58: {  	_ =	shalt  }
0x59: {  	_ =	shalt  }
0x5a: {  	_ =	shalt  }
0x5b: {  	_ =	shalt  }
0x5c: {  	_ =	shalt  }
0x5d: {  	_ =	shalt  }
0x5e: {  	_ =	shalt  }
0x5f: {  	_ =	shalt  }
0x60: {  	_ =	shalt  }
0x61: {  	_ =	shalt  }
0x62: {  	_ =	shalt  }
0x63: {  	_ =	shalt  }
0x64: {  	_ =	shalt  }
0x65: {  	_ =	shalt  }
0x66: {  	_ =	shalt  }
0x67: {  	_ =	shalt  }
0x68: {  	_ =	shalt  }
0x69: {  	_ =	shalt  }
0x6a: {  	_ =	shalt  }
0x6b: {  	_ =	shalt  }
0x6c: {  	_ =	shalt  }
0x6d: {  	_ =	shalt  }
0x6e: {  	_ =	shalt  }
0x6f: {  	_ =	shalt  }
0x70: {  	_ =	shalt  }
0x71: {  	_ =	shalt  }
0x72: {  	_ =	shalt  }
0x73: {  	_ =	shalt  }
0x74: {  	_ =	shalt  }
0x75: {  	_ =	shalt  }
0x76: {  	_ =	shalt  }
0x77: {  	_ =	shalt  }
0x78: {  	_ =	shalt  }
0x79: {  	_ =	shalt  }
0x7a: {  	_ =	shalt  }
0x7b: {  	_ =	shalt  }
0x7c: {  	_ =	shalt  }
0x7d: {  	_ =	shalt  }
0x7e: {  	_ =	shalt  }
0x7f: {  	_ =	shalt  }
0x80: {  	_ =	shalt  }
0x81: {  	_ =	shalt  }
0x82: {  	_ =	shalt  }
0x83: {  	_ =	shalt  }
0x84: {  	_ =	shalt  }
0x85: {  	_ =	shalt  }
0x86: {  	_ =	shalt  }
0x87: {  	_ =	shalt  }
.Lfunc_end0:
.L_simem_size_0:
called_computation_lowered:
.L_overlay_start_0:
0x88: {  	s2 =	sld [smem:$0x3FD9]  }
0x89: {  	s3 =	sld [smem:$0x3FFE];
	_ =	sdelay $0x1  }
0x8a: {  	s1 =	srdreg.scid  }
0x8b: {  	s0 =	sand.u32 $0x1, s1  }
0x8c: {  	s17 =	sshll.u32 s0, $0xA;
	s2 =	sadd.s32 s3, s2  }
0x8d: {  	s2 =	sadd.s32 s2, s17  }
0x8e: {  	[smem:$0x3FC3] =	sst s2  }
0x8f: {  	_ = 	snop  }
0x90: {  	s2 =	sld [smem:$0x3FC5];
	(tm) =	ssettm $0x1  }
0x91: {  	s18 =	sld [smem:$0x3FFB];
	_ =	sdelay $0x3  }
0x92: {  	_ =	strace s18  }
0x93: {  	s3 =	sld [smem:$0x3FFC];
	_ =	sdelay $0x3  }
0x94: {  	_ =	strace s3  }
0x95: {  	s3 =	sld [smem:$0x3FFD];
	_ =	sdelay $0x3  }
0x96: {  	_ =	strace s3  }
0x97: {  	_ =	strace $0x8FFFFFFF  }
0x98: {  	s19 =	sld [smem:$0x3FDB];
	_ =	sdelay $0x1  }
0x99: {  	s4 =	simm.s32 $_scs_section_size  }
0x9a: {  	s5 =	simm.s32 $_size__tile_overlayer_lowered;
	s6 =	simm.s32 $_tile_overlayer_lowered  }
0x9b: {  	s22 =	simm.s32 $0x1BFF;
	s21 =	sshll.u32 s6, $0x1;
	s3 =	sadd.s32 s4, s19  }
0x9c: {  	s7 =	simm.s32 $0x0;
	s20 =	sshll.u32 s5, $0x1;
	s5 =	sadd.s32 s21, s3  }
0x9d: {  	[timem:s7], [sflag:s22] =	dma.local [hbm:s5], s20  }
0x9e: {  	_ =	swait.ge [sflag:s22], s20  }
0x9f: {  	s4 =	ssub.s32 $0x0, s20;
	[sflag:s22] =	ssyncset.done $0x0  }
0xa0: {  	[sflag:s22] =	ssyncadd.s32 s4;
	_ =	sdelay $0x1  }
0xa1: {  	s23 =	simm.s32 $0x1B8B  }
0xa2: {  	_ =	swait.ge [sflag:s23], $0x1  }
0xa3: {  	[sflag:s23] =	ssyncset.done $0x0  }
0xa4: {  	s25 =	simm.s32 $0x1B8E;
	s24 =	sld [smem:$0x3FFE];
	[sflag:s23] =	ssyncadd.s32 $0xFFFFFFFF  }
0xa5: {  	s26 =	simm.s32 $execute0_lowered;
	[smem:$0x3FD2] =	sst s25  }
0xa6: {  	s5 =	sshll.u32 s26, $0x1;
	_ =	strace $0x80000046;
	[dreg:$0x1] =	wrdreg $0xFFFFFFFF  }
0xa7: {  	s28 =	simm.s32 $_size_execute0_lowered;
	s3 =	sadd.s32 s3, s5;
	[dreg:$0x0] =	wrdreg $0x0  }
0xa8: {  	s5 =	sshll.u32 s28, $0x1;
	[dreg:$0x2] =	wrdreg s3  }
0xa9: {  	[dreg:$0x3] =	wrdreg s5  }
0xaa: {  	[dreg:$0x4] =	wrdreg $0xC0  }
0xab: {  	_ =	task [dreg:s7], $0x5FFFF  }
0xac: {  	[dreg:$0x1] =	wrdreg $0xFFFFFFFF  }
0xad: {  	[dreg:$0x0] =	wrdreg $0x60  }
0xae: {  	[dreg:$0x2] =	wrdreg s2  }
0xaf: {  	[dreg:$0x3] =	wrdreg s24  }
0xb0: {  	[dreg:$0x4] =	wrdreg $0x9  }
0xb1: {  	_ =	task.clear_ibuf [dreg:s7], $0x5FFFF;
	_ =	strace $0x90000046  }
0xb2: {  	s29 =	simm.s32 $0x9;
	_ =	strace $0x80000048  }
0xb3: {  	_ =	swait.ge [sflag:s29], $0x1  }
0xb4: {  	[sflag:s29] =	ssyncadd.s32 $0xFFFFFFFF  }
0xb5: {  	_ =	strace $0x90000048  }
0xb6: {  	_ =	sfence  }
0xb7: {  	s30 =	sld [smem:$0x0];
	_ =	sdelay $0x2  }
0xb8: {  	s31 =	sshll.u32 s1, $0xD;
	s1 =	sshrl.u32 s1, $0x2  }
0xb9: {  	s3 =	sand.u32 $0x4000, s31;
	s1 =	sadd.s32 s1, s30  }
0xba: {  	s0 =	sor.u32 s3, s0;
	s1 =	sshll.u32 s1, $0x11  }
0xbb: {  	s0 =	sor.u32 s1, s0  }
0xbc: {  	s0 =	sadd.s32 $0x8F2B, s0  }
0xbd: {  	[sflag:s0] =	ssyncadd.remote.s32 $0x1  }
0xbe: {  	_ =	sfence.sel $0xFFFF  }
0xbf: {  	[dreg:$0x0] =	wrdreg $0xFFFFFFFF;
	(pc) =	sbr.abs _section_cstart, $3  }
0xc0: {  	[dreg:$0x1] =	wrdreg $0xFFFFFFFF  }
0xc1: {  	_ =	task.clear_ibuf [dreg:s7], $0x2FFFF;
	_ =	strace $0x9FFFFFFF  }
0xc2: {  	(tm) =	ssettm $0x7FFFFFFF  }
0xc3: {  	_ =	shalt  }
tec
execute0_lowered:
.L_overlay_start_1:
0x0: {  	(tag) =	ssettag $0x1  }
0x1: {  	v0 =	vimm.s32 $0xEFCDAB89;
	v1 =	vimm.s32 $0x67452301  }
0x2: {  	v0 =	vunpack.c.l.s4.s8 v0;
	v1 =	vunpack.c.l.s4.s8 v1  }
0x3: {  	v2 =	vimm.s32 $0x54761032;
	v7 =	vimm.s32 $0x32107654  }
0x4: {  	v3 =	vunpack.c.0.s8.s32 v0;
	v0 =	vimm.s32 $0xDCFE98BA;
	v4 =	vunpack.c.0.s8.s32 v1  }
0x5: {  	s0 =	rddreg [dreg:$0x0];
	v8 =	vimm.s32 $0xFEDCBA98;
	v6 =	vunpack.c.l.s4.s8 v2;
	v5 =	vunpack.c.l.s4.s8 v0  }
0x6: {  	s1 =	rddreg [dreg:$0x1];
	s2 =	simm.s32 $0x0;
	v9 =	vimm.s32 $0xEDCBA987;
	v11 =	vimm.s32 $0xE40000;
	v3 =	vcombine.low v4, v3  }
0x7: {  	s3 =	srdreg.scid;
	s7 =	stileid.u32;
	s28 =	simm.s32 $0x11480;
	v4 =	vunpack.c.0.s8.s32 v5;
	v5 =	vunpack.c.0.s8.s32 v6;
	v6 =	vimm.s32 $0xBA98FEDC  }
0x8: {  	vm0 =	vcmask $0x3F3C;
	s29 =	simm.s32 $0x13C00;
	s30 =	simm.s32 $0x14C00;
	s31 =	simm.s32 $0x15C00;
	v7 =	vunpack.c.l.s4.s8 v7;
	v6 =	vunpack.c.l.s4.s8 v6  }
0x9: {  	v12 =	vimm.s32 $0x32100000;
	s13 =	simm.s32 $0x3;
	[smem:$0x7FF] =	sst s2;
	s3 =	sand.u32 $0x1, s3;
	v4 =	vcombine.low v5, v4;
	v5 =	vunpack.c.l.s4.s8 v8  }
0xa: {  	s6 =	sshll.u32 s7, $0x1;
	s4 =	sadd.s32 $0x1400, s1;
	s5 =	sadd.s32 $0x32200, s1;
	v7 =	vunpack.c.0.s8.s32 v7;
	v8 =	vimm.s32 $0x76543210;
	v6 =	vunpack.c.0.s8.s32 v6  }
0xb: {  	v13 =	vimm.s32 $0xBA987654;
	s7 =	sshll.u32 s7, $0xA;
	s6 =	sor.u32 s3, s6;
	s3 =	ssub.s32 $0x2, s3;
	v8 =	vunpack.c.l.s4.s8 v8;
	v5 =	vunpack.c.0.s8.s32 v5  }
0xc: {  	vm1 =	vcmask $0x3F30;
	_ =	strace $0x80000047;
	s9 =	smul.u32 $0xC350, s6;
	s16 =	sshrl.u32 s3, $0x1;
	v6 =	vcombine.low v7, v6;
	v7 =	vunpack.c.l.s4.s8 v9  }
0xd: {  	s8 =	sshll.u32 s6, $0x4;
	s6 =	sadd.s32 $0x63000, s1;
	s3 =	ssub.s32 s3, s16;
	v8 =	vunpack.c.0.s8.s32 v8;
	v9 =	vand.u32 $0xF, v5;
	v5 =	vimm.s32 $0x65432100  }
0xe: {  	v14 =	vimm.s32 $0x87654321;
	s7 =	sor.u32 s7, s8;
	s10 =	sshrl.u32 s9, $0x3;
	s26 =	smax.u32 s3, $0x1;
	v10 =	vunpack.c.l.s4.s8 v5;
	v7 =	vunpack.c.0.s8.s32 v7  }
0xf: {  	s8 =	simm.s32 $0x2;
	s17 =	sadd.s32 s0, s10;
	[dreg:$0xd] =	wrdreg s26;
	v5 =	vand.u32 $0xF, v6;
	v6 =	vcombine.low v9, v8;
	v8 =	vunpack.c.l.s2.s4 v11  }
0x10: {  	v2 =	vimm.f32 $+Inf;
	v13 =	vunpack.c.l.s4.s8 v13;
	s7 =	sand.u32 $0x3070, s7;
	s18 =	sadd.s32 s4, s10;
	[dreg:$0x3] =	wrdreg s17;
	v9 =	vunpack.c.0.s8.s32 v10  }
0x11: {  	v12 =	vunpack.c.l.s4.s8 v12;
	s11 =	sadd.s32 $0x2710, s9;
	s19 =	sadd.s32 s5, s10;
	[dreg:$0x4] =	wrdreg s18;
	v7 =	vand.u32 $0xF, v7;
	v8 =	vunpack.c.l.s4.s8 v8  }
0x12: {  	v14 =	vunpack.c.l.s4.s8 v14;
	s1 =	sadd.s32 s7, s1;
	s20 =	sadd.s32 s6, s10;
	[dreg:$0x5] =	wrdreg s19;
	v11 =	vimm.s32 $0x54321000;
	v7 =	vcombine.low v9, v7  }
0x13: {  	s12 =	sadd.s32 $0x4E20, s9;
	[dreg:$0x6] =	wrdreg s20;
	s21 =	sadd.s32 $0x93E00, s1;
	v9 =	vunpack.c.l.s4.s8 v11;
	v11 =	vimm.s32 $0x7060504;
	v8 =	vunpack.c.0.s8.s32 v8  }
0x14: {  	v1 =	vimm.f32 $-Inf;
	s3 =	simm.s32 $0x17C00;
	s22 =	sadd.s32 $0x97E00, s1;
	[dreg:$0x7] =	wrdreg s21;
	v10 =	vimm.s32 $0xDCBA9876;
	v11 =	vunpack.c.0.s8.s32 v11  }
0x15: {  	v13 =	vunpack.c.0.s8.s32 v13;
	s9 =	simm.s32 $0x80;
	s23 =	sadd.s32 $0x9BE00, s1;
	[dreg:$0x8] =	wrdreg s22;
	v10 =	vunpack.c.l.s4.s8 v10;
	v8 =	vand.u32 $0x3, v8  }
0x16: {  	v12 =	vunpack.c.0.s8.s32 v12;
	s26 =	simm.s32 $0xC580;
	s24 =	sadd.s32 $0x9FE00, s1;
	[dreg:$0x9] =	wrdreg s23;
	v8 =	vsel vm1, v11, v8;
	v11 =	vimm.s32 $0xFFEDCBA9  }
.Ltmp0:
0x17: {  	v14 =	vunpack.c.0.s8.s32 v14;
	s25 =	sadd.s32 $0xA3E00, s1;
	[dreg:$0xa] =	wrdreg s24;
	v10 =	vunpack.c.0.s8.s32 v10;
	v11 =	vunpack.c.l.s4.s8 v11;
	(pc) =	sbr.rel .LBB2_1-.Ltmp0, $4  }
0x18: {  	v0 =	vimm.f32 $0.0e+00;
	s7 =	simm.s32 $0x18C00;
	v3 =	vand.u32 $0xF, v3;
	s1 =	sadd.s32 $0xA7E00, s1;
	[dreg:$0xb] =	wrdreg s25;
	v9 =	vunpack.c.0.s8.s32 v9  }
0x19: {  	s10 =	simm.s32 $0x400;
	s19 =	simm.s32 $0x4F00;
	[dreg:$0xc] =	wrdreg s1;
	v4 =	vand.u32 $0xF, v4;
	v10 =	vand.u32 $0xF, v10;
	v15 =	vunpack.c.0.s8.s32 v11  }
0x1a: {  	s21 =	simm.s32 $0x9E00;
	s22 =	simm.s32 $0xED00;
	s23 =	simm.s32 $0x1;
	v9 =	vcombine.low v9, v10;
	v10 =	vimm.f32 $1.280000000e+02;
	v11 =	vand.u32 $0xF, v13  }
0x1b: {  	s24 =	simm.s32 $0x2780;
	s25 =	simm.s32 $0x7680;
	s1 =	simm.s32 $0x16C00;
	v11 =	vcombine.low v12, v11;
	v12 =	vimm.f32 $1.000000000e+00;
	v13 =	vcombine.low v14, v15  }
.LBB2_19:
0x1c: {  	v14 =	vld [tilespmem:$0x2700]  }
0x1d: {  	v15 =	vld [tilespmem:$0x11400];
	_ =	sdelay $0x3  }
0x1e: {  	v16 =	vld [tilespmem:$0x7600]  }
0x1f: {  	v17 =	vld [tilespmem:$0xC500];
	v18 =	vperm.xlane v14, v7;
	v19 =	vperm.xlane v15, v7;
	_ =	sdelay $0x1  }
0x20: {  	vm1 =	veq.s32 v18, v14;
	v46 =	vmax.f32 v15, v19  }
0x21: {  	v49 =	vperm.xlane v14, v9;
	v48 =	vmin.f32 v15, v19;
	v47 =	vsel vm1, v46, v15  }
0x22: {  	[tilespmem:v14+s29+$0x0] =	vst.idx.add.f32.msk $0xffff, v16;
	v18 =	vsel vm1, v48, v15;
	v20 =	vperm.xlane v47, v9  }
0x23: {  	[tilespmem:v14+s30+$0x0] =	vst.idx.add.f32.msk $0xffff, v17;
	v50 =	vperm.xlane v18, v9  }
0x24: {  	vm1 =	veq.s32 v49, v14;
	[tilespmem:v14+s31+$0x0] =	vst.idx.add.f32.msk $0xffff, v15;
	v15 =	vmax.f32 v47, v20  }
0x25: {  	v54 =	vperm.xlane v14, v13;
	v51 =	vmin.f32 v18, v50;
	v15 =	vsel vm1, v15, v47  }
0x26: {  	v52 =	vperm.xlane v14, v11;
	v16 =	vsel vm1, v51, v18;
	v53 =	vperm.xlane v15, v11  }
0x27: {  	vm2 =	vne.s32 v14, v54;
	v55 =	vperm.xlane v16, v11  }
0x28: {  	[tilespmem:v14+s1+$0x0] =	vst.idx.add.f32.msk $0xffff, v12;
	vm1 =	veq.s32 v52, v14;
	v56 =	vmax.f32 v15, v53  }
0x29: {  	vm2 =	vmor vm2, vm0;
	v58 =	vld.idx.msk [tilespmem:v14+s3+$0x0], $0xffff;
	v57 =	vmin.f32 v16, v55;
	v15 =	vsel vm1, v56, v15  }
0x2a: {  	v59 =	vperm.xlane v14, v8;
	v61 =	vld.idx.msk [tilespmem:v14+s7+$0x0], $0xffff;
	v16 =	vsel vm1, v57, v16;
	v60 =	vperm.xlane v15, v8  }
0x2b: {  	v21 =	vperm.xlane v16, v8  }
0x2c: {  	vm1 =	veq.s32 v59, v14;
	v62 =	vmax.f32 v15, v60  }
0x2d: {  	v63 =	vmin.f32 v16, v21;
	v15 =	vsel vm1, v62, v15  }
0x2e: {  	v16 =	vsel vm1, v63, v16;
	v15 =	vmax.f32 v58, v15  }
0x2f: {  	[tilespmem:v14+s3+$0x0] =	vst.idx.msk vm2, v15;
	v15 =	vmin.f32 v61, v16  }
0x30: {  	s14 =	rddreg [dreg:$0x7];
	[tilespmem:v14+s7+$0x0] =	vst.idx.msk vm2, v15  }
0x31: {  	[hbm4b:s14+s9] =	stream.strided.scatter [tilespmem:s29], [sflag:$0x3], $0x1000, s10, s9, $0x38;
	[tilespmem:$0x19C00] =	vst v63  }
0x32: {  	_ =	swait.ge [sflag:s13], $0x1000  }
0x33: {  	[sflag:s13] =	ssyncset.done $0x0  }
0x34: {  	s20 =	rddreg [dreg:$0x8];
	[sflag:s13] =	ssyncadd.s32 $0xFFFFF000  }
0x35: {  	[hbm4b:s20+s9] =	stream.strided.scatter [tilespmem:s30], [sflag:$0x3], $0x1000, s10, s9, $0x38;
	[tilespmem:$0x19C00] =	vst v63  }
0x36: {  	_ =	swait.ge [sflag:s13], $0x1000  }
0x37: {  	[sflag:s13] =	ssyncset.done $0x0  }
0x38: {  	s15 =	rddreg [dreg:$0x9];
	[sflag:s13] =	ssyncadd.s32 $0xFFFFF000  }
0x39: {  	[hbm4b:s15+s9] =	stream.strided.scatter [tilespmem:s31], [sflag:$0x3], $0x1000, s10, s9, $0x38;
	[tilespmem:$0x19C00] =	vst v63  }
0x3a: {  	_ =	swait.ge [sflag:s13], $0x1000  }
0x3b: {  	[sflag:s13] =	ssyncset.done $0x0  }
0x3c: {  	s16 =	rddreg [dreg:$0xa];
	[sflag:s13] =	ssyncadd.s32 $0xFFFFF000  }
0x3d: {  	[hbm4b:s16+s9] =	stream.strided.scatter [tilespmem:s1], [sflag:$0x3], $0x1000, s10, s9, $0x38;
	[tilespmem:$0x19C00] =	vst v63  }
0x3e: {  	_ =	swait.ge [sflag:s13], $0x1000  }
0x3f: {  	[sflag:s13] =	ssyncset.done $0x0  }
0x40: {  	s17 =	rddreg [dreg:$0xb];
	[sflag:s13] =	ssyncadd.s32 $0xFFFFF000  }
0x41: {  	[hbm4b:s17+s9] =	stream.strided.scatter [tilespmem:s3], [sflag:$0x3], $0x1000, s10, s9, $0x38;
	[tilespmem:$0x19C00] =	vst v63  }
0x42: {  	_ =	swait.ge [sflag:s13], $0x1000  }
0x43: {  	[sflag:s13] =	ssyncset.done $0x0  }
0x44: {  	s18 =	rddreg [dreg:$0xc];
	[sflag:s13] =	ssyncadd.s32 $0xFFFFF000  }
0x45: {  	[hbm4b:s18+s9] =	stream.strided.scatter [tilespmem:s7], [sflag:$0x3], $0x1000, s10, s9, $0x38;
	[tilespmem:$0x19C00] =	vst v63  }
0x46: {  	_ =	swait.ge [sflag:s13], $0x1000  }
0x47: {  	s2 =	sadd.s32 $0x1, s2;
	s20 =	rddreg [dreg:$0xd]  }
0x48: {  	p0 =	sne.s32 s2, s20  }
.Ltmp1:
0x49: {  	_ = 	snop;
	(pc) =	sbr.rel @!p0 .LBB2_20-.Ltmp1, $3  }
0x4a: {  	_ =	sdelay $0x1  }
0x4b: {  	[sflag:s13] =	ssyncset.done $0x0  }
0x4c: {  	[sflag:s13] =	ssyncadd.s32 $0xFFFFF000  }
.LBB2_1:
0x4d: {  	s14 =	simm.s32 $0x0  }
0x4e: {  	[tilespmem:s14+$0x18C00] =	vst v2  }
0x4f: {  	[tilespmem:s14+$0x13C00] =	vst v0  }
0x50: {  	[tilespmem:s14+$0x14C00] =	vst v0  }
0x51: {  	[tilespmem:s14+$0x15C00] =	vst v0  }
0x52: {  	s15 =	simm.s32 $0x40;
	[tilespmem:s14+$0x16C00] =	vst v0  }
.LBB2_2:
0x53: {  	p0 =	sne.s32 s15, $0x3FC0;
	[tilespmem:s14+$0x17C00] =	vst v1;
	s14 =	sshra.s32 s15, $0x2;
	s15 =	sadd.s32 $0x40, s15  }
.Ltmp2:
0x54: {  	[tilespmem:s14+$0x18C00] =	vst v2;
	(pc) =	sbr.rel @p0 .LBB2_2-.Ltmp2, $4  }
0x55: {  	[tilespmem:s14+$0x13C00] =	vst v0  }
0x56: {  	[tilespmem:s14+$0x14C00] =	vst v0  }
0x57: {  	[tilespmem:s14+$0x15C00] =	vst v0  }
0x58: {  	[tilespmem:s14+$0x16C00] =	vst v0  }
0x59: {  	[tilespmem:s14+$0x17C00] =	vst v1;
	s14 =	simm.s32 $0x0;
	s15 =	rddreg [dreg:$0x3]  }
0x5a: {  	[tilespmem:s14], [sflag:$0x1] =	stream.linear.gather [hbm4b:s15+s14], $0x2710, $0x38;
	[tilespmem:$0x19C00] =	vst v63  }
0x5b: {  	s17 =	rddreg [dreg:$0x4]  }
0x5c: {  	[tilespmem:s19], [sflag:$0x1] =	stream.linear.gather [hbm4b:s17+s14], $0x2710, $0x38;
	[tilespmem:$0x19C00] =	vst v63  }
0x5d: {  	s18 =	rddreg [dreg:$0x5]  }
0x5e: {  	[tilespmem:s21], [sflag:$0x1] =	stream.linear.gather [hbm4b:s18+s14], $0x2710, $0x38;
	[tilespmem:$0x19C00] =	vst v63  }
0x5f: {  	s20 =	rddreg [dreg:$0x6]  }
0x60: {  	[tilespmem:s22], [sflag:$0x1] =	stream.linear.gather [hbm4b:s20+s14], $0x2710, $0x38;
	[tilespmem:$0x19C00] =	vst v63  }
0x61: {  	_ =	swait.ge [sflag:s23], $0x2710  }
0x62: {  	[sflag:s23] =	ssyncset.done $0x0  }
0x63: {  	[sflag:s23] =	ssyncadd.s32 $0xFFFFD8F0  }
0x64: {  	_ =	swait.ge [sflag:s23], $0x2710  }
0x65: {  	[sflag:s23] =	ssyncset.done $0x0  }
0x66: {  	[sflag:s23] =	ssyncadd.s32 $0xFFFFD8F0  }
0x67: {  	_ =	swait.ge [sflag:s23], $0x2710  }
.Ltmp3:
0x68: {  	[sflag:s23] =	ssyncset.done $0x0;
	(pc) =	sbr.rel .LBB2_4-.Ltmp3, $4  }
0x69: {  	[sflag:s23] =	ssyncadd.s32 $0xFFFFD8F0  }
0x6a: {  	_ =	swait.ge [sflag:s23], $0x2710  }
0x6b: {  	[sflag:s23] =	ssyncset.done $0x0  }
0x6c: {  	p1 =	por $0x1, $0x1;
	s15 =	simm.s32 $0x0;
	[sflag:s23] =	ssyncadd.s32 $0xFFFFD8F0  }
.LBB2_14:
0x6d: {  	v14 =	vld [tilespmem:$0x4E80]  }
0x6e: {  	v15 =	vld [tilespmem:$0x13B80];
	_ =	sdelay $0x3  }
0x6f: {  	v16 =	vld [tilespmem:$0x9D80]  }
0x70: {  	v17 =	vld [tilespmem:$0xEC80];
	v18 =	vperm.xlane v14, v7;
	v19 =	vperm.xlane v15, v7;
	_ =	sdelay $0x1  }
0x71: {  	vm1 =	veq.s32 v18, v14;
	v46 =	vmax.f32 v15, v19  }
0x72: {  	v49 =	vperm.xlane v14, v9;
	v48 =	vmin.f32 v15, v19;
	v47 =	vsel vm1, v46, v15  }
0x73: {  	[tilespmem:v14+s29+$0x0] =	vst.idx.add.f32.msk $0xffff, v16;
	v18 =	vsel vm1, v48, v15;
	v20 =	vperm.xlane v47, v9  }
0x74: {  	[tilespmem:v14+s30+$0x0] =	vst.idx.add.f32.msk $0xffff, v17;
	v50 =	vperm.xlane v18, v9  }
0x75: {  	vm1 =	veq.s32 v49, v14;
	[tilespmem:v14+s31+$0x0] =	vst.idx.add.f32.msk $0xffff, v15;
	v15 =	vmax.f32 v47, v20  }
0x76: {  	v54 =	vperm.xlane v14, v13;
	v51 =	vmin.f32 v18, v50;
	v15 =	vsel vm1, v15, v47  }
0x77: {  	v52 =	vperm.xlane v14, v11;
	v16 =	vsel vm1, v51, v18;
	v53 =	vperm.xlane v15, v11  }
0x78: {  	vm2 =	vne.s32 v14, v54;
	v55 =	vperm.xlane v16, v11  }
0x79: {  	[tilespmem:v14+s1+$0x0] =	vst.idx.add.f32.msk $0xffff, v12;
	vm1 =	veq.s32 v52, v14;
	v56 =	vmax.f32 v15, v53  }
0x7a: {  	vm2 =	vmor vm2, vm0;
	v58 =	vld.idx.msk [tilespmem:v14+s3+$0x0], $0xffff;
	v57 =	vmin.f32 v16, v55;
	v15 =	vsel vm1, v56, v15  }
0x7b: {  	v59 =	vperm.xlane v14, v8;
	v61 =	vld.idx.msk [tilespmem:v14+s7+$0x0], $0xffff;
	v16 =	vsel vm1, v57, v16;
	v60 =	vperm.xlane v15, v8  }
0x7c: {  	v21 =	vperm.xlane v16, v8  }
0x7d: {  	vm1 =	veq.s32 v59, v14;
	v62 =	vmax.f32 v15, v60  }
0x7e: {  	v63 =	vmin.f32 v16, v21;
	v15 =	vsel vm1, v62, v15  }
0x7f: {  	v16 =	vsel vm1, v63, v16;
	v15 =	vmax.f32 v58, v15  }
0x80: {  	[tilespmem:v14+s3+$0x0] =	vst.idx.msk vm2, v15;
	v15 =	vmin.f32 v61, v16  }
0x81: {  	[tilespmem:v14+s7+$0x0] =	vst.idx.msk vm2, v15  }
0x82: {  	_ =	swait.ge [sflag:s23], $0x2710  }
0x83: {  	[sflag:s23] =	ssyncset.done $0x0  }
0x84: {  	[sflag:s23] =	ssyncadd.s32 $0xFFFFD8F0  }
0x85: {  	_ =	swait.ge [sflag:s23], $0x2710  }
0x86: {  	[sflag:s23] =	ssyncset.done $0x0  }
0x87: {  	[sflag:s23] =	ssyncadd.s32 $0xFFFFD8F0  }
0x88: {  	_ =	swait.ge [sflag:s23], $0x2710  }
.Ltmp4:
0x89: {  	[sflag:s23] =	ssyncset.done $0x0;
	(pc) =	sbr.rel @!p0 .LBB2_15-.Ltmp4, $4  }
0x8a: {  	[sflag:s23] =	ssyncadd.s32 $0xFFFFD8F0  }
0x8b: {  	_ =	swait.ge [sflag:s23], $0x2710  }
0x8c: {  	s16 =	simm.s32 $0x0;
	[sflag:s23] =	ssyncset.done $0x0  }
0x8d: {  	s15 =	simm.s32 $0x4E20;
	p1 =	por $0x0, $0x0;
	[sflag:s23] =	ssyncadd.s32 $0xFFFFD8F0  }
.LBB2_4:
0x8e: {  	s16 =	sadd.s32 s15, s11  }
0x8f: {  	s16 =	sshrl.u32 s16, $0x3  }
0x90: {  	s17 =	sadd.s32 s0, s16  }
0x91: {  	[tilespmem:s24], [sflag:$0x2] =	stream.linear.gather [hbm4b:s17+s14], $0x2710, $0x38;
	[tilespmem:$0x19C00] =	vst v63  }
0x92: {  	s18 =	sadd.s32 s4, s16  }
0x93: {  	[tilespmem:s25], [sflag:$0x2] =	stream.linear.gather [hbm4b:s18+s14], $0x2710, $0x38;
	[tilespmem:$0x19C00] =	vst v63  }
.Ltmp5:
0x94: {  	s20 =	sadd.s32 s5, s16;
	(pc) =	sbr.rel .LBB2_5-.Ltmp5, $4  }
0x95: {  	[tilespmem:s26], [sflag:$0x2] =	stream.linear.gather [hbm4b:s20+s14], $0x2710, $0x38;
	[tilespmem:$0x19C00] =	vst v63  }
0x96: {  	s16 =	sadd.s32 s6, s16  }
0x97: {  	[tilespmem:s28], [sflag:$0x2] =	stream.linear.gather [hbm4b:s16+s14], $0x2710, $0x38;
	[tilespmem:$0x19C00] =	vst v63  }
0x98: {  	p0 =	por p1, p1;
	s16 =	simm.s32 $0x0  }
.LBB2_7:
0x99: {  	v19 =	vld [tilespmem:s17+$0x60]  }
0x9a: {  	v28 =	vperm.xlane v41, v7;
	v33 =	vperm.xlane v40, v7;
	v24 =	vld [tilespmem:s17+$0x50]  }
0x9b: {  	v50 =	vld [tilespmem:s17+$0x10]  }
0x9c: {  	vm1 =	veq.s32 v28, v41;
	v38 =	vmax.f32 v40, v33;
	v33 =	vmin.f32 v40, v33;
	v28 =	vld [tilespmem:s17+$0x40]  }
0x9d: {  	v46 =	vsel vm1, v33, v40;
	v33 =	vld [tilespmem:s17+$0x30]  }
0x9e: {  	v47 =	vperm.xlane v41, v9;
	v63 =	vperm.xlane v41, v8;
	v45 =	vsel vm1, v38, v40;
	v38 =	vld [tilespmem:s17+$0x20]  }
0x9f: {  	[tilespmem:v41+s29+$0x0] =	vst.idx.add.f32.msk $0xffff, v44;
	v48 =	vperm.xlane v45, v9;
	v49 =	vperm.xlane v46, v9  }
0xa0: {  	v59 =	vperm.xlane v41, v11;
	vm1 =	veq.s32 v47, v41;
	[tilespmem:v41+s30+$0x0] =	vst.idx.add.f32.msk $0xffff, v20;
	v20 =	vand.u32 $0xF, v13  }
0xa1: {  	v61 =	vperm.xlane v41, v20;
	v55 =	vmax.f32 v45, v48;
	v56 =	vmin.f32 v46, v49  }
0xa2: {  	v51 =	vperm.xlane v50, v11;
	v57 =	vsel vm1, v55, v45;
	v58 =	vsel vm1, v56, v46  }
0xa3: {  	[tilespmem:v41+s31+$0x0] =	vst.idx.add.f32.msk $0xffff, v40;
	v47 =	vperm.xlane v57, v11;
	v60 =	vperm.xlane v58, v11  }
0xa4: {  	[tilespmem:v41+s1+$0x0] =	vst.idx.add.f32.msk $0xffff, v12;
	vm1 =	veq.s32 v59, v41;
	vm2 =	vne.s32 v41, v61  }
0xa5: {  	v59 =	vperm.xlane v36, v7;
	v62 =	vmax.f32 v57, v47;
	v40 =	vmin.f32 v58, v60  }
0xa6: {  	v53 =	vld.idx.msk [tilespmem:v41+s3+$0x0], $0xffff;
	vm2 =	vmor vm2, vm0;
	v44 =	vsel vm1, v62, v57;
	v40 =	vsel vm1, v40, v58  }
0xa7: {  	v52 =	vperm.xlane v44, v8;
	v55 =	vperm.xlane v40, v8  }
0xa8: {  	v56 =	vld.idx.msk [tilespmem:v41+s7+$0x0], $0xffff;
	v61 =	vmin.f32 v36, v59;
	v60 =	vmax.f32 v36, v59;
	vm1 =	veq.s32 v63, v41  }
0xa9: {  	v58 =	vperm.xlane v50, v7;
	v54 =	vmax.f32 v44, v52;
	v57 =	vmin.f32 v40, v55  }
0xaa: {  	v62 =	vperm.xlane v50, v9;
	v44 =	vsel vm1, v54, v44;
	v40 =	vsel vm1, v57, v40  }
0xab: {  	vm1 =	veq.s32 v58, v50;
	v54 =	vperm.xlane v50, v20;
	v44 =	vmax.f32 v53, v44  }
0xac: {  	v45 =	vsel vm1, v61, v36;
	[tilespmem:v41+s3+$0x0] =	vst.idx.msk vm2, v44;
	v44 =	vsel vm1, v60, v36  }
0xad: {  	v40 =	vmin.f32 v56, v40;
	v48 =	vperm.xlane v45, v9;
	v63 =	vperm.xlane v44, v9  }
0xae: {  	vm1 =	veq.s32 v62, v50;
	[tilespmem:v41+s7+$0x0] =	vst.idx.msk vm2, v40;
	vm2 =	vne.s32 v50, v54  }
0xaf: {  	[tilespmem:v50+s29+$0x0] =	vst.idx.add.f32.msk $0xffff, v43;
	v40 =	vmin.f32 v45, v48;
	v49 =	vmax.f32 v44, v63  }
0xb0: {  	[tilespmem:v50+s30+$0x0] =	vst.idx.add.f32.msk $0xffff, v42;
	v40 =	vsel vm1, v40, v45;
	v41 =	vsel vm1, v49, v44  }
0xb1: {  	[tilespmem:v50+s31+$0x0] =	vst.idx.add.f32.msk $0xffff, v36;
	v53 =	vperm.xlane v40, v11;
	v52 =	vperm.xlane v41, v11  }
0xb2: {  	v56 =	vperm.xlane v50, v8;
	vm2 =	vmor vm2, vm0;
	v48 =	vperm.xlane v32, v7;
	[tilespmem:v50+s1+$0x0] =	vst.idx.add.f32.msk $0xffff, v12  }
0xb3: {  	vm1 =	veq.s32 v51, v50;
	v36 =	vmin.f32 v40, v53;
	v58 =	vld.idx.msk [tilespmem:v50+s3+$0x0], $0xffff;
	v55 =	vmax.f32 v41, v52  }
0xb4: {  	v63 =	vperm.xlane v38, v7;
	v61 =	vld.idx.msk [tilespmem:v50+s7+$0x0], $0xffff;
	v36 =	vsel vm1, v36, v40;
	v41 =	vsel vm1, v55, v41  }
0xb5: {  	v60 =	vperm.xlane v36, v8;
	v57 =	vperm.xlane v41, v8  }
0xb6: {  	v49 =	vmax.f32 v32, v48;
	v51 =	vmin.f32 v32, v48;
	v52 =	vperm.xlane v38, v9  }
0xb7: {  	vm1 =	veq.s32 v56, v50;
	v62 =	vmin.f32 v36, v60;
	v59 =	vmax.f32 v41, v57  }
0xb8: {  	v36 =	vsel vm1, v62, v36;
	v57 =	vperm.xlane v38, v11;
	v40 =	vsel vm1, v59, v41  }
0xb9: {  	vm1 =	veq.s32 v63, v38;
	v36 =	vmin.f32 v61, v36;
	v40 =	vmax.f32 v58, v40  }
0xba: {  	v59 =	vperm.xlane v38, v20;
	[tilespmem:v50+s3+$0x0] =	vst.idx.msk vm2, v40;
	v40 =	vsel vm1, v49, v32  }
0xbb: {  	v61 =	vperm.xlane v38, v8;
	v41 =	vsel vm1, v51, v32;
	v53 =	vperm.xlane v40, v9  }
0xbc: {  	v54 =	vperm.xlane v41, v9;
	vm1 =	veq.s32 v52, v38;
	v49 =	vperm.xlane v33, v7  }
0xbd: {  	[tilespmem:v50+s7+$0x0] =	vst.idx.msk vm2, v36;
	vm2 =	vne.s32 v38, v59;
	v55 =	vmax.f32 v40, v53  }
0xbe: {  	[tilespmem:v38+s29+$0x0] =	vst.idx.add.f32.msk $0xffff, v39;
	v36 =	vmin.f32 v41, v54;
	v56 =	vsel vm1, v55, v40  }
0xbf: {  	[tilespmem:v38+s30+$0x0] =	vst.idx.add.f32.msk $0xffff, v37;
	v36 =	vsel vm1, v36, v41;
	v40 =	vperm.xlane v56, v11  }
0xc0: {  	v50 =	vperm.xlane v29, v7;
	[tilespmem:v38+s31+$0x0] =	vst.idx.add.f32.msk $0xffff, v32;
	v58 =	vperm.xlane v36, v11  }
0xc1: {  	vm1 =	veq.s32 v57, v38;
	[tilespmem:v38+s1+$0x0] =	vst.idx.add.f32.msk $0xffff, v12;
	v60 =	vmax.f32 v56, v40  }
0xc2: {  	vm2 =	vmor vm2, vm0;
	v32 =	vmin.f32 v36, v58;
	v63 =	vld.idx.msk [tilespmem:v38+s3+$0x0], $0xffff;
	v37 =	vsel vm1, v60, v56  }
0xc3: {  	v51 =	vmax.f32 v29, v50;
	v32 =	vsel vm1, v32, v36;
	v62 =	vperm.xlane v37, v8  }
0xc4: {  	v52 =	vmin.f32 v29, v50;
	v53 =	vperm.xlane v33, v9;
	v46 =	vperm.xlane v32, v8  }
0xc5: {  	v47 =	vld.idx.msk [tilespmem:v38+s7+$0x0], $0xffff;
	v58 =	vperm.xlane v33, v11;
	vm1 =	veq.s32 v61, v38;
	v45 =	vmax.f32 v37, v62  }
0xc6: {  	v60 =	vperm.xlane v33, v20;
	v48 =	vmin.f32 v32, v46;
	v36 =	vsel vm1, v45, v37  }
0xc7: {  	v32 =	vsel vm1, v48, v32;
	vm1 =	veq.s32 v49, v33;
	v36 =	vmax.f32 v63, v36  }
0xc8: {  	v46 =	vperm.xlane v25, v7;
	[tilespmem:v38+s3+$0x0] =	vst.idx.msk vm2, v36;
	v36 =	vsel vm1, v51, v29  }
0xc9: {  	v62 =	vperm.xlane v33, v8;
	v37 =	vsel vm1, v52, v29;
	v54 =	vperm.xlane v36, v9  }
0xca: {  	v32 =	vmin.f32 v47, v32;
	v45 =	vperm.xlane v28, v7;
	v55 =	vperm.xlane v37, v9  }
0xcb: {  	vm1 =	veq.s32 v53, v33;
	[tilespmem:v38+s7+$0x0] =	vst.idx.msk vm2, v32;
	v56 =	vmax.f32 v36, v54  }
0xcc: {  	[tilespmem:v33+s29+$0x0] =	vst.idx.add.f32.msk $0xffff, v35;
	v32 =	vmin.f32 v37, v55;
	v57 =	vsel vm1, v56, v36  }
0xcd: {  	[tilespmem:v33+s30+$0x0] =	vst.idx.add.f32.msk $0xffff, v34;
	v32 =	vsel vm1, v32, v37;
	v36 =	vperm.xlane v57, v11  }
0xce: {  	vm2 =	vne.s32 v33, v60;
	[tilespmem:v33+s31+$0x0] =	vst.idx.add.f32.msk $0xffff, v29;
	v59 =	vperm.xlane v32, v11  }
0xcf: {  	vm1 =	veq.s32 v58, v33;
	[tilespmem:v33+s1+$0x0] =	vst.idx.add.f32.msk $0xffff, v12;
	v61 =	vmax.f32 v57, v36  }
0xd0: {  	vm2 =	vmor vm2, vm0;
	v29 =	vmin.f32 v32, v59;
	v40 =	vld.idx.msk [tilespmem:v33+s3+$0x0], $0xffff;
	v34 =	vsel vm1, v61, v57  }
0xd1: {  	v47 =	vmax.f32 v25, v46;
	v29 =	vsel vm1, v29, v32;
	v63 =	vperm.xlane v34, v8  }
0xd2: {  	v48 =	vmin.f32 v25, v46;
	v49 =	vperm.xlane v28, v9;
	v42 =	vperm.xlane v29, v8  }
0xd3: {  	v46 =	vperm.xlane v24, v11;
	v43 =	vld.idx.msk [tilespmem:v33+s7+$0x0], $0xffff;
	vm1 =	veq.s32 v62, v33;
	v41 =	vmax.f32 v34, v63  }
0xd4: {  	v38 =	vperm.xlane v21, v7;
	v44 =	vmin.f32 v29, v42;
	v32 =	vsel vm1, v41, v34  }
0xd5: {  	v29 =	vsel vm1, v44, v29;
	vm1 =	veq.s32 v45, v28;
	v32 =	vmax.f32 v40, v32  }
0xd6: {  	v54 =	vperm.xlane v28, v11;
	[tilespmem:v33+s3+$0x0] =	vst.idx.msk vm2, v32;
	v32 =	vsel vm1, v47, v25  }
0xd7: {  	v37 =	vperm.xlane v24, v7;
	v34 =	vsel vm1, v48, v25;
	v50 =	vperm.xlane v32, v9  }
0xd8: {  	v56 =	vperm.xlane v28, v20;
	v29 =	vmin.f32 v43, v29;
	v51 =	vperm.xlane v34, v9  }
0xd9: {  	vm1 =	veq.s32 v49, v28;
	[tilespmem:v33+s7+$0x0] =	vst.idx.msk vm2, v29;
	v52 =	vmax.f32 v32, v50  }
0xda: {  	[tilespmem:v28+s29+$0x0] =	vst.idx.add.f32.msk $0xffff, v31;
	v29 =	vmin.f32 v34, v51;
	v53 =	vsel vm1, v52, v32  }
0xdb: {  	[tilespmem:v28+s30+$0x0] =	vst.idx.add.f32.msk $0xffff, v30;
	v29 =	vsel vm1, v29, v34;
	v32 =	vperm.xlane v53, v11  }
0xdc: {  	vm2 =	vne.s32 v28, v56;
	[tilespmem:v28+s31+$0x0] =	vst.idx.add.f32.msk $0xffff, v25;
	v55 =	vperm.xlane v29, v11  }
0xdd: {  	vm1 =	veq.s32 v54, v28;
	[tilespmem:v28+s1+$0x0] =	vst.idx.add.f32.msk $0xffff, v12;
	v57 =	vmax.f32 v53, v32  }
0xde: {  	vm2 =	vmor vm2, vm0;
	v25 =	vmin.f32 v29, v55;
	v60 =	vld.idx.msk [tilespmem:v28+s3+$0x0], $0xffff;
	v30 =	vsel vm1, v57, v53  }
0xdf: {  	v58 =	vperm.xlane v28, v8;
	v25 =	vsel vm1, v25, v29;
	v59 =	vperm.xlane v30, v8  }
0xe0: {  	v39 =	vmax.f32 v21, v38;
	v41 =	vperm.xlane v24, v9;
	v63 =	vld.idx.msk [tilespmem:v28+s7+$0x0], $0xffff;
	v62 =	vperm.xlane v25, v8  }
0xe1: {  	v40 =	vmin.f32 v21, v38;
	vm1 =	veq.s32 v58, v28;
	v61 =	vmax.f32 v30, v59  }
0xe2: {  	v49 =	vperm.xlane v24, v20;
	v36 =	vmin.f32 v25, v62;
	v29 =	vsel vm1, v61, v30  }
0xe3: {  	v25 =	vsel vm1, v36, v25;
	vm1 =	veq.s32 v37, v24;
	v29 =	vmax.f32 v60, v29  }
0xe4: {  	v30 =	vsel vm1, v40, v21;
	[tilespmem:v28+s3+$0x0] =	vst.idx.msk vm2, v29;
	v29 =	vsel vm1, v39, v21  }
0xe5: {  	v25 =	vmin.f32 v63, v25;
	v43 =	vperm.xlane v30, v9;
	v42 =	vperm.xlane v29, v9  }
0xe6: {  	v51 =	vperm.xlane v24, v8;
	vm1 =	veq.s32 v41, v24;
	[tilespmem:v28+s7+$0x0] =	vst.idx.msk vm2, v25  }
0xe7: {  	[tilespmem:v24+s29+$0x0] =	vst.idx.add.f32.msk $0xffff, v27;
	v25 =	vmin.f32 v30, v43;
	v44 =	vmax.f32 v29, v42  }
0xe8: {  	[tilespmem:v24+s30+$0x0] =	vst.idx.add.f32.msk $0xffff, v26;
	v25 =	vsel vm1, v25, v30;
	v45 =	vsel vm1, v44, v29  }
0xe9: {  	[tilespmem:v24+s31+$0x0] =	vst.idx.add.f32.msk $0xffff, v21;
	v48 =	vperm.xlane v25, v11;
	v47 =	vperm.xlane v45, v11  }
0xea: {  	v59 =	vperm.xlane v16, v7;
	vm2 =	vne.s32 v24, v49;
	[tilespmem:v24+s1+$0x0] =	vst.idx.add.f32.msk $0xffff, v12  }
0xeb: {  	vm1 =	veq.s32 v46, v24;
	v21 =	vmin.f32 v25, v48;
	v53 =	vld.idx.msk [tilespmem:v24+s3+$0x0], $0xffff;
	v50 =	vmax.f32 v45, v47  }
0xec: {  	vm2 =	vmor vm2, vm0;
	v56 =	vld.idx.msk [tilespmem:v24+s7+$0x0], $0xffff;
	v21 =	vsel vm1, v21, v25;
	v26 =	vsel vm1, v50, v45  }
0xed: {  	v55 =	vperm.xlane v21, v8;
	v52 =	vperm.xlane v26, v8  }
0xee: {  	v58 =	vperm.xlane v19, v7;
	v62 =	vperm.xlane v19, v9;
	v60 =	vmax.f32 v16, v59  }
0xef: {  	vm1 =	veq.s32 v51, v24;
	v57 =	vmin.f32 v21, v55;
	v54 =	vmax.f32 v26, v52  }
0xf0: {  	v61 =	vmin.f32 v16, v59;
	v21 =	vsel vm1, v57, v21;
	v25 =	vsel vm1, v54, v26  }
0xf1: {  	vm1 =	veq.s32 v58, v19;
	v21 =	vmin.f32 v56, v21;
	v25 =	vmax.f32 v53, v25  }
0xf2: {  	v26 =	vsel vm1, v61, v16;
	[tilespmem:v24+s3+$0x0] =	vst.idx.msk vm2, v25;
	v25 =	vsel vm1, v60, v16  }
0xf3: {  	v63 =	vperm.xlane v25, v9;
	[tilespmem:v24+s7+$0x0] =	vst.idx.msk vm2, v21;
	v24 =	vperm.xlane v26, v9  }
0xf4: {  	v31 =	vperm.xlane v19, v11;
	v34 =	vperm.xlane v19, v20  }
0xf5: {  	vm1 =	veq.s32 v62, v19;
	v29 =	vmax.f32 v25, v63;
	v21 =	vmin.f32 v26, v24  }
0xf6: {  	[tilespmem:v19+s29+$0x0] =	vst.idx.add.f32.msk $0xffff, v23;
	v30 =	vsel vm1, v29, v25;
	v21 =	vsel vm1, v21, v26  }
0xf7: {  	[tilespmem:v19+s30+$0x0] =	vst.idx.add.f32.msk $0xffff, v22;
	v32 =	vperm.xlane v30, v11;
	v33 =	vperm.xlane v21, v11  }
0xf8: {  	vm2 =	vne.s32 v19, v34;
	[tilespmem:v19+s31+$0x0] =	vst.idx.add.f32.msk $0xffff, v16;
	vm1 =	veq.s32 v31, v19  }
0xf9: {  	[tilespmem:v19+s1+$0x0] =	vst.idx.add.f32.msk $0xffff, v12;
	v35 =	vmax.f32 v30, v32;
	v16 =	vmin.f32 v21, v33  }
0xfa: {  	v37 =	vld.idx.msk [tilespmem:v19+s3+$0x0], $0xffff;
	v22 =	vsel vm1, v35, v30;
	v16 =	vsel vm1, v16, v21;
	vm1 =	vmor vm2, vm0  }
0xfb: {  	v36 =	vperm.xlane v19, v8;
	v40 =	vld.idx.msk [tilespmem:v19+s7+$0x0], $0xffff;
	v38 =	vperm.xlane v22, v8  }
0xfc: {  	v39 =	vperm.xlane v16, v8  }
0xfd: {  	vm2 =	veq.s32 v36, v19;
	v41 =	vmax.f32 v22, v38  }
0xfe: {  	v43 =	vperm.xlane v14, v7;
	v42 =	vmin.f32 v16, v39;
	v21 =	vsel vm2, v41, v22  }
0xff: {  	v44 =	vperm.xlane v15, v7;
	v16 =	vsel vm2, v42, v16;
	v21 =	vmax.f32 v37, v21  }
0x100: {  	v16 =	vmin.f32 v40, v16;
	[tilespmem:v19+s3+$0x0] =	vst.idx.msk vm1, v21  }
0x101: {  	v45 =	vmax.f32 v15, v44;
	[tilespmem:v19+s7+$0x0] =	vst.idx.msk vm1, v16;
	vm1 =	veq.s32 v43, v14  }
0x102: {  	v46 =	vmin.f32 v15, v44;
	v47 =	vperm.xlane v14, v9;
	v16 =	vsel vm1, v45, v15  }
0x103: {  	[tilespmem:v14+s29+$0x0] =	vst.idx.add.f32.msk $0xffff, v18;
	v18 =	vsel vm1, v46, v15;
	v48 =	vperm.xlane v16, v9  }
0x104: {  	[tilespmem:v14+s30+$0x0] =	vst.idx.add.f32.msk $0xffff, v17;
	v49 =	vperm.xlane v18, v9  }
0x105: {  	vm1 =	veq.s32 v47, v14;
	[tilespmem:v14+s31+$0x0] =	vst.idx.add.f32.msk $0xffff, v15;
	v15 =	vmax.f32 v16, v48  }
0x106: {  	v53 =	vperm.xlane v14, v20;
	v50 =	vmin.f32 v18, v49;
	v15 =	vsel vm1, v15, v16  }
0x107: {  	v51 =	vperm.xlane v14, v11;
	v16 =	vsel vm1, v50, v18;
	v52 =	vperm.xlane v15, v11  }
0x108: {  	vm2 =	vne.s32 v14, v53;
	v54 =	vperm.xlane v16, v11  }
0x109: {  	[tilespmem:v14+s1+$0x0] =	vst.idx.add.f32.msk $0xffff, v12;
	vm1 =	veq.s32 v51, v14;
	v55 =	vmax.f32 v15, v52  }
0x10a: {  	vm2 =	vmor vm2, vm0;
	v57 =	vld.idx.msk [tilespmem:v14+s3+$0x0], $0xffff;
	v56 =	vmin.f32 v16, v54;
	v15 =	vsel vm1, v55, v15  }
0x10b: {  	v58 =	vperm.xlane v14, v8;
	v60 =	vld.idx.msk [tilespmem:v14+s7+$0x0], $0xffff;
	v16 =	vsel vm1, v56, v16;
	v59 =	vperm.xlane v15, v8  }
0x10c: {  	v61 =	vperm.xlane v16, v8  }
0x10d: {  	vm1 =	veq.s32 v58, v14;
	v62 =	vmax.f32 v15, v59  }
0x10e: {  	v63 =	vmin.f32 v16, v61;
	v15 =	vsel vm1, v62, v15  }
0x10f: {  	v16 =	vsel vm1, v63, v16;
	v15 =	vmax.f32 v57, v15  }
0x110: {  	[tilespmem:v14+s3+$0x0] =	vst.idx.msk vm2, v15;
	v15 =	vmin.f32 v60, v16  }
0x111: {  	[tilespmem:v14+s7+$0x0] =	vst.idx.msk vm2, v15  }
.LBB2_8:
0x112: {  	s16 =	sadd.s32 $0x200, s16  }
0x113: {  	p1 =	sne.s32 s16, $0x9C00  }
.Ltmp6:
0x114: {  	_ = 	snop;
	(pc) =	sbr.rel @!p1 .LBB2_9-.Ltmp6, $1  }
0x115: {  	_ =	sdelay $0x3  }
.LBB2_5:
0x116: {  	s17 =	sshra.s32 s16, $0x2  }
0x117: {  	v41 =	vld [tilespmem:s17+$0x0]  }
0x118: {  	v14 =	vld [tilespmem:s17+$0x70];
	_ =	sdelay $0x3  }
0x119: {  	v15 =	vxor.u32 $0x80000000, v41  }
0x11a: {  	(xrf0) =	vmin.scan.msk.u32 $0xffff, v15;
	v15 =	vxor.u32 $0x80000000, v14  }
0x11b: {  	(xrf0) =	vmax.scan.msk.u32 $0xffff, v15;
	_ =	sdelay $0x4  }
0x11c: {  	v44 =	vld [tilespmem:s17+$0x4F00];
	v15, _, _ =	vpop (xrf0)  }
0x11d: {  	v20 =	vld [tilespmem:s17+$0x9E00];
	(v2sf) =	vpush v15, $0xF;
	v15, _, _ =	vpop (xrf0)  }
0x11e: {  	v40 =	vld [tilespmem:s17+$0xED00];
	(v2sf) =	vpush v15, $0xF  }
0x11f: {  	v43 =	vld [tilespmem:s17+$0x4F10]  }
0x120: {  	v42 =	vld [tilespmem:s17+$0x9E10]  }
0x121: {  	v36 =	vld [tilespmem:s17+$0xED10]  }
0x122: {  	v39 =	vld [tilespmem:s17+$0x4F20]  }
0x123: {  	v37 =	vld [tilespmem:s17+$0x9E20]  }
0x124: {  	v32 =	vld [tilespmem:s17+$0xED20]  }
0x125: {  	v35 =	vld [tilespmem:s17+$0x4F30]  }
0x126: {  	v34 =	vld [tilespmem:s17+$0x9E30]  }
0x127: {  	v29 =	vld [tilespmem:s17+$0xED30]  }
0x128: {  	v31 =	vld [tilespmem:s17+$0x4F40]  }
0x129: {  	v30 =	vld [tilespmem:s17+$0x9E40]  }
0x12a: {  	v25 =	vld [tilespmem:s17+$0xED40]  }
0x12b: {  	v27 =	vld [tilespmem:s17+$0x4F50]  }
0x12c: {  	v26 =	vld [tilespmem:s17+$0x9E50];
	s18 =	spop (v2sf)  }
0x12d: {  	v21 =	vld [tilespmem:s17+$0xED50];
	s20 =	spop (v2sf)  }
0x12e: {  	v23 =	vld [tilespmem:s17+$0x4F60];
	p1 =	sne.s32 s18, s20  }
.Ltmp7:
0x12f: {  	v22 =	vld [tilespmem:s17+$0x9E60];
	(pc) =	sbr.rel @p1 .LBB2_7-.Ltmp7, $4  }
0x130: {  	v16 =	vld [tilespmem:s17+$0xED60]  }
0x131: {  	v18 =	vld [tilespmem:s17+$0x4F70]  }
0x132: {  	v17 =	vld [tilespmem:s17+$0x9E70]  }
0x133: {  	v15 =	vld [tilespmem:s17+$0xED70]  }
0x134: {  	v19 =	vadd.f32 v43, v44;
	v24 =	vadd.f32 v35, v39  }
0x135: {  	v27 =	vadd.f32 v27, v31;
	v20 =	vadd.f32 v42, v20  }
0x136: {  	v38 =	vadd.f32 v34, v37;
	v26 =	vadd.f32 v26, v30  }
0x137: {  	v39 =	vadd.f32 v36, v40;
	v41 =	vadd.f32 v29, v32  }
0x138: {  	v42 =	vadd.f32 v21, v25;
	v18 =	vadd.f32 v18, v23  }
0x139: {  	v19 =	vadd.f32 v24, v19;
	v17 =	vadd.f32 v17, v22  }
0x13a: {  	v20 =	vadd.f32 v38, v20;
	v43 =	vadd.f32 v15, v16  }
0x13b: {  	v18 =	vadd.f32 v18, v27;
	v17 =	vadd.f32 v17, v26  }
0x13c: {  	v44 =	vadd.f32 v41, v39;
	v45 =	vadd.f32 v43, v42  }
0x13d: {  	v18 =	vadd.f32 v18, v19;
	v17 =	vadd.f32 v17, v20  }
0x13e: {  	v19 =	vadd.f32 v45, v44  }
0x13f: {  	v46 =	vperm.xlane v18, v3;
	v47 =	vperm.xlane v17, v3  }
0x140: {  	v20 =	vperm.xlane v19, v3  }
0x141: {  	v18 =	vadd.f32 v46, v18;
	v17 =	vadd.f32 v47, v17  }
0x142: {  	v48 =	vmax.f32 v40, v36;
	v19 =	vadd.f32 v20, v19  }
0x143: {  	v49 =	vmax.f32 v32, v29;
	v22 =	vperm.xlane v18, v4;
	v23 =	vperm.xlane v17, v4  }
0x144: {  	v50 =	vmax.f32 v25, v21;
	v53 =	vmin.f32 v40, v36;
	v20 =	vperm.xlane v19, v4  }
0x145: {  	v54 =	vmin.f32 v32, v29;
	v18 =	vadd.f32 v22, v18;
	v17 =	vadd.f32 v23, v17  }
0x146: {  	v55 =	vmin.f32 v25, v21;
	v57 =	vmin.f32 v53, v54;
	v19 =	vadd.f32 v20, v19  }
0x147: {  	v51 =	vmax.f32 v16, v15;
	v22 =	vperm.xlane v18, v5;
	v23 =	vperm.xlane v17, v5  }
0x148: {  	v15 =	vmin.f32 v16, v15;
	v52 =	vmax.f32 v50, v51;
	v20 =	vperm.xlane v19, v5  }
0x149: {  	v15 =	vmin.f32 v55, v15;
	v18 =	vadd.f32 v22, v18;
	v17 =	vadd.f32 v23, v17  }
0x14a: {  	v15 =	vmin.f32 v57, v15;
	v19 =	vadd.f32 v20, v19;
	v20 =	vmax.f32 v48, v49  }
0x14b: {  	v22 =	vperm.xlane v18, v6;
	v23 =	vperm.xlane v17, v6;
	v56 =	vmax.f32 v20, v52  }
0x14c: {  	v20 =	vperm.xlane v15, v3;
	v24 =	vperm.xlane v56, v3  }
0x14d: {  	v58 =	vperm.xlane v19, v6;
	v18 =	vadd.f32 v22, v18  }
0x14e: {  	v17 =	vadd.f32 v23, v17;
	v15 =	vmin.f32 v15, v20;
	v16 =	vmax.f32 v56, v24  }
0x14f: {  	v19 =	vadd.f32 v58, v19;
	[tilespmem:v14+s29+$0x0] =	vst.idx.add.f32.msk vm0, v18;
	v59 =	vperm.xlane v16, v4  }
0x150: {  	v60 =	vperm.xlane v15, v4;
	[tilespmem:v14+s30+$0x0] =	vst.idx.add.f32.msk vm0, v17  }
0x151: {  	[tilespmem:v14+s31+$0x0] =	vst.idx.add.f32.msk vm0, v19;
	v16 =	vmax.f32 v16, v59  }
0x152: {  	v15 =	vmin.f32 v15, v60;
	[tilespmem:v14+s1+$0x0] =	vst.idx.add.f32.msk vm0, v10;
	v61 =	vperm.xlane v16, v5  }
0x153: {  	v18 =	vperm.xlane v15, v5;
	v19 =	vld.idx.msk [tilespmem:v14+s3+$0x0], vm0  }
0x154: {  	v62 =	vld.idx.msk [tilespmem:v14+s7+$0x0], vm0;
	v16 =	vmax.f32 v16, v61  }
0x155: {  	v15 =	vmin.f32 v15, v18;
	v63 =	vperm.xlane v16, v6  }
.Ltmp8:
0x156: {  	v18 =	vperm.xlane v15, v6;
	(pc) =	sbr.rel .LBB2_8-.Ltmp8, $4  }
0x157: {  	v16 =	vmax.f32 v16, v63  }
0x158: {  	v15 =	vmin.f32 v15, v18;
	v16 =	vmax.f32 v19, v16  }
0x159: {  	v15 =	vmin.f32 v62, v15;
	[tilespmem:v14+s3+$0x0] =	vst.idx.msk vm0, v16  }
0x15a: {  	[tilespmem:v14+s7+$0x0] =	vst.idx.msk vm0, v15  }
.LBB2_9:
0x15b: {  	v14 =	vld [tilespmem:$0x2700]  }
0x15c: {  	v15 =	vld [tilespmem:$0x11400];
	_ =	sdelay $0x3  }
0x15d: {  	v16 =	vld [tilespmem:$0x7600]  }
0x15e: {  	v17 =	vld [tilespmem:$0xC500];
	v18 =	vperm.xlane v14, v7;
	v19 =	vperm.xlane v15, v7;
	_ =	sdelay $0x1  }
0x15f: {  	vm1 =	veq.s32 v18, v14;
	v46 =	vmax.f32 v15, v19  }
0x160: {  	v49 =	vperm.xlane v14, v9;
	v48 =	vmin.f32 v15, v19;
	v47 =	vsel vm1, v46, v15  }
0x161: {  	[tilespmem:v14+s29+$0x0] =	vst.idx.add.f32.msk $0xffff, v16;
	v18 =	vsel vm1, v48, v15;
	v20 =	vperm.xlane v47, v9  }
0x162: {  	[tilespmem:v14+s30+$0x0] =	vst.idx.add.f32.msk $0xffff, v17;
	v50 =	vperm.xlane v18, v9  }
0x163: {  	vm1 =	veq.s32 v49, v14;
	[tilespmem:v14+s31+$0x0] =	vst.idx.add.f32.msk $0xffff, v15;
	v15 =	vmax.f32 v47, v20  }
0x164: {  	v54 =	vperm.xlane v14, v13;
	v51 =	vmin.f32 v18, v50;
	v15 =	vsel vm1, v15, v47  }
0x165: {  	v52 =	vperm.xlane v14, v11;
	v16 =	vsel vm1, v51, v18;
	v53 =	vperm.xlane v15, v11  }
0x166: {  	vm2 =	vne.s32 v14, v54;
	v55 =	vperm.xlane v16, v11  }
0x167: {  	[tilespmem:v14+s1+$0x0] =	vst.idx.add.f32.msk $0xffff, v12;
	vm1 =	veq.s32 v52, v14;
	v56 =	vmax.f32 v15, v53  }
0x168: {  	vm2 =	vmor vm2, vm0;
	v58 =	vld.idx.msk [tilespmem:v14+s3+$0x0], $0xffff;
	v57 =	vmin.f32 v16, v55;
	v15 =	vsel vm1, v56, v15  }
0x169: {  	v59 =	vperm.xlane v14, v8;
	v61 =	vld.idx.msk [tilespmem:v14+s7+$0x0], $0xffff;
	v16 =	vsel vm1, v57, v16;
	v60 =	vperm.xlane v15, v8  }
0x16a: {  	v21 =	vperm.xlane v16, v8  }
0x16b: {  	vm1 =	veq.s32 v59, v14;
	v62 =	vmax.f32 v15, v60  }
0x16c: {  	v63 =	vmin.f32 v16, v21;
	v15 =	vsel vm1, v62, v15  }
0x16d: {  	s15 =	sadd.s32 s15, s12;
	v16 =	vsel vm1, v63, v16;
	v15 =	vmax.f32 v58, v15  }
0x16e: {  	s16 =	sshrl.u32 s15, $0x3;
	[tilespmem:v14+s3+$0x0] =	vst.idx.msk vm2, v15;
	v15 =	vmin.f32 v61, v16  }
0x16f: {  	s15 =	simm.s32 $0x0;
	s17 =	sadd.s32 s0, s16;
	[tilespmem:v14+s7+$0x0] =	vst.idx.msk vm2, v15  }
0x170: {  	[tilespmem:s15], [sflag:$0x1] =	stream.linear.gather [hbm4b:s17+s15], $0x2710, $0x38;
	[tilespmem:$0x19C00] =	vst v63  }
0x171: {  	s18 =	sadd.s32 s4, s16  }
0x172: {  	[tilespmem:s19], [sflag:$0x1] =	stream.linear.gather [hbm4b:s18+s15], $0x2710, $0x38;
	[tilespmem:$0x19C00] =	vst v63  }
0x173: {  	s20 =	sadd.s32 s5, s16  }
0x174: {  	[tilespmem:s21], [sflag:$0x1] =	stream.linear.gather [hbm4b:s20+s15], $0x2710, $0x38;
	[tilespmem:$0x19C00] =	vst v63  }
0x175: {  	s16 =	sadd.s32 s6, s16  }
0x176: {  	[tilespmem:s22], [sflag:$0x1] =	stream.linear.gather [hbm4b:s16+s15], $0x2710, $0x38;
	[tilespmem:$0x19C00] =	vst v63  }
0x177: {  	_ =	swait.ge [sflag:s8], $0x2710  }
0x178: {  	[sflag:s8] =	ssyncset.done $0x0  }
0x179: {  	[sflag:s8] =	ssyncadd.s32 $0xFFFFD8F0  }
0x17a: {  	_ =	swait.ge [sflag:s8], $0x2710  }
0x17b: {  	[sflag:s8] =	ssyncset.done $0x0  }
0x17c: {  	[sflag:s8] =	ssyncadd.s32 $0xFFFFD8F0  }
0x17d: {  	_ =	swait.ge [sflag:s8], $0x2710  }
.Ltmp9:
0x17e: {  	[sflag:s8] =	ssyncset.done $0x0;
	(pc) =	sbr.rel .LBB2_10-.Ltmp9, $4  }
0x17f: {  	[sflag:s8] =	ssyncadd.s32 $0xFFFFD8F0  }
0x180: {  	_ =	swait.ge [sflag:s8], $0x2710  }
0x181: {  	[sflag:s8] =	ssyncset.done $0x0  }
0x182: {  	[sflag:s8] =	ssyncadd.s32 $0xFFFFD8F0  }
.LBB2_12:
0x183: {  	v19 =	vld [tilespmem:s16+$0x27E0]  }
0x184: {  	v28 =	vperm.xlane v41, v7;
	v33 =	vperm.xlane v40, v7;
	v24 =	vld [tilespmem:s16+$0x27D0]  }
0x185: {  	v50 =	vld [tilespmem:s16+$0x2790]  }
0x186: {  	vm1 =	veq.s32 v28, v41;
	v38 =	vmax.f32 v40, v33;
	v33 =	vmin.f32 v40, v33;
	v28 =	vld [tilespmem:s16+$0x27C0]  }
0x187: {  	v46 =	vsel vm1, v33, v40;
	v33 =	vld [tilespmem:s16+$0x27B0]  }
0x188: {  	v47 =	vperm.xlane v41, v9;
	v63 =	vperm.xlane v41, v8;
	v45 =	vsel vm1, v38, v40;
	v38 =	vld [tilespmem:s16+$0x27A0]  }
0x189: {  	[tilespmem:v41+s29+$0x0] =	vst.idx.add.f32.msk $0xffff, v44;
	v48 =	vperm.xlane v45, v9;
	v49 =	vperm.xlane v46, v9  }
0x18a: {  	v59 =	vperm.xlane v41, v11;
	vm1 =	veq.s32 v47, v41;
	[tilespmem:v41+s30+$0x0] =	vst.idx.add.f32.msk $0xffff, v20;
	v20 =	vand.u32 $0xF, v13  }
0x18b: {  	v61 =	vperm.xlane v41, v20;
	v55 =	vmax.f32 v45, v48;
	v56 =	vmin.f32 v46, v49  }
0x18c: {  	v51 =	vperm.xlane v50, v11;
	v57 =	vsel vm1, v55, v45;
	v58 =	vsel vm1, v56, v46  }
0x18d: {  	[tilespmem:v41+s31+$0x0] =	vst.idx.add.f32.msk $0xffff, v40;
	v47 =	vperm.xlane v57, v11;
	v60 =	vperm.xlane v58, v11  }
0x18e: {  	[tilespmem:v41+s1+$0x0] =	vst.idx.add.f32.msk $0xffff, v12;
	vm1 =	veq.s32 v59, v41;
	vm2 =	vne.s32 v41, v61  }
0x18f: {  	v59 =	vperm.xlane v36, v7;
	v62 =	vmax.f32 v57, v47;
	v40 =	vmin.f32 v58, v60  }
0x190: {  	v53 =	vld.idx.msk [tilespmem:v41+s3+$0x0], $0xffff;
	vm2 =	vmor vm2, vm0;
	v44 =	vsel vm1, v62, v57;
	v40 =	vsel vm1, v40, v58  }
0x191: {  	v52 =	vperm.xlane v44, v8;
	v55 =	vperm.xlane v40, v8  }
0x192: {  	v56 =	vld.idx.msk [tilespmem:v41+s7+$0x0], $0xffff;
	v61 =	vmin.f32 v36, v59;
	v60 =	vmax.f32 v36, v59;
	vm1 =	veq.s32 v63, v41  }
0x193: {  	v58 =	vperm.xlane v50, v7;
	v54 =	vmax.f32 v44, v52;
	v57 =	vmin.f32 v40, v55  }
0x194: {  	v62 =	vperm.xlane v50, v9;
	v44 =	vsel vm1, v54, v44;
	v40 =	vsel vm1, v57, v40  }
0x195: {  	vm1 =	veq.s32 v58, v50;
	v54 =	vperm.xlane v50, v20;
	v44 =	vmax.f32 v53, v44  }
0x196: {  	v45 =	vsel vm1, v61, v36;
	[tilespmem:v41+s3+$0x0] =	vst.idx.msk vm2, v44;
	v44 =	vsel vm1, v60, v36  }
0x197: {  	v40 =	vmin.f32 v56, v40;
	v48 =	vperm.xlane v45, v9;
	v63 =	vperm.xlane v44, v9  }
0x198: {  	vm1 =	veq.s32 v62, v50;
	[tilespmem:v41+s7+$0x0] =	vst.idx.msk vm2, v40;
	vm2 =	vne.s32 v50, v54  }
0x199: {  	[tilespmem:v50+s29+$0x0] =	vst.idx.add.f32.msk $0xffff, v43;
	v40 =	vmin.f32 v45, v48;
	v49 =	vmax.f32 v44, v63  }
0x19a: {  	[tilespmem:v50+s30+$0x0] =	vst.idx.add.f32.msk $0xffff, v42;
	v40 =	vsel vm1, v40, v45;
	v41 =	vsel vm1, v49, v44  }
0x19b: {  	[tilespmem:v50+s31+$0x0] =	vst.idx.add.f32.msk $0xffff, v36;
	v53 =	vperm.xlane v40, v11;
	v52 =	vperm.xlane v41, v11  }
0x19c: {  	v56 =	vperm.xlane v50, v8;
	vm2 =	vmor vm2, vm0;
	v48 =	vperm.xlane v32, v7;
	[tilespmem:v50+s1+$0x0] =	vst.idx.add.f32.msk $0xffff, v12  }
0x19d: {  	vm1 =	veq.s32 v51, v50;
	v36 =	vmin.f32 v40, v53;
	v58 =	vld.idx.msk [tilespmem:v50+s3+$0x0], $0xffff;
	v55 =	vmax.f32 v41, v52  }
0x19e: {  	v63 =	vperm.xlane v38, v7;
	v61 =	vld.idx.msk [tilespmem:v50+s7+$0x0], $0xffff;
	v36 =	vsel vm1, v36, v40;
	v41 =	vsel vm1, v55, v41  }
0x19f: {  	v60 =	vperm.xlane v36, v8;
	v57 =	vperm.xlane v41, v8  }
0x1a0: {  	v49 =	vmax.f32 v32, v48;
	v51 =	vmin.f32 v32, v48;
	v52 =	vperm.xlane v38, v9  }
0x1a1: {  	vm1 =	veq.s32 v56, v50;
	v62 =	vmin.f32 v36, v60;
	v59 =	vmax.f32 v41, v57  }
0x1a2: {  	v36 =	vsel vm1, v62, v36;
	v57 =	vperm.xlane v38, v11;
	v40 =	vsel vm1, v59, v41  }
0x1a3: {  	vm1 =	veq.s32 v63, v38;
	v36 =	vmin.f32 v61, v36;
	v40 =	vmax.f32 v58, v40  }
0x1a4: {  	v59 =	vperm.xlane v38, v20;
	[tilespmem:v50+s3+$0x0] =	vst.idx.msk vm2, v40;
	v40 =	vsel vm1, v49, v32  }
0x1a5: {  	v61 =	vperm.xlane v38, v8;
	v41 =	vsel vm1, v51, v32;
	v53 =	vperm.xlane v40, v9  }
0x1a6: {  	v54 =	vperm.xlane v41, v9;
	vm1 =	veq.s32 v52, v38;
	v49 =	vperm.xlane v33, v7  }
0x1a7: {  	[tilespmem:v50+s7+$0x0] =	vst.idx.msk vm2, v36;
	vm2 =	vne.s32 v38, v59;
	v55 =	vmax.f32 v40, v53  }
0x1a8: {  	[tilespmem:v38+s29+$0x0] =	vst.idx.add.f32.msk $0xffff, v39;
	v36 =	vmin.f32 v41, v54;
	v56 =	vsel vm1, v55, v40  }
0x1a9: {  	[tilespmem:v38+s30+$0x0] =	vst.idx.add.f32.msk $0xffff, v37;
	v36 =	vsel vm1, v36, v41;
	v40 =	vperm.xlane v56, v11  }
0x1aa: {  	v50 =	vperm.xlane v29, v7;
	[tilespmem:v38+s31+$0x0] =	vst.idx.add.f32.msk $0xffff, v32;
	v58 =	vperm.xlane v36, v11  }
0x1ab: {  	vm1 =	veq.s32 v57, v38;
	[tilespmem:v38+s1+$0x0] =	vst.idx.add.f32.msk $0xffff, v12;
	v60 =	vmax.f32 v56, v40  }
0x1ac: {  	vm2 =	vmor vm2, vm0;
	v32 =	vmin.f32 v36, v58;
	v63 =	vld.idx.msk [tilespmem:v38+s3+$0x0], $0xffff;
	v37 =	vsel vm1, v60, v56  }
0x1ad: {  	v51 =	vmax.f32 v29, v50;
	v32 =	vsel vm1, v32, v36;
	v62 =	vperm.xlane v37, v8  }
0x1ae: {  	v52 =	vmin.f32 v29, v50;
	v53 =	vperm.xlane v33, v9;
	v46 =	vperm.xlane v32, v8  }
0x1af: {  	v47 =	vld.idx.msk [tilespmem:v38+s7+$0x0], $0xffff;
	v58 =	vperm.xlane v33, v11;
	vm1 =	veq.s32 v61, v38;
	v45 =	vmax.f32 v37, v62  }
0x1b0: {  	v60 =	vperm.xlane v33, v20;
	v48 =	vmin.f32 v32, v46;
	v36 =	vsel vm1, v45, v37  }
0x1b1: {  	v32 =	vsel vm1, v48, v32;
	vm1 =	veq.s32 v49, v33;
	v36 =	vmax.f32 v63, v36  }
0x1b2: {  	v46 =	vperm.xlane v25, v7;
	[tilespmem:v38+s3+$0x0] =	vst.idx.msk vm2, v36;
	v36 =	vsel vm1, v51, v29  }
0x1b3: {  	v62 =	vperm.xlane v33, v8;
	v37 =	vsel vm1, v52, v29;
	v54 =	vperm.xlane v36, v9  }
0x1b4: {  	v32 =	vmin.f32 v47, v32;
	v45 =	vperm.xlane v28, v7;
	v55 =	vperm.xlane v37, v9  }
0x1b5: {  	vm1 =	veq.s32 v53, v33;
	[tilespmem:v38+s7+$0x0] =	vst.idx.msk vm2, v32;
	v56 =	vmax.f32 v36, v54  }
0x1b6: {  	[tilespmem:v33+s29+$0x0] =	vst.idx.add.f32.msk $0xffff, v35;
	v32 =	vmin.f32 v37, v55;
	v57 =	vsel vm1, v56, v36  }
0x1b7: {  	[tilespmem:v33+s30+$0x0] =	vst.idx.add.f32.msk $0xffff, v34;
	v32 =	vsel vm1, v32, v37;
	v36 =	vperm.xlane v57, v11  }
0x1b8: {  	vm2 =	vne.s32 v33, v60;
	[tilespmem:v33+s31+$0x0] =	vst.idx.add.f32.msk $0xffff, v29;
	v59 =	vperm.xlane v32, v11  }
0x1b9: {  	vm1 =	veq.s32 v58, v33;
	[tilespmem:v33+s1+$0x0] =	vst.idx.add.f32.msk $0xffff, v12;
	v61 =	vmax.f32 v57, v36  }
0x1ba: {  	vm2 =	vmor vm2, vm0;
	v29 =	vmin.f32 v32, v59;
	v40 =	vld.idx.msk [tilespmem:v33+s3+$0x0], $0xffff;
	v34 =	vsel vm1, v61, v57  }
0x1bb: {  	v47 =	vmax.f32 v25, v46;
	v29 =	vsel vm1, v29, v32;
	v63 =	vperm.xlane v34, v8  }
0x1bc: {  	v48 =	vmin.f32 v25, v46;
	v49 =	vperm.xlane v28, v9;
	v42 =	vperm.xlane v29, v8  }
0x1bd: {  	v46 =	vperm.xlane v24, v11;
	v43 =	vld.idx.msk [tilespmem:v33+s7+$0x0], $0xffff;
	vm1 =	veq.s32 v62, v33;
	v41 =	vmax.f32 v34, v63  }
0x1be: {  	v38 =	vperm.xlane v21, v7;
	v44 =	vmin.f32 v29, v42;
	v32 =	vsel vm1, v41, v34  }
0x1bf: {  	v29 =	vsel vm1, v44, v29;
	vm1 =	veq.s32 v45, v28;
	v32 =	vmax.f32 v40, v32  }
0x1c0: {  	v54 =	vperm.xlane v28, v11;
	[tilespmem:v33+s3+$0x0] =	vst.idx.msk vm2, v32;
	v32 =	vsel vm1, v47, v25  }
0x1c1: {  	v37 =	vperm.xlane v24, v7;
	v34 =	vsel vm1, v48, v25;
	v50 =	vperm.xlane v32, v9  }
0x1c2: {  	v56 =	vperm.xlane v28, v20;
	v29 =	vmin.f32 v43, v29;
	v51 =	vperm.xlane v34, v9  }
0x1c3: {  	vm1 =	veq.s32 v49, v28;
	[tilespmem:v33+s7+$0x0] =	vst.idx.msk vm2, v29;
	v52 =	vmax.f32 v32, v50  }
0x1c4: {  	[tilespmem:v28+s29+$0x0] =	vst.idx.add.f32.msk $0xffff, v31;
	v29 =	vmin.f32 v34, v51;
	v53 =	vsel vm1, v52, v32  }
0x1c5: {  	[tilespmem:v28+s30+$0x0] =	vst.idx.add.f32.msk $0xffff, v30;
	v29 =	vsel vm1, v29, v34;
	v32 =	vperm.xlane v53, v11  }
0x1c6: {  	vm2 =	vne.s32 v28, v56;
	[tilespmem:v28+s31+$0x0] =	vst.idx.add.f32.msk $0xffff, v25;
	v55 =	vperm.xlane v29, v11  }
0x1c7: {  	vm1 =	veq.s32 v54, v28;
	[tilespmem:v28+s1+$0x0] =	vst.idx.add.f32.msk $0xffff, v12;
	v57 =	vmax.f32 v53, v32  }
0x1c8: {  	vm2 =	vmor vm2, vm0;
	v25 =	vmin.f32 v29, v55;
	v60 =	vld.idx.msk [tilespmem:v28+s3+$0x0], $0xffff;
	v30 =	vsel vm1, v57, v53  }
0x1c9: {  	v58 =	vperm.xlane v28, v8;
	v25 =	vsel vm1, v25, v29;
	v59 =	vperm.xlane v30, v8  }
0x1ca: {  	v39 =	vmax.f32 v21, v38;
	v41 =	vperm.xlane v24, v9;
	v63 =	vld.idx.msk [tilespmem:v28+s7+$0x0], $0xffff;
	v62 =	vperm.xlane v25, v8  }
0x1cb: {  	v40 =	vmin.f32 v21, v38;
	vm1 =	veq.s32 v58, v28;
	v61 =	vmax.f32 v30, v59  }
0x1cc: {  	v49 =	vperm.xlane v24, v20;
	v36 =	vmin.f32 v25, v62;
	v29 =	vsel vm1, v61, v30  }
0x1cd: {  	v25 =	vsel vm1, v36, v25;
	vm1 =	veq.s32 v37, v24;
	v29 =	vmax.f32 v60, v29  }
0x1ce: {  	v30 =	vsel vm1, v40, v21;
	[tilespmem:v28+s3+$0x0] =	vst.idx.msk vm2, v29;
	v29 =	vsel vm1, v39, v21  }
0x1cf: {  	v25 =	vmin.f32 v63, v25;
	v43 =	vperm.xlane v30, v9;
	v42 =	vperm.xlane v29, v9  }
0x1d0: {  	v51 =	vperm.xlane v24, v8;
	vm1 =	veq.s32 v41, v24;
	[tilespmem:v28+s7+$0x0] =	vst.idx.msk vm2, v25  }
0x1d1: {  	[tilespmem:v24+s29+$0x0] =	vst.idx.add.f32.msk $0xffff, v27;
	v25 =	vmin.f32 v30, v43;
	v44 =	vmax.f32 v29, v42  }
0x1d2: {  	[tilespmem:v24+s30+$0x0] =	vst.idx.add.f32.msk $0xffff, v26;
	v25 =	vsel vm1, v25, v30;
	v45 =	vsel vm1, v44, v29  }
0x1d3: {  	[tilespmem:v24+s31+$0x0] =	vst.idx.add.f32.msk $0xffff, v21;
	v48 =	vperm.xlane v25, v11;
	v47 =	vperm.xlane v45, v11  }
0x1d4: {  	v59 =	vperm.xlane v16, v7;
	vm2 =	vne.s32 v24, v49;
	[tilespmem:v24+s1+$0x0] =	vst.idx.add.f32.msk $0xffff, v12  }
0x1d5: {  	vm1 =	veq.s32 v46, v24;
	v21 =	vmin.f32 v25, v48;
	v53 =	vld.idx.msk [tilespmem:v24+s3+$0x0], $0xffff;
	v50 =	vmax.f32 v45, v47  }
0x1d6: {  	vm2 =	vmor vm2, vm0;
	v56 =	vld.idx.msk [tilespmem:v24+s7+$0x0], $0xffff;
	v21 =	vsel vm1, v21, v25;
	v26 =	vsel vm1, v50, v45  }
0x1d7: {  	v55 =	vperm.xlane v21, v8;
	v52 =	vperm.xlane v26, v8  }
0x1d8: {  	v58 =	vperm.xlane v19, v7;
	v62 =	vperm.xlane v19, v9;
	v60 =	vmax.f32 v16, v59  }
0x1d9: {  	vm1 =	veq.s32 v51, v24;
	v57 =	vmin.f32 v21, v55;
	v54 =	vmax.f32 v26, v52  }
0x1da: {  	v61 =	vmin.f32 v16, v59;
	v21 =	vsel vm1, v57, v21;
	v25 =	vsel vm1, v54, v26  }
0x1db: {  	vm1 =	veq.s32 v58, v19;
	v21 =	vmin.f32 v56, v21;
	v25 =	vmax.f32 v53, v25  }
0x1dc: {  	v26 =	vsel vm1, v61, v16;
	[tilespmem:v24+s3+$0x0] =	vst.idx.msk vm2, v25;
	v25 =	vsel vm1, v60, v16  }
0x1dd: {  	v63 =	vperm.xlane v25, v9;
	[tilespmem:v24+s7+$0x0] =	vst.idx.msk vm2, v21;
	v24 =	vperm.xlane v26, v9  }
0x1de: {  	v31 =	vperm.xlane v19, v11;
	v34 =	vperm.xlane v19, v20  }
0x1df: {  	vm1 =	veq.s32 v62, v19;
	v29 =	vmax.f32 v25, v63;
	v21 =	vmin.f32 v26, v24  }
0x1e0: {  	[tilespmem:v19+s29+$0x0] =	vst.idx.add.f32.msk $0xffff, v23;
	v30 =	vsel vm1, v29, v25;
	v21 =	vsel vm1, v21, v26  }
0x1e1: {  	[tilespmem:v19+s30+$0x0] =	vst.idx.add.f32.msk $0xffff, v22;
	v32 =	vperm.xlane v30, v11;
	v33 =	vperm.xlane v21, v11  }
0x1e2: {  	vm2 =	vne.s32 v19, v34;
	[tilespmem:v19+s31+$0x0] =	vst.idx.add.f32.msk $0xffff, v16;
	vm1 =	veq.s32 v31, v19  }
0x1e3: {  	[tilespmem:v19+s1+$0x0] =	vst.idx.add.f32.msk $0xffff, v12;
	v35 =	vmax.f32 v30, v32;
	v16 =	vmin.f32 v21, v33  }
0x1e4: {  	v37 =	vld.idx.msk [tilespmem:v19+s3+$0x0], $0xffff;
	v22 =	vsel vm1, v35, v30;
	v16 =	vsel vm1, v16, v21;
	vm1 =	vmor vm2, vm0  }
0x1e5: {  	v36 =	vperm.xlane v19, v8;
	v40 =	vld.idx.msk [tilespmem:v19+s7+$0x0], $0xffff;
	v38 =	vperm.xlane v22, v8  }
0x1e6: {  	v39 =	vperm.xlane v16, v8  }
0x1e7: {  	vm2 =	veq.s32 v36, v19;
	v41 =	vmax.f32 v22, v38  }
0x1e8: {  	v43 =	vperm.xlane v14, v7;
	v42 =	vmin.f32 v16, v39;
	v21 =	vsel vm2, v41, v22  }
0x1e9: {  	v44 =	vperm.xlane v15, v7;
	v16 =	vsel vm2, v42, v16;
	v21 =	vmax.f32 v37, v21  }
0x1ea: {  	v16 =	vmin.f32 v40, v16;
	[tilespmem:v19+s3+$0x0] =	vst.idx.msk vm1, v21  }
0x1eb: {  	v45 =	vmax.f32 v15, v44;
	[tilespmem:v19+s7+$0x0] =	vst.idx.msk vm1, v16;
	vm1 =	veq.s32 v43, v14  }
0x1ec: {  	v46 =	vmin.f32 v15, v44;
	v47 =	vperm.xlane v14, v9;
	v16 =	vsel vm1, v45, v15  }
0x1ed: {  	[tilespmem:v14+s29+$0x0] =	vst.idx.add.f32.msk $0xffff, v18;
	v18 =	vsel vm1, v46, v15;
	v48 =	vperm.xlane v16, v9  }
0x1ee: {  	[tilespmem:v14+s30+$0x0] =	vst.idx.add.f32.msk $0xffff, v17;
	v49 =	vperm.xlane v18, v9  }
0x1ef: {  	vm1 =	veq.s32 v47, v14;
	[tilespmem:v14+s31+$0x0] =	vst.idx.add.f32.msk $0xffff, v15;
	v15 =	vmax.f32 v16, v48  }
0x1f0: {  	v53 =	vperm.xlane v14, v20;
	v50 =	vmin.f32 v18, v49;
	v15 =	vsel vm1, v15, v16  }
0x1f1: {  	v51 =	vperm.xlane v14, v11;
	v16 =	vsel vm1, v50, v18;
	v52 =	vperm.xlane v15, v11  }
0x1f2: {  	vm2 =	vne.s32 v14, v53;
	v54 =	vperm.xlane v16, v11  }
0x1f3: {  	[tilespmem:v14+s1+$0x0] =	vst.idx.add.f32.msk $0xffff, v12;
	vm1 =	veq.s32 v51, v14;
	v55 =	vmax.f32 v15, v52  }
0x1f4: {  	vm2 =	vmor vm2, vm0;
	v57 =	vld.idx.msk [tilespmem:v14+s3+$0x0], $0xffff;
	v56 =	vmin.f32 v16, v54;
	v15 =	vsel vm1, v55, v15  }
0x1f5: {  	v58 =	vperm.xlane v14, v8;
	v60 =	vld.idx.msk [tilespmem:v14+s7+$0x0], $0xffff;
	v16 =	vsel vm1, v56, v16;
	v59 =	vperm.xlane v15, v8  }
0x1f6: {  	v61 =	vperm.xlane v16, v8  }
0x1f7: {  	vm1 =	veq.s32 v58, v14;
	v62 =	vmax.f32 v15, v59  }
0x1f8: {  	v63 =	vmin.f32 v16, v61;
	v15 =	vsel vm1, v62, v15  }
0x1f9: {  	v16 =	vsel vm1, v63, v16;
	v15 =	vmax.f32 v57, v15  }
0x1fa: {  	[tilespmem:v14+s3+$0x0] =	vst.idx.msk vm2, v15;
	v15 =	vmin.f32 v60, v16  }
0x1fb: {  	[tilespmem:v14+s7+$0x0] =	vst.idx.msk vm2, v15  }
.LBB2_13:
0x1fc: {  	s15 =	sadd.s32 $0x200, s15  }
0x1fd: {  	p1 =	sne.s32 s15, $0x9C00  }
.Ltmp10:
0x1fe: {  	_ = 	snop;
	(pc) =	sbr.rel @!p1 .LBB2_14-.Ltmp10, $1  }
0x1ff: {  	_ =	sdelay $0x3  }
.LBB2_10:
0x200: {  	s16 =	sshra.s32 s15, $0x2  }
0x201: {  	v41 =	vld [tilespmem:s16+$0x2780]  }
0x202: {  	v14 =	vld [tilespmem:s16+$0x27F0];
	_ =	sdelay $0x3  }
0x203: {  	v15 =	vxor.u32 $0x80000000, v41  }
0x204: {  	(xrf0) =	vmin.scan.msk.u32 $0xffff, v15;
	v15 =	vxor.u32 $0x80000000, v14  }
0x205: {  	(xrf0) =	vmax.scan.msk.u32 $0xffff, v15;
	_ =	sdelay $0x4  }
0x206: {  	v44 =	vld [tilespmem:s16+$0x7680];
	v15, _, _ =	vpop (xrf0)  }
0x207: {  	v20 =	vld [tilespmem:s16+$0xC580];
	(v2sf) =	vpush v15, $0xF;
	v15, _, _ =	vpop (xrf0)  }
0x208: {  	v40 =	vld [tilespmem:s16+$0x11480];
	(v2sf) =	vpush v15, $0xF  }
0x209: {  	v43 =	vld [tilespmem:s16+$0x7690]  }
0x20a: {  	v42 =	vld [tilespmem:s16+$0xC590]  }
0x20b: {  	v36 =	vld [tilespmem:s16+$0x11490]  }
0x20c: {  	v39 =	vld [tilespmem:s16+$0x76A0]  }
0x20d: {  	v37 =	vld [tilespmem:s16+$0xC5A0]  }
0x20e: {  	v32 =	vld [tilespmem:s16+$0x114A0]  }
0x20f: {  	v35 =	vld [tilespmem:s16+$0x76B0]  }
0x210: {  	v34 =	vld [tilespmem:s16+$0xC5B0]  }
0x211: {  	v29 =	vld [tilespmem:s16+$0x114B0]  }
0x212: {  	v31 =	vld [tilespmem:s16+$0x76C0]  }
0x213: {  	v30 =	vld [tilespmem:s16+$0xC5C0]  }
0x214: {  	v25 =	vld [tilespmem:s16+$0x114C0]  }
0x215: {  	v27 =	vld [tilespmem:s16+$0x76D0]  }
0x216: {  	v26 =	vld [tilespmem:s16+$0xC5D0];
	s17 =	spop (v2sf)  }
0x217: {  	v21 =	vld [tilespmem:s16+$0x114D0];
	s18 =	spop (v2sf)  }
0x218: {  	v23 =	vld [tilespmem:s16+$0x76E0];
	p1 =	sne.s32 s17, s18  }
.Ltmp11:
0x219: {  	v22 =	vld [tilespmem:s16+$0xC5E0];
	(pc) =	sbr.rel @p1 .LBB2_12-.Ltmp11, $4  }
0x21a: {  	v16 =	vld [tilespmem:s16+$0x114E0]  }
0x21b: {  	v18 =	vld [tilespmem:s16+$0x76F0]  }
0x21c: {  	v17 =	vld [tilespmem:s16+$0xC5F0]  }
0x21d: {  	v15 =	vld [tilespmem:s16+$0x114F0]  }
0x21e: {  	v19 =	vadd.f32 v43, v44;
	v24 =	vadd.f32 v35, v39  }
0x21f: {  	v27 =	vadd.f32 v27, v31;
	v20 =	vadd.f32 v42, v20  }
0x220: {  	v38 =	vadd.f32 v34, v37;
	v26 =	vadd.f32 v26, v30  }
0x221: {  	v39 =	vadd.f32 v36, v40;
	v41 =	vadd.f32 v29, v32  }
0x222: {  	v42 =	vadd.f32 v21, v25;
	v18 =	vadd.f32 v18, v23  }
0x223: {  	v19 =	vadd.f32 v24, v19;
	v17 =	vadd.f32 v17, v22  }
0x224: {  	v20 =	vadd.f32 v38, v20;
	v43 =	vadd.f32 v15, v16  }
0x225: {  	v18 =	vadd.f32 v18, v27;
	v17 =	vadd.f32 v17, v26  }
0x226: {  	v44 =	vadd.f32 v41, v39;
	v45 =	vadd.f32 v43, v42  }
0x227: {  	v18 =	vadd.f32 v18, v19;
	v17 =	vadd.f32 v17, v20  }
0x228: {  	v19 =	vadd.f32 v45, v44  }
0x229: {  	v46 =	vperm.xlane v18, v3;
	v47 =	vperm.xlane v17, v3  }
0x22a: {  	v20 =	vperm.xlane v19, v3  }
0x22b: {  	v18 =	vadd.f32 v46, v18;
	v17 =	vadd.f32 v47, v17  }
0x22c: {  	v48 =	vmax.f32 v40, v36;
	v19 =	vadd.f32 v20, v19  }
0x22d: {  	v49 =	vmax.f32 v32, v29;
	v22 =	vperm.xlane v18, v4;
	v23 =	vperm.xlane v17, v4  }
0x22e: {  	v50 =	vmax.f32 v25, v21;
	v53 =	vmin.f32 v40, v36;
	v20 =	vperm.xlane v19, v4  }
0x22f: {  	v54 =	vmin.f32 v32, v29;
	v18 =	vadd.f32 v22, v18;
	v17 =	vadd.f32 v23, v17  }
0x230: {  	v55 =	vmin.f32 v25, v21;
	v57 =	vmin.f32 v53, v54;
	v19 =	vadd.f32 v20, v19  }
0x231: {  	v51 =	vmax.f32 v16, v15;
	v22 =	vperm.xlane v18, v5;
	v23 =	vperm.xlane v17, v5  }
0x232: {  	v15 =	vmin.f32 v16, v15;
	v52 =	vmax.f32 v50, v51;
	v20 =	vperm.xlane v19, v5  }
0x233: {  	v15 =	vmin.f32 v55, v15;
	v18 =	vadd.f32 v22, v18;
	v17 =	vadd.f32 v23, v17  }
0x234: {  	v15 =	vmin.f32 v57, v15;
	v19 =	vadd.f32 v20, v19;
	v20 =	vmax.f32 v48, v49  }
0x235: {  	v22 =	vperm.xlane v18, v6;
	v23 =	vperm.xlane v17, v6;
	v56 =	vmax.f32 v20, v52  }
0x236: {  	v20 =	vperm.xlane v15, v3;
	v24 =	vperm.xlane v56, v3  }
0x237: {  	v58 =	vperm.xlane v19, v6;
	v18 =	vadd.f32 v22, v18  }
0x238: {  	v17 =	vadd.f32 v23, v17;
	v15 =	vmin.f32 v15, v20;
	v16 =	vmax.f32 v56, v24  }
0x239: {  	v19 =	vadd.f32 v58, v19;
	[tilespmem:v14+s29+$0x0] =	vst.idx.add.f32.msk vm0, v18;
	v59 =	vperm.xlane v16, v4  }
0x23a: {  	v60 =	vperm.xlane v15, v4;
	[tilespmem:v14+s30+$0x0] =	vst.idx.add.f32.msk vm0, v17  }
0x23b: {  	[tilespmem:v14+s31+$0x0] =	vst.idx.add.f32.msk vm0, v19;
	v16 =	vmax.f32 v16, v59  }
0x23c: {  	v15 =	vmin.f32 v15, v60;
	[tilespmem:v14+s1+$0x0] =	vst.idx.add.f32.msk vm0, v10;
	v61 =	vperm.xlane v16, v5  }
0x23d: {  	v18 =	vperm.xlane v15, v5;
	v19 =	vld.idx.msk [tilespmem:v14+s3+$0x0], vm0  }
0x23e: {  	v62 =	vld.idx.msk [tilespmem:v14+s7+$0x0], vm0;
	v16 =	vmax.f32 v16, v61  }
0x23f: {  	v15 =	vmin.f32 v15, v18;
	v63 =	vperm.xlane v16, v6  }
.Ltmp12:
0x240: {  	v18 =	vperm.xlane v15, v6;
	(pc) =	sbr.rel .LBB2_13-.Ltmp12, $4  }
0x241: {  	v16 =	vmax.f32 v16, v63  }
0x242: {  	v15 =	vmin.f32 v15, v18;
	v16 =	vmax.f32 v19, v16  }
0x243: {  	v15 =	vmin.f32 v62, v15;
	[tilespmem:v14+s3+$0x0] =	vst.idx.msk vm0, v16  }
0x244: {  	[tilespmem:v14+s7+$0x0] =	vst.idx.msk vm0, v15  }
.LBB2_17:
0x245: {  	v19 =	vld [tilespmem:s14+$0x60]  }
0x246: {  	v28 =	vperm.xlane v41, v7;
	v33 =	vperm.xlane v40, v7;
	v24 =	vld [tilespmem:s14+$0x50]  }
0x247: {  	v50 =	vld [tilespmem:s14+$0x10]  }
0x248: {  	vm1 =	veq.s32 v28, v41;
	v38 =	vmax.f32 v40, v33;
	v33 =	vmin.f32 v40, v33;
	v28 =	vld [tilespmem:s14+$0x40]  }
0x249: {  	v46 =	vsel vm1, v33, v40;
	v33 =	vld [tilespmem:s14+$0x30]  }
0x24a: {  	v47 =	vperm.xlane v41, v9;
	v63 =	vperm.xlane v41, v8;
	v45 =	vsel vm1, v38, v40;
	v38 =	vld [tilespmem:s14+$0x20]  }
0x24b: {  	[tilespmem:v41+s29+$0x0] =	vst.idx.add.f32.msk $0xffff, v44;
	v48 =	vperm.xlane v45, v9;
	v49 =	vperm.xlane v46, v9  }
0x24c: {  	v59 =	vperm.xlane v41, v11;
	vm1 =	veq.s32 v47, v41;
	[tilespmem:v41+s30+$0x0] =	vst.idx.add.f32.msk $0xffff, v20;
	v20 =	vand.u32 $0xF, v13  }
0x24d: {  	v61 =	vperm.xlane v41, v20;
	v55 =	vmax.f32 v45, v48;
	v56 =	vmin.f32 v46, v49  }
0x24e: {  	v51 =	vperm.xlane v50, v11;
	v57 =	vsel vm1, v55, v45;
	v58 =	vsel vm1, v56, v46  }
0x24f: {  	[tilespmem:v41+s31+$0x0] =	vst.idx.add.f32.msk $0xffff, v40;
	v47 =	vperm.xlane v57, v11;
	v60 =	vperm.xlane v58, v11  }
0x250: {  	[tilespmem:v41+s1+$0x0] =	vst.idx.add.f32.msk $0xffff, v12;
	vm1 =	veq.s32 v59, v41;
	vm2 =	vne.s32 v41, v61  }
0x251: {  	v59 =	vperm.xlane v36, v7;
	v62 =	vmax.f32 v57, v47;
	v40 =	vmin.f32 v58, v60  }
0x252: {  	v53 =	vld.idx.msk [tilespmem:v41+s3+$0x0], $0xffff;
	vm2 =	vmor vm2, vm0;
	v44 =	vsel vm1, v62, v57;
	v40 =	vsel vm1, v40, v58  }
0x253: {  	v52 =	vperm.xlane v44, v8;
	v55 =	vperm.xlane v40, v8  }
0x254: {  	v56 =	vld.idx.msk [tilespmem:v41+s7+$0x0], $0xffff;
	v61 =	vmin.f32 v36, v59;
	v60 =	vmax.f32 v36, v59;
	vm1 =	veq.s32 v63, v41  }
0x255: {  	v58 =	vperm.xlane v50, v7;
	v54 =	vmax.f32 v44, v52;
	v57 =	vmin.f32 v40, v55  }
0x256: {  	v62 =	vperm.xlane v50, v9;
	v44 =	vsel vm1, v54, v44;
	v40 =	vsel vm1, v57, v40  }
0x257: {  	vm1 =	veq.s32 v58, v50;
	v54 =	vperm.xlane v50, v20;
	v44 =	vmax.f32 v53, v44  }
0x258: {  	v45 =	vsel vm1, v61, v36;
	[tilespmem:v41+s3+$0x0] =	vst.idx.msk vm2, v44;
	v44 =	vsel vm1, v60, v36  }
0x259: {  	v40 =	vmin.f32 v56, v40;
	v48 =	vperm.xlane v45, v9;
	v63 =	vperm.xlane v44, v9  }
0x25a: {  	vm1 =	veq.s32 v62, v50;
	[tilespmem:v41+s7+$0x0] =	vst.idx.msk vm2, v40;
	vm2 =	vne.s32 v50, v54  }
0x25b: {  	[tilespmem:v50+s29+$0x0] =	vst.idx.add.f32.msk $0xffff, v43;
	v40 =	vmin.f32 v45, v48;
	v49 =	vmax.f32 v44, v63  }
0x25c: {  	[tilespmem:v50+s30+$0x0] =	vst.idx.add.f32.msk $0xffff, v42;
	v40 =	vsel vm1, v40, v45;
	v41 =	vsel vm1, v49, v44  }
0x25d: {  	[tilespmem:v50+s31+$0x0] =	vst.idx.add.f32.msk $0xffff, v36;
	v53 =	vperm.xlane v40, v11;
	v52 =	vperm.xlane v41, v11  }
0x25e: {  	v56 =	vperm.xlane v50, v8;
	vm2 =	vmor vm2, vm0;
	v48 =	vperm.xlane v32, v7;
	[tilespmem:v50+s1+$0x0] =	vst.idx.add.f32.msk $0xffff, v12  }
0x25f: {  	vm1 =	veq.s32 v51, v50;
	v36 =	vmin.f32 v40, v53;
	v58 =	vld.idx.msk [tilespmem:v50+s3+$0x0], $0xffff;
	v55 =	vmax.f32 v41, v52  }
0x260: {  	v63 =	vperm.xlane v38, v7;
	v61 =	vld.idx.msk [tilespmem:v50+s7+$0x0], $0xffff;
	v36 =	vsel vm1, v36, v40;
	v41 =	vsel vm1, v55, v41  }
0x261: {  	v60 =	vperm.xlane v36, v8;
	v57 =	vperm.xlane v41, v8  }
0x262: {  	v49 =	vmax.f32 v32, v48;
	v51 =	vmin.f32 v32, v48;
	v52 =	vperm.xlane v38, v9  }
0x263: {  	vm1 =	veq.s32 v56, v50;
	v62 =	vmin.f32 v36, v60;
	v59 =	vmax.f32 v41, v57  }
0x264: {  	v36 =	vsel vm1, v62, v36;
	v57 =	vperm.xlane v38, v11;
	v40 =	vsel vm1, v59, v41  }
0x265: {  	vm1 =	veq.s32 v63, v38;
	v36 =	vmin.f32 v61, v36;
	v40 =	vmax.f32 v58, v40  }
0x266: {  	v59 =	vperm.xlane v38, v20;
	[tilespmem:v50+s3+$0x0] =	vst.idx.msk vm2, v40;
	v40 =	vsel vm1, v49, v32  }
0x267: {  	v61 =	vperm.xlane v38, v8;
	v41 =	vsel vm1, v51, v32;
	v53 =	vperm.xlane v40, v9  }
0x268: {  	v54 =	vperm.xlane v41, v9;
	vm1 =	veq.s32 v52, v38;
	v49 =	vperm.xlane v33, v7  }
0x269: {  	[tilespmem:v50+s7+$0x0] =	vst.idx.msk vm2, v36;
	vm2 =	vne.s32 v38, v59;
	v55 =	vmax.f32 v40, v53  }
0x26a: {  	[tilespmem:v38+s29+$0x0] =	vst.idx.add.f32.msk $0xffff, v39;
	v36 =	vmin.f32 v41, v54;
	v56 =	vsel vm1, v55, v40  }
0x26b: {  	[tilespmem:v38+s30+$0x0] =	vst.idx.add.f32.msk $0xffff, v37;
	v36 =	vsel vm1, v36, v41;
	v40 =	vperm.xlane v56, v11  }
0x26c: {  	v50 =	vperm.xlane v29, v7;
	[tilespmem:v38+s31+$0x0] =	vst.idx.add.f32.msk $0xffff, v32;
	v58 =	vperm.xlane v36, v11  }
0x26d: {  	vm1 =	veq.s32 v57, v38;
	[tilespmem:v38+s1+$0x0] =	vst.idx.add.f32.msk $0xffff, v12;
	v60 =	vmax.f32 v56, v40  }
0x26e: {  	vm2 =	vmor vm2, vm0;
	v32 =	vmin.f32 v36, v58;
	v63 =	vld.idx.msk [tilespmem:v38+s3+$0x0], $0xffff;
	v37 =	vsel vm1, v60, v56  }
0x26f: {  	v51 =	vmax.f32 v29, v50;
	v32 =	vsel vm1, v32, v36;
	v62 =	vperm.xlane v37, v8  }
0x270: {  	v52 =	vmin.f32 v29, v50;
	v53 =	vperm.xlane v33, v9;
	v46 =	vperm.xlane v32, v8  }
0x271: {  	v47 =	vld.idx.msk [tilespmem:v38+s7+$0x0], $0xffff;
	v58 =	vperm.xlane v33, v11;
	vm1 =	veq.s32 v61, v38;
	v45 =	vmax.f32 v37, v62  }
0x272: {  	v60 =	vperm.xlane v33, v20;
	v48 =	vmin.f32 v32, v46;
	v36 =	vsel vm1, v45, v37  }
0x273: {  	v32 =	vsel vm1, v48, v32;
	vm1 =	veq.s32 v49, v33;
	v36 =	vmax.f32 v63, v36  }
0x274: {  	v46 =	vperm.xlane v25, v7;
	[tilespmem:v38+s3+$0x0] =	vst.idx.msk vm2, v36;
	v36 =	vsel vm1, v51, v29  }
0x275: {  	v62 =	vperm.xlane v33, v8;
	v37 =	vsel vm1, v52, v29;
	v54 =	vperm.xlane v36, v9  }
0x276: {  	v32 =	vmin.f32 v47, v32;
	v45 =	vperm.xlane v28, v7;
	v55 =	vperm.xlane v37, v9  }
0x277: {  	vm1 =	veq.s32 v53, v33;
	[tilespmem:v38+s7+$0x0] =	vst.idx.msk vm2, v32;
	v56 =	vmax.f32 v36, v54  }
0x278: {  	[tilespmem:v33+s29+$0x0] =	vst.idx.add.f32.msk $0xffff, v35;
	v32 =	vmin.f32 v37, v55;
	v57 =	vsel vm1, v56, v36  }
0x279: {  	[tilespmem:v33+s30+$0x0] =	vst.idx.add.f32.msk $0xffff, v34;
	v32 =	vsel vm1, v32, v37;
	v36 =	vperm.xlane v57, v11  }
0x27a: {  	vm2 =	vne.s32 v33, v60;
	[tilespmem:v33+s31+$0x0] =	vst.idx.add.f32.msk $0xffff, v29;
	v59 =	vperm.xlane v32, v11  }
0x27b: {  	vm1 =	veq.s32 v58, v33;
	[tilespmem:v33+s1+$0x0] =	vst.idx.add.f32.msk $0xffff, v12;
	v61 =	vmax.f32 v57, v36  }
0x27c: {  	vm2 =	vmor vm2, vm0;
	v29 =	vmin.f32 v32, v59;
	v40 =	vld.idx.msk [tilespmem:v33+s3+$0x0], $0xffff;
	v34 =	vsel vm1, v61, v57  }
0x27d: {  	v47 =	vmax.f32 v25, v46;
	v29 =	vsel vm1, v29, v32;
	v63 =	vperm.xlane v34, v8  }
0x27e: {  	v48 =	vmin.f32 v25, v46;
	v49 =	vperm.xlane v28, v9;
	v42 =	vperm.xlane v29, v8  }
0x27f: {  	v46 =	vperm.xlane v24, v11;
	v43 =	vld.idx.msk [tilespmem:v33+s7+$0x0], $0xffff;
	vm1 =	veq.s32 v62, v33;
	v41 =	vmax.f32 v34, v63  }
0x280: {  	v38 =	vperm.xlane v21, v7;
	v44 =	vmin.f32 v29, v42;
	v32 =	vsel vm1, v41, v34  }
0x281: {  	v29 =	vsel vm1, v44, v29;
	vm1 =	veq.s32 v45, v28;
	v32 =	vmax.f32 v40, v32  }
0x282: {  	v54 =	vperm.xlane v28, v11;
	[tilespmem:v33+s3+$0x0] =	vst.idx.msk vm2, v32;
	v32 =	vsel vm1, v47, v25  }
0x283: {  	v37 =	vperm.xlane v24, v7;
	v34 =	vsel vm1, v48, v25;
	v50 =	vperm.xlane v32, v9  }
0x284: {  	v56 =	vperm.xlane v28, v20;
	v29 =	vmin.f32 v43, v29;
	v51 =	vperm.xlane v34, v9  }
0x285: {  	vm1 =	veq.s32 v49, v28;
	[tilespmem:v33+s7+$0x0] =	vst.idx.msk vm2, v29;
	v52 =	vmax.f32 v32, v50  }
0x286: {  	[tilespmem:v28+s29+$0x0] =	vst.idx.add.f32.msk $0xffff, v31;
	v29 =	vmin.f32 v34, v51;
	v53 =	vsel vm1, v52, v32  }
0x287: {  	[tilespmem:v28+s30+$0x0] =	vst.idx.add.f32.msk $0xffff, v30;
	v29 =	vsel vm1, v29, v34;
	v32 =	vperm.xlane v53, v11  }
0x288: {  	vm2 =	vne.s32 v28, v56;
	[tilespmem:v28+s31+$0x0] =	vst.idx.add.f32.msk $0xffff, v25;
	v55 =	vperm.xlane v29, v11  }
0x289: {  	vm1 =	veq.s32 v54, v28;
	[tilespmem:v28+s1+$0x0] =	vst.idx.add.f32.msk $0xffff, v12;
	v57 =	vmax.f32 v53, v32  }
0x28a: {  	vm2 =	vmor vm2, vm0;
	v25 =	vmin.f32 v29, v55;
	v60 =	vld.idx.msk [tilespmem:v28+s3+$0x0], $0xffff;
	v30 =	vsel vm1, v57, v53  }
0x28b: {  	v58 =	vperm.xlane v28, v8;
	v25 =	vsel vm1, v25, v29;
	v59 =	vperm.xlane v30, v8  }
0x28c: {  	v39 =	vmax.f32 v21, v38;
	v41 =	vperm.xlane v24, v9;
	v63 =	vld.idx.msk [tilespmem:v28+s7+$0x0], $0xffff;
	v62 =	vperm.xlane v25, v8  }
0x28d: {  	v40 =	vmin.f32 v21, v38;
	vm1 =	veq.s32 v58, v28;
	v61 =	vmax.f32 v30, v59  }
0x28e: {  	v49 =	vperm.xlane v24, v20;
	v36 =	vmin.f32 v25, v62;
	v29 =	vsel vm1, v61, v30  }
0x28f: {  	v25 =	vsel vm1, v36, v25;
	vm1 =	veq.s32 v37, v24;
	v29 =	vmax.f32 v60, v29  }
0x290: {  	v30 =	vsel vm1, v40, v21;
	[tilespmem:v28+s3+$0x0] =	vst.idx.msk vm2, v29;
	v29 =	vsel vm1, v39, v21  }
0x291: {  	v25 =	vmin.f32 v63, v25;
	v43 =	vperm.xlane v30, v9;
	v42 =	vperm.xlane v29, v9  }
0x292: {  	v51 =	vperm.xlane v24, v8;
	vm1 =	veq.s32 v41, v24;
	[tilespmem:v28+s7+$0x0] =	vst.idx.msk vm2, v25  }
0x293: {  	[tilespmem:v24+s29+$0x0] =	vst.idx.add.f32.msk $0xffff, v27;
	v25 =	vmin.f32 v30, v43;
	v44 =	vmax.f32 v29, v42  }
0x294: {  	[tilespmem:v24+s30+$0x0] =	vst.idx.add.f32.msk $0xffff, v26;
	v25 =	vsel vm1, v25, v30;
	v45 =	vsel vm1, v44, v29  }
0x295: {  	[tilespmem:v24+s31+$0x0] =	vst.idx.add.f32.msk $0xffff, v21;
	v48 =	vperm.xlane v25, v11;
	v47 =	vperm.xlane v45, v11  }
0x296: {  	v59 =	vperm.xlane v16, v7;
	vm2 =	vne.s32 v24, v49;
	[tilespmem:v24+s1+$0x0] =	vst.idx.add.f32.msk $0xffff, v12  }
0x297: {  	vm1 =	veq.s32 v46, v24;
	v21 =	vmin.f32 v25, v48;
	v53 =	vld.idx.msk [tilespmem:v24+s3+$0x0], $0xffff;
	v50 =	vmax.f32 v45, v47  }
0x298: {  	vm2 =	vmor vm2, vm0;
	v56 =	vld.idx.msk [tilespmem:v24+s7+$0x0], $0xffff;
	v21 =	vsel vm1, v21, v25;
	v26 =	vsel vm1, v50, v45  }
0x299: {  	v55 =	vperm.xlane v21, v8;
	v52 =	vperm.xlane v26, v8  }
0x29a: {  	v58 =	vperm.xlane v19, v7;
	v62 =	vperm.xlane v19, v9;
	v60 =	vmax.f32 v16, v59  }
0x29b: {  	vm1 =	veq.s32 v51, v24;
	v57 =	vmin.f32 v21, v55;
	v54 =	vmax.f32 v26, v52  }
0x29c: {  	v61 =	vmin.f32 v16, v59;
	v21 =	vsel vm1, v57, v21;
	v25 =	vsel vm1, v54, v26  }
0x29d: {  	vm1 =	veq.s32 v58, v19;
	v21 =	vmin.f32 v56, v21;
	v25 =	vmax.f32 v53, v25  }
0x29e: {  	v26 =	vsel vm1, v61, v16;
	[tilespmem:v24+s3+$0x0] =	vst.idx.msk vm2, v25;
	v25 =	vsel vm1, v60, v16  }
0x29f: {  	v63 =	vperm.xlane v25, v9;
	[tilespmem:v24+s7+$0x0] =	vst.idx.msk vm2, v21;
	v24 =	vperm.xlane v26, v9  }
0x2a0: {  	v31 =	vperm.xlane v19, v11;
	v34 =	vperm.xlane v19, v20  }
0x2a1: {  	vm1 =	veq.s32 v62, v19;
	v29 =	vmax.f32 v25, v63;
	v21 =	vmin.f32 v26, v24  }
0x2a2: {  	[tilespmem:v19+s29+$0x0] =	vst.idx.add.f32.msk $0xffff, v23;
	v30 =	vsel vm1, v29, v25;
	v21 =	vsel vm1, v21, v26  }
0x2a3: {  	[tilespmem:v19+s30+$0x0] =	vst.idx.add.f32.msk $0xffff, v22;
	v32 =	vperm.xlane v30, v11;
	v33 =	vperm.xlane v21, v11  }
0x2a4: {  	vm2 =	vne.s32 v19, v34;
	[tilespmem:v19+s31+$0x0] =	vst.idx.add.f32.msk $0xffff, v16;
	vm1 =	veq.s32 v31, v19  }
0x2a5: {  	[tilespmem:v19+s1+$0x0] =	vst.idx.add.f32.msk $0xffff, v12;
	v35 =	vmax.f32 v30, v32;
	v16 =	vmin.f32 v21, v33  }
0x2a6: {  	v37 =	vld.idx.msk [tilespmem:v19+s3+$0x0], $0xffff;
	v22 =	vsel vm1, v35, v30;
	v16 =	vsel vm1, v16, v21;
	vm1 =	vmor vm2, vm0  }
0x2a7: {  	v36 =	vperm.xlane v19, v8;
	v40 =	vld.idx.msk [tilespmem:v19+s7+$0x0], $0xffff;
	v38 =	vperm.xlane v22, v8  }
0x2a8: {  	v39 =	vperm.xlane v16, v8  }
0x2a9: {  	vm2 =	veq.s32 v36, v19;
	v41 =	vmax.f32 v22, v38  }
0x2aa: {  	v43 =	vperm.xlane v14, v7;
	v42 =	vmin.f32 v16, v39;
	v21 =	vsel vm2, v41, v22  }
0x2ab: {  	v44 =	vperm.xlane v15, v7;
	v16 =	vsel vm2, v42, v16;
	v21 =	vmax.f32 v37, v21  }
0x2ac: {  	v16 =	vmin.f32 v40, v16;
	[tilespmem:v19+s3+$0x0] =	vst.idx.msk vm1, v21  }
0x2ad: {  	v45 =	vmax.f32 v15, v44;
	[tilespmem:v19+s7+$0x0] =	vst.idx.msk vm1, v16;
	vm1 =	veq.s32 v43, v14  }
0x2ae: {  	v46 =	vmin.f32 v15, v44;
	v47 =	vperm.xlane v14, v9;
	v16 =	vsel vm1, v45, v15  }
0x2af: {  	[tilespmem:v14+s29+$0x0] =	vst.idx.add.f32.msk $0xffff, v18;
	v18 =	vsel vm1, v46, v15;
	v48 =	vperm.xlane v16, v9  }
0x2b0: {  	[tilespmem:v14+s30+$0x0] =	vst.idx.add.f32.msk $0xffff, v17;
	v49 =	vperm.xlane v18, v9  }
0x2b1: {  	vm1 =	veq.s32 v47, v14;
	[tilespmem:v14+s31+$0x0] =	vst.idx.add.f32.msk $0xffff, v15;
	v15 =	vmax.f32 v16, v48  }
0x2b2: {  	v53 =	vperm.xlane v14, v20;
	v50 =	vmin.f32 v18, v49;
	v15 =	vsel vm1, v15, v16  }
0x2b3: {  	v51 =	vperm.xlane v14, v11;
	v16 =	vsel vm1, v50, v18;
	v52 =	vperm.xlane v15, v11  }
0x2b4: {  	vm2 =	vne.s32 v14, v53;
	v54 =	vperm.xlane v16, v11  }
0x2b5: {  	[tilespmem:v14+s1+$0x0] =	vst.idx.add.f32.msk $0xffff, v12;
	vm1 =	veq.s32 v51, v14;
	v55 =	vmax.f32 v15, v52  }
0x2b6: {  	vm2 =	vmor vm2, vm0;
	v57 =	vld.idx.msk [tilespmem:v14+s3+$0x0], $0xffff;
	v56 =	vmin.f32 v16, v54;
	v15 =	vsel vm1, v55, v15  }
0x2b7: {  	v58 =	vperm.xlane v14, v8;
	v60 =	vld.idx.msk [tilespmem:v14+s7+$0x0], $0xffff;
	v16 =	vsel vm1, v56, v16;
	v59 =	vperm.xlane v15, v8  }
0x2b8: {  	v61 =	vperm.xlane v16, v8  }
0x2b9: {  	vm1 =	veq.s32 v58, v14;
	v62 =	vmax.f32 v15, v59  }
0x2ba: {  	v63 =	vmin.f32 v16, v61;
	v15 =	vsel vm1, v62, v15  }
0x2bb: {  	v16 =	vsel vm1, v63, v16;
	v15 =	vmax.f32 v57, v15  }
0x2bc: {  	[tilespmem:v14+s3+$0x0] =	vst.idx.msk vm2, v15;
	v15 =	vmin.f32 v60, v16  }
0x2bd: {  	[tilespmem:v14+s7+$0x0] =	vst.idx.msk vm2, v15  }
.LBB2_18:
0x2be: {  	s16 =	sadd.s32 $0x200, s16  }
0x2bf: {  	p0 =	sne.s32 s16, $0x9C00  }
.Ltmp13:
0x2c0: {  	_ = 	snop;
	(pc) =	sbr.rel @!p0 .LBB2_19-.Ltmp13, $1  }
0x2c1: {  	_ =	sdelay $0x3  }
.LBB2_15:
0x2c2: {  	s14 =	sshra.s32 s16, $0x2  }
0x2c3: {  	v41 =	vld [tilespmem:s14+$0x0]  }
0x2c4: {  	v14 =	vld [tilespmem:s14+$0x70];
	_ =	sdelay $0x3  }
0x2c5: {  	v15 =	vxor.u32 $0x80000000, v41  }
0x2c6: {  	(xrf0) =	vmin.scan.msk.u32 $0xffff, v15;
	v15 =	vxor.u32 $0x80000000, v14  }
0x2c7: {  	(xrf0) =	vmax.scan.msk.u32 $0xffff, v15;
	_ =	sdelay $0x4  }
0x2c8: {  	v44 =	vld [tilespmem:s14+$0x4F00];
	v15, _, _ =	vpop (xrf0)  }
0x2c9: {  	v20 =	vld [tilespmem:s14+$0x9E00];
	(v2sf) =	vpush v15, $0xF;
	v15, _, _ =	vpop (xrf0)  }
0x2ca: {  	v40 =	vld [tilespmem:s14+$0xED00];
	(v2sf) =	vpush v15, $0xF  }
0x2cb: {  	v43 =	vld [tilespmem:s14+$0x4F10]  }
0x2cc: {  	v42 =	vld [tilespmem:s14+$0x9E10]  }
0x2cd: {  	v36 =	vld [tilespmem:s14+$0xED10]  }
0x2ce: {  	v39 =	vld [tilespmem:s14+$0x4F20]  }
0x2cf: {  	v37 =	vld [tilespmem:s14+$0x9E20]  }
0x2d0: {  	v32 =	vld [tilespmem:s14+$0xED20]  }
0x2d1: {  	v35 =	vld [tilespmem:s14+$0x4F30]  }
0x2d2: {  	v34 =	vld [tilespmem:s14+$0x9E30]  }
0x2d3: {  	v29 =	vld [tilespmem:s14+$0xED30]  }
0x2d4: {  	v31 =	vld [tilespmem:s14+$0x4F40]  }
0x2d5: {  	v30 =	vld [tilespmem:s14+$0x9E40]  }
0x2d6: {  	v25 =	vld [tilespmem:s14+$0xED40]  }
0x2d7: {  	v27 =	vld [tilespmem:s14+$0x4F50]  }
0x2d8: {  	v26 =	vld [tilespmem:s14+$0x9E50];
	s15 =	spop (v2sf)  }
0x2d9: {  	v21 =	vld [tilespmem:s14+$0xED50];
	s17 =	spop (v2sf)  }
0x2da: {  	v23 =	vld [tilespmem:s14+$0x4F60];
	p0 =	sne.s32 s15, s17  }
.Ltmp14:
0x2db: {  	v22 =	vld [tilespmem:s14+$0x9E60];
	(pc) =	sbr.rel @p0 .LBB2_17-.Ltmp14, $4  }
0x2dc: {  	v16 =	vld [tilespmem:s14+$0xED60]  }
0x2dd: {  	v18 =	vld [tilespmem:s14+$0x4F70]  }
0x2de: {  	v17 =	vld [tilespmem:s14+$0x9E70]  }
0x2df: {  	v15 =	vld [tilespmem:s14+$0xED70]  }
0x2e0: {  	v19 =	vadd.f32 v43, v44;
	v24 =	vadd.f32 v35, v39  }
0x2e1: {  	v27 =	vadd.f32 v27, v31;
	v20 =	vadd.f32 v42, v20  }
0x2e2: {  	v38 =	vadd.f32 v34, v37;
	v26 =	vadd.f32 v26, v30  }
0x2e3: {  	v39 =	vadd.f32 v36, v40;
	v41 =	vadd.f32 v29, v32  }
0x2e4: {  	v42 =	vadd.f32 v21, v25;
	v18 =	vadd.f32 v18, v23  }
0x2e5: {  	v19 =	vadd.f32 v24, v19;
	v17 =	vadd.f32 v17, v22  }
0x2e6: {  	v20 =	vadd.f32 v38, v20;
	v43 =	vadd.f32 v15, v16  }
0x2e7: {  	v18 =	vadd.f32 v18, v27;
	v17 =	vadd.f32 v17, v26  }
0x2e8: {  	v44 =	vadd.f32 v41, v39;
	v45 =	vadd.f32 v43, v42  }
0x2e9: {  	v18 =	vadd.f32 v18, v19;
	v17 =	vadd.f32 v17, v20  }
0x2ea: {  	v19 =	vadd.f32 v45, v44  }
0x2eb: {  	v46 =	vperm.xlane v18, v3;
	v47 =	vperm.xlane v17, v3  }
0x2ec: {  	v20 =	vperm.xlane v19, v3  }
0x2ed: {  	v18 =	vadd.f32 v46, v18;
	v17 =	vadd.f32 v47, v17  }
0x2ee: {  	v48 =	vmax.f32 v40, v36;
	v19 =	vadd.f32 v20, v19  }
0x2ef: {  	v49 =	vmax.f32 v32, v29;
	v22 =	vperm.xlane v18, v4;
	v23 =	vperm.xlane v17, v4  }
0x2f0: {  	v50 =	vmax.f32 v25, v21;
	v53 =	vmin.f32 v40, v36;
	v20 =	vperm.xlane v19, v4  }
0x2f1: {  	v54 =	vmin.f32 v32, v29;
	v18 =	vadd.f32 v22, v18;
	v17 =	vadd.f32 v23, v17  }
0x2f2: {  	v55 =	vmin.f32 v25, v21;
	v57 =	vmin.f32 v53, v54;
	v19 =	vadd.f32 v20, v19  }
0x2f3: {  	v51 =	vmax.f32 v16, v15;
	v22 =	vperm.xlane v18, v5;
	v23 =	vperm.xlane v17, v5  }
0x2f4: {  	v15 =	vmin.f32 v16, v15;
	v52 =	vmax.f32 v50, v51;
	v20 =	vperm.xlane v19, v5  }
0x2f5: {  	v15 =	vmin.f32 v55, v15;
	v18 =	vadd.f32 v22, v18;
	v17 =	vadd.f32 v23, v17  }
0x2f6: {  	v15 =	vmin.f32 v57, v15;
	v19 =	vadd.f32 v20, v19;
	v20 =	vmax.f32 v48, v49  }
0x2f7: {  	v22 =	vperm.xlane v18, v6;
	v23 =	vperm.xlane v17, v6;
	v56 =	vmax.f32 v20, v52  }
0x2f8: {  	v20 =	vperm.xlane v15, v3;
	v24 =	vperm.xlane v56, v3  }
0x2f9: {  	v58 =	vperm.xlane v19, v6;
	v18 =	vadd.f32 v22, v18  }
0x2fa: {  	v17 =	vadd.f32 v23, v17;
	v15 =	vmin.f32 v15, v20;
	v16 =	vmax.f32 v56, v24  }
0x2fb: {  	v19 =	vadd.f32 v58, v19;
	[tilespmem:v14+s29+$0x0] =	vst.idx.add.f32.msk vm0, v18;
	v59 =	vperm.xlane v16, v4  }
0x2fc: {  	v60 =	vperm.xlane v15, v4;
	[tilespmem:v14+s30+$0x0] =	vst.idx.add.f32.msk vm0, v17  }
0x2fd: {  	[tilespmem:v14+s31+$0x0] =	vst.idx.add.f32.msk vm0, v19;
	v16 =	vmax.f32 v16, v59  }
0x2fe: {  	v15 =	vmin.f32 v15, v60;
	[tilespmem:v14+s1+$0x0] =	vst.idx.add.f32.msk vm0, v10;
	v61 =	vperm.xlane v16, v5  }
0x2ff: {  	v18 =	vperm.xlane v15, v5;
	v19 =	vld.idx.msk [tilespmem:v14+s3+$0x0], vm0  }
0x300: {  	v62 =	vld.idx.msk [tilespmem:v14+s7+$0x0], vm0;
	v16 =	vmax.f32 v16, v61  }
0x301: {  	v15 =	vmin.f32 v15, v18;
	v63 =	vperm.xlane v16, v6  }
.Ltmp15:
0x302: {  	v18 =	vperm.xlane v15, v6;
	(pc) =	sbr.rel .LBB2_18-.Ltmp15, $4  }
0x303: {  	v16 =	vmax.f32 v16, v63  }
0x304: {  	v15 =	vmin.f32 v15, v18;
	v16 =	vmax.f32 v19, v16  }
0x305: {  	v15 =	vmin.f32 v62, v15;
	[tilespmem:v14+s3+$0x0] =	vst.idx.msk vm0, v16  }
0x306: {  	[tilespmem:v14+s7+$0x0] =	vst.idx.msk vm0, v15  }
.LBB2_20:
0x307: {  	_ =	sfence.sel $0x180000  }
0x308: {  	[bflag:$0x0] =	sbarrier.arrive $0xFFFF  }
0x309: {  	_ =	strace $0x90000047  }
0x30a: {  	s0 =	stileid.u32;
	[bflag:$0x2] =	sbarrier.arrive $0xFFFF  }
0x30b: {  	p0 =	sne.s32 s0, $0x0;
	s0 =	rddreg [dreg:$0x2]  }
0x30c: {  	s0 =	sadd.s32 @!p0 $0x100000, s0  }
0x30d: {  	[sflag:s0] =	ssyncadd.tile.s32 @!p0 $0x1;
	_ =	shalt  }
.Lfunc_end2:
_tile_overlayer_lowered:
.L_overlay_start_2:
0x30e: {  	(tag) =	ssettag $0x2  }
0x30f: {  	s0 =	rddreg [dreg:$0x0];
	s2 =	stileid.u32  }
0x310: {  	s1 =	rddreg [dreg:$0x1];
	p0 =	sne.s32 s2, $0x0  }
0x311: {  	s3 =	rddreg [dreg:$0x2];
	[bflag:$0x3] =	sbarrier.arrive $0xFFFF;
	s2 =	simm.s32 @!p0 $0x1C03  }
0x312: {  	[timem:s3], [sflag:s2] =	dma.local @!p0 [hbm:s0], s1  }
0x313: {  	s0 =	simm.s32 @!p0 $0x3  }
0x314: {  	_ =	swait.ge @!p0 [sflag:s0], s1  }
0x315: {  	s1 =	ssub.s32 @!p0 $0x0, s1;
	[sflag:s0] =	ssyncset.done @!p0 $0x0  }
0x316: {  	[sflag:s0] =	ssyncadd.s32 @!p0 s1  }
0x317: {  	[bflag:$0x3] =	sbarrier.arrive $0xFFFF  }
0x318: {  	_ =	shalt  }

</sc_bundles>
